<compile_context>
chip_gen: v7x
topology: tpu7x:2x2x1
jax: 0.10.2.dev20260603
libtpu: 0.0.44.dev20260713+nightly
codegen_flags: <defaults>
</compile_context>

<pallas_src>
import functools

import jax
import jax.numpy as jnp
from jax import lax
from jax.experimental import pallas as pl
from jax.experimental.pallas import tpu as pltpu
from jax.experimental.pallas import tpu_sc as plsc

B = 16384
D = 32
V = 1000000
NC = 2
NS = 16
NW = NC * NS
BPW = B // NW
L = 16
NG = BPW // L
RING = 8


@functools.partial(
    pl.kernel,
    out_type=jax.ShapeDtypeStruct((B,), jnp.float32),
    mesh=plsc.VectorSubcoreMesh(core_axis_name="c", subcore_axis_name="s"),
    compiler_params=pltpu.CompilerParams(needs_layout_passes=False),
    scratch_types=[
        pltpu.VMEM((BPW,), jnp.int32),
        pltpu.VMEM((BPW,), jnp.int32),
        pltpu.VMEM((RING, D, 128), jnp.float32),
        pltpu.VMEM((RING, D, 128), jnp.float32),
        pltpu.VMEM((D * BPW,), jnp.float32),
        pltpu.VMEM((D * BPW,), jnp.float32),
        pltpu.VMEM((BPW,), jnp.float32),
        pltpu.SemaphoreType.DMA,
        pltpu.SemaphoreType.DMA,
    ],
)
def _mf_sc_kernel(xu_hbm, xv_hbm, ut_hbm, it_hbm, out_hbm,
                  idxu, idxv, ublk, iblk, ustage, istage, outv, semu, semv):
    wid = lax.axis_index("s") * NC + lax.axis_index("c")
    base = wid * BPW

    pltpu.sync_copy(xu_hbm.at[pl.ds(base, BPW)], idxu)
    pltpu.sync_copy(xv_hbm.at[pl.ds(base, BPW)], idxv)

    iota = jax.lax.iota(jnp.int32, L)

    def fire(i_u, i_v, slot):
        cu = pl.multiple_of((i_u // 128) * 128, 128)
        cv = pl.multiple_of((i_v // 128) * 128, 128)
        pltpu.async_copy(
            ut_hbm.at[:, pl.ds(cu, 128)], ublk.at[slot], semu)
        pltpu.async_copy(
            it_hbm.at[:, pl.ds(cv, 128)], iblk.at[slot], semv)

    def wait_two():
        pltpu.make_async_copy(
            ut_hbm.at[:, pl.ds(0, 128)], ublk.at[0], semu).wait()
        pltpu.make_async_copy(
            it_hbm.at[:, pl.ds(0, 128)], iblk.at[0], semv).wait()

    def extract(i_u, i_v, slot, r):
        lu = jnp.full((L,), i_u % 128, jnp.int32)
        lv = jnp.full((L,), i_v % 128, jnp.int32)
        sfull = jnp.full((L,), slot, jnp.int32)
        for h in range(2):
            rows = iota + h * L
            uu = plsc.load_gather(ublk, [sfull, rows, lu])
            vv = plsc.load_gather(iblk, [sfull, rows, lv])
            plsc.store_scatter(ustage, [rows * BPW + r], uu)
            plsc.store_scatter(istage, [rows * BPW + r], vv)

    v_u0 = idxu[pl.ds(0, L)]
    v_v0 = idxv[pl.ds(0, L)]
    for k in range(RING):
        fire(v_u0[k], v_v0[k], k)

    def group_body(g, carry):
        o = g * L
        vu = idxu[pl.ds(o, L)]
        vv = idxv[pl.ds(o, L)]
        on = jnp.minimum(o + L, BPW - L)
        vu_n = idxu[pl.ds(on, L)]
        vv_n = idxv[pl.ds(on, L)]
        last = g == NG - 1
        for k in range(L):
            r = o + k
            slot = k % RING
            wait_two()
            extract(vu[k], vv[k], slot, r)
            kn = (k + RING) % L
            if k < L - RING:
                fire(vu[k + RING], vv[k + RING], slot)
            else:
                nu = jnp.where(last, vu[k], vu_n[kn])
                nv = jnp.where(last, vv[k], vv_n[kn])

                @pl.when(jnp.logical_not(last))
                def _():
                    fire(nu, nv, slot)
        return carry

    lax.fori_loop(0, NG, group_body, 0)

    def compute_body(g, carry):
        o = g * L
        acc = ustage[pl.ds(o, L)] * istage[pl.ds(o, L)]
        for d in range(1, D):
            acc = acc + ustage[pl.ds(d * BPW + o, L)] * istage[pl.ds(d * BPW + o, L)]
        outv[pl.ds(o, L)] = acc
        return carry

    lax.fori_loop(0, NG, compute_body, 0)

    pltpu.sync_copy(outv, out_hbm.at[pl.ds(base, BPW)])


def kernel(x, user_table, item_table):
    x = x.astype(jnp.int32)
    return _mf_sc_kernel(x[:, 0], x[:, 1], user_table.T, item_table.T)

# --- scband reference (transcript-rebuilt; emitter-appended) ---
"""Pipeline reference for scband-mf-13666585936024 (READ-ONLY COPY).

The authoritative reference and input builder live on the scoring server;
editing this copy changes nothing except your own understanding.
"""

import jax, jax.numpy as jnp
import numpy as np

USER_NUM = 1000000
ITEM_NUM = 1000000
N_FACTOR = 32
BATCH = 16384

def setup_inputs(seed: int = 0) -> dict:
    key = jax.random.key(seed)
    k1, k2, k3 = jax.random.split(key, 3)
    x = jax.random.randint(k1, (BATCH, 2), 0, 1000000, dtype=jnp.int64) if jax.config.jax_enable_x64 else jax.random.randint(k1, (BATCH, 2), 0, 1000000, dtype=jnp.int32)
    user_table = jax.random.normal(k2, (USER_NUM, N_FACTOR), dtype=jnp.float32)
    item_table = jax.random.normal(k3, (ITEM_NUM, N_FACTOR), dtype=jnp.float32)
    return {"x": x, "user_table": user_table, "item_table": item_table}

def reference(x, user_table, item_table):
    # MF.forward: gather user/item embeddings and take elementwise dot product
    user_emb = jnp.take(user_table, x[:, 0], axis=0)
    item_emb = jnp.take(item_table, x[:, 1], axis=0)
    return (user_emb * item_emb).sum(axis=1)

if __name__ == "__main__":
    import jax
    _d = setup_inputs()
    print(jax.jit(kernel)(*tuple(_d.values())))

</pallas_src>

<mosaic_0001>
#map = affine_map<(d0, d1) -> (0)>
#map1 = affine_map<(d0, d1) -> (0, 0)>
module attributes {stable_mosaic.version = 14 : i64} {
  func.func @_mf_sc_kernel(%arg0: i32, %arg1: i32, %arg2: memref<16384xi32, #tpu.memory_space<hbm>>, %arg3: memref<16384xi32, #tpu.memory_space<hbm>>, %arg4: memref<32x1000000xf32, #tpu.memory_space<hbm>>, %arg5: memref<32x1000000xf32, #tpu.memory_space<hbm>>, %arg6: memref<16384xf32, #tpu.memory_space<hbm>>, %arg7: memref<512xi32, #tpu.memory_space<vmem>>, %arg8: memref<512xi32, #tpu.memory_space<vmem>>, %arg9: memref<8x32x128xf32, #tpu.memory_space<vmem>>, %arg10: memref<8x32x128xf32, #tpu.memory_space<vmem>>, %arg11: memref<16384xf32, #tpu.memory_space<vmem>>, %arg12: memref<16384xf32, #tpu.memory_space<vmem>>, %arg13: memref<512xf32, #tpu.memory_space<vmem>>, %arg14: memref<!tpu.dma_semaphore, #tpu.memory_space<semaphore_mem>>, %arg15: memref<!tpu.dma_semaphore, #tpu.memory_space<semaphore_mem>>) attributes {dimension_semantics = [#tpu.dimension_semantics<core_parallel>, #tpu.dimension_semantics<subcore_parallel>], iteration_bounds = array<i64: 2, 16>, scalar_prefetch = 0 : i64, scratch_operands = 9 : i64, tpu.core_type = #tpu.core_type<sc_vector_subcore>, window_params = [{transform_indices = #map}, {transform_indices = #map}, {transform_indices = #map1}, {transform_indices = #map1}, {transform_indices = #map}]} {
    %mul3A = arith.constant 2 : i32
    %mul3A_0 = arith.muli %arg1, %mul3A : i32
    %add3A = arith.addi %mul3A_0, %arg0 : i32
    %mul3A_1 = arith.constant 512 : i32
    %mul3A_2 = arith.muli %add3A, %mul3A_1 : i32
    "tpu.region"() ({
      %run_scoped3A = tpu.sem_alloc : memref<!tpu.dma_semaphore, #tpu.memory_space<semaphore_mem>>
      %dma_start3A_677 = tpu.memref_slice %arg2[%mul3A_2] : memref<16384xi32, #tpu.memory_space<hbm>> -> memref<512xi32, #tpu.memory_space<hbm>>
      %dma_start3A_678 = tpu.memref_slice %arg2[%mul3A_2] : memref<16384xi32, #tpu.memory_space<hbm>> -> memref<512xi32, #tpu.memory_space<hbm>>
      tpu.enqueue_dma source(%dma_start3A_678 : memref<512xi32, #tpu.memory_space<hbm>>) target(%arg7 : memref<512xi32, #tpu.memory_space<vmem>>) target_semaphore(%run_scoped3A : memref<!tpu.dma_semaphore, #tpu.memory_space<semaphore_mem>>)
      %dma_wait3A = tpu.memref_slice %arg2[%mul3A_2] : memref<16384xi32, #tpu.memory_space<hbm>> -> memref<512xi32, #tpu.memory_space<hbm>>
      %dma_wait3A_679 = tpu.memref_slice %arg2[%mul3A_2] : memref<16384xi32, #tpu.memory_space<hbm>> -> memref<512xi32, #tpu.memory_space<hbm>>
      tpu.wait_dma2 semaphore(%run_scoped3A : memref<!tpu.dma_semaphore, #tpu.memory_space<semaphore_mem>>) src(%dma_wait3A_679 : memref<512xi32, #tpu.memory_space<hbm>>) dst(%arg7 : memref<512xi32, #tpu.memory_space<vmem>>)
      tpu.yield
    }) : () -> ()
    "tpu.region"() ({
      %run_scoped3A = tpu.sem_alloc : memref<!tpu.dma_semaphore, #tpu.memory_space<semaphore_mem>>
      %dma_start3A_677 = tpu.memref_slice %arg3[%mul3A_2] : memref<16384xi32, #tpu.memory_space<hbm>> -> memref<512xi32, #tpu.memory_space<hbm>>
      %dma_start3A_678 = tpu.memref_slice %arg3[%mul3A_2] : memref<16384xi32, #tpu.memory_space<hbm>> -> memref<512xi32, #tpu.memory_space<hbm>>
      tpu.enqueue_dma source(%dma_start3A_678 : memref<512xi32, #tpu.memory_space<hbm>>) target(%arg8 : memref<512xi32, #tpu.memory_space<vmem>>) target_semaphore(%run_scoped3A : memref<!tpu.dma_semaphore, #tpu.memory_space<semaphore_mem>>)
      %dma_wait3A = tpu.memref_slice %arg3[%mul3A_2] : memref<16384xi32, #tpu.memory_space<hbm>> -> memref<512xi32, #tpu.memory_space<hbm>>
      %dma_wait3A_679 = tpu.memref_slice %arg3[%mul3A_2] : memref<16384xi32, #tpu.memory_space<hbm>> -> memref<512xi32, #tpu.memory_space<hbm>>
      tpu.wait_dma2 semaphore(%run_scoped3A : memref<!tpu.dma_semaphore, #tpu.memory_space<semaphore_mem>>) src(%dma_wait3A_679 : memref<512xi32, #tpu.memory_space<hbm>>) dst(%arg8 : memref<512xi32, #tpu.memory_space<vmem>>)
      tpu.yield
    }) : () -> ()
    %iota3A = tpu.iota {dimensions = array<i32: 0>} : vector<16xi32>
    %get3A = arith.constant 0 : index
    %get3A_3 = tpu.vector_load %arg7[%get3A] {strides = array<i32>} : memref<512xi32, #tpu.memory_space<vmem>>, vector<16xi32>,
    %get3A_4 = arith.constant 0 : index
    %get3A_5 = tpu.vector_load %arg8[%get3A_4] {strides = array<i32>} : memref<512xi32, #tpu.memory_space<vmem>>, vector<16xi32>,
    %slice3A = vector.extract_strided_slice %get3A_3 {offsets = [0], sizes = [1], strides = [1]} : vector<16xi32> to vector<1xi32>
    %squeeze3A = vector.extract %slice3A[0] : i32 from vector<1xi32>
    %slice3A_6 = vector.extract_strided_slice %get3A_5 {offsets = [0], sizes = [1], strides = [1]} : vector<16xi32> to vector<1xi32>
    %squeeze3A_7 = vector.extract %slice3A_6[0] : i32 from vector<1xi32>
    %jit3A = arith.constant 128 : i32
    %div3A = arith.divsi %squeeze3A, %jit3A : i32
    %sign3A = arith.constant 0 : i32
    %sign3A_8 = arith.cmpi sgt, %squeeze3A, %sign3A : i32
    %sign3A_9 = arith.extui %sign3A_8 : i1 to i32
    %sign3A_10 = arith.constant 0 : i32
    %sign3A_11 = arith.cmpi slt, %squeeze3A, %sign3A_10 : i32
    %sign3A_12 = arith.extui %sign3A_11 : i1 to i32
    %sign3A_13 = arith.subi %sign3A_9, %sign3A_12 : i32
    %sign3A_14 = arith.constant 0 : i32
    %sign3A_15 = arith.cmpi sgt, %jit3A, %sign3A_14 : i32
    %sign3A_16 = arith.extui %sign3A_15 : i1 to i32
    %sign3A_17 = arith.constant 0 : i32
    %sign3A_18 = arith.cmpi slt, %jit3A, %sign3A_17 : i32
    %sign3A_19 = arith.extui %sign3A_18 : i1 to i32
    %sign3A_20 = arith.subi %sign3A_16, %sign3A_19 : i32
    %ne3A = arith.cmpi ne, %sign3A_13, %sign3A_20 : i32
    %rem3A = arith.remsi %squeeze3A, %jit3A : i32
    %ne3A_21 = arith.constant 0 : i32
    %ne3A_22 = arith.cmpi ne, %rem3A, %ne3A_21 : i32
    %and3A = arith.andi %ne3A, %ne3A_22 : i1
    %sub3A = arith.constant 1 : i32
    %sub3A_23 = arith.subi %div3A, %sub3A : i32
    %select_n3A = arith.select %and3A, %sub3A_23, %div3A : i32
    %mul3A_24 = arith.constant 128 : i32
    %mul3A_25 = arith.muli %select_n3A, %mul3A_24 : i32
    %multiple_of3A = tpu.assume_multiple %mul3A_25, 128 : i32
    %jit3A_26 = arith.constant 128 : i32
    %div3A_27 = arith.divsi %squeeze3A_7, %jit3A_26 : i32
    %sign3A_28 = arith.constant 0 : i32
    %sign3A_29 = arith.cmpi sgt, %squeeze3A_7, %sign3A_28 : i32
    %sign3A_30 = arith.extui %sign3A_29 : i1 to i32
    %sign3A_31 = arith.constant 0 : i32
    %sign3A_32 = arith.cmpi slt, %squeeze3A_7, %sign3A_31 : i32
    %sign3A_33 = arith.extui %sign3A_32 : i1 to i32
    %sign3A_34 = arith.subi %sign3A_30, %sign3A_33 : i32
    %sign3A_35 = arith.constant 0 : i32
    %sign3A_36 = arith.cmpi sgt, %jit3A_26, %sign3A_35 : i32
    %sign3A_37 = arith.extui %sign3A_36 : i1 to i32
    %sign3A_38 = arith.constant 0 : i32
    %sign3A_39 = arith.cmpi slt, %jit3A_26, %sign3A_38 : i32
    %sign3A_40 = arith.extui %sign3A_39 : i1 to i32
    %sign3A_41 = arith.subi %sign3A_37, %sign3A_40 : i32
    %ne3A_42 = arith.cmpi ne, %sign3A_34, %sign3A_41 : i32
    %rem3A_43 = arith.remsi %squeeze3A_7, %jit3A_26 : i32
    %ne3A_44 = arith.constant 0 : i32
    %ne3A_45 = arith.cmpi ne, %rem3A_43, %ne3A_44 : i32
    %and3A_46 = arith.andi %ne3A_42, %ne3A_45 : i1
    %sub3A_47 = arith.constant 1 : i32
    %sub3A_48 = arith.subi %div3A_27, %sub3A_47 : i32
    %select_n3A_49 = arith.select %and3A_46, %sub3A_48, %div3A_27 : i32
    %mul3A_50 = arith.constant 128 : i32
    %mul3A_51 = arith.muli %select_n3A_49, %mul3A_50 : i32
    %multiple_of3A_52 = tpu.assume_multiple %mul3A_51, 128 : i32
    %dma_start3A = arith.constant 0 : i32
    %dma_start3A_53 = arith.constant 0 : i32
    %dma_start3A_54 = arith.constant 0 : i32
    %dma_start3A_55 = tpu.memref_slice %arg9[%dma_start3A, %dma_start3A_53, %dma_start3A_54] : memref<8x32x128xf32, #tpu.memory_space<vmem>> -> memref<1x32x128xf32, #tpu.memory_space<vmem>>
    %dma_start3A_56 = tpu.memref_squeeze %dma_start3A_55 : memref<1x32x128xf32, #tpu.memory_space<vmem>> -> memref<32x128xf32, #tpu.memory_space<vmem>>
    %dma_start3A_57 = arith.constant 0 : i32
    %dma_start3A_58 = tpu.memref_slice %arg4[%dma_start3A_57, %multiple_of3A] : memref<32x1000000xf32, #tpu.memory_space<hbm>> -> memref<32x128xf32, #tpu.memory_space<hbm>>
    %dma_start3A_59 = arith.constant 0 : i32
    %dma_start3A_60 = arith.constant 0 : i32
    %dma_start3A_61 = tpu.memref_slice %arg9[%dma_start3A, %dma_start3A_59, %dma_start3A_60] : memref<8x32x128xf32, #tpu.memory_space<vmem>> -> memref<1x32x128xf32, #tpu.memory_space<vmem>>
    %dma_start3A_62 = tpu.memref_squeeze %dma_start3A_61 : memref<1x32x128xf32, #tpu.memory_space<vmem>> -> memref<32x128xf32, #tpu.memory_space<vmem>>
    %dma_start3A_63 = arith.constant 0 : i32
    %dma_start3A_64 = tpu.memref_slice %arg4[%dma_start3A_63, %multiple_of3A] : memref<32x1000000xf32, #tpu.memory_space<hbm>> -> memref<32x128xf32, #tpu.memory_space<hbm>>
    tpu.enqueue_dma source(%dma_start3A_64 : memref<32x128xf32, #tpu.memory_space<hbm>>) target(%dma_start3A_62 : memref<32x128xf32, #tpu.memory_space<vmem>>) target_semaphore(%arg14 : memref<!tpu.dma_semaphore, #tpu.memory_space<semaphore_mem>>)
    %dma_start3A_65 = arith.constant 0 : i32
    %dma_start3A_66 = arith.constant 0 : i32
    %dma_start3A_67 = arith.constant 0 : i32
    %dma_start3A_68 = tpu.memref_slice %arg10[%dma_start3A_65, %dma_start3A_66, %dma_start3A_67] : memref<8x32x128xf32, #tpu.memory_space<vmem>> -> memref<1x32x128xf32, #tpu.memory_space<vmem>>
    %dma_start3A_69 = tpu.memref_squeeze %dma_start3A_68 : memref<1x32x128xf32, #tpu.memory_space<vmem>> -> memref<32x128xf32, #tpu.memory_space<vmem>>
    %dma_start3A_70 = arith.constant 0 : i32
    %dma_start3A_71 = tpu.memref_slice %arg5[%dma_start3A_70, %multiple_of3A_52] : memref<32x1000000xf32, #tpu.memory_space<hbm>> -> memref<32x128xf32, #tpu.memory_space<hbm>>
    %dma_start3A_72 = arith.constant 0 : i32
    %dma_start3A_73 = arith.constant 0 : i32
    %dma_start3A_74 = tpu.memref_slice %arg10[%dma_start3A_65, %dma_start3A_72, %dma_start3A_73] : memref<8x32x128xf32, #tpu.memory_space<vmem>> -> memref<1x32x128xf32, #tpu.memory_space<vmem>>
    %dma_start3A_75 = tpu.memref_squeeze %dma_start3A_74 : memref<1x32x128xf32, #tpu.memory_space<vmem>> -> memref<32x128xf32, #tpu.memory_space<vmem>>
    %dma_start3A_76 = arith.constant 0 : i32
    %dma_start3A_77 = tpu.memref_slice %arg5[%dma_start3A_76, %multiple_of3A_52] : memref<32x1000000xf32, #tpu.memory_space<hbm>> -> memref<32x128xf32, #tpu.memory_space<hbm>>
    tpu.enqueue_dma source(%dma_start3A_77 : memref<32x128xf32, #tpu.memory_space<hbm>>) target(%dma_start3A_75 : memref<32x128xf32, #tpu.memory_space<vmem>>) target_semaphore(%arg15 : memref<!tpu.dma_semaphore, #tpu.memory_space<semaphore_mem>>)
    %slice3A_78 = vector.extract_strided_slice %get3A_3 {offsets = [1], sizes = [1], strides = [1]} : vector<16xi32> to vector<1xi32>
    %squeeze3A_79 = vector.extract %slice3A_78[0] : i32 from vector<1xi32>
    %slice3A_80 = vector.extract_strided_slice %get3A_5 {offsets = [1], sizes = [1], strides = [1]} : vector<16xi32> to vector<1xi32>
    %squeeze3A_81 = vector.extract %slice3A_80[0] : i32 from vector<1xi32>
    %jit3A_82 = arith.constant 128 : i32
    %div3A_83 = arith.divsi %squeeze3A_79, %jit3A_82 : i32
    %sign3A_84 = arith.constant 0 : i32
    %sign3A_85 = arith.cmpi sgt, %squeeze3A_79, %sign3A_84 : i32
    %sign3A_86 = arith.extui %sign3A_85 : i1 to i32
    %sign3A_87 = arith.constant 0 : i32
    %sign3A_88 = arith.cmpi slt, %squeeze3A_79, %sign3A_87 : i32
    %sign3A_89 = arith.extui %sign3A_88 : i1 to i32
    %sign3A_90 = arith.subi %sign3A_86, %sign3A_89 : i32
    %sign3A_91 = arith.constant 0 : i32
    %sign3A_92 = arith.cmpi sgt, %jit3A_82, %sign3A_91 : i32
    %sign3A_93 = arith.extui %sign3A_92 : i1 to i32
    %sign3A_94 = arith.constant 0 : i32
    %sign3A_95 = arith.cmpi slt, %jit3A_82, %sign3A_94 : i32
    %sign3A_96 = arith.extui %sign3A_95 : i1 to i32
    %sign3A_97 = arith.subi %sign3A_93, %sign3A_96 : i32
    %ne3A_98 = arith.cmpi ne, %sign3A_90, %sign3A_97 : i32
    %rem3A_99 = arith.remsi %squeeze3A_79, %jit3A_82 : i32
    %ne3A_100 = arith.constant 0 : i32
    %ne3A_101 = arith.cmpi ne, %rem3A_99, %ne3A_100 : i32
    %and3A_102 = arith.andi %ne3A_98, %ne3A_101 : i1
    %sub3A_103 = arith.constant 1 : i32
    %sub3A_104 = arith.subi %div3A_83, %sub3A_103 : i32
    %select_n3A_105 = arith.select %and3A_102, %sub3A_104, %div3A_83 : i32
    %mul3A_106 = arith.constant 128 : i32
    %mul3A_107 = arith.muli %select_n3A_105, %mul3A_106 : i32
    %multiple_of3A_108 = tpu.assume_multiple %mul3A_107, 128 : i32
    %jit3A_109 = arith.constant 128 : i32
    %div3A_110 = arith.divsi %squeeze3A_81, %jit3A_109 : i32
    %sign3A_111 = arith.constant 0 : i32
    %sign3A_112 = arith.cmpi sgt, %squeeze3A_81, %sign3A_111 : i32
    %sign3A_113 = arith.extui %sign3A_112 : i1 to i32
    %sign3A_114 = arith.constant 0 : i32
    %sign3A_115 = arith.cmpi slt, %squeeze3A_81, %sign3A_114 : i32
    %sign3A_116 = arith.extui %sign3A_115 : i1 to i32
    %sign3A_117 = arith.subi %sign3A_113, %sign3A_116 : i32
    %sign3A_118 = arith.constant 0 : i32
    %sign3A_119 = arith.cmpi sgt, %jit3A_109, %sign3A_118 : i32
    %sign3A_120 = arith.extui %sign3A_119 : i1 to i32
    %sign3A_121 = arith.constant 0 : i32
    %sign3A_122 = arith.cmpi slt, %jit3A_109, %sign3A_121 : i32
    %sign3A_123 = arith.extui %sign3A_122 : i1 to i32
    %sign3A_124 = arith.subi %sign3A_120, %sign3A_123 : i32
    %ne3A_125 = arith.cmpi ne, %sign3A_117, %sign3A_124 : i32
    %rem3A_126 = arith.remsi %squeeze3A_81, %jit3A_109 : i32
    %ne3A_127 = arith.constant 0 : i32
    %ne3A_128 = arith.cmpi ne, %rem3A_126, %ne3A_127 : i32
    %and3A_129 = arith.andi %ne3A_125, %ne3A_128 : i1
    %sub3A_130 = arith.constant 1 : i32
    %sub3A_131 = arith.subi %div3A_110, %sub3A_130 : i32
    %select_n3A_132 = arith.select %and3A_129, %sub3A_131, %div3A_110 : i32
    %mul3A_133 = arith.constant 128 : i32
    %mul3A_134 = arith.muli %select_n3A_132, %mul3A_133 : i32
    %multiple_of3A_135 = tpu.assume_multiple %mul3A_134, 128 : i32
    %dma_start3A_136 = arith.constant 1 : i32
    %dma_start3A_137 = arith.constant 0 : i32
    %dma_start3A_138 = arith.constant 0 : i32
    %dma_start3A_139 = tpu.memref_slice %arg9[%dma_start3A_136, %dma_start3A_137, %dma_start3A_138] : memref<8x32x128xf32, #tpu.memory_space<vmem>> -> memref<1x32x128xf32, #tpu.memory_space<vmem>>
    %dma_start3A_140 = tpu.memref_squeeze %dma_start3A_139 : memref<1x32x128xf32, #tpu.memory_space<vmem>> -> memref<32x128xf32, #tpu.memory_space<vmem>>
    %dma_start3A_141 = arith.constant 0 : i32
    %dma_start3A_142 = tpu.memref_slice %arg4[%dma_start3A_141, %multiple_of3A_108] : memref<32x1000000xf32, #tpu.memory_space<hbm>> -> memref<32x128xf32, #tpu.memory_space<hbm>>
    %dma_start3A_143 = arith.constant 0 : i32
    %dma_start3A_144 = arith.constant 0 : i32
    %dma_start3A_145 = tpu.memref_slice %arg9[%dma_start3A_136, %dma_start3A_143, %dma_start3A_144] : memref<8x32x128xf32, #tpu.memory_space<vmem>> -> memref<1x32x128xf32, #tpu.memory_space<vmem>>
    %dma_start3A_146 = tpu.memref_squeeze %dma_start3A_145 : memref<1x32x128xf32, #tpu.memory_space<vmem>> -> memref<32x128xf32, #tpu.memory_space<vmem>>
    %dma_start3A_147 = arith.constant 0 : i32
    %dma_start3A_148 = tpu.memref_slice %arg4[%dma_start3A_147, %multiple_of3A_108] : memref<32x1000000xf32, #tpu.memory_space<hbm>> -> memref<32x128xf32, #tpu.memory_space<hbm>>
    tpu.enqueue_dma source(%dma_start3A_148 : memref<32x128xf32, #tpu.memory_space<hbm>>) target(%dma_start3A_146 : memref<32x128xf32, #tpu.memory_space<vmem>>) target_semaphore(%arg14 : memref<!tpu.dma_semaphore, #tpu.memory_space<semaphore_mem>>)
    %dma_start3A_149 = arith.constant 1 : i32
    %dma_start3A_150 = arith.constant 0 : i32
    %dma_start3A_151 = arith.constant 0 : i32
    %dma_start3A_152 = tpu.memref_slice %arg10[%dma_start3A_149, %dma_start3A_150, %dma_start3A_151] : memref<8x32x128xf32, #tpu.memory_space<vmem>> -> memref<1x32x128xf32, #tpu.memory_space<vmem>>
    %dma_start3A_153 = tpu.memref_squeeze %dma_start3A_152 : memref<1x32x128xf32, #tpu.memory_space<vmem>> -> memref<32x128xf32, #tpu.memory_space<vmem>>
    %dma_start3A_154 = arith.constant 0 : i32
    %dma_start3A_155 = tpu.memref_slice %arg5[%dma_start3A_154, %multiple_of3A_135] : memref<32x1000000xf32, #tpu.memory_space<hbm>> -> memref<32x128xf32, #tpu.memory_space<hbm>>
    %dma_start3A_156 = arith.constant 0 : i32
    %dma_start3A_157 = arith.constant 0 : i32
    %dma_start3A_158 = tpu.memref_slice %arg10[%dma_start3A_149, %dma_start3A_156, %dma_start3A_157] : memref<8x32x128xf32, #tpu.memory_space<vmem>> -> memref<1x32x128xf32, #tpu.memory_space<vmem>>
    %dma_start3A_159 = tpu.memref_squeeze %dma_start3A_158 : memref<1x32x128xf32, #tpu.memory_space<vmem>> -> memref<32x128xf32, #tpu.memory_space<vmem>>
    %dma_start3A_160 = arith.constant 0 : i32
    %dma_start3A_161 = tpu.memref_slice %arg5[%dma_start3A_160, %multiple_of3A_135] : memref<32x1000000xf32, #tpu.memory_space<hbm>> -> memref<32x128xf32, #tpu.memory_space<hbm>>
    tpu.enqueue_dma source(%dma_start3A_161 : memref<32x128xf32, #tpu.memory_space<hbm>>) target(%dma_start3A_159 : memref<32x128xf32, #tpu.memory_space<vmem>>) target_semaphore(%arg15 : memref<!tpu.dma_semaphore, #tpu.memory_space<semaphore_mem>>)
    %slice3A_162 = vector.extract_strided_slice %get3A_3 {offsets = [2], sizes = [1], strides = [1]} : vector<16xi32> to vector<1xi32>
    %squeeze3A_163 = vector.extract %slice3A_162[0] : i32 from vector<1xi32>
    %slice3A_164 = vector.extract_strided_slice %get3A_5 {offsets = [2], sizes = [1], strides = [1]} : vector<16xi32> to vector<1xi32>
    %squeeze3A_165 = vector.extract %slice3A_164[0] : i32 from vector<1xi32>
    %jit3A_166 = arith.constant 128 : i32
    %div3A_167 = arith.divsi %squeeze3A_163, %jit3A_166 : i32
    %sign3A_168 = arith.constant 0 : i32
    %sign3A_169 = arith.cmpi sgt, %squeeze3A_163, %sign3A_168 : i32
    %sign3A_170 = arith.extui %sign3A_169 : i1 to i32
    %sign3A_171 = arith.constant 0 : i32
    %sign3A_172 = arith.cmpi slt, %squeeze3A_163, %sign3A_171 : i32
    %sign3A_173 = arith.extui %sign3A_172 : i1 to i32
    %sign3A_174 = arith.subi %sign3A_170, %sign3A_173 : i32
    %sign3A_175 = arith.constant 0 : i32
    %sign3A_176 = arith.cmpi sgt, %jit3A_166, %sign3A_175 : i32
    %sign3A_177 = arith.extui %sign3A_176 : i1 to i32
    %sign3A_178 = arith.constant 0 : i32
    %sign3A_179 = arith.cmpi slt, %jit3A_166, %sign3A_178 : i32
    %sign3A_180 = arith.extui %sign3A_179 : i1 to i32
    %sign3A_181 = arith.subi %sign3A_177, %sign3A_180 : i32
    %ne3A_182 = arith.cmpi ne, %sign3A_174, %sign3A_181 : i32
    %rem3A_183 = arith.remsi %squeeze3A_163, %jit3A_166 : i32
    %ne3A_184 = arith.constant 0 : i32
    %ne3A_185 = arith.cmpi ne, %rem3A_183, %ne3A_184 : i32
    %and3A_186 = arith.andi %ne3A_182, %ne3A_185 : i1
    %sub3A_187 = arith.constant 1 : i32
    %sub3A_188 = arith.subi %div3A_167, %sub3A_187 : i32
    %select_n3A_189 = arith.select %and3A_186, %sub3A_188, %div3A_167 : i32
    %mul3A_190 = arith.constant 128 : i32
    %mul3A_191 = arith.muli %select_n3A_189, %mul3A_190 : i32
    %multiple_of3A_192 = tpu.assume_multiple %mul3A_191, 128 : i32
    %jit3A_193 = arith.constant 128 : i32
    %div3A_194 = arith.divsi %squeeze3A_165, %jit3A_193 : i32
    %sign3A_195 = arith.constant 0 : i32
    %sign3A_196 = arith.cmpi sgt, %squeeze3A_165, %sign3A_195 : i32
    %sign3A_197 = arith.extui %sign3A_196 : i1 to i32
    %sign3A_198 = arith.constant 0 : i32
    %sign3A_199 = arith.cmpi slt, %squeeze3A_165, %sign3A_198 : i32
    %sign3A_200 = arith.extui %sign3A_199 : i1 to i32
    %sign3A_201 = arith.subi %sign3A_197, %sign3A_200 : i32
    %sign3A_202 = arith.constant 0 : i32
    %sign3A_203 = arith.cmpi sgt, %jit3A_193, %sign3A_202 : i32
    %sign3A_204 = arith.extui %sign3A_203 : i1 to i32
    %sign3A_205 = arith.constant 0 : i32
    %sign3A_206 = arith.cmpi slt, %jit3A_193, %sign3A_205 : i32
    %sign3A_207 = arith.extui %sign3A_206 : i1 to i32
    %sign3A_208 = arith.subi %sign3A_204, %sign3A_207 : i32
    %ne3A_209 = arith.cmpi ne, %sign3A_201, %sign3A_208 : i32
    %rem3A_210 = arith.remsi %squeeze3A_165, %jit3A_193 : i32
    %ne3A_211 = arith.constant 0 : i32
    %ne3A_212 = arith.cmpi ne, %rem3A_210, %ne3A_211 : i32
    %and3A_213 = arith.andi %ne3A_209, %ne3A_212 : i1
    %sub3A_214 = arith.constant 1 : i32
    %sub3A_215 = arith.subi %div3A_194, %sub3A_214 : i32
    %select_n3A_216 = arith.select %and3A_213, %sub3A_215, %div3A_194 : i32
    %mul3A_217 = arith.constant 128 : i32
    %mul3A_218 = arith.muli %select_n3A_216, %mul3A_217 : i32
    %multiple_of3A_219 = tpu.assume_multiple %mul3A_218, 128 : i32
    %dma_start3A_220 = arith.constant 2 : i32
    %dma_start3A_221 = arith.constant 0 : i32
    %dma_start3A_222 = arith.constant 0 : i32
    %dma_start3A_223 = tpu.memref_slice %arg9[%dma_start3A_220, %dma_start3A_221, %dma_start3A_222] : memref<8x32x128xf32, #tpu.memory_space<vmem>> -> memref<1x32x128xf32, #tpu.memory_space<vmem>>
    %dma_start3A_224 = tpu.memref_squeeze %dma_start3A_223 : memref<1x32x128xf32, #tpu.memory_space<vmem>> -> memref<32x128xf32, #tpu.memory_space<vmem>>
    %dma_start3A_225 = arith.constant 0 : i32
    %dma_start3A_226 = tpu.memref_slice %arg4[%dma_start3A_225, %multiple_of3A_192] : memref<32x1000000xf32, #tpu.memory_space<hbm>> -> memref<32x128xf32, #tpu.memory_space<hbm>>
    %dma_start3A_227 = arith.constant 0 : i32
    %dma_start3A_228 = arith.constant 0 : i32
    %dma_start3A_229 = tpu.memref_slice %arg9[%dma_start3A_220, %dma_start3A_227, %dma_start3A_228] : memref<8x32x128xf32, #tpu.memory_space<vmem>> -> memref<1x32x128xf32, #tpu.memory_space<vmem>>
    %dma_start3A_230 = tpu.memref_squeeze %dma_start3A_229 : memref<1x32x128xf32, #tpu.memory_space<vmem>> -> memref<32x128xf32, #tpu.memory_space<vmem>>
    %dma_start3A_231 = arith.constant 0 : i32
    %dma_start3A_232 = tpu.memref_slice %arg4[%dma_start3A_231, %multiple_of3A_192] : memref<32x1000000xf32, #tpu.memory_space<hbm>> -> memref<32x128xf32, #tpu.memory_space<hbm>>
    tpu.enqueue_dma source(%dma_start3A_232 : memref<32x128xf32, #tpu.memory_space<hbm>>) target(%dma_start3A_230 : memref<32x128xf32, #tpu.memory_space<vmem>>) target_semaphore(%arg14 : memref<!tpu.dma_semaphore, #tpu.memory_space<semaphore_mem>>)
    %dma_start3A_233 = arith.constant 2 : i32
    %dma_start3A_234 = arith.constant 0 : i32
    %dma_start3A_235 = arith.constant 0 : i32
    %dma_start3A_236 = tpu.memref_slice %arg10[%dma_start3A_233, %dma_start3A_234, %dma_start3A_235] : memref<8x32x128xf32, #tpu.memory_space<vmem>> -> memref<1x32x128xf32, #tpu.memory_space<vmem>>
    %dma_start3A_237 = tpu.memref_squeeze %dma_start3A_236 : memref<1x32x128xf32, #tpu.memory_space<vmem>> -> memref<32x128xf32, #tpu.memory_space<vmem>>
    %dma_start3A_238 = arith.constant 0 : i32
    %dma_start3A_239 = tpu.memref_slice %arg5[%dma_start3A_238, %multiple_of3A_219] : memref<32x1000000xf32, #tpu.memory_space<hbm>> -> memref<32x128xf32, #tpu.memory_space<hbm>>
    %dma_start3A_240 = arith.constant 0 : i32
    %dma_start3A_241 = arith.constant 0 : i32
    %dma_start3A_242 = tpu.memref_slice %arg10[%dma_start3A_233, %dma_start3A_240, %dma_start3A_241] : memref<8x32x128xf32, #tpu.memory_space<vmem>> -> memref<1x32x128xf32, #tpu.memory_space<vmem>>
    %dma_start3A_243 = tpu.memref_squeeze %dma_start3A_242 : memref<1x32x128xf32, #tpu.memory_space<vmem>> -> memref<32x128xf32, #tpu.memory_space<vmem>>
    %dma_start3A_244 = arith.constant 0 : i32
    %dma_start3A_245 = tpu.memref_slice %arg5[%dma_start3A_244, %multiple_of3A_219] : memref<32x1000000xf32, #tpu.memory_space<hbm>> -> memref<32x128xf32, #tpu.memory_space<hbm>>
    tpu.enqueue_dma source(%dma_start3A_245 : memref<32x128xf32, #tpu.memory_space<hbm>>) target(%dma_start3A_243 : memref<32x128xf32, #tpu.memory_space<vmem>>) target_semaphore(%arg15 : memref<!tpu.dma_semaphore, #tpu.memory_space<semaphore_mem>>)
    %slice3A_246 = vector.extract_strided_slice %get3A_3 {offsets = [3], sizes = [1], strides = [1]} : vector<16xi32> to vector<1xi32>
    %squeeze3A_247 = vector.extract %slice3A_246[0] : i32 from vector<1xi32>
    %slice3A_248 = vector.extract_strided_slice %get3A_5 {offsets = [3], sizes = [1], strides = [1]} : vector<16xi32> to vector<1xi32>
    %squeeze3A_249 = vector.extract %slice3A_248[0] : i32 from vector<1xi32>
    %jit3A_250 = arith.constant 128 : i32
    %div3A_251 = arith.divsi %squeeze3A_247, %jit3A_250 : i32
    %sign3A_252 = arith.constant 0 : i32
    %sign3A_253 = arith.cmpi sgt, %squeeze3A_247, %sign3A_252 : i32
    %sign3A_254 = arith.extui %sign3A_253 : i1 to i32
    %sign3A_255 = arith.constant 0 : i32
    %sign3A_256 = arith.cmpi slt, %squeeze3A_247, %sign3A_255 : i32
    %sign3A_257 = arith.extui %sign3A_256 : i1 to i32
    %sign3A_258 = arith.subi %sign3A_254, %sign3A_257 : i32
    %sign3A_259 = arith.constant 0 : i32
    %sign3A_260 = arith.cmpi sgt, %jit3A_250, %sign3A_259 : i32
    %sign3A_261 = arith.extui %sign3A_260 : i1 to i32
    %sign3A_262 = arith.constant 0 : i32
    %sign3A_263 = arith.cmpi slt, %jit3A_250, %sign3A_262 : i32
    %sign3A_264 = arith.extui %sign3A_263 : i1 to i32
    %sign3A_265 = arith.subi %sign3A_261, %sign3A_264 : i32
    %ne3A_266 = arith.cmpi ne, %sign3A_258, %sign3A_265 : i32
    %rem3A_267 = arith.remsi %squeeze3A_247, %jit3A_250 : i32
    %ne3A_268 = arith.constant 0 : i32
    %ne3A_269 = arith.cmpi ne, %rem3A_267, %ne3A_268 : i32
    %and3A_270 = arith.andi %ne3A_266, %ne3A_269 : i1
    %sub3A_271 = arith.constant 1 : i32
    %sub3A_272 = arith.subi %div3A_251, %sub3A_271 : i32
    %select_n3A_273 = arith.select %and3A_270, %sub3A_272, %div3A_251 : i32
    %mul3A_274 = arith.constant 128 : i32
    %mul3A_275 = arith.muli %select_n3A_273, %mul3A_274 : i32
    %multiple_of3A_276 = tpu.assume_multiple %mul3A_275, 128 : i32
    %jit3A_277 = arith.constant 128 : i32
    %div3A_278 = arith.divsi %squeeze3A_249, %jit3A_277 : i32
    %sign3A_279 = arith.constant 0 : i32
    %sign3A_280 = arith.cmpi sgt, %squeeze3A_249, %sign3A_279 : i32
    %sign3A_281 = arith.extui %sign3A_280 : i1 to i32
    %sign3A_282 = arith.constant 0 : i32
    %sign3A_283 = arith.cmpi slt, %squeeze3A_249, %sign3A_282 : i32
    %sign3A_284 = arith.extui %sign3A_283 : i1 to i32
    %sign3A_285 = arith.subi %sign3A_281, %sign3A_284 : i32
    %sign3A_286 = arith.constant 0 : i32
    %sign3A_287 = arith.cmpi sgt, %jit3A_277, %sign3A_286 : i32
    %sign3A_288 = arith.extui %sign3A_287 : i1 to i32
    %sign3A_289 = arith.constant 0 : i32
    %sign3A_290 = arith.cmpi slt, %jit3A_277, %sign3A_289 : i32
    %sign3A_291 = arith.extui %sign3A_290 : i1 to i32
    %sign3A_292 = arith.subi %sign3A_288, %sign3A_291 : i32
    %ne3A_293 = arith.cmpi ne, %sign3A_285, %sign3A_292 : i32
    %rem3A_294 = arith.remsi %squeeze3A_249, %jit3A_277 : i32
    %ne3A_295 = arith.constant 0 : i32
    %ne3A_296 = arith.cmpi ne, %rem3A_294, %ne3A_295 : i32
    %and3A_297 = arith.andi %ne3A_293, %ne3A_296 : i1
    %sub3A_298 = arith.constant 1 : i32
    %sub3A_299 = arith.subi %div3A_278, %sub3A_298 : i32
    %select_n3A_300 = arith.select %and3A_297, %sub3A_299, %div3A_278 : i32
    %mul3A_301 = arith.constant 128 : i32
    %mul3A_302 = arith.muli %select_n3A_300, %mul3A_301 : i32
    %multiple_of3A_303 = tpu.assume_multiple %mul3A_302, 128 : i32
    %dma_start3A_304 = arith.constant 3 : i32
    %dma_start3A_305 = arith.constant 0 : i32
    %dma_start3A_306 = arith.constant 0 : i32
    %dma_start3A_307 = tpu.memref_slice %arg9[%dma_start3A_304, %dma_start3A_305, %dma_start3A_306] : memref<8x32x128xf32, #tpu.memory_space<vmem>> -> memref<1x32x128xf32, #tpu.memory_space<vmem>>
    %dma_start3A_308 = tpu.memref_squeeze %dma_start3A_307 : memref<1x32x128xf32, #tpu.memory_space<vmem>> -> memref<32x128xf32, #tpu.memory_space<vmem>>
    %dma_start3A_309 = arith.constant 0 : i32
    %dma_start3A_310 = tpu.memref_slice %arg4[%dma_start3A_309, %multiple_of3A_276] : memref<32x1000000xf32, #tpu.memory_space<hbm>> -> memref<32x128xf32, #tpu.memory_space<hbm>>
    %dma_start3A_311 = arith.constant 0 : i32
    %dma_start3A_312 = arith.constant 0 : i32
    %dma_start3A_313 = tpu.memref_slice %arg9[%dma_start3A_304, %dma_start3A_311, %dma_start3A_312] : memref<8x32x128xf32, #tpu.memory_space<vmem>> -> memref<1x32x128xf32, #tpu.memory_space<vmem>>
    %dma_start3A_314 = tpu.memref_squeeze %dma_start3A_313 : memref<1x32x128xf32, #tpu.memory_space<vmem>> -> memref<32x128xf32, #tpu.memory_space<vmem>>
    %dma_start3A_315 = arith.constant 0 : i32
    %dma_start3A_316 = tpu.memref_slice %arg4[%dma_start3A_315, %multiple_of3A_276] : memref<32x1000000xf32, #tpu.memory_space<hbm>> -> memref<32x128xf32, #tpu.memory_space<hbm>>
    tpu.enqueue_dma source(%dma_start3A_316 : memref<32x128xf32, #tpu.memory_space<hbm>>) target(%dma_start3A_314 : memref<32x128xf32, #tpu.memory_space<vmem>>) target_semaphore(%arg14 : memref<!tpu.dma_semaphore, #tpu.memory_space<semaphore_mem>>)
    %dma_start3A_317 = arith.constant 3 : i32
    %dma_start3A_318 = arith.constant 0 : i32
    %dma_start3A_319 = arith.constant 0 : i32
    %dma_start3A_320 = tpu.memref_slice %arg10[%dma_start3A_317, %dma_start3A_318, %dma_start3A_319] : memref<8x32x128xf32, #tpu.memory_space<vmem>> -> memref<1x32x128xf32, #tpu.memory_space<vmem>>
    %dma_start3A_321 = tpu.memref_squeeze %dma_start3A_320 : memref<1x32x128xf32, #tpu.memory_space<vmem>> -> memref<32x128xf32, #tpu.memory_space<vmem>>
    %dma_start3A_322 = arith.constant 0 : i32
    %dma_start3A_323 = tpu.memref_slice %arg5[%dma_start3A_322, %multiple_of3A_303] : memref<32x1000000xf32, #tpu.memory_space<hbm>> -> memref<32x128xf32, #tpu.memory_space<hbm>>
    %dma_start3A_324 = arith.constant 0 : i32
    %dma_start3A_325 = arith.constant 0 : i32
    %dma_start3A_326 = tpu.memref_slice %arg10[%dma_start3A_317, %dma_start3A_324, %dma_start3A_325] : memref<8x32x128xf32, #tpu.memory_space<vmem>> -> memref<1x32x128xf32, #tpu.memory_space<vmem>>
    %dma_start3A_327 = tpu.memref_squeeze %dma_start3A_326 : memref<1x32x128xf32, #tpu.memory_space<vmem>> -> memref<32x128xf32, #tpu.memory_space<vmem>>
    %dma_start3A_328 = arith.constant 0 : i32
    %dma_start3A_329 = tpu.memref_slice %arg5[%dma_start3A_328, %multiple_of3A_303] : memref<32x1000000xf32, #tpu.memory_space<hbm>> -> memref<32x128xf32, #tpu.memory_space<hbm>>
    tpu.enqueue_dma source(%dma_start3A_329 : memref<32x128xf32, #tpu.memory_space<hbm>>) target(%dma_start3A_327 : memref<32x128xf32, #tpu.memory_space<vmem>>) target_semaphore(%arg15 : memref<!tpu.dma_semaphore, #tpu.memory_space<semaphore_mem>>)
    %slice3A_330 = vector.extract_strided_slice %get3A_3 {offsets = [4], sizes = [1], strides = [1]} : vector<16xi32> to vector<1xi32>
    %squeeze3A_331 = vector.extract %slice3A_330[0] : i32 from vector<1xi32>
    %slice3A_332 = vector.extract_strided_slice %get3A_5 {offsets = [4], sizes = [1], strides = [1]} : vector<16xi32> to vector<1xi32>
    %squeeze3A_333 = vector.extract %slice3A_332[0] : i32 from vector<1xi32>
    %jit3A_334 = arith.constant 128 : i32
    %div3A_335 = arith.divsi %squeeze3A_331, %jit3A_334 : i32
    %sign3A_336 = arith.constant 0 : i32
    %sign3A_337 = arith.cmpi sgt, %squeeze3A_331, %sign3A_336 : i32
    %sign3A_338 = arith.extui %sign3A_337 : i1 to i32
    %sign3A_339 = arith.constant 0 : i32
    %sign3A_340 = arith.cmpi slt, %squeeze3A_331, %sign3A_339 : i32
    %sign3A_341 = arith.extui %sign3A_340 : i1 to i32
    %sign3A_342 = arith.subi %sign3A_338, %sign3A_341 : i32
    %sign3A_343 = arith.constant 0 : i32
    %sign3A_344 = arith.cmpi sgt, %jit3A_334, %sign3A_343 : i32
    %sign3A_345 = arith.extui %sign3A_344 : i1 to i32
    %sign3A_346 = arith.constant 0 : i32
    %sign3A_347 = arith.cmpi slt, %jit3A_334, %sign3A_346 : i32
    %sign3A_348 = arith.extui %sign3A_347 : i1 to i32
    %sign3A_349 = arith.subi %sign3A_345, %sign3A_348 : i32
    %ne3A_350 = arith.cmpi ne, %sign3A_342, %sign3A_349 : i32
    %rem3A_351 = arith.remsi %squeeze3A_331, %jit3A_334 : i32
    %ne3A_352 = arith.constant 0 : i32
    %ne3A_353 = arith.cmpi ne, %rem3A_351, %ne3A_352 : i32
    %and3A_354 = arith.andi %ne3A_350, %ne3A_353 : i1
    %sub3A_355 = arith.constant 1 : i32
    %sub3A_356 = arith.subi %div3A_335, %sub3A_355 : i32
    %select_n3A_357 = arith.select %and3A_354, %sub3A_356, %div3A_335 : i32
    %mul3A_358 = arith.constant 128 : i32
    %mul3A_359 = arith.muli %select_n3A_357, %mul3A_358 : i32
    %multiple_of3A_360 = tpu.assume_multiple %mul3A_359, 128 : i32
    %jit3A_361 = arith.constant 128 : i32
    %div3A_362 = arith.divsi %squeeze3A_333, %jit3A_361 : i32
    %sign3A_363 = arith.constant 0 : i32
    %sign3A_364 = arith.cmpi sgt, %squeeze3A_333, %sign3A_363 : i32
    %sign3A_365 = arith.extui %sign3A_364 : i1 to i32
    %sign3A_366 = arith.constant 0 : i32
    %sign3A_367 = arith.cmpi slt, %squeeze3A_333, %sign3A_366 : i32
    %sign3A_368 = arith.extui %sign3A_367 : i1 to i32
    %sign3A_369 = arith.subi %sign3A_365, %sign3A_368 : i32
    %sign3A_370 = arith.constant 0 : i32
    %sign3A_371 = arith.cmpi sgt, %jit3A_361, %sign3A_370 : i32
    %sign3A_372 = arith.extui %sign3A_371 : i1 to i32
    %sign3A_373 = arith.constant 0 : i32
    %sign3A_374 = arith.cmpi slt, %jit3A_361, %sign3A_373 : i32
    %sign3A_375 = arith.extui %sign3A_374 : i1 to i32
    %sign3A_376 = arith.subi %sign3A_372, %sign3A_375 : i32
    %ne3A_377 = arith.cmpi ne, %sign3A_369, %sign3A_376 : i32
    %rem3A_378 = arith.remsi %squeeze3A_333, %jit3A_361 : i32
    %ne3A_379 = arith.constant 0 : i32
    %ne3A_380 = arith.cmpi ne, %rem3A_378, %ne3A_379 : i32
    %and3A_381 = arith.andi %ne3A_377, %ne3A_380 : i1
    %sub3A_382 = arith.constant 1 : i32
    %sub3A_383 = arith.subi %div3A_362, %sub3A_382 : i32
    %select_n3A_384 = arith.select %and3A_381, %sub3A_383, %div3A_362 : i32
    %mul3A_385 = arith.constant 128 : i32
    %mul3A_386 = arith.muli %select_n3A_384, %mul3A_385 : i32
    %multiple_of3A_387 = tpu.assume_multiple %mul3A_386, 128 : i32
    %dma_start3A_388 = arith.constant 4 : i32
    %dma_start3A_389 = arith.constant 0 : i32
    %dma_start3A_390 = arith.constant 0 : i32
    %dma_start3A_391 = tpu.memref_slice %arg9[%dma_start3A_388, %dma_start3A_389, %dma_start3A_390] : memref<8x32x128xf32, #tpu.memory_space<vmem>> -> memref<1x32x128xf32, #tpu.memory_space<vmem>>
    %dma_start3A_392 = tpu.memref_squeeze %dma_start3A_391 : memref<1x32x128xf32, #tpu.memory_space<vmem>> -> memref<32x128xf32, #tpu.memory_space<vmem>>
    %dma_start3A_393 = arith.constant 0 : i32
    %dma_start3A_394 = tpu.memref_slice %arg4[%dma_start3A_393, %multiple_of3A_360] : memref<32x1000000xf32, #tpu.memory_space<hbm>> -> memref<32x128xf32, #tpu.memory_space<hbm>>
    %dma_start3A_395 = arith.constant 0 : i32
    %dma_start3A_396 = arith.constant 0 : i32
    %dma_start3A_397 = tpu.memref_slice %arg9[%dma_start3A_388, %dma_start3A_395, %dma_start3A_396] : memref<8x32x128xf32, #tpu.memory_space<vmem>> -> memref<1x32x128xf32, #tpu.memory_space<vmem>>
    %dma_start3A_398 = tpu.memref_squeeze %dma_start3A_397 : memref<1x32x128xf32, #tpu.memory_space<vmem>> -> memref<32x128xf32, #tpu.memory_space<vmem>>
    %dma_start3A_399 = arith.constant 0 : i32
    %dma_start3A_400 = tpu.memref_slice %arg4[%dma_start3A_399, %multiple_of3A_360] : memref<32x1000000xf32, #tpu.memory_space<hbm>> -> memref<32x128xf32, #tpu.memory_space<hbm>>
    tpu.enqueue_dma source(%dma_start3A_400 : memref<32x128xf32, #tpu.memory_space<hbm>>) target(%dma_start3A_398 : memref<32x128xf32, #tpu.memory_space<vmem>>) target_semaphore(%arg14 : memref<!tpu.dma_semaphore, #tpu.memory_space<semaphore_mem>>)
    %dma_start3A_401 = arith.constant 4 : i32
    %dma_start3A_402 = arith.constant 0 : i32
    %dma_start3A_403 = arith.constant 0 : i32
    %dma_start3A_404 = tpu.memref_slice %arg10[%dma_start3A_401, %dma_start3A_402, %dma_start3A_403] : memref<8x32x128xf32, #tpu.memory_space<vmem>> -> memref<1x32x128xf32, #tpu.memory_space<vmem>>
    %dma_start3A_405 = tpu.memref_squeeze %dma_start3A_404 : memref<1x32x128xf32, #tpu.memory_space<vmem>> -> memref<32x128xf32, #tpu.memory_space<vmem>>
    %dma_start3A_406 = arith.constant 0 : i32
    %dma_start3A_407 = tpu.memref_slice %arg5[%dma_start3A_406, %multiple_of3A_387] : memref<32x1000000xf32, #tpu.memory_space<hbm>> -> memref<32x128xf32, #tpu.memory_space<hbm>>
    %dma_start3A_408 = arith.constant 0 : i32
    %dma_start3A_409 = arith.constant 0 : i32
    %dma_start3A_410 = tpu.memref_slice %arg10[%dma_start3A_401, %dma_start3A_408, %dma_start3A_409] : memref<8x32x128xf32, #tpu.memory_space<vmem>> -> memref<1x32x128xf32, #tpu.memory_space<vmem>>
    %dma_start3A_411 = tpu.memref_squeeze %dma_start3A_410 : memref<1x32x128xf32, #tpu.memory_space<vmem>> -> memref<32x128xf32, #tpu.memory_space<vmem>>
    %dma_start3A_412 = arith.constant 0 : i32
    %dma_start3A_413 = tpu.memref_slice %arg5[%dma_start3A_412, %multiple_of3A_387] : memref<32x1000000xf32, #tpu.memory_space<hbm>> -> memref<32x128xf32, #tpu.memory_space<hbm>>
    tpu.enqueue_dma source(%dma_start3A_413 : memref<32x128xf32, #tpu.memory_space<hbm>>) target(%dma_start3A_411 : memref<32x128xf32, #tpu.memory_space<vmem>>) target_semaphore(%arg15 : memref<!tpu.dma_semaphore, #tpu.memory_space<semaphore_mem>>)
    %slice3A_414 = vector.extract_strided_slice %get3A_3 {offsets = [5], sizes = [1], strides = [1]} : vector<16xi32> to vector<1xi32>
    %squeeze3A_415 = vector.extract %slice3A_414[0] : i32 from vector<1xi32>
    %slice3A_416 = vector.extract_strided_slice %get3A_5 {offsets = [5], sizes = [1], strides = [1]} : vector<16xi32> to vector<1xi32>
    %squeeze3A_417 = vector.extract %slice3A_416[0] : i32 from vector<1xi32>
    %jit3A_418 = arith.constant 128 : i32
    %div3A_419 = arith.divsi %squeeze3A_415, %jit3A_418 : i32
    %sign3A_420 = arith.constant 0 : i32
    %sign3A_421 = arith.cmpi sgt, %squeeze3A_415, %sign3A_420 : i32
    %sign3A_422 = arith.extui %sign3A_421 : i1 to i32
    %sign3A_423 = arith.constant 0 : i32
    %sign3A_424 = arith.cmpi slt, %squeeze3A_415, %sign3A_423 : i32
    %sign3A_425 = arith.extui %sign3A_424 : i1 to i32
    %sign3A_426 = arith.subi %sign3A_422, %sign3A_425 : i32
    %sign3A_427 = arith.constant 0 : i32
    %sign3A_428 = arith.cmpi sgt, %jit3A_418, %sign3A_427 : i32
    %sign3A_429 = arith.extui %sign3A_428 : i1 to i32
    %sign3A_430 = arith.constant 0 : i32
    %sign3A_431 = arith.cmpi slt, %jit3A_418, %sign3A_430 : i32
    %sign3A_432 = arith.extui %sign3A_431 : i1 to i32
    %sign3A_433 = arith.subi %sign3A_429, %sign3A_432 : i32
    %ne3A_434 = arith.cmpi ne, %sign3A_426, %sign3A_433 : i32
    %rem3A_435 = arith.remsi %squeeze3A_415, %jit3A_418 : i32
    %ne3A_436 = arith.constant 0 : i32
    %ne3A_437 = arith.cmpi ne, %rem3A_435, %ne3A_436 : i32
    %and3A_438 = arith.andi %ne3A_434, %ne3A_437 : i1
    %sub3A_439 = arith.constant 1 : i32
    %sub3A_440 = arith.subi %div3A_419, %sub3A_439 : i32
    %select_n3A_441 = arith.select %and3A_438, %sub3A_440, %div3A_419 : i32
    %mul3A_442 = arith.constant 128 : i32
    %mul3A_443 = arith.muli %select_n3A_441, %mul3A_442 : i32
    %multiple_of3A_444 = tpu.assume_multiple %mul3A_443, 128 : i32
    %jit3A_445 = arith.constant 128 : i32
    %div3A_446 = arith.divsi %squeeze3A_417, %jit3A_445 : i32
    %sign3A_447 = arith.constant 0 : i32
    %sign3A_448 = arith.cmpi sgt, %squeeze3A_417, %sign3A_447 : i32
    %sign3A_449 = arith.extui %sign3A_448 : i1 to i32
    %sign3A_450 = arith.constant 0 : i32
    %sign3A_451 = arith.cmpi slt, %squeeze3A_417, %sign3A_450 : i32
    %sign3A_452 = arith.extui %sign3A_451 : i1 to i32
    %sign3A_453 = arith.subi %sign3A_449, %sign3A_452 : i32
    %sign3A_454 = arith.constant 0 : i32
    %sign3A_455 = arith.cmpi sgt, %jit3A_445, %sign3A_454 : i32
    %sign3A_456 = arith.extui %sign3A_455 : i1 to i32
    %sign3A_457 = arith.constant 0 : i32
    %sign3A_458 = arith.cmpi slt, %jit3A_445, %sign3A_457 : i32
    %sign3A_459 = arith.extui %sign3A_458 : i1 to i32
    %sign3A_460 = arith.subi %sign3A_456, %sign3A_459 : i32
    %ne3A_461 = arith.cmpi ne, %sign3A_453, %sign3A_460 : i32
    %rem3A_462 = arith.remsi %squeeze3A_417, %jit3A_445 : i32
    %ne3A_463 = arith.constant 0 : i32
    %ne3A_464 = arith.cmpi ne, %rem3A_462, %ne3A_463 : i32
    %and3A_465 = arith.andi %ne3A_461, %ne3A_464 : i1
    %sub3A_466 = arith.constant 1 : i32
    %sub3A_467 = arith.subi %div3A_446, %sub3A_466 : i32
    %select_n3A_468 = arith.select %and3A_465, %sub3A_467, %div3A_446 : i32
    %mul3A_469 = arith.constant 128 : i32
    %mul3A_470 = arith.muli %select_n3A_468, %mul3A_469 : i32
    %multiple_of3A_471 = tpu.assume_multiple %mul3A_470, 128 : i32
    %dma_start3A_472 = arith.constant 5 : i32
    %dma_start3A_473 = arith.constant 0 : i32
    %dma_start3A_474 = arith.constant 0 : i32
    %dma_start3A_475 = tpu.memref_slice %arg9[%dma_start3A_472, %dma_start3A_473, %dma_start3A_474] : memref<8x32x128xf32, #tpu.memory_space<vmem>> -> memref<1x32x128xf32, #tpu.memory_space<vmem>>
    %dma_start3A_476 = tpu.memref_squeeze %dma_start3A_475 : memref<1x32x128xf32, #tpu.memory_space<vmem>> -> memref<32x128xf32, #tpu.memory_space<vmem>>
    %dma_start3A_477 = arith.constant 0 : i32
    %dma_start3A_478 = tpu.memref_slice %arg4[%dma_start3A_477, %multiple_of3A_444] : memref<32x1000000xf32, #tpu.memory_space<hbm>> -> memref<32x128xf32, #tpu.memory_space<hbm>>
    %dma_start3A_479 = arith.constant 0 : i32
    %dma_start3A_480 = arith.constant 0 : i32
    %dma_start3A_481 = tpu.memref_slice %arg9[%dma_start3A_472, %dma_start3A_479, %dma_start3A_480] : memref<8x32x128xf32, #tpu.memory_space<vmem>> -> memref<1x32x128xf32, #tpu.memory_space<vmem>>
    %dma_start3A_482 = tpu.memref_squeeze %dma_start3A_481 : memref<1x32x128xf32, #tpu.memory_space<vmem>> -> memref<32x128xf32, #tpu.memory_space<vmem>>
    %dma_start3A_483 = arith.constant 0 : i32
    %dma_start3A_484 = tpu.memref_slice %arg4[%dma_start3A_483, %multiple_of3A_444] : memref<32x1000000xf32, #tpu.memory_space<hbm>> -> memref<32x128xf32, #tpu.memory_space<hbm>>
    tpu.enqueue_dma source(%dma_start3A_484 : memref<32x128xf32, #tpu.memory_space<hbm>>) target(%dma_start3A_482 : memref<32x128xf32, #tpu.memory_space<vmem>>) target_semaphore(%arg14 : memref<!tpu.dma_semaphore, #tpu.memory_space<semaphore_mem>>)
    %dma_start3A_485 = arith.constant 5 : i32
    %dma_start3A_486 = arith.constant 0 : i32
    %dma_start3A_487 = arith.constant 0 : i32
    %dma_start3A_488 = tpu.memref_slice %arg10[%dma_start3A_485, %dma_start3A_486, %dma_start3A_487] : memref<8x32x128xf32, #tpu.memory_space<vmem>> -> memref<1x32x128xf32, #tpu.memory_space<vmem>>
    %dma_start3A_489 = tpu.memref_squeeze %dma_start3A_488 : memref<1x32x128xf32, #tpu.memory_space<vmem>> -> memref<32x128xf32, #tpu.memory_space<vmem>>
    %dma_start3A_490 = arith.constant 0 : i32
    %dma_start3A_491 = tpu.memref_slice %arg5[%dma_start3A_490, %multiple_of3A_471] : memref<32x1000000xf32, #tpu.memory_space<hbm>> -> memref<32x128xf32, #tpu.memory_space<hbm>>
    %dma_start3A_492 = arith.constant 0 : i32
    %dma_start3A_493 = arith.constant 0 : i32
    %dma_start3A_494 = tpu.memref_slice %arg10[%dma_start3A_485, %dma_start3A_492, %dma_start3A_493] : memref<8x32x128xf32, #tpu.memory_space<vmem>> -> memref<1x32x128xf32, #tpu.memory_space<vmem>>
    %dma_start3A_495 = tpu.memref_squeeze %dma_start3A_494 : memref<1x32x128xf32, #tpu.memory_space<vmem>> -> memref<32x128xf32, #tpu.memory_space<vmem>>
    %dma_start3A_496 = arith.constant 0 : i32
    %dma_start3A_497 = tpu.memref_slice %arg5[%dma_start3A_496, %multiple_of3A_471] : memref<32x1000000xf32, #tpu.memory_space<hbm>> -> memref<32x128xf32, #tpu.memory_space<hbm>>
    tpu.enqueue_dma source(%dma_start3A_497 : memref<32x128xf32, #tpu.memory_space<hbm>>) target(%dma_start3A_495 : memref<32x128xf32, #tpu.memory_space<vmem>>) target_semaphore(%arg15 : memref<!tpu.dma_semaphore, #tpu.memory_space<semaphore_mem>>)
    %slice3A_498 = vector.extract_strided_slice %get3A_3 {offsets = [6], sizes = [1], strides = [1]} : vector<16xi32> to vector<1xi32>
    %squeeze3A_499 = vector.extract %slice3A_498[0] : i32 from vector<1xi32>
    %slice3A_500 = vector.extract_strided_slice %get3A_5 {offsets = [6], sizes = [1], strides = [1]} : vector<16xi32> to vector<1xi32>
    %squeeze3A_501 = vector.extract %slice3A_500[0] : i32 from vector<1xi32>
    %jit3A_502 = arith.constant 128 : i32
    %div3A_503 = arith.divsi %squeeze3A_499, %jit3A_502 : i32
    %sign3A_504 = arith.constant 0 : i32
    %sign3A_505 = arith.cmpi sgt, %squeeze3A_499, %sign3A_504 : i32
    %sign3A_506 = arith.extui %sign3A_505 : i1 to i32
    %sign3A_507 = arith.constant 0 : i32
    %sign3A_508 = arith.cmpi slt, %squeeze3A_499, %sign3A_507 : i32
    %sign3A_509 = arith.extui %sign3A_508 : i1 to i32
    %sign3A_510 = arith.subi %sign3A_506, %sign3A_509 : i32
    %sign3A_511 = arith.constant 0 : i32
    %sign3A_512 = arith.cmpi sgt, %jit3A_502, %sign3A_511 : i32
    %sign3A_513 = arith.extui %sign3A_512 : i1 to i32
    %sign3A_514 = arith.constant 0 : i32
    %sign3A_515 = arith.cmpi slt, %jit3A_502, %sign3A_514 : i32
    %sign3A_516 = arith.extui %sign3A_515 : i1 to i32
    %sign3A_517 = arith.subi %sign3A_513, %sign3A_516 : i32
    %ne3A_518 = arith.cmpi ne, %sign3A_510, %sign3A_517 : i32
    %rem3A_519 = arith.remsi %squeeze3A_499, %jit3A_502 : i32
    %ne3A_520 = arith.constant 0 : i32
    %ne3A_521 = arith.cmpi ne, %rem3A_519, %ne3A_520 : i32
    %and3A_522 = arith.andi %ne3A_518, %ne3A_521 : i1
    %sub3A_523 = arith.constant 1 : i32
    %sub3A_524 = arith.subi %div3A_503, %sub3A_523 : i32
    %select_n3A_525 = arith.select %and3A_522, %sub3A_524, %div3A_503 : i32
    %mul3A_526 = arith.constant 128 : i32
    %mul3A_527 = arith.muli %select_n3A_525, %mul3A_526 : i32
    %multiple_of3A_528 = tpu.assume_multiple %mul3A_527, 128 : i32
    %jit3A_529 = arith.constant 128 : i32
    %div3A_530 = arith.divsi %squeeze3A_501, %jit3A_529 : i32
    %sign3A_531 = arith.constant 0 : i32
    %sign3A_532 = arith.cmpi sgt, %squeeze3A_501, %sign3A_531 : i32
    %sign3A_533 = arith.extui %sign3A_532 : i1 to i32
    %sign3A_534 = arith.constant 0 : i32
    %sign3A_535 = arith.cmpi slt, %squeeze3A_501, %sign3A_534 : i32
    %sign3A_536 = arith.extui %sign3A_535 : i1 to i32
    %sign3A_537 = arith.subi %sign3A_533, %sign3A_536 : i32
    %sign3A_538 = arith.constant 0 : i32
    %sign3A_539 = arith.cmpi sgt, %jit3A_529, %sign3A_538 : i32
    %sign3A_540 = arith.extui %sign3A_539 : i1 to i32
    %sign3A_541 = arith.constant 0 : i32
    %sign3A_542 = arith.cmpi slt, %jit3A_529, %sign3A_541 : i32
    %sign3A_543 = arith.extui %sign3A_542 : i1 to i32
    %sign3A_544 = arith.subi %sign3A_540, %sign3A_543 : i32
    %ne3A_545 = arith.cmpi ne, %sign3A_537, %sign3A_544 : i32
    %rem3A_546 = arith.remsi %squeeze3A_501, %jit3A_529 : i32
    %ne3A_547 = arith.constant 0 : i32
    %ne3A_548 = arith.cmpi ne, %rem3A_546, %ne3A_547 : i32
    %and3A_549 = arith.andi %ne3A_545, %ne3A_548 : i1
    %sub3A_550 = arith.constant 1 : i32
    %sub3A_551 = arith.subi %div3A_530, %sub3A_550 : i32
    %select_n3A_552 = arith.select %and3A_549, %sub3A_551, %div3A_530 : i32
    %mul3A_553 = arith.constant 128 : i32
    %mul3A_554 = arith.muli %select_n3A_552, %mul3A_553 : i32
    %multiple_of3A_555 = tpu.assume_multiple %mul3A_554, 128 : i32
    %dma_start3A_556 = arith.constant 6 : i32
    %dma_start3A_557 = arith.constant 0 : i32
    %dma_start3A_558 = arith.constant 0 : i32
    %dma_start3A_559 = tpu.memref_slice %arg9[%dma_start3A_556, %dma_start3A_557, %dma_start3A_558] : memref<8x32x128xf32, #tpu.memory_space<vmem>> -> memref<1x32x128xf32, #tpu.memory_space<vmem>>
    %dma_start3A_560 = tpu.memref_squeeze %dma_start3A_559 : memref<1x32x128xf32, #tpu.memory_space<vmem>> -> memref<32x128xf32, #tpu.memory_space<vmem>>
    %dma_start3A_561 = arith.constant 0 : i32
    %dma_start3A_562 = tpu.memref_slice %arg4[%dma_start3A_561, %multiple_of3A_528] : memref<32x1000000xf32, #tpu.memory_space<hbm>> -> memref<32x128xf32, #tpu.memory_space<hbm>>
    %dma_start3A_563 = arith.constant 0 : i32
    %dma_start3A_564 = arith.constant 0 : i32
    %dma_start3A_565 = tpu.memref_slice %arg9[%dma_start3A_556, %dma_start3A_563, %dma_start3A_564] : memref<8x32x128xf32, #tpu.memory_space<vmem>> -> memref<1x32x128xf32, #tpu.memory_space<vmem>>
    %dma_start3A_566 = tpu.memref_squeeze %dma_start3A_565 : memref<1x32x128xf32, #tpu.memory_space<vmem>> -> memref<32x128xf32, #tpu.memory_space<vmem>>
    %dma_start3A_567 = arith.constant 0 : i32
    %dma_start3A_568 = tpu.memref_slice %arg4[%dma_start3A_567, %multiple_of3A_528] : memref<32x1000000xf32, #tpu.memory_space<hbm>> -> memref<32x128xf32, #tpu.memory_space<hbm>>
    tpu.enqueue_dma source(%dma_start3A_568 : memref<32x128xf32, #tpu.memory_space<hbm>>) target(%dma_start3A_566 : memref<32x128xf32, #tpu.memory_space<vmem>>) target_semaphore(%arg14 : memref<!tpu.dma_semaphore, #tpu.memory_space<semaphore_mem>>)
    %dma_start3A_569 = arith.constant 6 : i32
    %dma_start3A_570 = arith.constant 0 : i32
    %dma_start3A_571 = arith.constant 0 : i32
    %dma_start3A_572 = tpu.memref_slice %arg10[%dma_start3A_569, %dma_start3A_570, %dma_start3A_571] : memref<8x32x128xf32, #tpu.memory_space<vmem>> -> memref<1x32x128xf32, #tpu.memory_space<vmem>>
    %dma_start3A_573 = tpu.memref_squeeze %dma_start3A_572 : memref<1x32x128xf32, #tpu.memory_space<vmem>> -> memref<32x128xf32, #tpu.memory_space<vmem>>
    %dma_start3A_574 = arith.constant 0 : i32
    %dma_start3A_575 = tpu.memref_slice %arg5[%dma_start3A_574, %multiple_of3A_555] : memref<32x1000000xf32, #tpu.memory_space<hbm>> -> memref<32x128xf32, #tpu.memory_space<hbm>>
    %dma_start3A_576 = arith.constant 0 : i32
    %dma_start3A_577 = arith.constant 0 : i32
    %dma_start3A_578 = tpu.memref_slice %arg10[%dma_start3A_569, %dma_start3A_576, %dma_start3A_577] : memref<8x32x128xf32, #tpu.memory_space<vmem>> -> memref<1x32x128xf32, #tpu.memory_space<vmem>>
    %dma_start3A_579 = tpu.memref_squeeze %dma_start3A_578 : memref<1x32x128xf32, #tpu.memory_space<vmem>> -> memref<32x128xf32, #tpu.memory_space<vmem>>
    %dma_start3A_580 = arith.constant 0 : i32
    %dma_start3A_581 = tpu.memref_slice %arg5[%dma_start3A_580, %multiple_of3A_555] : memref<32x1000000xf32, #tpu.memory_space<hbm>> -> memref<32x128xf32, #tpu.memory_space<hbm>>
    tpu.enqueue_dma source(%dma_start3A_581 : memref<32x128xf32, #tpu.memory_space<hbm>>) target(%dma_start3A_579 : memref<32x128xf32, #tpu.memory_space<vmem>>) target_semaphore(%arg15 : memref<!tpu.dma_semaphore, #tpu.memory_space<semaphore_mem>>)
    %slice3A_582 = vector.extract_strided_slice %get3A_3 {offsets = [7], sizes = [1], strides = [1]} : vector<16xi32> to vector<1xi32>
    %squeeze3A_583 = vector.extract %slice3A_582[0] : i32 from vector<1xi32>
    %slice3A_584 = vector.extract_strided_slice %get3A_5 {offsets = [7], sizes = [1], strides = [1]} : vector<16xi32> to vector<1xi32>
    %squeeze3A_585 = vector.extract %slice3A_584[0] : i32 from vector<1xi32>
    %jit3A_586 = arith.constant 128 : i32
    %div3A_587 = arith.divsi %squeeze3A_583, %jit3A_586 : i32
    %sign3A_588 = arith.constant 0 : i32
    %sign3A_589 = arith.cmpi sgt, %squeeze3A_583, %sign3A_588 : i32
    %sign3A_590 = arith.extui %sign3A_589 : i1 to i32
    %sign3A_591 = arith.constant 0 : i32
    %sign3A_592 = arith.cmpi slt, %squeeze3A_583, %sign3A_591 : i32
    %sign3A_593 = arith.extui %sign3A_592 : i1 to i32
    %sign3A_594 = arith.subi %sign3A_590, %sign3A_593 : i32
    %sign3A_595 = arith.constant 0 : i32
    %sign3A_596 = arith.cmpi sgt, %jit3A_586, %sign3A_595 : i32
    %sign3A_597 = arith.extui %sign3A_596 : i1 to i32
    %sign3A_598 = arith.constant 0 : i32
    %sign3A_599 = arith.cmpi slt, %jit3A_586, %sign3A_598 : i32
    %sign3A_600 = arith.extui %sign3A_599 : i1 to i32
    %sign3A_601 = arith.subi %sign3A_597, %sign3A_600 : i32
    %ne3A_602 = arith.cmpi ne, %sign3A_594, %sign3A_601 : i32
    %rem3A_603 = arith.remsi %squeeze3A_583, %jit3A_586 : i32
    %ne3A_604 = arith.constant 0 : i32
    %ne3A_605 = arith.cmpi ne, %rem3A_603, %ne3A_604 : i32
    %and3A_606 = arith.andi %ne3A_602, %ne3A_605 : i1
    %sub3A_607 = arith.constant 1 : i32
    %sub3A_608 = arith.subi %div3A_587, %sub3A_607 : i32
    %select_n3A_609 = arith.select %and3A_606, %sub3A_608, %div3A_587 : i32
    %mul3A_610 = arith.constant 128 : i32
    %mul3A_611 = arith.muli %select_n3A_609, %mul3A_610 : i32
    %multiple_of3A_612 = tpu.assume_multiple %mul3A_611, 128 : i32
    %jit3A_613 = arith.constant 128 : i32
    %div3A_614 = arith.divsi %squeeze3A_585, %jit3A_613 : i32
    %sign3A_615 = arith.constant 0 : i32
    %sign3A_616 = arith.cmpi sgt, %squeeze3A_585, %sign3A_615 : i32
    %sign3A_617 = arith.extui %sign3A_616 : i1 to i32
    %sign3A_618 = arith.constant 0 : i32
    %sign3A_619 = arith.cmpi slt, %squeeze3A_585, %sign3A_618 : i32
    %sign3A_620 = arith.extui %sign3A_619 : i1 to i32
    %sign3A_621 = arith.subi %sign3A_617, %sign3A_620 : i32
    %sign3A_622 = arith.constant 0 : i32
    %sign3A_623 = arith.cmpi sgt, %jit3A_613, %sign3A_622 : i32
    %sign3A_624 = arith.extui %sign3A_623 : i1 to i32
    %sign3A_625 = arith.constant 0 : i32
    %sign3A_626 = arith.cmpi slt, %jit3A_613, %sign3A_625 : i32
    %sign3A_627 = arith.extui %sign3A_626 : i1 to i32
    %sign3A_628 = arith.subi %sign3A_624, %sign3A_627 : i32
    %ne3A_629 = arith.cmpi ne, %sign3A_621, %sign3A_628 : i32
    %rem3A_630 = arith.remsi %squeeze3A_585, %jit3A_613 : i32
    %ne3A_631 = arith.constant 0 : i32
    %ne3A_632 = arith.cmpi ne, %rem3A_630, %ne3A_631 : i32
    %and3A_633 = arith.andi %ne3A_629, %ne3A_632 : i1
    %sub3A_634 = arith.constant 1 : i32
    %sub3A_635 = arith.subi %div3A_614, %sub3A_634 : i32
    %select_n3A_636 = arith.select %and3A_633, %sub3A_635, %div3A_614 : i32
    %mul3A_637 = arith.constant 128 : i32
    %mul3A_638 = arith.muli %select_n3A_636, %mul3A_637 : i32
    %multiple_of3A_639 = tpu.assume_multiple %mul3A_638, 128 : i32
    %dma_start3A_640 = arith.constant 7 : i32
    %dma_start3A_641 = arith.constant 0 : i32
    %dma_start3A_642 = arith.constant 0 : i32
    %dma_start3A_643 = tpu.memref_slice %arg9[%dma_start3A_640, %dma_start3A_641, %dma_start3A_642] : memref<8x32x128xf32, #tpu.memory_space<vmem>> -> memref<1x32x128xf32, #tpu.memory_space<vmem>>
    %dma_start3A_644 = tpu.memref_squeeze %dma_start3A_643 : memref<1x32x128xf32, #tpu.memory_space<vmem>> -> memref<32x128xf32, #tpu.memory_space<vmem>>
    %dma_start3A_645 = arith.constant 0 : i32
    %dma_start3A_646 = tpu.memref_slice %arg4[%dma_start3A_645, %multiple_of3A_612] : memref<32x1000000xf32, #tpu.memory_space<hbm>> -> memref<32x128xf32, #tpu.memory_space<hbm>>
    %dma_start3A_647 = arith.constant 0 : i32
    %dma_start3A_648 = arith.constant 0 : i32
    %dma_start3A_649 = tpu.memref_slice %arg9[%dma_start3A_640, %dma_start3A_647, %dma_start3A_648] : memref<8x32x128xf32, #tpu.memory_space<vmem>> -> memref<1x32x128xf32, #tpu.memory_space<vmem>>
    %dma_start3A_650 = tpu.memref_squeeze %dma_start3A_649 : memref<1x32x128xf32, #tpu.memory_space<vmem>> -> memref<32x128xf32, #tpu.memory_space<vmem>>
    %dma_start3A_651 = arith.constant 0 : i32
    %dma_start3A_652 = tpu.memref_slice %arg4[%dma_start3A_651, %multiple_of3A_612] : memref<32x1000000xf32, #tpu.memory_space<hbm>> -> memref<32x128xf32, #tpu.memory_space<hbm>>
    tpu.enqueue_dma source(%dma_start3A_652 : memref<32x128xf32, #tpu.memory_space<hbm>>) target(%dma_start3A_650 : memref<32x128xf32, #tpu.memory_space<vmem>>) target_semaphore(%arg14 : memref<!tpu.dma_semaphore, #tpu.memory_space<semaphore_mem>>)
    %dma_start3A_653 = arith.constant 7 : i32
    %dma_start3A_654 = arith.constant 0 : i32
    %dma_start3A_655 = arith.constant 0 : i32
    %dma_start3A_656 = tpu.memref_slice %arg10[%dma_start3A_653, %dma_start3A_654, %dma_start3A_655] : memref<8x32x128xf32, #tpu.memory_space<vmem>> -> memref<1x32x128xf32, #tpu.memory_space<vmem>>
    %dma_start3A_657 = tpu.memref_squeeze %dma_start3A_656 : memref<1x32x128xf32, #tpu.memory_space<vmem>> -> memref<32x128xf32, #tpu.memory_space<vmem>>
    %dma_start3A_658 = arith.constant 0 : i32
    %dma_start3A_659 = tpu.memref_slice %arg5[%dma_start3A_658, %multiple_of3A_639] : memref<32x1000000xf32, #tpu.memory_space<hbm>> -> memref<32x128xf32, #tpu.memory_space<hbm>>
    %dma_start3A_660 = arith.constant 0 : i32
    %dma_start3A_661 = arith.constant 0 : i32
    %dma_start3A_662 = tpu.memref_slice %arg10[%dma_start3A_653, %dma_start3A_660, %dma_start3A_661] : memref<8x32x128xf32, #tpu.memory_space<vmem>> -> memref<1x32x128xf32, #tpu.memory_space<vmem>>
    %dma_start3A_663 = tpu.memref_squeeze %dma_start3A_662 : memref<1x32x128xf32, #tpu.memory_space<vmem>> -> memref<32x128xf32, #tpu.memory_space<vmem>>
    %dma_start3A_664 = arith.constant 0 : i32
    %dma_start3A_665 = tpu.memref_slice %arg5[%dma_start3A_664, %multiple_of3A_639] : memref<32x1000000xf32, #tpu.memory_space<hbm>> -> memref<32x128xf32, #tpu.memory_space<hbm>>
    tpu.enqueue_dma source(%dma_start3A_665 : memref<32x128xf32, #tpu.memory_space<hbm>>) target(%dma_start3A_663 : memref<32x128xf32, #tpu.memory_space<vmem>>) target_semaphore(%arg15 : memref<!tpu.dma_semaphore, #tpu.memory_space<semaphore_mem>>)
    %scan3A = arith.constant 0 : i32
    %scan3A_666 = arith.constant 0 : i32
    %scan3A_667 = arith.constant 32 : i32
    %scan3A_668 = arith.addi %scan3A_666, %scan3A_667 : i32
    %scan3A_669 = arith.constant 1 : i32
    scf.for %scan3A_677 = %scan3A_666 to %scan3A_668 step %scan3A_669  : i32 {
      %mul3A_678 = arith.constant 16 : i32
      %mul3A_679 = arith.muli %scan3A_677, %mul3A_678 : i32
      %get3A_680 = arith.index_cast %mul3A_679 : i32 to index
      %get3A_681 = tpu.vector_load %arg7[%get3A_680] {strides = array<i32>} : memref<512xi32, #tpu.memory_space<vmem>>, vector<16xi32>,
      %get3A_682 = arith.index_cast %mul3A_679 : i32 to index
      %get3A_683 = tpu.vector_load %arg8[%get3A_682] {strides = array<i32>} : memref<512xi32, #tpu.memory_space<vmem>>, vector<16xi32>,
      %add3A_684 = arith.constant 16 : i32
      %add3A_685 = arith.addi %mul3A_679, %add3A_684 : i32
      %min3A = arith.constant 496 : i32
      %min3A_686 = arith.minsi %add3A_685, %min3A : i32
      %get3A_687 = arith.index_cast %min3A_686 : i32 to index
      %get3A_688 = tpu.vector_load %arg7[%get3A_687] {strides = array<i32>} : memref<512xi32, #tpu.memory_space<vmem>>, vector<16xi32>,
      %get3A_689 = arith.index_cast %min3A_686 : i32 to index
      %get3A_690 = tpu.vector_load %arg8[%get3A_689] {strides = array<i32>} : memref<512xi32, #tpu.memory_space<vmem>>, vector<16xi32>,
      %eq3A = arith.constant 31 : i32
      %eq3A_691 = arith.cmpi eq, %scan3A_677, %eq3A : i32
      %add3A_692 = arith.constant 0 : i32
      %add3A_693 = arith.addi %mul3A_679, %add3A_692 : i32
      %dma_wait3A = arith.constant 0 : i32
      %dma_wait3A_694 = arith.constant 0 : i32
      %dma_wait3A_695 = arith.constant 0 : i32
      %dma_wait3A_696 = tpu.memref_slice %arg9[%dma_wait3A, %dma_wait3A_694, %dma_wait3A_695] : memref<8x32x128xf32, #tpu.memory_space<vmem>> -> memref<1x32x128xf32, #tpu.memory_space<vmem>>
      %dma_wait3A_697 = tpu.memref_squeeze %dma_wait3A_696 : memref<1x32x128xf32, #tpu.memory_space<vmem>> -> memref<32x128xf32, #tpu.memory_space<vmem>>
      %dma_wait3A_698 = arith.constant 0 : i32
      %dma_wait3A_699 = arith.constant 0 : i32
      %dma_wait3A_700 = tpu.memref_slice %arg4[%dma_wait3A_698, %dma_wait3A_699] : memref<32x1000000xf32, #tpu.memory_space<hbm>> -> memref<32x128xf32, #tpu.memory_space<hbm>>
      %dma_wait3A_701 = arith.constant 0 : i32
      %dma_wait3A_702 = arith.constant 0 : i32
      %dma_wait3A_703 = tpu.memref_slice %arg9[%dma_wait3A, %dma_wait3A_701, %dma_wait3A_702] : memref<8x32x128xf32, #tpu.memory_space<vmem>> -> memref<1x32x128xf32, #tpu.memory_space<vmem>>
      %dma_wait3A_704 = tpu.memref_squeeze %dma_wait3A_703 : memref<1x32x128xf32, #tpu.memory_space<vmem>> -> memref<32x128xf32, #tpu.memory_space<vmem>>
      %dma_wait3A_705 = arith.constant 0 : i32
      %dma_wait3A_706 = arith.constant 0 : i32
      %dma_wait3A_707 = tpu.memref_slice %arg4[%dma_wait3A_705, %dma_wait3A_706] : memref<32x1000000xf32, #tpu.memory_space<hbm>> -> memref<32x128xf32, #tpu.memory_space<hbm>>
      tpu.wait_dma2 semaphore(%arg14 : memref<!tpu.dma_semaphore, #tpu.memory_space<semaphore_mem>>) src(%dma_wait3A_707 : memref<32x128xf32, #tpu.memory_space<hbm>>) dst(%dma_wait3A_704 : memref<32x128xf32, #tpu.memory_space<vmem>>)
      %dma_wait3A_708 = arith.constant 0 : i32
      %dma_wait3A_709 = arith.constant 0 : i32
      %dma_wait3A_710 = arith.constant 0 : i32
      %dma_wait3A_711 = tpu.memref_slice %arg10[%dma_wait3A_708, %dma_wait3A_709, %dma_wait3A_710] : memref<8x32x128xf32, #tpu.memory_space<vmem>> -> memref<1x32x128xf32, #tpu.memory_space<vmem>>
      %dma_wait3A_712 = tpu.memref_squeeze %dma_wait3A_711 : memref<1x32x128xf32, #tpu.memory_space<vmem>> -> memref<32x128xf32, #tpu.memory_space<vmem>>
      %dma_wait3A_713 = arith.constant 0 : i32
      %dma_wait3A_714 = arith.constant 0 : i32
      %dma_wait3A_715 = tpu.memref_slice %arg5[%dma_wait3A_713, %dma_wait3A_714] : memref<32x1000000xf32, #tpu.memory_space<hbm>> -> memref<32x128xf32, #tpu.memory_space<hbm>>
      %dma_wait3A_716 = arith.constant 0 : i32
      %dma_wait3A_717 = arith.constant 0 : i32
      %dma_wait3A_718 = tpu.memref_slice %arg10[%dma_wait3A_708, %dma_wait3A_716, %dma_wait3A_717] : memref<8x32x128xf32, #tpu.memory_space<vmem>> -> memref<1x32x128xf32, #tpu.memory_space<vmem>>
      %dma_wait3A_719 = tpu.memref_squeeze %dma_wait3A_718 : memref<1x32x128xf32, #tpu.memory_space<vmem>> -> memref<32x128xf32, #tpu.memory_space<vmem>>
      %dma_wait3A_720 = arith.constant 0 : i32
      %dma_wait3A_721 = arith.constant 0 : i32
      %dma_wait3A_722 = tpu.memref_slice %arg5[%dma_wait3A_720, %dma_wait3A_721] : memref<32x1000000xf32, #tpu.memory_space<hbm>> -> memref<32x128xf32, #tpu.memory_space<hbm>>
      tpu.wait_dma2 semaphore(%arg15 : memref<!tpu.dma_semaphore, #tpu.memory_space<semaphore_mem>>) src(%dma_wait3A_722 : memref<32x128xf32, #tpu.memory_space<hbm>>) dst(%dma_wait3A_719 : memref<32x128xf32, #tpu.memory_space<vmem>>)
      %slice3A_723 = vector.extract_strided_slice %get3A_681 {offsets = [0], sizes = [1], strides = [1]} : vector<16xi32> to vector<1xi32>
      %squeeze3A_724 = vector.extract %slice3A_723[0] : i32 from vector<1xi32>
      %slice3A_725 = vector.extract_strided_slice %get3A_683 {offsets = [0], sizes = [1], strides = [1]} : vector<16xi32> to vector<1xi32>
      %squeeze3A_726 = vector.extract %slice3A_725[0] : i32 from vector<1xi32>
      %jit3A_727 = arith.constant 128 : i32
      %eq3A_728 = arith.constant 0 : i32
      %eq3A_729 = arith.cmpi eq, %jit3A_727, %eq3A_728 : i32
      %jit3A_730 = arith.constant 1 : i32
      %select_n3A_731 = arith.select %eq3A_729, %jit3A_730, %jit3A_727 : i32
      %rem3A_732 = arith.remsi %squeeze3A_724, %select_n3A_731 : i32
      %ne3A_733 = arith.constant 0 : i32
      %ne3A_734 = arith.cmpi ne, %rem3A_732, %ne3A_733 : i32
      %lt3A = arith.constant 0 : i32
      %lt3A_735 = arith.cmpi slt, %rem3A_732, %lt3A : i32
      %lt3A_736 = arith.constant 0 : i32
      %lt3A_737 = arith.cmpi slt, %select_n3A_731, %lt3A_736 : i32
      %ne3A_738 = arith.xori %lt3A_735, %lt3A_737 : i1
      %and3A_739 = arith.andi %ne3A_738, %ne3A_734 : i1
      %add3A_740 = arith.addi %rem3A_732, %select_n3A_731 : i32
      %select_n3A_741 = arith.select %and3A_739, %add3A_740, %rem3A_732 : i32
      %broadcast_in_dim3A = vector.broadcast %select_n3A_741 : i32 to vector<16xi32>
      %jit3A_742 = arith.constant 128 : i32
      %eq3A_743 = arith.constant 0 : i32
      %eq3A_744 = arith.cmpi eq, %jit3A_742, %eq3A_743 : i32
      %jit3A_745 = arith.constant 1 : i32
      %select_n3A_746 = arith.select %eq3A_744, %jit3A_745, %jit3A_742 : i32
      %rem3A_747 = arith.remsi %squeeze3A_726, %select_n3A_746 : i32
      %ne3A_748 = arith.constant 0 : i32
      %ne3A_749 = arith.cmpi ne, %rem3A_747, %ne3A_748 : i32
      %lt3A_750 = arith.constant 0 : i32
      %lt3A_751 = arith.cmpi slt, %rem3A_747, %lt3A_750 : i32
      %lt3A_752 = arith.constant 0 : i32
      %lt3A_753 = arith.cmpi slt, %select_n3A_746, %lt3A_752 : i32
      %ne3A_754 = arith.xori %lt3A_751, %lt3A_753 : i1
      %and3A_755 = arith.andi %ne3A_754, %ne3A_749 : i1
      %add3A_756 = arith.addi %rem3A_747, %select_n3A_746 : i32
      %select_n3A_757 = arith.select %and3A_755, %add3A_756, %rem3A_747 : i32
      %broadcast_in_dim3A_758 = vector.broadcast %select_n3A_757 : i32 to vector<16xi32>
      %broadcast_in_dim3A_759 = arith.constant 0 : i32
      %broadcast_in_dim3A_760 = vector.broadcast %broadcast_in_dim3A_759 : i32 to vector<16xi32>
      %add3A_761 = arith.constant 0 : i32
      %add3A_762 = vector.broadcast %add3A_761 : i32 to vector<16xi32>
      %add3A_763 = arith.addi %iota3A, %add3A_762 : vector<16xi32>
      %gather3A = tpu.vector_load_idx %arg9[%broadcast_in_dim3A_760, %add3A_763, %broadcast_in_dim3A] : memref<8x32x128xf32, #tpu.memory_space<vmem>>[vector<16xi32>, vector<16xi32>, vector<16xi32>], vector<16xf32>,
      %gather3A_764 = tpu.vector_load_idx %arg10[%broadcast_in_dim3A_760, %add3A_763, %broadcast_in_dim3A_758] : memref<8x32x128xf32, #tpu.memory_space<vmem>>[vector<16xi32>, vector<16xi32>, vector<16xi32>], vector<16xf32>,
      %mul3A_765 = arith.constant 512 : i32
      %mul3A_766 = vector.broadcast %mul3A_765 : i32 to vector<16xi32>
      %mul3A_767 = arith.muli %add3A_763, %mul3A_766 : vector<16xi32>
      %add3A_768 = vector.broadcast %add3A_693 : i32 to vector<16xi32>
      %add3A_769 = arith.addi %mul3A_767, %add3A_768 : vector<16xi32>
      tpu.vector_store_idx %arg11[%add3A_769], %gather3A : memref<16384xf32, #tpu.memory_space<vmem>>[vector<16xi32>], vector<16xf32>,
      %mul3A_770 = arith.constant 512 : i32
      %mul3A_771 = vector.broadcast %mul3A_770 : i32 to vector<16xi32>
      %mul3A_772 = arith.muli %add3A_763, %mul3A_771 : vector<16xi32>
      %add3A_773 = vector.broadcast %add3A_693 : i32 to vector<16xi32>
      %add3A_774 = arith.addi %mul3A_772, %add3A_773 : vector<16xi32>
      tpu.vector_store_idx %arg12[%add3A_774], %gather3A_764 : memref<16384xf32, #tpu.memory_space<vmem>>[vector<16xi32>], vector<16xf32>,
      %add3A_775 = arith.constant 16 : i32
      %add3A_776 = vector.broadcast %add3A_775 : i32 to vector<16xi32>
      %add3A_777 = arith.addi %iota3A, %add3A_776 : vector<16xi32>
      %gather3A_778 = tpu.vector_load_idx %arg9[%broadcast_in_dim3A_760, %add3A_777, %broadcast_in_dim3A] : memref<8x32x128xf32, #tpu.memory_space<vmem>>[vector<16xi32>, vector<16xi32>, vector<16xi32>], vector<16xf32>,
      %gather3A_779 = tpu.vector_load_idx %arg10[%broadcast_in_dim3A_760, %add3A_777, %broadcast_in_dim3A_758] : memref<8x32x128xf32, #tpu.memory_space<vmem>>[vector<16xi32>, vector<16xi32>, vector<16xi32>], vector<16xf32>,
      %mul3A_780 = arith.constant 512 : i32
      %mul3A_781 = vector.broadcast %mul3A_780 : i32 to vector<16xi32>
      %mul3A_782 = arith.muli %add3A_777, %mul3A_781 : vector<16xi32>
      %add3A_783 = vector.broadcast %add3A_693 : i32 to vector<16xi32>
      %add3A_784 = arith.addi %mul3A_782, %add3A_783 : vector<16xi32>
      tpu.vector_store_idx %arg11[%add3A_784], %gather3A_778 : memref<16384xf32, #tpu.memory_space<vmem>>[vector<16xi32>], vector<16xf32>,
      %mul3A_785 = arith.constant 512 : i32
      %mul3A_786 = vector.broadcast %mul3A_785 : i32 to vector<16xi32>
      %mul3A_787 = arith.muli %add3A_777, %mul3A_786 : vector<16xi32>
      %add3A_788 = vector.broadcast %add3A_693 : i32 to vector<16xi32>
      %add3A_789 = arith.addi %mul3A_787, %add3A_788 : vector<16xi32>
      tpu.vector_store_idx %arg12[%add3A_789], %gather3A_779 : memref<16384xf32, #tpu.memory_space<vmem>>[vector<16xi32>], vector<16xf32>,
      %slice3A_790 = vector.extract_strided_slice %get3A_681 {offsets = [8], sizes = [1], strides = [1]} : vector<16xi32> to vector<1xi32>
      %squeeze3A_791 = vector.extract %slice3A_790[0] : i32 from vector<1xi32>
      %slice3A_792 = vector.extract_strided_slice %get3A_683 {offsets = [8], sizes = [1], strides = [1]} : vector<16xi32> to vector<1xi32>
      %squeeze3A_793 = vector.extract %slice3A_792[0] : i32 from vector<1xi32>
      %jit3A_794 = arith.constant 128 : i32
      %div3A_795 = arith.divsi %squeeze3A_791, %jit3A_794 : i32
      %sign3A_796 = arith.constant 0 : i32
      %sign3A_797 = arith.cmpi sgt, %squeeze3A_791, %sign3A_796 : i32
      %sign3A_798 = arith.extui %sign3A_797 : i1 to i32
      %sign3A_799 = arith.constant 0 : i32
      %sign3A_800 = arith.cmpi slt, %squeeze3A_791, %sign3A_799 : i32
      %sign3A_801 = arith.extui %sign3A_800 : i1 to i32
      %sign3A_802 = arith.subi %sign3A_798, %sign3A_801 : i32
      %sign3A_803 = arith.constant 0 : i32
      %sign3A_804 = arith.cmpi sgt, %jit3A_794, %sign3A_803 : i32
      %sign3A_805 = arith.extui %sign3A_804 : i1 to i32
      %sign3A_806 = arith.constant 0 : i32
      %sign3A_807 = arith.cmpi slt, %jit3A_794, %sign3A_806 : i32
      %sign3A_808 = arith.extui %sign3A_807 : i1 to i32
      %sign3A_809 = arith.subi %sign3A_805, %sign3A_808 : i32
      %ne3A_810 = arith.cmpi ne, %sign3A_802, %sign3A_809 : i32
      %rem3A_811 = arith.remsi %squeeze3A_791, %jit3A_794 : i32
      %ne3A_812 = arith.constant 0 : i32
      %ne3A_813 = arith.cmpi ne, %rem3A_811, %ne3A_812 : i32
      %and3A_814 = arith.andi %ne3A_810, %ne3A_813 : i1
      %sub3A_815 = arith.constant 1 : i32
      %sub3A_816 = arith.subi %div3A_795, %sub3A_815 : i32
      %select_n3A_817 = arith.select %and3A_814, %sub3A_816, %div3A_795 : i32
      %mul3A_818 = arith.constant 128 : i32
      %mul3A_819 = arith.muli %select_n3A_817, %mul3A_818 : i32
      %multiple_of3A_820 = tpu.assume_multiple %mul3A_819, 128 : i32
      %jit3A_821 = arith.constant 128 : i32
      %div3A_822 = arith.divsi %squeeze3A_793, %jit3A_821 : i32
      %sign3A_823 = arith.constant 0 : i32
      %sign3A_824 = arith.cmpi sgt, %squeeze3A_793, %sign3A_823 : i32
      %sign3A_825 = arith.extui %sign3A_824 : i1 to i32
      %sign3A_826 = arith.constant 0 : i32
      %sign3A_827 = arith.cmpi slt, %squeeze3A_793, %sign3A_826 : i32
      %sign3A_828 = arith.extui %sign3A_827 : i1 to i32
      %sign3A_829 = arith.subi %sign3A_825, %sign3A_828 : i32
      %sign3A_830 = arith.constant 0 : i32
      %sign3A_831 = arith.cmpi sgt, %jit3A_821, %sign3A_830 : i32
      %sign3A_832 = arith.extui %sign3A_831 : i1 to i32
      %sign3A_833 = arith.constant 0 : i32
      %sign3A_834 = arith.cmpi slt, %jit3A_821, %sign3A_833 : i32
      %sign3A_835 = arith.extui %sign3A_834 : i1 to i32
      %sign3A_836 = arith.subi %sign3A_832, %sign3A_835 : i32
      %ne3A_837 = arith.cmpi ne, %sign3A_829, %sign3A_836 : i32
      %rem3A_838 = arith.remsi %squeeze3A_793, %jit3A_821 : i32
      %ne3A_839 = arith.constant 0 : i32
      %ne3A_840 = arith.cmpi ne, %rem3A_838, %ne3A_839 : i32
      %and3A_841 = arith.andi %ne3A_837, %ne3A_840 : i1
      %sub3A_842 = arith.constant 1 : i32
      %sub3A_843 = arith.subi %div3A_822, %sub3A_842 : i32
      %select_n3A_844 = arith.select %and3A_841, %sub3A_843, %div3A_822 : i32
      %mul3A_845 = arith.constant 128 : i32
      %mul3A_846 = arith.muli %select_n3A_844, %mul3A_845 : i32
      %multiple_of3A_847 = tpu.assume_multiple %mul3A_846, 128 : i32
      %dma_start3A_848 = arith.constant 0 : i32
      %dma_start3A_849 = arith.constant 0 : i32
      %dma_start3A_850 = arith.constant 0 : i32
      %dma_start3A_851 = tpu.memref_slice %arg9[%dma_start3A_848, %dma_start3A_849, %dma_start3A_850] : memref<8x32x128xf32, #tpu.memory_space<vmem>> -> memref<1x32x128xf32, #tpu.memory_space<vmem>>
      %dma_start3A_852 = tpu.memref_squeeze %dma_start3A_851 : memref<1x32x128xf32, #tpu.memory_space<vmem>> -> memref<32x128xf32, #tpu.memory_space<vmem>>
      %dma_start3A_853 = arith.constant 0 : i32
      %dma_start3A_854 = tpu.memref_slice %arg4[%dma_start3A_853, %multiple_of3A_820] : memref<32x1000000xf32, #tpu.memory_space<hbm>> -> memref<32x128xf32, #tpu.memory_space<hbm>>
      %dma_start3A_855 = arith.constant 0 : i32
      %dma_start3A_856 = arith.constant 0 : i32
      %dma_start3A_857 = tpu.memref_slice %arg9[%dma_start3A_848, %dma_start3A_855, %dma_start3A_856] : memref<8x32x128xf32, #tpu.memory_space<vmem>> -> memref<1x32x128xf32, #tpu.memory_space<vmem>>
      %dma_start3A_858 = tpu.memref_squeeze %dma_start3A_857 : memref<1x32x128xf32, #tpu.memory_space<vmem>> -> memref<32x128xf32, #tpu.memory_space<vmem>>
      %dma_start3A_859 = arith.constant 0 : i32
      %dma_start3A_860 = tpu.memref_slice %arg4[%dma_start3A_859, %multiple_of3A_820] : memref<32x1000000xf32, #tpu.memory_space<hbm>> -> memref<32x128xf32, #tpu.memory_space<hbm>>
      tpu.enqueue_dma source(%dma_start3A_860 : memref<32x128xf32, #tpu.memory_space<hbm>>) target(%dma_start3A_858 : memref<32x128xf32, #tpu.memory_space<vmem>>) target_semaphore(%arg14 : memref<!tpu.dma_semaphore, #tpu.memory_space<semaphore_mem>>)
      %dma_start3A_861 = arith.constant 0 : i32
      %dma_start3A_862 = arith.constant 0 : i32
      %dma_start3A_863 = arith.constant 0 : i32
      %dma_start3A_864 = tpu.memref_slice %arg10[%dma_start3A_861, %dma_start3A_862, %dma_start3A_863] : memref<8x32x128xf32, #tpu.memory_space<vmem>> -> memref<1x32x128xf32, #tpu.memory_space<vmem>>
      %dma_start3A_865 = tpu.memref_squeeze %dma_start3A_864 : memref<1x32x128xf32, #tpu.memory_space<vmem>> -> memref<32x128xf32, #tpu.memory_space<vmem>>
      %dma_start3A_866 = arith.constant 0 : i32
      %dma_start3A_867 = tpu.memref_slice %arg5[%dma_start3A_866, %multiple_of3A_847] : memref<32x1000000xf32, #tpu.memory_space<hbm>> -> memref<32x128xf32, #tpu.memory_space<hbm>>
      %dma_start3A_868 = arith.constant 0 : i32
      %dma_start3A_869 = arith.constant 0 : i32
      %dma_start3A_870 = tpu.memref_slice %arg10[%dma_start3A_861, %dma_start3A_868, %dma_start3A_869] : memref<8x32x128xf32, #tpu.memory_space<vmem>> -> memref<1x32x128xf32, #tpu.memory_space<vmem>>
      %dma_start3A_871 = tpu.memref_squeeze %dma_start3A_870 : memref<1x32x128xf32, #tpu.memory_space<vmem>> -> memref<32x128xf32, #tpu.memory_space<vmem>>
      %dma_start3A_872 = arith.constant 0 : i32
      %dma_start3A_873 = tpu.memref_slice %arg5[%dma_start3A_872, %multiple_of3A_847] : memref<32x1000000xf32, #tpu.memory_space<hbm>> -> memref<32x128xf32, #tpu.memory_space<hbm>>
      tpu.enqueue_dma source(%dma_start3A_873 : memref<32x128xf32, #tpu.memory_space<hbm>>) target(%dma_start3A_871 : memref<32x128xf32, #tpu.memory_space<vmem>>) target_semaphore(%arg15 : memref<!tpu.dma_semaphore, #tpu.memory_space<semaphore_mem>>)
      %add3A_874 = arith.constant 1 : i32
      %add3A_875 = arith.addi %mul3A_679, %add3A_874 : i32
      %dma_wait3A_876 = arith.constant 0 : i32
      %dma_wait3A_877 = arith.constant 0 : i32
      %dma_wait3A_878 = arith.constant 0 : i32
      %dma_wait3A_879 = tpu.memref_slice %arg9[%dma_wait3A_876, %dma_wait3A_877, %dma_wait3A_878] : memref<8x32x128xf32, #tpu.memory_space<vmem>> -> memref<1x32x128xf32, #tpu.memory_space<vmem>>
      %dma_wait3A_880 = tpu.memref_squeeze %dma_wait3A_879 : memref<1x32x128xf32, #tpu.memory_space<vmem>> -> memref<32x128xf32, #tpu.memory_space<vmem>>
      %dma_wait3A_881 = arith.constant 0 : i32
      %dma_wait3A_882 = arith.constant 0 : i32
      %dma_wait3A_883 = tpu.memref_slice %arg4[%dma_wait3A_881, %dma_wait3A_882] : memref<32x1000000xf32, #tpu.memory_space<hbm>> -> memref<32x128xf32, #tpu.memory_space<hbm>>
      %dma_wait3A_884 = arith.constant 0 : i32
      %dma_wait3A_885 = arith.constant 0 : i32
      %dma_wait3A_886 = tpu.memref_slice %arg9[%dma_wait3A_876, %dma_wait3A_884, %dma_wait3A_885] : memref<8x32x128xf32, #tpu.memory_space<vmem>> -> memref<1x32x128xf32, #tpu.memory_space<vmem>>
      %dma_wait3A_887 = tpu.memref_squeeze %dma_wait3A_886 : memref<1x32x128xf32, #tpu.memory_space<vmem>> -> memref<32x128xf32, #tpu.memory_space<vmem>>
      %dma_wait3A_888 = arith.constant 0 : i32
      %dma_wait3A_889 = arith.constant 0 : i32
      %dma_wait3A_890 = tpu.memref_slice %arg4[%dma_wait3A_888, %dma_wait3A_889] : memref<32x1000000xf32, #tpu.memory_space<hbm>> -> memref<32x128xf32, #tpu.memory_space<hbm>>
      tpu.wait_dma2 semaphore(%arg14 : memref<!tpu.dma_semaphore, #tpu.memory_space<semaphore_mem>>) src(%dma_wait3A_890 : memref<32x128xf32, #tpu.memory_space<hbm>>) dst(%dma_wait3A_887 : memref<32x128xf32, #tpu.memory_space<vmem>>)
      %dma_wait3A_891 = arith.constant 0 : i32
      %dma_wait3A_892 = arith.constant 0 : i32
      %dma_wait3A_893 = arith.constant 0 : i32
      %dma_wait3A_894 = tpu.memref_slice %arg10[%dma_wait3A_891, %dma_wait3A_892, %dma_wait3A_893] : memref<8x32x128xf32, #tpu.memory_space<vmem>> -> memref<1x32x128xf32, #tpu.memory_space<vmem>>
      %dma_wait3A_895 = tpu.memref_squeeze %dma_wait3A_894 : memref<1x32x128xf32, #tpu.memory_space<vmem>> -> memref<32x128xf32, #tpu.memory_space<vmem>>
      %dma_wait3A_896 = arith.constant 0 : i32
      %dma_wait3A_897 = arith.constant 0 : i32
      %dma_wait3A_898 = tpu.memref_slice %arg5[%dma_wait3A_896, %dma_wait3A_897] : memref<32x1000000xf32, #tpu.memory_space<hbm>> -> memref<32x128xf32, #tpu.memory_space<hbm>>
      %dma_wait3A_899 = arith.constant 0 : i32
      %dma_wait3A_900 = arith.constant 0 : i32
      %dma_wait3A_901 = tpu.memref_slice %arg10[%dma_wait3A_891, %dma_wait3A_899, %dma_wait3A_900] : memref<8x32x128xf32, #tpu.memory_space<vmem>> -> memref<1x32x128xf32, #tpu.memory_space<vmem>>
      %dma_wait3A_902 = tpu.memref_squeeze %dma_wait3A_901 : memref<1x32x128xf32, #tpu.memory_space<vmem>> -> memref<32x128xf32, #tpu.memory_space<vmem>>
      %dma_wait3A_903 = arith.constant 0 : i32
      %dma_wait3A_904 = arith.constant 0 : i32
      %dma_wait3A_905 = tpu.memref_slice %arg5[%dma_wait3A_903, %dma_wait3A_904] : memref<32x1000000xf32, #tpu.memory_space<hbm>> -> memref<32x128xf32, #tpu.memory_space<hbm>>
      tpu.wait_dma2 semaphore(%arg15 : memref<!tpu.dma_semaphore, #tpu.memory_space<semaphore_mem>>) src(%dma_wait3A_905 : memref<32x128xf32, #tpu.memory_space<hbm>>) dst(%dma_wait3A_902 : memref<32x128xf32, #tpu.memory_space<vmem>>)
      %slice3A_906 = vector.extract_strided_slice %get3A_681 {offsets = [1], sizes = [1], strides = [1]} : vector<16xi32> to vector<1xi32>
      %squeeze3A_907 = vector.extract %slice3A_906[0] : i32 from vector<1xi32>
      %slice3A_908 = vector.extract_strided_slice %get3A_683 {offsets = [1], sizes = [1], strides = [1]} : vector<16xi32> to vector<1xi32>
      %squeeze3A_909 = vector.extract %slice3A_908[0] : i32 from vector<1xi32>
      %jit3A_910 = arith.constant 128 : i32
      %eq3A_911 = arith.constant 0 : i32
      %eq3A_912 = arith.cmpi eq, %jit3A_910, %eq3A_911 : i32
      %jit3A_913 = arith.constant 1 : i32
      %select_n3A_914 = arith.select %eq3A_912, %jit3A_913, %jit3A_910 : i32
      %rem3A_915 = arith.remsi %squeeze3A_907, %select_n3A_914 : i32
      %ne3A_916 = arith.constant 0 : i32
      %ne3A_917 = arith.cmpi ne, %rem3A_915, %ne3A_916 : i32
      %lt3A_918 = arith.constant 0 : i32
      %lt3A_919 = arith.cmpi slt, %rem3A_915, %lt3A_918 : i32
      %lt3A_920 = arith.constant 0 : i32
      %lt3A_921 = arith.cmpi slt, %select_n3A_914, %lt3A_920 : i32
      %ne3A_922 = arith.xori %lt3A_919, %lt3A_921 : i1
      %and3A_923 = arith.andi %ne3A_922, %ne3A_917 : i1
      %add3A_924 = arith.addi %rem3A_915, %select_n3A_914 : i32
      %select_n3A_925 = arith.select %and3A_923, %add3A_924, %rem3A_915 : i32
      %broadcast_in_dim3A_926 = vector.broadcast %select_n3A_925 : i32 to vector<16xi32>
      %jit3A_927 = arith.constant 128 : i32
      %eq3A_928 = arith.constant 0 : i32
      %eq3A_929 = arith.cmpi eq, %jit3A_927, %eq3A_928 : i32
      %jit3A_930 = arith.constant 1 : i32
      %select_n3A_931 = arith.select %eq3A_929, %jit3A_930, %jit3A_927 : i32
      %rem3A_932 = arith.remsi %squeeze3A_909, %select_n3A_931 : i32
      %ne3A_933 = arith.constant 0 : i32
      %ne3A_934 = arith.cmpi ne, %rem3A_932, %ne3A_933 : i32
      %lt3A_935 = arith.constant 0 : i32
      %lt3A_936 = arith.cmpi slt, %rem3A_932, %lt3A_935 : i32
      %lt3A_937 = arith.constant 0 : i32
      %lt3A_938 = arith.cmpi slt, %select_n3A_931, %lt3A_937 : i32
      %ne3A_939 = arith.xori %lt3A_936, %lt3A_938 : i1
      %and3A_940 = arith.andi %ne3A_939, %ne3A_934 : i1
      %add3A_941 = arith.addi %rem3A_932, %select_n3A_931 : i32
      %select_n3A_942 = arith.select %and3A_940, %add3A_941, %rem3A_932 : i32
      %broadcast_in_dim3A_943 = vector.broadcast %select_n3A_942 : i32 to vector<16xi32>
      %broadcast_in_dim3A_944 = arith.constant 1 : i32
      %broadcast_in_dim3A_945 = vector.broadcast %broadcast_in_dim3A_944 : i32 to vector<16xi32>
      %add3A_946 = arith.constant 0 : i32
      %add3A_947 = vector.broadcast %add3A_946 : i32 to vector<16xi32>
      %add3A_948 = arith.addi %iota3A, %add3A_947 : vector<16xi32>
      %gather3A_949 = tpu.vector_load_idx %arg9[%broadcast_in_dim3A_945, %add3A_948, %broadcast_in_dim3A_926] : memref<8x32x128xf32, #tpu.memory_space<vmem>>[vector<16xi32>, vector<16xi32>, vector<16xi32>], vector<16xf32>,
      %gather3A_950 = tpu.vector_load_idx %arg10[%broadcast_in_dim3A_945, %add3A_948, %broadcast_in_dim3A_943] : memref<8x32x128xf32, #tpu.memory_space<vmem>>[vector<16xi32>, vector<16xi32>, vector<16xi32>], vector<16xf32>,
      %mul3A_951 = arith.constant 512 : i32
      %mul3A_952 = vector.broadcast %mul3A_951 : i32 to vector<16xi32>
      %mul3A_953 = arith.muli %add3A_948, %mul3A_952 : vector<16xi32>
      %add3A_954 = vector.broadcast %add3A_875 : i32 to vector<16xi32>
      %add3A_955 = arith.addi %mul3A_953, %add3A_954 : vector<16xi32>
      tpu.vector_store_idx %arg11[%add3A_955], %gather3A_949 : memref<16384xf32, #tpu.memory_space<vmem>>[vector<16xi32>], vector<16xf32>,
      %mul3A_956 = arith.constant 512 : i32
      %mul3A_957 = vector.broadcast %mul3A_956 : i32 to vector<16xi32>
      %mul3A_958 = arith.muli %add3A_948, %mul3A_957 : vector<16xi32>
      %add3A_959 = vector.broadcast %add3A_875 : i32 to vector<16xi32>
      %add3A_960 = arith.addi %mul3A_958, %add3A_959 : vector<16xi32>
      tpu.vector_store_idx %arg12[%add3A_960], %gather3A_950 : memref<16384xf32, #tpu.memory_space<vmem>>[vector<16xi32>], vector<16xf32>,
      %add3A_961 = arith.constant 16 : i32
      %add3A_962 = vector.broadcast %add3A_961 : i32 to vector<16xi32>
      %add3A_963 = arith.addi %iota3A, %add3A_962 : vector<16xi32>
      %gather3A_964 = tpu.vector_load_idx %arg9[%broadcast_in_dim3A_945, %add3A_963, %broadcast_in_dim3A_926] : memref<8x32x128xf32, #tpu.memory_space<vmem>>[vector<16xi32>, vector<16xi32>, vector<16xi32>], vector<16xf32>,
      %gather3A_965 = tpu.vector_load_idx %arg10[%broadcast_in_dim3A_945, %add3A_963, %broadcast_in_dim3A_943] : memref<8x32x128xf32, #tpu.memory_space<vmem>>[vector<16xi32>, vector<16xi32>, vector<16xi32>], vector<16xf32>,
      %mul3A_966 = arith.constant 512 : i32
      %mul3A_967 = vector.broadcast %mul3A_966 : i32 to vector<16xi32>
      %mul3A_968 = arith.muli %add3A_963, %mul3A_967 : vector<16xi32>
      %add3A_969 = vector.broadcast %add3A_875 : i32 to vector<16xi32>
      %add3A_970 = arith.addi %mul3A_968, %add3A_969 : vector<16xi32>
      tpu.vector_store_idx %arg11[%add3A_970], %gather3A_964 : memref<16384xf32, #tpu.memory_space<vmem>>[vector<16xi32>], vector<16xf32>,
      %mul3A_971 = arith.constant 512 : i32
      %mul3A_972 = vector.broadcast %mul3A_971 : i32 to vector<16xi32>
      %mul3A_973 = arith.muli %add3A_963, %mul3A_972 : vector<16xi32>
      %add3A_974 = vector.broadcast %add3A_875 : i32 to vector<16xi32>
      %add3A_975 = arith.addi %mul3A_973, %add3A_974 : vector<16xi32>
      tpu.vector_store_idx %arg12[%add3A_975], %gather3A_965 : memref<16384xf32, #tpu.memory_space<vmem>>[vector<16xi32>], vector<16xf32>,
      %slice3A_976 = vector.extract_strided_slice %get3A_681 {offsets = [9], sizes = [1], strides = [1]} : vector<16xi32> to vector<1xi32>
      %squeeze3A_977 = vector.extract %slice3A_976[0] : i32 from vector<1xi32>
      %slice3A_978 = vector.extract_strided_slice %get3A_683 {offsets = [9], sizes = [1], strides = [1]} : vector<16xi32> to vector<1xi32>
      %squeeze3A_979 = vector.extract %slice3A_978[0] : i32 from vector<1xi32>
      %jit3A_980 = arith.constant 128 : i32
      %div3A_981 = arith.divsi %squeeze3A_977, %jit3A_980 : i32
      %sign3A_982 = arith.constant 0 : i32
      %sign3A_983 = arith.cmpi sgt, %squeeze3A_977, %sign3A_982 : i32
      %sign3A_984 = arith.extui %sign3A_983 : i1 to i32
      %sign3A_985 = arith.constant 0 : i32
      %sign3A_986 = arith.cmpi slt, %squeeze3A_977, %sign3A_985 : i32
      %sign3A_987 = arith.extui %sign3A_986 : i1 to i32
      %sign3A_988 = arith.subi %sign3A_984, %sign3A_987 : i32
      %sign3A_989 = arith.constant 0 : i32
      %sign3A_990 = arith.cmpi sgt, %jit3A_980, %sign3A_989 : i32
      %sign3A_991 = arith.extui %sign3A_990 : i1 to i32
      %sign3A_992 = arith.constant 0 : i32
      %sign3A_993 = arith.cmpi slt, %jit3A_980, %sign3A_992 : i32
      %sign3A_994 = arith.extui %sign3A_993 : i1 to i32
      %sign3A_995 = arith.subi %sign3A_991, %sign3A_994 : i32
      %ne3A_996 = arith.cmpi ne, %sign3A_988, %sign3A_995 : i32
      %rem3A_997 = arith.remsi %squeeze3A_977, %jit3A_980 : i32
      %ne3A_998 = arith.constant 0 : i32
      %ne3A_999 = arith.cmpi ne, %rem3A_997, %ne3A_998 : i32
      %and3A_1000 = arith.andi %ne3A_996, %ne3A_999 : i1
      %sub3A_1001 = arith.constant 1 : i32
      %sub3A_1002 = arith.subi %div3A_981, %sub3A_1001 : i32
      %select_n3A_1003 = arith.select %and3A_1000, %sub3A_1002, %div3A_981 : i32
      %mul3A_1004 = arith.constant 128 : i32
      %mul3A_1005 = arith.muli %select_n3A_1003, %mul3A_1004 : i32
      %multiple_of3A_1006 = tpu.assume_multiple %mul3A_1005, 128 : i32
      %jit3A_1007 = arith.constant 128 : i32
      %div3A_1008 = arith.divsi %squeeze3A_979, %jit3A_1007 : i32
      %sign3A_1009 = arith.constant 0 : i32
      %sign3A_1010 = arith.cmpi sgt, %squeeze3A_979, %sign3A_1009 : i32
      %sign3A_1011 = arith.extui %sign3A_1010 : i1 to i32
      %sign3A_1012 = arith.constant 0 : i32
      %sign3A_1013 = arith.cmpi slt, %squeeze3A_979, %sign3A_1012 : i32
      %sign3A_1014 = arith.extui %sign3A_1013 : i1 to i32
      %sign3A_1015 = arith.subi %sign3A_1011, %sign3A_1014 : i32
      %sign3A_1016 = arith.constant 0 : i32
      %sign3A_1017 = arith.cmpi sgt, %jit3A_1007, %sign3A_1016 : i32
      %sign3A_1018 = arith.extui %sign3A_1017 : i1 to i32
      %sign3A_1019 = arith.constant 0 : i32
      %sign3A_1020 = arith.cmpi slt, %jit3A_1007, %sign3A_1019 : i32
      %sign3A_1021 = arith.extui %sign3A_1020 : i1 to i32
      %sign3A_1022 = arith.subi %sign3A_1018, %sign3A_1021 : i32
      %ne3A_1023 = arith.cmpi ne, %sign3A_1015, %sign3A_1022 : i32
      %rem3A_1024 = arith.remsi %squeeze3A_979, %jit3A_1007 : i32
      %ne3A_1025 = arith.constant 0 : i32
      %ne3A_1026 = arith.cmpi ne, %rem3A_1024, %ne3A_1025 : i32
      %and3A_1027 = arith.andi %ne3A_1023, %ne3A_1026 : i1
      %sub3A_1028 = arith.constant 1 : i32
      %sub3A_1029 = arith.subi %div3A_1008, %sub3A_1028 : i32
      %select_n3A_1030 = arith.select %and3A_1027, %sub3A_1029, %div3A_1008 : i32
      %mul3A_1031 = arith.constant 128 : i32
      %mul3A_1032 = arith.muli %select_n3A_1030, %mul3A_1031 : i32
      %multiple_of3A_1033 = tpu.assume_multiple %mul3A_1032, 128 : i32
      %dma_start3A_1034 = arith.constant 1 : i32
      %dma_start3A_1035 = arith.constant 0 : i32
      %dma_start3A_1036 = arith.constant 0 : i32
      %dma_start3A_1037 = tpu.memref_slice %arg9[%dma_start3A_1034, %dma_start3A_1035, %dma_start3A_1036] : memref<8x32x128xf32, #tpu.memory_space<vmem>> -> memref<1x32x128xf32, #tpu.memory_space<vmem>>
      %dma_start3A_1038 = tpu.memref_squeeze %dma_start3A_1037 : memref<1x32x128xf32, #tpu.memory_space<vmem>> -> memref<32x128xf32, #tpu.memory_space<vmem>>
      %dma_start3A_1039 = arith.constant 0 : i32
      %dma_start3A_1040 = tpu.memref_slice %arg4[%dma_start3A_1039, %multiple_of3A_1006] : memref<32x1000000xf32, #tpu.memory_space<hbm>> -> memref<32x128xf32, #tpu.memory_space<hbm>>
      %dma_start3A_1041 = arith.constant 0 : i32
      %dma_start3A_1042 = arith.constant 0 : i32
      %dma_start3A_1043 = tpu.memref_slice %arg9[%dma_start3A_1034, %dma_start3A_1041, %dma_start3A_1042] : memref<8x32x128xf32, #tpu.memory_space<vmem>> -> memref<1x32x128xf32, #tpu.memory_space<vmem>>
      %dma_start3A_1044 = tpu.memref_squeeze %dma_start3A_1043 : memref<1x32x128xf32, #tpu.memory_space<vmem>> -> memref<32x128xf32, #tpu.memory_space<vmem>>
      %dma_start3A_1045 = arith.constant 0 : i32
      %dma_start3A_1046 = tpu.memref_slice %arg4[%dma_start3A_1045, %multiple_of3A_1006] : memref<32x1000000xf32, #tpu.memory_space<hbm>> -> memref<32x128xf32, #tpu.memory_space<hbm>>
      tpu.enqueue_dma source(%dma_start3A_1046 : memref<32x128xf32, #tpu.memory_space<hbm>>) target(%dma_start3A_1044 : memref<32x128xf32, #tpu.memory_space<vmem>>) target_semaphore(%arg14 : memref<!tpu.dma_semaphore, #tpu.memory_space<semaphore_mem>>)
      %dma_start3A_1047 = arith.constant 1 : i32
      %dma_start3A_1048 = arith.constant 0 : i32
      %dma_start3A_1049 = arith.constant 0 : i32
      %dma_start3A_1050 = tpu.memref_slice %arg10[%dma_start3A_1047, %dma_start3A_1048, %dma_start3A_1049] : memref<8x32x128xf32, #tpu.memory_space<vmem>> -> memref<1x32x128xf32, #tpu.memory_space<vmem>>
      %dma_start3A_1051 = tpu.memref_squeeze %dma_start3A_1050 : memref<1x32x128xf32, #tpu.memory_space<vmem>> -> memref<32x128xf32, #tpu.memory_space<vmem>>
      %dma_start3A_1052 = arith.constant 0 : i32
      %dma_start3A_1053 = tpu.memref_slice %arg5[%dma_start3A_1052, %multiple_of3A_1033] : memref<32x1000000xf32, #tpu.memory_space<hbm>> -> memref<32x128xf32, #tpu.memory_space<hbm>>
      %dma_start3A_1054 = arith.constant 0 : i32
      %dma_start3A_1055 = arith.constant 0 : i32
      %dma_start3A_1056 = tpu.memref_slice %arg10[%dma_start3A_1047, %dma_start3A_1054, %dma_start3A_1055] : memref<8x32x128xf32, #tpu.memory_space<vmem>> -> memref<1x32x128xf32, #tpu.memory_space<vmem>>
      %dma_start3A_1057 = tpu.memref_squeeze %dma_start3A_1056 : memref<1x32x128xf32, #tpu.memory_space<vmem>> -> memref<32x128xf32, #tpu.memory_space<vmem>>
      %dma_start3A_1058 = arith.constant 0 : i32
      %dma_start3A_1059 = tpu.memref_slice %arg5[%dma_start3A_1058, %multiple_of3A_1033] : memref<32x1000000xf32, #tpu.memory_space<hbm>> -> memref<32x128xf32, #tpu.memory_space<hbm>>
      tpu.enqueue_dma source(%dma_start3A_1059 : memref<32x128xf32, #tpu.memory_space<hbm>>) target(%dma_start3A_1057 : memref<32x128xf32, #tpu.memory_space<vmem>>) target_semaphore(%arg15 : memref<!tpu.dma_semaphore, #tpu.memory_space<semaphore_mem>>)
      %add3A_1060 = arith.constant 2 : i32
      %add3A_1061 = arith.addi %mul3A_679, %add3A_1060 : i32
      %dma_wait3A_1062 = arith.constant 0 : i32
      %dma_wait3A_1063 = arith.constant 0 : i32
      %dma_wait3A_1064 = arith.constant 0 : i32
      %dma_wait3A_1065 = tpu.memref_slice %arg9[%dma_wait3A_1062, %dma_wait3A_1063, %dma_wait3A_1064] : memref<8x32x128xf32, #tpu.memory_space<vmem>> -> memref<1x32x128xf32, #tpu.memory_space<vmem>>
      %dma_wait3A_1066 = tpu.memref_squeeze %dma_wait3A_1065 : memref<1x32x128xf32, #tpu.memory_space<vmem>> -> memref<32x128xf32, #tpu.memory_space<vmem>>
      %dma_wait3A_1067 = arith.constant 0 : i32
      %dma_wait3A_1068 = arith.constant 0 : i32
      %dma_wait3A_1069 = tpu.memref_slice %arg4[%dma_wait3A_1067, %dma_wait3A_1068] : memref<32x1000000xf32, #tpu.memory_space<hbm>> -> memref<32x128xf32, #tpu.memory_space<hbm>>
      %dma_wait3A_1070 = arith.constant 0 : i32
      %dma_wait3A_1071 = arith.constant 0 : i32
      %dma_wait3A_1072 = tpu.memref_slice %arg9[%dma_wait3A_1062, %dma_wait3A_1070, %dma_wait3A_1071] : memref<8x32x128xf32, #tpu.memory_space<vmem>> -> memref<1x32x128xf32, #tpu.memory_space<vmem>>
      %dma_wait3A_1073 = tpu.memref_squeeze %dma_wait3A_1072 : memref<1x32x128xf32, #tpu.memory_space<vmem>> -> memref<32x128xf32, #tpu.memory_space<vmem>>
      %dma_wait3A_1074 = arith.constant 0 : i32
      %dma_wait3A_1075 = arith.constant 0 : i32
      %dma_wait3A_1076 = tpu.memref_slice %arg4[%dma_wait3A_1074, %dma_wait3A_1075] : memref<32x1000000xf32, #tpu.memory_space<hbm>> -> memref<32x128xf32, #tpu.memory_space<hbm>>
      tpu.wait_dma2 semaphore(%arg14 : memref<!tpu.dma_semaphore, #tpu.memory_space<semaphore_mem>>) src(%dma_wait3A_1076 : memref<32x128xf32, #tpu.memory_space<hbm>>) dst(%dma_wait3A_1073 : memref<32x128xf32, #tpu.memory_space<vmem>>)
      %dma_wait3A_1077 = arith.constant 0 : i32
      %dma_wait3A_1078 = arith.constant 0 : i32
      %dma_wait3A_1079 = arith.constant 0 : i32
      %dma_wait3A_1080 = tpu.memref_slice %arg10[%dma_wait3A_1077, %dma_wait3A_1078, %dma_wait3A_1079] : memref<8x32x128xf32, #tpu.memory_space<vmem>> -> memref<1x32x128xf32, #tpu.memory_space<vmem>>
      %dma_wait3A_1081 = tpu.memref_squeeze %dma_wait3A_1080 : memref<1x32x128xf32, #tpu.memory_space<vmem>> -> memref<32x128xf32, #tpu.memory_space<vmem>>
      %dma_wait3A_1082 = arith.constant 0 : i32
      %dma_wait3A_1083 = arith.constant 0 : i32
      %dma_wait3A_1084 = tpu.memref_slice %arg5[%dma_wait3A_1082, %dma_wait3A_1083] : memref<32x1000000xf32, #tpu.memory_space<hbm>> -> memref<32x128xf32, #tpu.memory_space<hbm>>
      %dma_wait3A_1085 = arith.constant 0 : i32
      %dma_wait3A_1086 = arith.constant 0 : i32
      %dma_wait3A_1087 = tpu.memref_slice %arg10[%dma_wait3A_1077, %dma_wait3A_1085, %dma_wait3A_1086] : memref<8x32x128xf32, #tpu.memory_space<vmem>> -> memref<1x32x128xf32, #tpu.memory_space<vmem>>
      %dma_wait3A_1088 = tpu.memref_squeeze %dma_wait3A_1087 : memref<1x32x128xf32, #tpu.memory_space<vmem>> -> memref<32x128xf32, #tpu.memory_space<vmem>>
      %dma_wait3A_1089 = arith.constant 0 : i32
      %dma_wait3A_1090 = arith.constant 0 : i32
      %dma_wait3A_1091 = tpu.memref_slice %arg5[%dma_wait3A_1089, %dma_wait3A_1090] : memref<32x1000000xf32, #tpu.memory_space<hbm>> -> memref<32x128xf32, #tpu.memory_space<hbm>>
      tpu.wait_dma2 semaphore(%arg15 : memref<!tpu.dma_semaphore, #tpu.memory_space<semaphore_mem>>) src(%dma_wait3A_1091 : memref<32x128xf32, #tpu.memory_space<hbm>>) dst(%dma_wait3A_1088 : memref<32x128xf32, #tpu.memory_space<vmem>>)
      %slice3A_1092 = vector.extract_strided_slice %get3A_681 {offsets = [2], sizes = [1], strides = [1]} : vector<16xi32> to vector<1xi32>
      %squeeze3A_1093 = vector.extract %slice3A_1092[0] : i32 from vector<1xi32>
      %slice3A_1094 = vector.extract_strided_slice %get3A_683 {offsets = [2], sizes = [1], strides = [1]} : vector<16xi32> to vector<1xi32>
      %squeeze3A_1095 = vector.extract %slice3A_1094[0] : i32 from vector<1xi32>
      %jit3A_1096 = arith.constant 128 : i32
      %eq3A_1097 = arith.constant 0 : i32
      %eq3A_1098 = arith.cmpi eq, %jit3A_1096, %eq3A_1097 : i32
      %jit3A_1099 = arith.constant 1 : i32
      %select_n3A_1100 = arith.select %eq3A_1098, %jit3A_1099, %jit3A_1096 : i32
      %rem3A_1101 = arith.remsi %squeeze3A_1093, %select_n3A_1100 : i32
      %ne3A_1102 = arith.constant 0 : i32
      %ne3A_1103 = arith.cmpi ne, %rem3A_1101, %ne3A_1102 : i32
      %lt3A_1104 = arith.constant 0 : i32
      %lt3A_1105 = arith.cmpi slt, %rem3A_1101, %lt3A_1104 : i32
      %lt3A_1106 = arith.constant 0 : i32
      %lt3A_1107 = arith.cmpi slt, %select_n3A_1100, %lt3A_1106 : i32
      %ne3A_1108 = arith.xori %lt3A_1105, %lt3A_1107 : i1
      %and3A_1109 = arith.andi %ne3A_1108, %ne3A_1103 : i1
      %add3A_1110 = arith.addi %rem3A_1101, %select_n3A_1100 : i32
      %select_n3A_1111 = arith.select %and3A_1109, %add3A_1110, %rem3A_1101 : i32
      %broadcast_in_dim3A_1112 = vector.broadcast %select_n3A_1111 : i32 to vector<16xi32>
      %jit3A_1113 = arith.constant 128 : i32
      %eq3A_1114 = arith.constant 0 : i32
      %eq3A_1115 = arith.cmpi eq, %jit3A_1113, %eq3A_1114 : i32
      %jit3A_1116 = arith.constant 1 : i32
      %select_n3A_1117 = arith.select %eq3A_1115, %jit3A_1116, %jit3A_1113 : i32
      %rem3A_1118 = arith.remsi %squeeze3A_1095, %select_n3A_1117 : i32
      %ne3A_1119 = arith.constant 0 : i32
      %ne3A_1120 = arith.cmpi ne, %rem3A_1118, %ne3A_1119 : i32
      %lt3A_1121 = arith.constant 0 : i32
      %lt3A_1122 = arith.cmpi slt, %rem3A_1118, %lt3A_1121 : i32
      %lt3A_1123 = arith.constant 0 : i32
      %lt3A_1124 = arith.cmpi slt, %select_n3A_1117, %lt3A_1123 : i32
      %ne3A_1125 = arith.xori %lt3A_1122, %lt3A_1124 : i1
      %and3A_1126 = arith.andi %ne3A_1125, %ne3A_1120 : i1
      %add3A_1127 = arith.addi %rem3A_1118, %select_n3A_1117 : i32
      %select_n3A_1128 = arith.select %and3A_1126, %add3A_1127, %rem3A_1118 : i32
      %broadcast_in_dim3A_1129 = vector.broadcast %select_n3A_1128 : i32 to vector<16xi32>
      %broadcast_in_dim3A_1130 = arith.constant 2 : i32
      %broadcast_in_dim3A_1131 = vector.broadcast %broadcast_in_dim3A_1130 : i32 to vector<16xi32>
      %add3A_1132 = arith.constant 0 : i32
      %add3A_1133 = vector.broadcast %add3A_1132 : i32 to vector<16xi32>
      %add3A_1134 = arith.addi %iota3A, %add3A_1133 : vector<16xi32>
      %gather3A_1135 = tpu.vector_load_idx %arg9[%broadcast_in_dim3A_1131, %add3A_1134, %broadcast_in_dim3A_1112] : memref<8x32x128xf32, #tpu.memory_space<vmem>>[vector<16xi32>, vector<16xi32>, vector<16xi32>], vector<16xf32>,
      %gather3A_1136 = tpu.vector_load_idx %arg10[%broadcast_in_dim3A_1131, %add3A_1134, %broadcast_in_dim3A_1129] : memref<8x32x128xf32, #tpu.memory_space<vmem>>[vector<16xi32>, vector<16xi32>, vector<16xi32>], vector<16xf32>,
      %mul3A_1137 = arith.constant 512 : i32
      %mul3A_1138 = vector.broadcast %mul3A_1137 : i32 to vector<16xi32>
      %mul3A_1139 = arith.muli %add3A_1134, %mul3A_1138 : vector<16xi32>
      %add3A_1140 = vector.broadcast %add3A_1061 : i32 to vector<16xi32>
      %add3A_1141 = arith.addi %mul3A_1139, %add3A_1140 : vector<16xi32>
      tpu.vector_store_idx %arg11[%add3A_1141], %gather3A_1135 : memref<16384xf32, #tpu.memory_space<vmem>>[vector<16xi32>], vector<16xf32>,
      %mul3A_1142 = arith.constant 512 : i32
      %mul3A_1143 = vector.broadcast %mul3A_1142 : i32 to vector<16xi32>
      %mul3A_1144 = arith.muli %add3A_1134, %mul3A_1143 : vector<16xi32>
      %add3A_1145 = vector.broadcast %add3A_1061 : i32 to vector<16xi32>
      %add3A_1146 = arith.addi %mul3A_1144, %add3A_1145 : vector<16xi32>
      tpu.vector_store_idx %arg12[%add3A_1146], %gather3A_1136 : memref<16384xf32, #tpu.memory_space<vmem>>[vector<16xi32>], vector<16xf32>,
      %add3A_1147 = arith.constant 16 : i32
      %add3A_1148 = vector.broadcast %add3A_1147 : i32 to vector<16xi32>
      %add3A_1149 = arith.addi %iota3A, %add3A_1148 : vector<16xi32>
      %gather3A_1150 = tpu.vector_load_idx %arg9[%broadcast_in_dim3A_1131, %add3A_1149, %broadcast_in_dim3A_1112] : memref<8x32x128xf32, #tpu.memory_space<vmem>>[vector<16xi32>, vector<16xi32>, vector<16xi32>], vector<16xf32>,
      %gather3A_1151 = tpu.vector_load_idx %arg10[%broadcast_in_dim3A_1131, %add3A_1149, %broadcast_in_dim3A_1129] : memref<8x32x128xf32, #tpu.memory_space<vmem>>[vector<16xi32>, vector<16xi32>, vector<16xi32>], vector<16xf32>,
      %mul3A_1152 = arith.constant 512 : i32
      %mul3A_1153 = vector.broadcast %mul3A_1152 : i32 to vector<16xi32>
      %mul3A_1154 = arith.muli %add3A_1149, %mul3A_1153 : vector<16xi32>
      %add3A_1155 = vector.broadcast %add3A_1061 : i32 to vector<16xi32>
      %add3A_1156 = arith.addi %mul3A_1154, %add3A_1155 : vector<16xi32>
      tpu.vector_store_idx %arg11[%add3A_1156], %gather3A_1150 : memref<16384xf32, #tpu.memory_space<vmem>>[vector<16xi32>], vector<16xf32>,
      %mul3A_1157 = arith.constant 512 : i32
      %mul3A_1158 = vector.broadcast %mul3A_1157 : i32 to vector<16xi32>
      %mul3A_1159 = arith.muli %add3A_1149, %mul3A_1158 : vector<16xi32>
      %add3A_1160 = vector.broadcast %add3A_1061 : i32 to vector<16xi32>
      %add3A_1161 = arith.addi %mul3A_1159, %add3A_1160 : vector<16xi32>
      tpu.vector_store_idx %arg12[%add3A_1161], %gather3A_1151 : memref<16384xf32, #tpu.memory_space<vmem>>[vector<16xi32>], vector<16xf32>,
      %slice3A_1162 = vector.extract_strided_slice %get3A_681 {offsets = [10], sizes = [1], strides = [1]} : vector<16xi32> to vector<1xi32>
      %squeeze3A_1163 = vector.extract %slice3A_1162[0] : i32 from vector<1xi32>
      %slice3A_1164 = vector.extract_strided_slice %get3A_683 {offsets = [10], sizes = [1], strides = [1]} : vector<16xi32> to vector<1xi32>
      %squeeze3A_1165 = vector.extract %slice3A_1164[0] : i32 from vector<1xi32>
      %jit3A_1166 = arith.constant 128 : i32
      %div3A_1167 = arith.divsi %squeeze3A_1163, %jit3A_1166 : i32
      %sign3A_1168 = arith.constant 0 : i32
      %sign3A_1169 = arith.cmpi sgt, %squeeze3A_1163, %sign3A_1168 : i32
      %sign3A_1170 = arith.extui %sign3A_1169 : i1 to i32
      %sign3A_1171 = arith.constant 0 : i32
      %sign3A_1172 = arith.cmpi slt, %squeeze3A_1163, %sign3A_1171 : i32
      %sign3A_1173 = arith.extui %sign3A_1172 : i1 to i32
      %sign3A_1174 = arith.subi %sign3A_1170, %sign3A_1173 : i32
      %sign3A_1175 = arith.constant 0 : i32
      %sign3A_1176 = arith.cmpi sgt, %jit3A_1166, %sign3A_1175 : i32
      %sign3A_1177 = arith.extui %sign3A_1176 : i1 to i32
      %sign3A_1178 = arith.constant 0 : i32
      %sign3A_1179 = arith.cmpi slt, %jit3A_1166, %sign3A_1178 : i32
      %sign3A_1180 = arith.extui %sign3A_1179 : i1 to i32
      %sign3A_1181 = arith.subi %sign3A_1177, %sign3A_1180 : i32
      %ne3A_1182 = arith.cmpi ne, %sign3A_1174, %sign3A_1181 : i32
      %rem3A_1183 = arith.remsi %squeeze3A_1163, %jit3A_1166 : i32
      %ne3A_1184 = arith.constant 0 : i32
      %ne3A_1185 = arith.cmpi ne, %rem3A_1183, %ne3A_1184 : i32
      %and3A_1186 = arith.andi %ne3A_1182, %ne3A_1185 : i1
      %sub3A_1187 = arith.constant 1 : i32
      %sub3A_1188 = arith.subi %div3A_1167, %sub3A_1187 : i32
      %select_n3A_1189 = arith.select %and3A_1186, %sub3A_1188, %div3A_1167 : i32
      %mul3A_1190 = arith.constant 128 : i32
      %mul3A_1191 = arith.muli %select_n3A_1189, %mul3A_1190 : i32
      %multiple_of3A_1192 = tpu.assume_multiple %mul3A_1191, 128 : i32
      %jit3A_1193 = arith.constant 128 : i32
      %div3A_1194 = arith.divsi %squeeze3A_1165, %jit3A_1193 : i32
      %sign3A_1195 = arith.constant 0 : i32
      %sign3A_1196 = arith.cmpi sgt, %squeeze3A_1165, %sign3A_1195 : i32
      %sign3A_1197 = arith.extui %sign3A_1196 : i1 to i32
      %sign3A_1198 = arith.constant 0 : i32
      %sign3A_1199 = arith.cmpi slt, %squeeze3A_1165, %sign3A_1198 : i32
      %sign3A_1200 = arith.extui %sign3A_1199 : i1 to i32
      %sign3A_1201 = arith.subi %sign3A_1197, %sign3A_1200 : i32
      %sign3A_1202 = arith.constant 0 : i32
      %sign3A_1203 = arith.cmpi sgt, %jit3A_1193, %sign3A_1202 : i32
      %sign3A_1204 = arith.extui %sign3A_1203 : i1 to i32
      %sign3A_1205 = arith.constant 0 : i32
      %sign3A_1206 = arith.cmpi slt, %jit3A_1193, %sign3A_1205 : i32
      %sign3A_1207 = arith.extui %sign3A_1206 : i1 to i32
      %sign3A_1208 = arith.subi %sign3A_1204, %sign3A_1207 : i32
      %ne3A_1209 = arith.cmpi ne, %sign3A_1201, %sign3A_1208 : i32
      %rem3A_1210 = arith.remsi %squeeze3A_1165, %jit3A_1193 : i32
      %ne3A_1211 = arith.constant 0 : i32
      %ne3A_1212 = arith.cmpi ne, %rem3A_1210, %ne3A_1211 : i32
      %and3A_1213 = arith.andi %ne3A_1209, %ne3A_1212 : i1
      %sub3A_1214 = arith.constant 1 : i32
      %sub3A_1215 = arith.subi %div3A_1194, %sub3A_1214 : i32
      %select_n3A_1216 = arith.select %and3A_1213, %sub3A_1215, %div3A_1194 : i32
      %mul3A_1217 = arith.constant 128 : i32
      %mul3A_1218 = arith.muli %select_n3A_1216, %mul3A_1217 : i32
      %multiple_of3A_1219 = tpu.assume_multiple %mul3A_1218, 128 : i32
      %dma_start3A_1220 = arith.constant 2 : i32
      %dma_start3A_1221 = arith.constant 0 : i32
      %dma_start3A_1222 = arith.constant 0 : i32
      %dma_start3A_1223 = tpu.memref_slice %arg9[%dma_start3A_1220, %dma_start3A_1221, %dma_start3A_1222] : memref<8x32x128xf32, #tpu.memory_space<vmem>> -> memref<1x32x128xf32, #tpu.memory_space<vmem>>
      %dma_start3A_1224 = tpu.memref_squeeze %dma_start3A_1223 : memref<1x32x128xf32, #tpu.memory_space<vmem>> -> memref<32x128xf32, #tpu.memory_space<vmem>>
      %dma_start3A_1225 = arith.constant 0 : i32
      %dma_start3A_1226 = tpu.memref_slice %arg4[%dma_start3A_1225, %multiple_of3A_1192] : memref<32x1000000xf32, #tpu.memory_space<hbm>> -> memref<32x128xf32, #tpu.memory_space<hbm>>
      %dma_start3A_1227 = arith.constant 0 : i32
      %dma_start3A_1228 = arith.constant 0 : i32
      %dma_start3A_1229 = tpu.memref_slice %arg9[%dma_start3A_1220, %dma_start3A_1227, %dma_start3A_1228] : memref<8x32x128xf32, #tpu.memory_space<vmem>> -> memref<1x32x128xf32, #tpu.memory_space<vmem>>
      %dma_start3A_1230 = tpu.memref_squeeze %dma_start3A_1229 : memref<1x32x128xf32, #tpu.memory_space<vmem>> -> memref<32x128xf32, #tpu.memory_space<vmem>>
      %dma_start3A_1231 = arith.constant 0 : i32
      %dma_start3A_1232 = tpu.memref_slice %arg4[%dma_start3A_1231, %multiple_of3A_1192] : memref<32x1000000xf32, #tpu.memory_space<hbm>> -> memref<32x128xf32, #tpu.memory_space<hbm>>
      tpu.enqueue_dma source(%dma_start3A_1232 : memref<32x128xf32, #tpu.memory_space<hbm>>) target(%dma_start3A_1230 : memref<32x128xf32, #tpu.memory_space<vmem>>) target_semaphore(%arg14 : memref<!tpu.dma_semaphore, #tpu.memory_space<semaphore_mem>>)
      %dma_start3A_1233 = arith.constant 2 : i32
      %dma_start3A_1234 = arith.constant 0 : i32
      %dma_start3A_1235 = arith.constant 0 : i32
      %dma_start3A_1236 = tpu.memref_slice %arg10[%dma_start3A_1233, %dma_start3A_1234, %dma_start3A_1235] : memref<8x32x128xf32, #tpu.memory_space<vmem>> -> memref<1x32x128xf32, #tpu.memory_space<vmem>>
      %dma_start3A_1237 = tpu.memref_squeeze %dma_start3A_1236 : memref<1x32x128xf32, #tpu.memory_space<vmem>> -> memref<32x128xf32, #tpu.memory_space<vmem>>
      %dma_start3A_1238 = arith.constant 0 : i32
      %dma_start3A_1239 = tpu.memref_slice %arg5[%dma_start3A_1238, %multiple_of3A_1219] : memref<32x1000000xf32, #tpu.memory_space<hbm>> -> memref<32x128xf32, #tpu.memory_space<hbm>>
      %dma_start3A_1240 = arith.constant 0 : i32
      %dma_start3A_1241 = arith.constant 0 : i32
      %dma_start3A_1242 = tpu.memref_slice %arg10[%dma_start3A_1233, %dma_start3A_1240, %dma_start3A_1241] : memref<8x32x128xf32, #tpu.memory_space<vmem>> -> memref<1x32x128xf32, #tpu.memory_space<vmem>>
      %dma_start3A_1243 = tpu.memref_squeeze %dma_start3A_1242 : memref<1x32x128xf32, #tpu.memory_space<vmem>> -> memref<32x128xf32, #tpu.memory_space<vmem>>
      %dma_start3A_1244 = arith.constant 0 : i32
      %dma_start3A_1245 = tpu.memref_slice %arg5[%dma_start3A_1244, %multiple_of3A_1219] : memref<32x1000000xf32, #tpu.memory_space<hbm>> -> memref<32x128xf32, #tpu.memory_space<hbm>>
      tpu.enqueue_dma source(%dma_start3A_1245 : memref<32x128xf32, #tpu.memory_space<hbm>>) target(%dma_start3A_1243 : memref<32x128xf32, #tpu.memory_space<vmem>>) target_semaphore(%arg15 : memref<!tpu.dma_semaphore, #tpu.memory_space<semaphore_mem>>)
      %add3A_1246 = arith.constant 3 : i32
      %add3A_1247 = arith.addi %mul3A_679, %add3A_1246 : i32
      %dma_wait3A_1248 = arith.constant 0 : i32
      %dma_wait3A_1249 = arith.constant 0 : i32
      %dma_wait3A_1250 = arith.constant 0 : i32
      %dma_wait3A_1251 = tpu.memref_slice %arg9[%dma_wait3A_1248, %dma_wait3A_1249, %dma_wait3A_1250] : memref<8x32x128xf32, #tpu.memory_space<vmem>> -> memref<1x32x128xf32, #tpu.memory_space<vmem>>
      %dma_wait3A_1252 = tpu.memref_squeeze %dma_wait3A_1251 : memref<1x32x128xf32, #tpu.memory_space<vmem>> -> memref<32x128xf32, #tpu.memory_space<vmem>>
      %dma_wait3A_1253 = arith.constant 0 : i32
      %dma_wait3A_1254 = arith.constant 0 : i32
      %dma_wait3A_1255 = tpu.memref_slice %arg4[%dma_wait3A_1253, %dma_wait3A_1254] : memref<32x1000000xf32, #tpu.memory_space<hbm>> -> memref<32x128xf32, #tpu.memory_space<hbm>>
      %dma_wait3A_1256 = arith.constant 0 : i32
      %dma_wait3A_1257 = arith.constant 0 : i32
      %dma_wait3A_1258 = tpu.memref_slice %arg9[%dma_wait3A_1248, %dma_wait3A_1256, %dma_wait3A_1257] : memref<8x32x128xf32, #tpu.memory_space<vmem>> -> memref<1x32x128xf32, #tpu.memory_space<vmem>>
      %dma_wait3A_1259 = tpu.memref_squeeze %dma_wait3A_1258 : memref<1x32x128xf32, #tpu.memory_space<vmem>> -> memref<32x128xf32, #tpu.memory_space<vmem>>
      %dma_wait3A_1260 = arith.constant 0 : i32
      %dma_wait3A_1261 = arith.constant 0 : i32
      %dma_wait3A_1262 = tpu.memref_slice %arg4[%dma_wait3A_1260, %dma_wait3A_1261] : memref<32x1000000xf32, #tpu.memory_space<hbm>> -> memref<32x128xf32, #tpu.memory_space<hbm>>
      tpu.wait_dma2 semaphore(%arg14 : memref<!tpu.dma_semaphore, #tpu.memory_space<semaphore_mem>>) src(%dma_wait3A_1262 : memref<32x128xf32, #tpu.memory_space<hbm>>) dst(%dma_wait3A_1259 : memref<32x128xf32, #tpu.memory_space<vmem>>)
      %dma_wait3A_1263 = arith.constant 0 : i32
      %dma_wait3A_1264 = arith.constant 0 : i32
      %dma_wait3A_1265 = arith.constant 0 : i32
      %dma_wait3A_1266 = tpu.memref_slice %arg10[%dma_wait3A_1263, %dma_wait3A_1264, %dma_wait3A_1265] : memref<8x32x128xf32, #tpu.memory_space<vmem>> -> memref<1x32x128xf32, #tpu.memory_space<vmem>>
      %dma_wait3A_1267 = tpu.memref_squeeze %dma_wait3A_1266 : memref<1x32x128xf32, #tpu.memory_space<vmem>> -> memref<32x128xf32, #tpu.memory_space<vmem>>
      %dma_wait3A_1268 = arith.constant 0 : i32
      %dma_wait3A_1269 = arith.constant 0 : i32
      %dma_wait3A_1270 = tpu.memref_slice %arg5[%dma_wait3A_1268, %dma_wait3A_1269] : memref<32x1000000xf32, #tpu.memory_space<hbm>> -> memref<32x128xf32, #tpu.memory_space<hbm>>
      %dma_wait3A_1271 = arith.constant 0 : i32
      %dma_wait3A_1272 = arith.constant 0 : i32
      %dma_wait3A_1273 = tpu.memref_slice %arg10[%dma_wait3A_1263, %dma_wait3A_1271, %dma_wait3A_1272] : memref<8x32x128xf32, #tpu.memory_space<vmem>> -> memref<1x32x128xf32, #tpu.memory_space<vmem>>
      %dma_wait3A_1274 = tpu.memref_squeeze %dma_wait3A_1273 : memref<1x32x128xf32, #tpu.memory_space<vmem>> -> memref<32x128xf32, #tpu.memory_space<vmem>>
      %dma_wait3A_1275 = arith.constant 0 : i32
      %dma_wait3A_1276 = arith.constant 0 : i32
      %dma_wait3A_1277 = tpu.memref_slice %arg5[%dma_wait3A_1275, %dma_wait3A_1276] : memref<32x1000000xf32, #tpu.memory_space<hbm>> -> memref<32x128xf32, #tpu.memory_space<hbm>>
      tpu.wait_dma2 semaphore(%arg15 : memref<!tpu.dma_semaphore, #tpu.memory_space<semaphore_mem>>) src(%dma_wait3A_1277 : memref<32x128xf32, #tpu.memory_space<hbm>>) dst(%dma_wait3A_1274 : memref<32x128xf32, #tpu.memory_space<vmem>>)
      %slice3A_1278 = vector.extract_strided_slice %get3A_681 {offsets = [3], sizes = [1], strides = [1]} : vector<16xi32> to vector<1xi32>
      %squeeze3A_1279 = vector.extract %slice3A_1278[0] : i32 from vector<1xi32>
      %slice3A_1280 = vector.extract_strided_slice %get3A_683 {offsets = [3], sizes = [1], strides = [1]} : vector<16xi32> to vector<1xi32>
      %squeeze3A_1281 = vector.extract %slice3A_1280[0] : i32 from vector<1xi32>
      %jit3A_1282 = arith.constant 128 : i32
      %eq3A_1283 = arith.constant 0 : i32
      %eq3A_1284 = arith.cmpi eq, %jit3A_1282, %eq3A_1283 : i32
      %jit3A_1285 = arith.constant 1 : i32
      %select_n3A_1286 = arith.select %eq3A_1284, %jit3A_1285, %jit3A_1282 : i32
      %rem3A_1287 = arith.remsi %squeeze3A_1279, %select_n3A_1286 : i32
      %ne3A_1288 = arith.constant 0 : i32
      %ne3A_1289 = arith.cmpi ne, %rem3A_1287, %ne3A_1288 : i32
      %lt3A_1290 = arith.constant 0 : i32
      %lt3A_1291 = arith.cmpi slt, %rem3A_1287, %lt3A_1290 : i32
      %lt3A_1292 = arith.constant 0 : i32
      %lt3A_1293 = arith.cmpi slt, %select_n3A_1286, %lt3A_1292 : i32
      %ne3A_1294 = arith.xori %lt3A_1291, %lt3A_1293 : i1
      %and3A_1295 = arith.andi %ne3A_1294, %ne3A_1289 : i1
      %add3A_1296 = arith.addi %rem3A_1287, %select_n3A_1286 : i32
      %select_n3A_1297 = arith.select %and3A_1295, %add3A_1296, %rem3A_1287 : i32
      %broadcast_in_dim3A_1298 = vector.broadcast %select_n3A_1297 : i32 to vector<16xi32>
      %jit3A_1299 = arith.constant 128 : i32
      %eq3A_1300 = arith.constant 0 : i32
      %eq3A_1301 = arith.cmpi eq, %jit3A_1299, %eq3A_1300 : i32
      %jit3A_1302 = arith.constant 1 : i32
      %select_n3A_1303 = arith.select %eq3A_1301, %jit3A_1302, %jit3A_1299 : i32
      %rem3A_1304 = arith.remsi %squeeze3A_1281, %select_n3A_1303 : i32
      %ne3A_1305 = arith.constant 0 : i32
      %ne3A_1306 = arith.cmpi ne, %rem3A_1304, %ne3A_1305 : i32
      %lt3A_1307 = arith.constant 0 : i32
      %lt3A_1308 = arith.cmpi slt, %rem3A_1304, %lt3A_1307 : i32
      %lt3A_1309 = arith.constant 0 : i32
      %lt3A_1310 = arith.cmpi slt, %select_n3A_1303, %lt3A_1309 : i32
      %ne3A_1311 = arith.xori %lt3A_1308, %lt3A_1310 : i1
      %and3A_1312 = arith.andi %ne3A_1311, %ne3A_1306 : i1
      %add3A_1313 = arith.addi %rem3A_1304, %select_n3A_1303 : i32
      %select_n3A_1314 = arith.select %and3A_1312, %add3A_1313, %rem3A_1304 : i32
      %broadcast_in_dim3A_1315 = vector.broadcast %select_n3A_1314 : i32 to vector<16xi32>
      %broadcast_in_dim3A_1316 = arith.constant 3 : i32
      %broadcast_in_dim3A_1317 = vector.broadcast %broadcast_in_dim3A_1316 : i32 to vector<16xi32>
      %add3A_1318 = arith.constant 0 : i32
      %add3A_1319 = vector.broadcast %add3A_1318 : i32 to vector<16xi32>
      %add3A_1320 = arith.addi %iota3A, %add3A_1319 : vector<16xi32>
      %gather3A_1321 = tpu.vector_load_idx %arg9[%broadcast_in_dim3A_1317, %add3A_1320, %broadcast_in_dim3A_1298] : memref<8x32x128xf32, #tpu.memory_space<vmem>>[vector<16xi32>, vector<16xi32>, vector<16xi32>], vector<16xf32>,
      %gather3A_1322 = tpu.vector_load_idx %arg10[%broadcast_in_dim3A_1317, %add3A_1320, %broadcast_in_dim3A_1315] : memref<8x32x128xf32, #tpu.memory_space<vmem>>[vector<16xi32>, vector<16xi32>, vector<16xi32>], vector<16xf32>,
      %mul3A_1323 = arith.constant 512 : i32
      %mul3A_1324 = vector.broadcast %mul3A_1323 : i32 to vector<16xi32>
      %mul3A_1325 = arith.muli %add3A_1320, %mul3A_1324 : vector<16xi32>
      %add3A_1326 = vector.broadcast %add3A_1247 : i32 to vector<16xi32>
      %add3A_1327 = arith.addi %mul3A_1325, %add3A_1326 : vector<16xi32>
      tpu.vector_store_idx %arg11[%add3A_1327], %gather3A_1321 : memref<16384xf32, #tpu.memory_space<vmem>>[vector<16xi32>], vector<16xf32>,
      %mul3A_1328 = arith.constant 512 : i32
      %mul3A_1329 = vector.broadcast %mul3A_1328 : i32 to vector<16xi32>
      %mul3A_1330 = arith.muli %add3A_1320, %mul3A_1329 : vector<16xi32>
      %add3A_1331 = vector.broadcast %add3A_1247 : i32 to vector<16xi32>
      %add3A_1332 = arith.addi %mul3A_1330, %add3A_1331 : vector<16xi32>
      tpu.vector_store_idx %arg12[%add3A_1332], %gather3A_1322 : memref<16384xf32, #tpu.memory_space<vmem>>[vector<16xi32>], vector<16xf32>,
      %add3A_1333 = arith.constant 16 : i32
      %add3A_1334 = vector.broadcast %add3A_1333 : i32 to vector<16xi32>
      %add3A_1335 = arith.addi %iota3A, %add3A_1334 : vector<16xi32>
      %gather3A_1336 = tpu.vector_load_idx %arg9[%broadcast_in_dim3A_1317, %add3A_1335, %broadcast_in_dim3A_1298] : memref<8x32x128xf32, #tpu.memory_space<vmem>>[vector<16xi32>, vector<16xi32>, vector<16xi32>], vector<16xf32>,
      %gather3A_1337 = tpu.vector_load_idx %arg10[%broadcast_in_dim3A_1317, %add3A_1335, %broadcast_in_dim3A_1315] : memref<8x32x128xf32, #tpu.memory_space<vmem>>[vector<16xi32>, vector<16xi32>, vector<16xi32>], vector<16xf32>,
      %mul3A_1338 = arith.constant 512 : i32
      %mul3A_1339 = vector.broadcast %mul3A_1338 : i32 to vector<16xi32>
      %mul3A_1340 = arith.muli %add3A_1335, %mul3A_1339 : vector<16xi32>
      %add3A_1341 = vector.broadcast %add3A_1247 : i32 to vector<16xi32>
      %add3A_1342 = arith.addi %mul3A_1340, %add3A_1341 : vector<16xi32>
      tpu.vector_store_idx %arg11[%add3A_1342], %gather3A_1336 : memref<16384xf32, #tpu.memory_space<vmem>>[vector<16xi32>], vector<16xf32>,
      %mul3A_1343 = arith.constant 512 : i32
      %mul3A_1344 = vector.broadcast %mul3A_1343 : i32 to vector<16xi32>
      %mul3A_1345 = arith.muli %add3A_1335, %mul3A_1344 : vector<16xi32>
      %add3A_1346 = vector.broadcast %add3A_1247 : i32 to vector<16xi32>
      %add3A_1347 = arith.addi %mul3A_1345, %add3A_1346 : vector<16xi32>
      tpu.vector_store_idx %arg12[%add3A_1347], %gather3A_1337 : memref<16384xf32, #tpu.memory_space<vmem>>[vector<16xi32>], vector<16xf32>,
      %slice3A_1348 = vector.extract_strided_slice %get3A_681 {offsets = [11], sizes = [1], strides = [1]} : vector<16xi32> to vector<1xi32>
      %squeeze3A_1349 = vector.extract %slice3A_1348[0] : i32 from vector<1xi32>
      %slice3A_1350 = vector.extract_strided_slice %get3A_683 {offsets = [11], sizes = [1], strides = [1]} : vector<16xi32> to vector<1xi32>
      %squeeze3A_1351 = vector.extract %slice3A_1350[0] : i32 from vector<1xi32>
      %jit3A_1352 = arith.constant 128 : i32
      %div3A_1353 = arith.divsi %squeeze3A_1349, %jit3A_1352 : i32
      %sign3A_1354 = arith.constant 0 : i32
      %sign3A_1355 = arith.cmpi sgt, %squeeze3A_1349, %sign3A_1354 : i32
      %sign3A_1356 = arith.extui %sign3A_1355 : i1 to i32
      %sign3A_1357 = arith.constant 0 : i32
      %sign3A_1358 = arith.cmpi slt, %squeeze3A_1349, %sign3A_1357 : i32
      %sign3A_1359 = arith.extui %sign3A_1358 : i1 to i32
      %sign3A_1360 = arith.subi %sign3A_1356, %sign3A_1359 : i32
      %sign3A_1361 = arith.constant 0 : i32
      %sign3A_1362 = arith.cmpi sgt, %jit3A_1352, %sign3A_1361 : i32
      %sign3A_1363 = arith.extui %sign3A_1362 : i1 to i32
      %sign3A_1364 = arith.constant 0 : i32
      %sign3A_1365 = arith.cmpi slt, %jit3A_1352, %sign3A_1364 : i32
      %sign3A_1366 = arith.extui %sign3A_1365 : i1 to i32
      %sign3A_1367 = arith.subi %sign3A_1363, %sign3A_1366 : i32
      %ne3A_1368 = arith.cmpi ne, %sign3A_1360, %sign3A_1367 : i32
      %rem3A_1369 = arith.remsi %squeeze3A_1349, %jit3A_1352 : i32
      %ne3A_1370 = arith.constant 0 : i32
      %ne3A_1371 = arith.cmpi ne, %rem3A_1369, %ne3A_1370 : i32
      %and3A_1372 = arith.andi %ne3A_1368, %ne3A_1371 : i1
      %sub3A_1373 = arith.constant 1 : i32
      %sub3A_1374 = arith.subi %div3A_1353, %sub3A_1373 : i32
      %select_n3A_1375 = arith.select %and3A_1372, %sub3A_1374, %div3A_1353 : i32
      %mul3A_1376 = arith.constant 128 : i32
      %mul3A_1377 = arith.muli %select_n3A_1375, %mul3A_1376 : i32
      %multiple_of3A_1378 = tpu.assume_multiple %mul3A_1377, 128 : i32
      %jit3A_1379 = arith.constant 128 : i32
      %div3A_1380 = arith.divsi %squeeze3A_1351, %jit3A_1379 : i32
      %sign3A_1381 = arith.constant 0 : i32
      %sign3A_1382 = arith.cmpi sgt, %squeeze3A_1351, %sign3A_1381 : i32
      %sign3A_1383 = arith.extui %sign3A_1382 : i1 to i32
      %sign3A_1384 = arith.constant 0 : i32
      %sign3A_1385 = arith.cmpi slt, %squeeze3A_1351, %sign3A_1384 : i32
      %sign3A_1386 = arith.extui %sign3A_1385 : i1 to i32
      %sign3A_1387 = arith.subi %sign3A_1383, %sign3A_1386 : i32
      %sign3A_1388 = arith.constant 0 : i32
      %sign3A_1389 = arith.cmpi sgt, %jit3A_1379, %sign3A_1388 : i32
      %sign3A_1390 = arith.extui %sign3A_1389 : i1 to i32
      %sign3A_1391 = arith.constant 0 : i32
      %sign3A_1392 = arith.cmpi slt, %jit3A_1379, %sign3A_1391 : i32
      %sign3A_1393 = arith.extui %sign3A_1392 : i1 to i32
      %sign3A_1394 = arith.subi %sign3A_1390, %sign3A_1393 : i32
      %ne3A_1395 = arith.cmpi ne, %sign3A_1387, %sign3A_1394 : i32
      %rem3A_1396 = arith.remsi %squeeze3A_1351, %jit3A_1379 : i32
      %ne3A_1397 = arith.constant 0 : i32
      %ne3A_1398 = arith.cmpi ne, %rem3A_1396, %ne3A_1397 : i32
      %and3A_1399 = arith.andi %ne3A_1395, %ne3A_1398 : i1
      %sub3A_1400 = arith.constant 1 : i32
      %sub3A_1401 = arith.subi %div3A_1380, %sub3A_1400 : i32
      %select_n3A_1402 = arith.select %and3A_1399, %sub3A_1401, %div3A_1380 : i32
      %mul3A_1403 = arith.constant 128 : i32
      %mul3A_1404 = arith.muli %select_n3A_1402, %mul3A_1403 : i32
      %multiple_of3A_1405 = tpu.assume_multiple %mul3A_1404, 128 : i32
      %dma_start3A_1406 = arith.constant 3 : i32
      %dma_start3A_1407 = arith.constant 0 : i32
      %dma_start3A_1408 = arith.constant 0 : i32
      %dma_start3A_1409 = tpu.memref_slice %arg9[%dma_start3A_1406, %dma_start3A_1407, %dma_start3A_1408] : memref<8x32x128xf32, #tpu.memory_space<vmem>> -> memref<1x32x128xf32, #tpu.memory_space<vmem>>
      %dma_start3A_1410 = tpu.memref_squeeze %dma_start3A_1409 : memref<1x32x128xf32, #tpu.memory_space<vmem>> -> memref<32x128xf32, #tpu.memory_space<vmem>>
      %dma_start3A_1411 = arith.constant 0 : i32
      %dma_start3A_1412 = tpu.memref_slice %arg4[%dma_start3A_1411, %multiple_of3A_1378] : memref<32x1000000xf32, #tpu.memory_space<hbm>> -> memref<32x128xf32, #tpu.memory_space<hbm>>
      %dma_start3A_1413 = arith.constant 0 : i32
      %dma_start3A_1414 = arith.constant 0 : i32
      %dma_start3A_1415 = tpu.memref_slice %arg9[%dma_start3A_1406, %dma_start3A_1413, %dma_start3A_1414] : memref<8x32x128xf32, #tpu.memory_space<vmem>> -> memref<1x32x128xf32, #tpu.memory_space<vmem>>
      %dma_start3A_1416 = tpu.memref_squeeze %dma_start3A_1415 : memref<1x32x128xf32, #tpu.memory_space<vmem>> -> memref<32x128xf32, #tpu.memory_space<vmem>>
      %dma_start3A_1417 = arith.constant 0 : i32
      %dma_start3A_1418 = tpu.memref_slice %arg4[%dma_start3A_1417, %multiple_of3A_1378] : memref<32x1000000xf32, #tpu.memory_space<hbm>> -> memref<32x128xf32, #tpu.memory_space<hbm>>
      tpu.enqueue_dma source(%dma_start3A_1418 : memref<32x128xf32, #tpu.memory_space<hbm>>) target(%dma_start3A_1416 : memref<32x128xf32, #tpu.memory_space<vmem>>) target_semaphore(%arg14 : memref<!tpu.dma_semaphore, #tpu.memory_space<semaphore_mem>>)
      %dma_start3A_1419 = arith.constant 3 : i32
      %dma_start3A_1420 = arith.constant 0 : i32
      %dma_start3A_1421 = arith.constant 0 : i32
      %dma_start3A_1422 = tpu.memref_slice %arg10[%dma_start3A_1419, %dma_start3A_1420, %dma_start3A_1421] : memref<8x32x128xf32, #tpu.memory_space<vmem>> -> memref<1x32x128xf32, #tpu.memory_space<vmem>>
      %dma_start3A_1423 = tpu.memref_squeeze %dma_start3A_1422 : memref<1x32x128xf32, #tpu.memory_space<vmem>> -> memref<32x128xf32, #tpu.memory_space<vmem>>
      %dma_start3A_1424 = arith.constant 0 : i32
      %dma_start3A_1425 = tpu.memref_slice %arg5[%dma_start3A_1424, %multiple_of3A_1405] : memref<32x1000000xf32, #tpu.memory_space<hbm>> -> memref<32x128xf32, #tpu.memory_space<hbm>>
      %dma_start3A_1426 = arith.constant 0 : i32
      %dma_start3A_1427 = arith.constant 0 : i32
      %dma_start3A_1428 = tpu.memref_slice %arg10[%dma_start3A_1419, %dma_start3A_1426, %dma_start3A_1427] : memref<8x32x128xf32, #tpu.memory_space<vmem>> -> memref<1x32x128xf32, #tpu.memory_space<vmem>>
      %dma_start3A_1429 = tpu.memref_squeeze %dma_start3A_1428 : memref<1x32x128xf32, #tpu.memory_space<vmem>> -> memref<32x128xf32, #tpu.memory_space<vmem>>
      %dma_start3A_1430 = arith.constant 0 : i32
      %dma_start3A_1431 = tpu.memref_slice %arg5[%dma_start3A_1430, %multiple_of3A_1405] : memref<32x1000000xf32, #tpu.memory_space<hbm>> -> memref<32x128xf32, #tpu.memory_space<hbm>>
      tpu.enqueue_dma source(%dma_start3A_1431 : memref<32x128xf32, #tpu.memory_space<hbm>>) target(%dma_start3A_1429 : memref<32x128xf32, #tpu.memory_space<vmem>>) target_semaphore(%arg15 : memref<!tpu.dma_semaphore, #tpu.memory_space<semaphore_mem>>)
      %add3A_1432 = arith.constant 4 : i32
      %add3A_1433 = arith.addi %mul3A_679, %add3A_1432 : i32
      %dma_wait3A_1434 = arith.constant 0 : i32
      %dma_wait3A_1435 = arith.constant 0 : i32
      %dma_wait3A_1436 = arith.constant 0 : i32
      %dma_wait3A_1437 = tpu.memref_slice %arg9[%dma_wait3A_1434, %dma_wait3A_1435, %dma_wait3A_1436] : memref<8x32x128xf32, #tpu.memory_space<vmem>> -> memref<1x32x128xf32, #tpu.memory_space<vmem>>
      %dma_wait3A_1438 = tpu.memref_squeeze %dma_wait3A_1437 : memref<1x32x128xf32, #tpu.memory_space<vmem>> -> memref<32x128xf32, #tpu.memory_space<vmem>>
      %dma_wait3A_1439 = arith.constant 0 : i32
      %dma_wait3A_1440 = arith.constant 0 : i32
      %dma_wait3A_1441 = tpu.memref_slice %arg4[%dma_wait3A_1439, %dma_wait3A_1440] : memref<32x1000000xf32, #tpu.memory_space<hbm>> -> memref<32x128xf32, #tpu.memory_space<hbm>>
      %dma_wait3A_1442 = arith.constant 0 : i32
      %dma_wait3A_1443 = arith.constant 0 : i32
      %dma_wait3A_1444 = tpu.memref_slice %arg9[%dma_wait3A_1434, %dma_wait3A_1442, %dma_wait3A_1443] : memref<8x32x128xf32, #tpu.memory_space<vmem>> -> memref<1x32x128xf32, #tpu.memory_space<vmem>>
      %dma_wait3A_1445 = tpu.memref_squeeze %dma_wait3A_1444 : memref<1x32x128xf32, #tpu.memory_space<vmem>> -> memref<32x128xf32, #tpu.memory_space<vmem>>
      %dma_wait3A_1446 = arith.constant 0 : i32
      %dma_wait3A_1447 = arith.constant 0 : i32
      %dma_wait3A_1448 = tpu.memref_slice %arg4[%dma_wait3A_1446, %dma_wait3A_1447] : memref<32x1000000xf32, #tpu.memory_space<hbm>> -> memref<32x128xf32, #tpu.memory_space<hbm>>
      tpu.wait_dma2 semaphore(%arg14 : memref<!tpu.dma_semaphore, #tpu.memory_space<semaphore_mem>>) src(%dma_wait3A_1448 : memref<32x128xf32, #tpu.memory_space<hbm>>) dst(%dma_wait3A_1445 : memref<32x128xf32, #tpu.memory_space<vmem>>)
      %dma_wait3A_1449 = arith.constant 0 : i32
      %dma_wait3A_1450 = arith.constant 0 : i32
      %dma_wait3A_1451 = arith.constant 0 : i32
      %dma_wait3A_1452 = tpu.memref_slice %arg10[%dma_wait3A_1449, %dma_wait3A_1450, %dma_wait3A_1451] : memref<8x32x128xf32, #tpu.memory_space<vmem>> -> memref<1x32x128xf32, #tpu.memory_space<vmem>>
      %dma_wait3A_1453 = tpu.memref_squeeze %dma_wait3A_1452 : memref<1x32x128xf32, #tpu.memory_space<vmem>> -> memref<32x128xf32, #tpu.memory_space<vmem>>
      %dma_wait3A_1454 = arith.constant 0 : i32
      %dma_wait3A_1455 = arith.constant 0 : i32
      %dma_wait3A_1456 = tpu.memref_slice %arg5[%dma_wait3A_1454, %dma_wait3A_1455] : memref<32x1000000xf32, #tpu.memory_space<hbm>> -> memref<32x128xf32, #tpu.memory_space<hbm>>
      %dma_wait3A_1457 = arith.constant 0 : i32
      %dma_wait3A_1458 = arith.constant 0 : i32
      %dma_wait3A_1459 = tpu.memref_slice %arg10[%dma_wait3A_1449, %dma_wait3A_1457, %dma_wait3A_1458] : memref<8x32x128xf32, #tpu.memory_space<vmem>> -> memref<1x32x128xf32, #tpu.memory_space<vmem>>
      %dma_wait3A_1460 = tpu.memref_squeeze %dma_wait3A_1459 : memref<1x32x128xf32, #tpu.memory_space<vmem>> -> memref<32x128xf32, #tpu.memory_space<vmem>>
      %dma_wait3A_1461 = arith.constant 0 : i32
      %dma_wait3A_1462 = arith.constant 0 : i32
      %dma_wait3A_1463 = tpu.memref_slice %arg5[%dma_wait3A_1461, %dma_wait3A_1462] : memref<32x1000000xf32, #tpu.memory_space<hbm>> -> memref<32x128xf32, #tpu.memory_space<hbm>>
      tpu.wait_dma2 semaphore(%arg15 : memref<!tpu.dma_semaphore, #tpu.memory_space<semaphore_mem>>) src(%dma_wait3A_1463 : memref<32x128xf32, #tpu.memory_space<hbm>>) dst(%dma_wait3A_1460 : memref<32x128xf32, #tpu.memory_space<vmem>>)
      %slice3A_1464 = vector.extract_strided_slice %get3A_681 {offsets = [4], sizes = [1], strides = [1]} : vector<16xi32> to vector<1xi32>
      %squeeze3A_1465 = vector.extract %slice3A_1464[0] : i32 from vector<1xi32>
      %slice3A_1466 = vector.extract_strided_slice %get3A_683 {offsets = [4], sizes = [1], strides = [1]} : vector<16xi32> to vector<1xi32>
      %squeeze3A_1467 = vector.extract %slice3A_1466[0] : i32 from vector<1xi32>
      %jit3A_1468 = arith.constant 128 : i32
      %eq3A_1469 = arith.constant 0 : i32
      %eq3A_1470 = arith.cmpi eq, %jit3A_1468, %eq3A_1469 : i32
      %jit3A_1471 = arith.constant 1 : i32
      %select_n3A_1472 = arith.select %eq3A_1470, %jit3A_1471, %jit3A_1468 : i32
      %rem3A_1473 = arith.remsi %squeeze3A_1465, %select_n3A_1472 : i32
      %ne3A_1474 = arith.constant 0 : i32
      %ne3A_1475 = arith.cmpi ne, %rem3A_1473, %ne3A_1474 : i32
      %lt3A_1476 = arith.constant 0 : i32
      %lt3A_1477 = arith.cmpi slt, %rem3A_1473, %lt3A_1476 : i32
      %lt3A_1478 = arith.constant 0 : i32
      %lt3A_1479 = arith.cmpi slt, %select_n3A_1472, %lt3A_1478 : i32
      %ne3A_1480 = arith.xori %lt3A_1477, %lt3A_1479 : i1
      %and3A_1481 = arith.andi %ne3A_1480, %ne3A_1475 : i1
      %add3A_1482 = arith.addi %rem3A_1473, %select_n3A_1472 : i32
      %select_n3A_1483 = arith.select %and3A_1481, %add3A_1482, %rem3A_1473 : i32
      %broadcast_in_dim3A_1484 = vector.broadcast %select_n3A_1483 : i32 to vector<16xi32>
      %jit3A_1485 = arith.constant 128 : i32
      %eq3A_1486 = arith.constant 0 : i32
      %eq3A_1487 = arith.cmpi eq, %jit3A_1485, %eq3A_1486 : i32
      %jit3A_1488 = arith.constant 1 : i32
      %select_n3A_1489 = arith.select %eq3A_1487, %jit3A_1488, %jit3A_1485 : i32
      %rem3A_1490 = arith.remsi %squeeze3A_1467, %select_n3A_1489 : i32
      %ne3A_1491 = arith.constant 0 : i32
      %ne3A_1492 = arith.cmpi ne, %rem3A_1490, %ne3A_1491 : i32
      %lt3A_1493 = arith.constant 0 : i32
      %lt3A_1494 = arith.cmpi slt, %rem3A_1490, %lt3A_1493 : i32
      %lt3A_1495 = arith.constant 0 : i32
      %lt3A_1496 = arith.cmpi slt, %select_n3A_1489, %lt3A_1495 : i32
      %ne3A_1497 = arith.xori %lt3A_1494, %lt3A_1496 : i1
      %and3A_1498 = arith.andi %ne3A_1497, %ne3A_1492 : i1
      %add3A_1499 = arith.addi %rem3A_1490, %select_n3A_1489 : i32
      %select_n3A_1500 = arith.select %and3A_1498, %add3A_1499, %rem3A_1490 : i32
      %broadcast_in_dim3A_1501 = vector.broadcast %select_n3A_1500 : i32 to vector<16xi32>
      %broadcast_in_dim3A_1502 = arith.constant 4 : i32
      %broadcast_in_dim3A_1503 = vector.broadcast %broadcast_in_dim3A_1502 : i32 to vector<16xi32>
      %add3A_1504 = arith.constant 0 : i32
      %add3A_1505 = vector.broadcast %add3A_1504 : i32 to vector<16xi32>
      %add3A_1506 = arith.addi %iota3A, %add3A_1505 : vector<16xi32>
      %gather3A_1507 = tpu.vector_load_idx %arg9[%broadcast_in_dim3A_1503, %add3A_1506, %broadcast_in_dim3A_1484] : memref<8x32x128xf32, #tpu.memory_space<vmem>>[vector<16xi32>, vector<16xi32>, vector<16xi32>], vector<16xf32>,
      %gather3A_1508 = tpu.vector_load_idx %arg10[%broadcast_in_dim3A_1503, %add3A_1506, %broadcast_in_dim3A_1501] : memref<8x32x128xf32, #tpu.memory_space<vmem>>[vector<16xi32>, vector<16xi32>, vector<16xi32>], vector<16xf32>,
      %mul3A_1509 = arith.constant 512 : i32
      %mul3A_1510 = vector.broadcast %mul3A_1509 : i32 to vector<16xi32>
      %mul3A_1511 = arith.muli %add3A_1506, %mul3A_1510 : vector<16xi32>
      %add3A_1512 = vector.broadcast %add3A_1433 : i32 to vector<16xi32>
      %add3A_1513 = arith.addi %mul3A_1511, %add3A_1512 : vector<16xi32>
      tpu.vector_store_idx %arg11[%add3A_1513], %gather3A_1507 : memref<16384xf32, #tpu.memory_space<vmem>>[vector<16xi32>], vector<16xf32>,
      %mul3A_1514 = arith.constant 512 : i32
      %mul3A_1515 = vector.broadcast %mul3A_1514 : i32 to vector<16xi32>
      %mul3A_1516 = arith.muli %add3A_1506, %mul3A_1515 : vector<16xi32>
      %add3A_1517 = vector.broadcast %add3A_1433 : i32 to vector<16xi32>
      %add3A_1518 = arith.addi %mul3A_1516, %add3A_1517 : vector<16xi32>
      tpu.vector_store_idx %arg12[%add3A_1518], %gather3A_1508 : memref<16384xf32, #tpu.memory_space<vmem>>[vector<16xi32>], vector<16xf32>,
      %add3A_1519 = arith.constant 16 : i32
      %add3A_1520 = vector.broadcast %add3A_1519 : i32 to vector<16xi32>
      %add3A_1521 = arith.addi %iota3A, %add3A_1520 : vector<16xi32>
      %gather3A_1522 = tpu.vector_load_idx %arg9[%broadcast_in_dim3A_1503, %add3A_1521, %broadcast_in_dim3A_1484] : memref<8x32x128xf32, #tpu.memory_space<vmem>>[vector<16xi32>, vector<16xi32>, vector<16xi32>], vector<16xf32>,
      %gather3A_1523 = tpu.vector_load_idx %arg10[%broadcast_in_dim3A_1503, %add3A_1521, %broadcast_in_dim3A_1501] : memref<8x32x128xf32, #tpu.memory_space<vmem>>[vector<16xi32>, vector<16xi32>, vector<16xi32>], vector<16xf32>,
      %mul3A_1524 = arith.constant 512 : i32
      %mul3A_1525 = vector.broadcast %mul3A_1524 : i32 to vector<16xi32>
      %mul3A_1526 = arith.muli %add3A_1521, %mul3A_1525 : vector<16xi32>
      %add3A_1527 = vector.broadcast %add3A_1433 : i32 to vector<16xi32>
      %add3A_1528 = arith.addi %mul3A_1526, %add3A_1527 : vector<16xi32>
      tpu.vector_store_idx %arg11[%add3A_1528], %gather3A_1522 : memref<16384xf32, #tpu.memory_space<vmem>>[vector<16xi32>], vector<16xf32>,
      %mul3A_1529 = arith.constant 512 : i32
      %mul3A_1530 = vector.broadcast %mul3A_1529 : i32 to vector<16xi32>
      %mul3A_1531 = arith.muli %add3A_1521, %mul3A_1530 : vector<16xi32>
      %add3A_1532 = vector.broadcast %add3A_1433 : i32 to vector<16xi32>
      %add3A_1533 = arith.addi %mul3A_1531, %add3A_1532 : vector<16xi32>
      tpu.vector_store_idx %arg12[%add3A_1533], %gather3A_1523 : memref<16384xf32, #tpu.memory_space<vmem>>[vector<16xi32>], vector<16xf32>,
      %slice3A_1534 = vector.extract_strided_slice %get3A_681 {offsets = [12], sizes = [1], strides = [1]} : vector<16xi32> to vector<1xi32>
      %squeeze3A_1535 = vector.extract %slice3A_1534[0] : i32 from vector<1xi32>
      %slice3A_1536 = vector.extract_strided_slice %get3A_683 {offsets = [12], sizes = [1], strides = [1]} : vector<16xi32> to vector<1xi32>
      %squeeze3A_1537 = vector.extract %slice3A_1536[0] : i32 from vector<1xi32>
      %jit3A_1538 = arith.constant 128 : i32
      %div3A_1539 = arith.divsi %squeeze3A_1535, %jit3A_1538 : i32
      %sign3A_1540 = arith.constant 0 : i32
      %sign3A_1541 = arith.cmpi sgt, %squeeze3A_1535, %sign3A_1540 : i32
      %sign3A_1542 = arith.extui %sign3A_1541 : i1 to i32
      %sign3A_1543 = arith.constant 0 : i32
      %sign3A_1544 = arith.cmpi slt, %squeeze3A_1535, %sign3A_1543 : i32
      %sign3A_1545 = arith.extui %sign3A_1544 : i1 to i32
      %sign3A_1546 = arith.subi %sign3A_1542, %sign3A_1545 : i32
      %sign3A_1547 = arith.constant 0 : i32
      %sign3A_1548 = arith.cmpi sgt, %jit3A_1538, %sign3A_1547 : i32
      %sign3A_1549 = arith.extui %sign3A_1548 : i1 to i32
      %sign3A_1550 = arith.constant 0 : i32
      %sign3A_1551 = arith.cmpi slt, %jit3A_1538, %sign3A_1550 : i32
      %sign3A_1552 = arith.extui %sign3A_1551 : i1 to i32
      %sign3A_1553 = arith.subi %sign3A_1549, %sign3A_1552 : i32
      %ne3A_1554 = arith.cmpi ne, %sign3A_1546, %sign3A_1553 : i32
      %rem3A_1555 = arith.remsi %squeeze3A_1535, %jit3A_1538 : i32
      %ne3A_1556 = arith.constant 0 : i32
      %ne3A_1557 = arith.cmpi ne, %rem3A_1555, %ne3A_1556 : i32
      %and3A_1558 = arith.andi %ne3A_1554, %ne3A_1557 : i1
      %sub3A_1559 = arith.constant 1 : i32
      %sub3A_1560 = arith.subi %div3A_1539, %sub3A_1559 : i32
      %select_n3A_1561 = arith.select %and3A_1558, %sub3A_1560, %div3A_1539 : i32
      %mul3A_1562 = arith.constant 128 : i32
      %mul3A_1563 = arith.muli %select_n3A_1561, %mul3A_1562 : i32
      %multiple_of3A_1564 = tpu.assume_multiple %mul3A_1563, 128 : i32
      %jit3A_1565 = arith.constant 128 : i32
      %div3A_1566 = arith.divsi %squeeze3A_1537, %jit3A_1565 : i32
      %sign3A_1567 = arith.constant 0 : i32
      %sign3A_1568 = arith.cmpi sgt, %squeeze3A_1537, %sign3A_1567 : i32
      %sign3A_1569 = arith.extui %sign3A_1568 : i1 to i32
      %sign3A_1570 = arith.constant 0 : i32
      %sign3A_1571 = arith.cmpi slt, %squeeze3A_1537, %sign3A_1570 : i32
      %sign3A_1572 = arith.extui %sign3A_1571 : i1 to i32
      %sign3A_1573 = arith.subi %sign3A_1569, %sign3A_1572 : i32
      %sign3A_1574 = arith.constant 0 : i32
      %sign3A_1575 = arith.cmpi sgt, %jit3A_1565, %sign3A_1574 : i32
      %sign3A_1576 = arith.extui %sign3A_1575 : i1 to i32
      %sign3A_1577 = arith.constant 0 : i32
      %sign3A_1578 = arith.cmpi slt, %jit3A_1565, %sign3A_1577 : i32
      %sign3A_1579 = arith.extui %sign3A_1578 : i1 to i32
      %sign3A_1580 = arith.subi %sign3A_1576, %sign3A_1579 : i32
      %ne3A_1581 = arith.cmpi ne, %sign3A_1573, %sign3A_1580 : i32
      %rem3A_1582 = arith.remsi %squeeze3A_1537, %jit3A_1565 : i32
      %ne3A_1583 = arith.constant 0 : i32
      %ne3A_1584 = arith.cmpi ne, %rem3A_1582, %ne3A_1583 : i32
      %and3A_1585 = arith.andi %ne3A_1581, %ne3A_1584 : i1
      %sub3A_1586 = arith.constant 1 : i32
      %sub3A_1587 = arith.subi %div3A_1566, %sub3A_1586 : i32
      %select_n3A_1588 = arith.select %and3A_1585, %sub3A_1587, %div3A_1566 : i32
      %mul3A_1589 = arith.constant 128 : i32
      %mul3A_1590 = arith.muli %select_n3A_1588, %mul3A_1589 : i32
      %multiple_of3A_1591 = tpu.assume_multiple %mul3A_1590, 128 : i32
      %dma_start3A_1592 = arith.constant 4 : i32
      %dma_start3A_1593 = arith.constant 0 : i32
      %dma_start3A_1594 = arith.constant 0 : i32
      %dma_start3A_1595 = tpu.memref_slice %arg9[%dma_start3A_1592, %dma_start3A_1593, %dma_start3A_1594] : memref<8x32x128xf32, #tpu.memory_space<vmem>> -> memref<1x32x128xf32, #tpu.memory_space<vmem>>
      %dma_start3A_1596 = tpu.memref_squeeze %dma_start3A_1595 : memref<1x32x128xf32, #tpu.memory_space<vmem>> -> memref<32x128xf32, #tpu.memory_space<vmem>>
      %dma_start3A_1597 = arith.constant 0 : i32
      %dma_start3A_1598 = tpu.memref_slice %arg4[%dma_start3A_1597, %multiple_of3A_1564] : memref<32x1000000xf32, #tpu.memory_space<hbm>> -> memref<32x128xf32, #tpu.memory_space<hbm>>
      %dma_start3A_1599 = arith.constant 0 : i32
      %dma_start3A_1600 = arith.constant 0 : i32
      %dma_start3A_1601 = tpu.memref_slice %arg9[%dma_start3A_1592, %dma_start3A_1599, %dma_start3A_1600] : memref<8x32x128xf32, #tpu.memory_space<vmem>> -> memref<1x32x128xf32, #tpu.memory_space<vmem>>
      %dma_start3A_1602 = tpu.memref_squeeze %dma_start3A_1601 : memref<1x32x128xf32, #tpu.memory_space<vmem>> -> memref<32x128xf32, #tpu.memory_space<vmem>>
      %dma_start3A_1603 = arith.constant 0 : i32
      %dma_start3A_1604 = tpu.memref_slice %arg4[%dma_start3A_1603, %multiple_of3A_1564] : memref<32x1000000xf32, #tpu.memory_space<hbm>> -> memref<32x128xf32, #tpu.memory_space<hbm>>
      tpu.enqueue_dma source(%dma_start3A_1604 : memref<32x128xf32, #tpu.memory_space<hbm>>) target(%dma_start3A_1602 : memref<32x128xf32, #tpu.memory_space<vmem>>) target_semaphore(%arg14 : memref<!tpu.dma_semaphore, #tpu.memory_space<semaphore_mem>>)
      %dma_start3A_1605 = arith.constant 4 : i32
      %dma_start3A_1606 = arith.constant 0 : i32
      %dma_start3A_1607 = arith.constant 0 : i32
      %dma_start3A_1608 = tpu.memref_slice %arg10[%dma_start3A_1605, %dma_start3A_1606, %dma_start3A_1607] : memref<8x32x128xf32, #tpu.memory_space<vmem>> -> memref<1x32x128xf32, #tpu.memory_space<vmem>>
      %dma_start3A_1609 = tpu.memref_squeeze %dma_start3A_1608 : memref<1x32x128xf32, #tpu.memory_space<vmem>> -> memref<32x128xf32, #tpu.memory_space<vmem>>
      %dma_start3A_1610 = arith.constant 0 : i32
      %dma_start3A_1611 = tpu.memref_slice %arg5[%dma_start3A_1610, %multiple_of3A_1591] : memref<32x1000000xf32, #tpu.memory_space<hbm>> -> memref<32x128xf32, #tpu.memory_space<hbm>>
      %dma_start3A_1612 = arith.constant 0 : i32
      %dma_start3A_1613 = arith.constant 0 : i32
      %dma_start3A_1614 = tpu.memref_slice %arg10[%dma_start3A_1605, %dma_start3A_1612, %dma_start3A_1613] : memref<8x32x128xf32, #tpu.memory_space<vmem>> -> memref<1x32x128xf32, #tpu.memory_space<vmem>>
      %dma_start3A_1615 = tpu.memref_squeeze %dma_start3A_1614 : memref<1x32x128xf32, #tpu.memory_space<vmem>> -> memref<32x128xf32, #tpu.memory_space<vmem>>
      %dma_start3A_1616 = arith.constant 0 : i32
      %dma_start3A_1617 = tpu.memref_slice %arg5[%dma_start3A_1616, %multiple_of3A_1591] : memref<32x1000000xf32, #tpu.memory_space<hbm>> -> memref<32x128xf32, #tpu.memory_space<hbm>>
      tpu.enqueue_dma source(%dma_start3A_1617 : memref<32x128xf32, #tpu.memory_space<hbm>>) target(%dma_start3A_1615 : memref<32x128xf32, #tpu.memory_space<vmem>>) target_semaphore(%arg15 : memref<!tpu.dma_semaphore, #tpu.memory_space<semaphore_mem>>)
      %add3A_1618 = arith.constant 5 : i32
      %add3A_1619 = arith.addi %mul3A_679, %add3A_1618 : i32
      %dma_wait3A_1620 = arith.constant 0 : i32
      %dma_wait3A_1621 = arith.constant 0 : i32
      %dma_wait3A_1622 = arith.constant 0 : i32
      %dma_wait3A_1623 = tpu.memref_slice %arg9[%dma_wait3A_1620, %dma_wait3A_1621, %dma_wait3A_1622] : memref<8x32x128xf32, #tpu.memory_space<vmem>> -> memref<1x32x128xf32, #tpu.memory_space<vmem>>
      %dma_wait3A_1624 = tpu.memref_squeeze %dma_wait3A_1623 : memref<1x32x128xf32, #tpu.memory_space<vmem>> -> memref<32x128xf32, #tpu.memory_space<vmem>>
      %dma_wait3A_1625 = arith.constant 0 : i32
      %dma_wait3A_1626 = arith.constant 0 : i32
      %dma_wait3A_1627 = tpu.memref_slice %arg4[%dma_wait3A_1625, %dma_wait3A_1626] : memref<32x1000000xf32, #tpu.memory_space<hbm>> -> memref<32x128xf32, #tpu.memory_space<hbm>>
      %dma_wait3A_1628 = arith.constant 0 : i32
      %dma_wait3A_1629 = arith.constant 0 : i32
      %dma_wait3A_1630 = tpu.memref_slice %arg9[%dma_wait3A_1620, %dma_wait3A_1628, %dma_wait3A_1629] : memref<8x32x128xf32, #tpu.memory_space<vmem>> -> memref<1x32x128xf32, #tpu.memory_space<vmem>>
      %dma_wait3A_1631 = tpu.memref_squeeze %dma_wait3A_1630 : memref<1x32x128xf32, #tpu.memory_space<vmem>> -> memref<32x128xf32, #tpu.memory_space<vmem>>
      %dma_wait3A_1632 = arith.constant 0 : i32
      %dma_wait3A_1633 = arith.constant 0 : i32
      %dma_wait3A_1634 = tpu.memref_slice %arg4[%dma_wait3A_1632, %dma_wait3A_1633] : memref<32x1000000xf32, #tpu.memory_space<hbm>> -> memref<32x128xf32, #tpu.memory_space<hbm>>
      tpu.wait_dma2 semaphore(%arg14 : memref<!tpu.dma_semaphore, #tpu.memory_space<semaphore_mem>>) src(%dma_wait3A_1634 : memref<32x128xf32, #tpu.memory_space<hbm>>) dst(%dma_wait3A_1631 : memref<32x128xf32, #tpu.memory_space<vmem>>)
      %dma_wait3A_1635 = arith.constant 0 : i32
      %dma_wait3A_1636 = arith.constant 0 : i32
      %dma_wait3A_1637 = arith.constant 0 : i32
      %dma_wait3A_1638 = tpu.memref_slice %arg10[%dma_wait3A_1635, %dma_wait3A_1636, %dma_wait3A_1637] : memref<8x32x128xf32, #tpu.memory_space<vmem>> -> memref<1x32x128xf32, #tpu.memory_space<vmem>>
      %dma_wait3A_1639 = tpu.memref_squeeze %dma_wait3A_1638 : memref<1x32x128xf32, #tpu.memory_space<vmem>> -> memref<32x128xf32, #tpu.memory_space<vmem>>
      %dma_wait3A_1640 = arith.constant 0 : i32
      %dma_wait3A_1641 = arith.constant 0 : i32
      %dma_wait3A_1642 = tpu.memref_slice %arg5[%dma_wait3A_1640, %dma_wait3A_1641] : memref<32x1000000xf32, #tpu.memory_space<hbm>> -> memref<32x128xf32, #tpu.memory_space<hbm>>
      %dma_wait3A_1643 = arith.constant 0 : i32
      %dma_wait3A_1644 = arith.constant 0 : i32
      %dma_wait3A_1645 = tpu.memref_slice %arg10[%dma_wait3A_1635, %dma_wait3A_1643, %dma_wait3A_1644] : memref<8x32x128xf32, #tpu.memory_space<vmem>> -> memref<1x32x128xf32, #tpu.memory_space<vmem>>
      %dma_wait3A_1646 = tpu.memref_squeeze %dma_wait3A_1645 : memref<1x32x128xf32, #tpu.memory_space<vmem>> -> memref<32x128xf32, #tpu.memory_space<vmem>>
      %dma_wait3A_1647 = arith.constant 0 : i32
      %dma_wait3A_1648 = arith.constant 0 : i32
      %dma_wait3A_1649 = tpu.memref_slice %arg5[%dma_wait3A_1647, %dma_wait3A_1648] : memref<32x1000000xf32, #tpu.memory_space<hbm>> -> memref<32x128xf32, #tpu.memory_space<hbm>>
      tpu.wait_dma2 semaphore(%arg15 : memref<!tpu.dma_semaphore, #tpu.memory_space<semaphore_mem>>) src(%dma_wait3A_1649 : memref<32x128xf32, #tpu.memory_space<hbm>>) dst(%dma_wait3A_1646 : memref<32x128xf32, #tpu.memory_space<vmem>>)
      %slice3A_1650 = vector.extract_strided_slice %get3A_681 {offsets = [5], sizes = [1], strides = [1]} : vector<16xi32> to vector<1xi32>
      %squeeze3A_1651 = vector.extract %slice3A_1650[0] : i32 from vector<1xi32>
      %slice3A_1652 = vector.extract_strided_slice %get3A_683 {offsets = [5], sizes = [1], strides = [1]} : vector<16xi32> to vector<1xi32>
      %squeeze3A_1653 = vector.extract %slice3A_1652[0] : i32 from vector<1xi32>
      %jit3A_1654 = arith.constant 128 : i32
      %eq3A_1655 = arith.constant 0 : i32
      %eq3A_1656 = arith.cmpi eq, %jit3A_1654, %eq3A_1655 : i32
      %jit3A_1657 = arith.constant 1 : i32
      %select_n3A_1658 = arith.select %eq3A_1656, %jit3A_1657, %jit3A_1654 : i32
      %rem3A_1659 = arith.remsi %squeeze3A_1651, %select_n3A_1658 : i32
      %ne3A_1660 = arith.constant 0 : i32
      %ne3A_1661 = arith.cmpi ne, %rem3A_1659, %ne3A_1660 : i32
      %lt3A_1662 = arith.constant 0 : i32
      %lt3A_1663 = arith.cmpi slt, %rem3A_1659, %lt3A_1662 : i32
      %lt3A_1664 = arith.constant 0 : i32
      %lt3A_1665 = arith.cmpi slt, %select_n3A_1658, %lt3A_1664 : i32
      %ne3A_1666 = arith.xori %lt3A_1663, %lt3A_1665 : i1
      %and3A_1667 = arith.andi %ne3A_1666, %ne3A_1661 : i1
      %add3A_1668 = arith.addi %rem3A_1659, %select_n3A_1658 : i32
      %select_n3A_1669 = arith.select %and3A_1667, %add3A_1668, %rem3A_1659 : i32
      %broadcast_in_dim3A_1670 = vector.broadcast %select_n3A_1669 : i32 to vector<16xi32>
      %jit3A_1671 = arith.constant 128 : i32
      %eq3A_1672 = arith.constant 0 : i32
      %eq3A_1673 = arith.cmpi eq, %jit3A_1671, %eq3A_1672 : i32
      %jit3A_1674 = arith.constant 1 : i32
      %select_n3A_1675 = arith.select %eq3A_1673, %jit3A_1674, %jit3A_1671 : i32
      %rem3A_1676 = arith.remsi %squeeze3A_1653, %select_n3A_1675 : i32
      %ne3A_1677 = arith.constant 0 : i32
      %ne3A_1678 = arith.cmpi ne, %rem3A_1676, %ne3A_1677 : i32
      %lt3A_1679 = arith.constant 0 : i32
      %lt3A_1680 = arith.cmpi slt, %rem3A_1676, %lt3A_1679 : i32
      %lt3A_1681 = arith.constant 0 : i32
      %lt3A_1682 = arith.cmpi slt, %select_n3A_1675, %lt3A_1681 : i32
      %ne3A_1683 = arith.xori %lt3A_1680, %lt3A_1682 : i1
      %and3A_1684 = arith.andi %ne3A_1683, %ne3A_1678 : i1
      %add3A_1685 = arith.addi %rem3A_1676, %select_n3A_1675 : i32
      %select_n3A_1686 = arith.select %and3A_1684, %add3A_1685, %rem3A_1676 : i32
      %broadcast_in_dim3A_1687 = vector.broadcast %select_n3A_1686 : i32 to vector<16xi32>
      %broadcast_in_dim3A_1688 = arith.constant 5 : i32
      %broadcast_in_dim3A_1689 = vector.broadcast %broadcast_in_dim3A_1688 : i32 to vector<16xi32>
      %add3A_1690 = arith.constant 0 : i32
      %add3A_1691 = vector.broadcast %add3A_1690 : i32 to vector<16xi32>
      %add3A_1692 = arith.addi %iota3A, %add3A_1691 : vector<16xi32>
      %gather3A_1693 = tpu.vector_load_idx %arg9[%broadcast_in_dim3A_1689, %add3A_1692, %broadcast_in_dim3A_1670] : memref<8x32x128xf32, #tpu.memory_space<vmem>>[vector<16xi32>, vector<16xi32>, vector<16xi32>], vector<16xf32>,
      %gather3A_1694 = tpu.vector_load_idx %arg10[%broadcast_in_dim3A_1689, %add3A_1692, %broadcast_in_dim3A_1687] : memref<8x32x128xf32, #tpu.memory_space<vmem>>[vector<16xi32>, vector<16xi32>, vector<16xi32>], vector<16xf32>,
      %mul3A_1695 = arith.constant 512 : i32
      %mul3A_1696 = vector.broadcast %mul3A_1695 : i32 to vector<16xi32>
      %mul3A_1697 = arith.muli %add3A_1692, %mul3A_1696 : vector<16xi32>
      %add3A_1698 = vector.broadcast %add3A_1619 : i32 to vector<16xi32>
      %add3A_1699 = arith.addi %mul3A_1697, %add3A_1698 : vector<16xi32>
      tpu.vector_store_idx %arg11[%add3A_1699], %gather3A_1693 : memref<16384xf32, #tpu.memory_space<vmem>>[vector<16xi32>], vector<16xf32>,
      %mul3A_1700 = arith.constant 512 : i32
      %mul3A_1701 = vector.broadcast %mul3A_1700 : i32 to vector<16xi32>
      %mul3A_1702 = arith.muli %add3A_1692, %mul3A_1701 : vector<16xi32>
      %add3A_1703 = vector.broadcast %add3A_1619 : i32 to vector<16xi32>
      %add3A_1704 = arith.addi %mul3A_1702, %add3A_1703 : vector<16xi32>
      tpu.vector_store_idx %arg12[%add3A_1704], %gather3A_1694 : memref<16384xf32, #tpu.memory_space<vmem>>[vector<16xi32>], vector<16xf32>,
      %add3A_1705 = arith.constant 16 : i32
      %add3A_1706 = vector.broadcast %add3A_1705 : i32 to vector<16xi32>
      %add3A_1707 = arith.addi %iota3A, %add3A_1706 : vector<16xi32>
      %gather3A_1708 = tpu.vector_load_idx %arg9[%broadcast_in_dim3A_1689, %add3A_1707, %broadcast_in_dim3A_1670] : memref<8x32x128xf32, #tpu.memory_space<vmem>>[vector<16xi32>, vector<16xi32>, vector<16xi32>], vector<16xf32>,
      %gather3A_1709 = tpu.vector_load_idx %arg10[%broadcast_in_dim3A_1689, %add3A_1707, %broadcast_in_dim3A_1687] : memref<8x32x128xf32, #tpu.memory_space<vmem>>[vector<16xi32>, vector<16xi32>, vector<16xi32>], vector<16xf32>,
      %mul3A_1710 = arith.constant 512 : i32
      %mul3A_1711 = vector.broadcast %mul3A_1710 : i32 to vector<16xi32>
      %mul3A_1712 = arith.muli %add3A_1707, %mul3A_1711 : vector<16xi32>
      %add3A_1713 = vector.broadcast %add3A_1619 : i32 to vector<16xi32>
      %add3A_1714 = arith.addi %mul3A_1712, %add3A_1713 : vector<16xi32>
      tpu.vector_store_idx %arg11[%add3A_1714], %gather3A_1708 : memref<16384xf32, #tpu.memory_space<vmem>>[vector<16xi32>], vector<16xf32>,
      %mul3A_1715 = arith.constant 512 : i32
      %mul3A_1716 = vector.broadcast %mul3A_1715 : i32 to vector<16xi32>
      %mul3A_1717 = arith.muli %add3A_1707, %mul3A_1716 : vector<16xi32>
      %add3A_1718 = vector.broadcast %add3A_1619 : i32 to vector<16xi32>
      %add3A_1719 = arith.addi %mul3A_1717, %add3A_1718 : vector<16xi32>
      tpu.vector_store_idx %arg12[%add3A_1719], %gather3A_1709 : memref<16384xf32, #tpu.memory_space<vmem>>[vector<16xi32>], vector<16xf32>,
      %slice3A_1720 = vector.extract_strided_slice %get3A_681 {offsets = [13], sizes = [1], strides = [1]} : vector<16xi32> to vector<1xi32>
      %squeeze3A_1721 = vector.extract %slice3A_1720[0] : i32 from vector<1xi32>
      %slice3A_1722 = vector.extract_strided_slice %get3A_683 {offsets = [13], sizes = [1], strides = [1]} : vector<16xi32> to vector<1xi32>
      %squeeze3A_1723 = vector.extract %slice3A_1722[0] : i32 from vector<1xi32>
      %jit3A_1724 = arith.constant 128 : i32
      %div3A_1725 = arith.divsi %squeeze3A_1721, %jit3A_1724 : i32
      %sign3A_1726 = arith.constant 0 : i32
      %sign3A_1727 = arith.cmpi sgt, %squeeze3A_1721, %sign3A_1726 : i32
      %sign3A_1728 = arith.extui %sign3A_1727 : i1 to i32
      %sign3A_1729 = arith.constant 0 : i32
      %sign3A_1730 = arith.cmpi slt, %squeeze3A_1721, %sign3A_1729 : i32
      %sign3A_1731 = arith.extui %sign3A_1730 : i1 to i32
      %sign3A_1732 = arith.subi %sign3A_1728, %sign3A_1731 : i32
      %sign3A_1733 = arith.constant 0 : i32
      %sign3A_1734 = arith.cmpi sgt, %jit3A_1724, %sign3A_1733 : i32
      %sign3A_1735 = arith.extui %sign3A_1734 : i1 to i32
      %sign3A_1736 = arith.constant 0 : i32
      %sign3A_1737 = arith.cmpi slt, %jit3A_1724, %sign3A_1736 : i32
      %sign3A_1738 = arith.extui %sign3A_1737 : i1 to i32
      %sign3A_1739 = arith.subi %sign3A_1735, %sign3A_1738 : i32
      %ne3A_1740 = arith.cmpi ne, %sign3A_1732, %sign3A_1739 : i32
      %rem3A_1741 = arith.remsi %squeeze3A_1721, %jit3A_1724 : i32
      %ne3A_1742 = arith.constant 0 : i32
      %ne3A_1743 = arith.cmpi ne, %rem3A_1741, %ne3A_1742 : i32
      %and3A_1744 = arith.andi %ne3A_1740, %ne3A_1743 : i1
      %sub3A_1745 = arith.constant 1 : i32
      %sub3A_1746 = arith.subi %div3A_1725, %sub3A_1745 : i32
      %select_n3A_1747 = arith.select %and3A_1744, %sub3A_1746, %div3A_1725 : i32
      %mul3A_1748 = arith.constant 128 : i32
      %mul3A_1749 = arith.muli %select_n3A_1747, %mul3A_1748 : i32
      %multiple_of3A_1750 = tpu.assume_multiple %mul3A_1749, 128 : i32
      %jit3A_1751 = arith.constant 128 : i32
      %div3A_1752 = arith.divsi %squeeze3A_1723, %jit3A_1751 : i32
      %sign3A_1753 = arith.constant 0 : i32
      %sign3A_1754 = arith.cmpi sgt, %squeeze3A_1723, %sign3A_1753 : i32
      %sign3A_1755 = arith.extui %sign3A_1754 : i1 to i32
      %sign3A_1756 = arith.constant 0 : i32
      %sign3A_1757 = arith.cmpi slt, %squeeze3A_1723, %sign3A_1756 : i32
      %sign3A_1758 = arith.extui %sign3A_1757 : i1 to i32
      %sign3A_1759 = arith.subi %sign3A_1755, %sign3A_1758 : i32
      %sign3A_1760 = arith.constant 0 : i32
      %sign3A_1761 = arith.cmpi sgt, %jit3A_1751, %sign3A_1760 : i32
      %sign3A_1762 = arith.extui %sign3A_1761 : i1 to i32
      %sign3A_1763 = arith.constant 0 : i32
      %sign3A_1764 = arith.cmpi slt, %jit3A_1751, %sign3A_1763 : i32
      %sign3A_1765 = arith.extui %sign3A_1764 : i1 to i32
      %sign3A_1766 = arith.subi %sign3A_1762, %sign3A_1765 : i32
      %ne3A_1767 = arith.cmpi ne, %sign3A_1759, %sign3A_1766 : i32
      %rem3A_1768 = arith.remsi %squeeze3A_1723, %jit3A_1751 : i32
      %ne3A_1769 = arith.constant 0 : i32
      %ne3A_1770 = arith.cmpi ne, %rem3A_1768, %ne3A_1769 : i32
      %and3A_1771 = arith.andi %ne3A_1767, %ne3A_1770 : i1
      %sub3A_1772 = arith.constant 1 : i32
      %sub3A_1773 = arith.subi %div3A_1752, %sub3A_1772 : i32
      %select_n3A_1774 = arith.select %and3A_1771, %sub3A_1773, %div3A_1752 : i32
      %mul3A_1775 = arith.constant 128 : i32
      %mul3A_1776 = arith.muli %select_n3A_1774, %mul3A_1775 : i32
      %multiple_of3A_1777 = tpu.assume_multiple %mul3A_1776, 128 : i32
      %dma_start3A_1778 = arith.constant 5 : i32
      %dma_start3A_1779 = arith.constant 0 : i32
      %dma_start3A_1780 = arith.constant 0 : i32
      %dma_start3A_1781 = tpu.memref_slice %arg9[%dma_start3A_1778, %dma_start3A_1779, %dma_start3A_1780] : memref<8x32x128xf32, #tpu.memory_space<vmem>> -> memref<1x32x128xf32, #tpu.memory_space<vmem>>
      %dma_start3A_1782 = tpu.memref_squeeze %dma_start3A_1781 : memref<1x32x128xf32, #tpu.memory_space<vmem>> -> memref<32x128xf32, #tpu.memory_space<vmem>>
      %dma_start3A_1783 = arith.constant 0 : i32
      %dma_start3A_1784 = tpu.memref_slice %arg4[%dma_start3A_1783, %multiple_of3A_1750] : memref<32x1000000xf32, #tpu.memory_space<hbm>> -> memref<32x128xf32, #tpu.memory_space<hbm>>
      %dma_start3A_1785 = arith.constant 0 : i32
      %dma_start3A_1786 = arith.constant 0 : i32
      %dma_start3A_1787 = tpu.memref_slice %arg9[%dma_start3A_1778, %dma_start3A_1785, %dma_start3A_1786] : memref<8x32x128xf32, #tpu.memory_space<vmem>> -> memref<1x32x128xf32, #tpu.memory_space<vmem>>
      %dma_start3A_1788 = tpu.memref_squeeze %dma_start3A_1787 : memref<1x32x128xf32, #tpu.memory_space<vmem>> -> memref<32x128xf32, #tpu.memory_space<vmem>>
      %dma_start3A_1789 = arith.constant 0 : i32
      %dma_start3A_1790 = tpu.memref_slice %arg4[%dma_start3A_1789, %multiple_of3A_1750] : memref<32x1000000xf32, #tpu.memory_space<hbm>> -> memref<32x128xf32, #tpu.memory_space<hbm>>
      tpu.enqueue_dma source(%dma_start3A_1790 : memref<32x128xf32, #tpu.memory_space<hbm>>) target(%dma_start3A_1788 : memref<32x128xf32, #tpu.memory_space<vmem>>) target_semaphore(%arg14 : memref<!tpu.dma_semaphore, #tpu.memory_space<semaphore_mem>>)
      %dma_start3A_1791 = arith.constant 5 : i32
      %dma_start3A_1792 = arith.constant 0 : i32
      %dma_start3A_1793 = arith.constant 0 : i32
      %dma_start3A_1794 = tpu.memref_slice %arg10[%dma_start3A_1791, %dma_start3A_1792, %dma_start3A_1793] : memref<8x32x128xf32, #tpu.memory_space<vmem>> -> memref<1x32x128xf32, #tpu.memory_space<vmem>>
      %dma_start3A_1795 = tpu.memref_squeeze %dma_start3A_1794 : memref<1x32x128xf32, #tpu.memory_space<vmem>> -> memref<32x128xf32, #tpu.memory_space<vmem>>
      %dma_start3A_1796 = arith.constant 0 : i32
      %dma_start3A_1797 = tpu.memref_slice %arg5[%dma_start3A_1796, %multiple_of3A_1777] : memref<32x1000000xf32, #tpu.memory_space<hbm>> -> memref<32x128xf32, #tpu.memory_space<hbm>>
      %dma_start3A_1798 = arith.constant 0 : i32
      %dma_start3A_1799 = arith.constant 0 : i32
      %dma_start3A_1800 = tpu.memref_slice %arg10[%dma_start3A_1791, %dma_start3A_1798, %dma_start3A_1799] : memref<8x32x128xf32, #tpu.memory_space<vmem>> -> memref<1x32x128xf32, #tpu.memory_space<vmem>>
      %dma_start3A_1801 = tpu.memref_squeeze %dma_start3A_1800 : memref<1x32x128xf32, #tpu.memory_space<vmem>> -> memref<32x128xf32, #tpu.memory_space<vmem>>
      %dma_start3A_1802 = arith.constant 0 : i32
      %dma_start3A_1803 = tpu.memref_slice %arg5[%dma_start3A_1802, %multiple_of3A_1777] : memref<32x1000000xf32, #tpu.memory_space<hbm>> -> memref<32x128xf32, #tpu.memory_space<hbm>>
      tpu.enqueue_dma source(%dma_start3A_1803 : memref<32x128xf32, #tpu.memory_space<hbm>>) target(%dma_start3A_1801 : memref<32x128xf32, #tpu.memory_space<vmem>>) target_semaphore(%arg15 : memref<!tpu.dma_semaphore, #tpu.memory_space<semaphore_mem>>)
      %add3A_1804 = arith.constant 6 : i32
      %add3A_1805 = arith.addi %mul3A_679, %add3A_1804 : i32
      %dma_wait3A_1806 = arith.constant 0 : i32
      %dma_wait3A_1807 = arith.constant 0 : i32
      %dma_wait3A_1808 = arith.constant 0 : i32
      %dma_wait3A_1809 = tpu.memref_slice %arg9[%dma_wait3A_1806, %dma_wait3A_1807, %dma_wait3A_1808] : memref<8x32x128xf32, #tpu.memory_space<vmem>> -> memref<1x32x128xf32, #tpu.memory_space<vmem>>
      %dma_wait3A_1810 = tpu.memref_squeeze %dma_wait3A_1809 : memref<1x32x128xf32, #tpu.memory_space<vmem>> -> memref<32x128xf32, #tpu.memory_space<vmem>>
      %dma_wait3A_1811 = arith.constant 0 : i32
      %dma_wait3A_1812 = arith.constant 0 : i32
      %dma_wait3A_1813 = tpu.memref_slice %arg4[%dma_wait3A_1811, %dma_wait3A_1812] : memref<32x1000000xf32, #tpu.memory_space<hbm>> -> memref<32x128xf32, #tpu.memory_space<hbm>>
      %dma_wait3A_1814 = arith.constant 0 : i32
      %dma_wait3A_1815 = arith.constant 0 : i32
      %dma_wait3A_1816 = tpu.memref_slice %arg9[%dma_wait3A_1806, %dma_wait3A_1814, %dma_wait3A_1815] : memref<8x32x128xf32, #tpu.memory_space<vmem>> -> memref<1x32x128xf32, #tpu.memory_space<vmem>>
      %dma_wait3A_1817 = tpu.memref_squeeze %dma_wait3A_1816 : memref<1x32x128xf32, #tpu.memory_space<vmem>> -> memref<32x128xf32, #tpu.memory_space<vmem>>
      %dma_wait3A_1818 = arith.constant 0 : i32
      %dma_wait3A_1819 = arith.constant 0 : i32
      %dma_wait3A_1820 = tpu.memref_slice %arg4[%dma_wait3A_1818, %dma_wait3A_1819] : memref<32x1000000xf32, #tpu.memory_space<hbm>> -> memref<32x128xf32, #tpu.memory_space<hbm>>
      tpu.wait_dma2 semaphore(%arg14 : memref<!tpu.dma_semaphore, #tpu.memory_space<semaphore_mem>>) src(%dma_wait3A_1820 : memref<32x128xf32, #tpu.memory_space<hbm>>) dst(%dma_wait3A_1817 : memref<32x128xf32, #tpu.memory_space<vmem>>)
      %dma_wait3A_1821 = arith.constant 0 : i32
      %dma_wait3A_1822 = arith.constant 0 : i32
      %dma_wait3A_1823 = arith.constant 0 : i32
      %dma_wait3A_1824 = tpu.memref_slice %arg10[%dma_wait3A_1821, %dma_wait3A_1822, %dma_wait3A_1823] : memref<8x32x128xf32, #tpu.memory_space<vmem>> -> memref<1x32x128xf32, #tpu.memory_space<vmem>>
      %dma_wait3A_1825 = tpu.memref_squeeze %dma_wait3A_1824 : memref<1x32x128xf32, #tpu.memory_space<vmem>> -> memref<32x128xf32, #tpu.memory_space<vmem>>
      %dma_wait3A_1826 = arith.constant 0 : i32
      %dma_wait3A_1827 = arith.constant 0 : i32
      %dma_wait3A_1828 = tpu.memref_slice %arg5[%dma_wait3A_1826, %dma_wait3A_1827] : memref<32x1000000xf32, #tpu.memory_space<hbm>> -> memref<32x128xf32, #tpu.memory_space<hbm>>
      %dma_wait3A_1829 = arith.constant 0 : i32
      %dma_wait3A_1830 = arith.constant 0 : i32
      %dma_wait3A_1831 = tpu.memref_slice %arg10[%dma_wait3A_1821, %dma_wait3A_1829, %dma_wait3A_1830] : memref<8x32x128xf32, #tpu.memory_space<vmem>> -> memref<1x32x128xf32, #tpu.memory_space<vmem>>
      %dma_wait3A_1832 = tpu.memref_squeeze %dma_wait3A_1831 : memref<1x32x128xf32, #tpu.memory_space<vmem>> -> memref<32x128xf32, #tpu.memory_space<vmem>>
      %dma_wait3A_1833 = arith.constant 0 : i32
      %dma_wait3A_1834 = arith.constant 0 : i32
      %dma_wait3A_1835 = tpu.memref_slice %arg5[%dma_wait3A_1833, %dma_wait3A_1834] : memref<32x1000000xf32, #tpu.memory_space<hbm>> -> memref<32x128xf32, #tpu.memory_space<hbm>>
      tpu.wait_dma2 semaphore(%arg15 : memref<!tpu.dma_semaphore, #tpu.memory_space<semaphore_mem>>) src(%dma_wait3A_1835 : memref<32x128xf32, #tpu.memory_space<hbm>>) dst(%dma_wait3A_1832 : memref<32x128xf32, #tpu.memory_space<vmem>>)
      %slice3A_1836 = vector.extract_strided_slice %get3A_681 {offsets = [6], sizes = [1], strides = [1]} : vector<16xi32> to vector<1xi32>
      %squeeze3A_1837 = vector.extract %slice3A_1836[0] : i32 from vector<1xi32>
      %slice3A_1838 = vector.extract_strided_slice %get3A_683 {offsets = [6], sizes = [1], strides = [1]} : vector<16xi32> to vector<1xi32>
      %squeeze3A_1839 = vector.extract %slice3A_1838[0] : i32 from vector<1xi32>
      %jit3A_1840 = arith.constant 128 : i32
      %eq3A_1841 = arith.constant 0 : i32
      %eq3A_1842 = arith.cmpi eq, %jit3A_1840, %eq3A_1841 : i32
      %jit3A_1843 = arith.constant 1 : i32
      %select_n3A_1844 = arith.select %eq3A_1842, %jit3A_1843, %jit3A_1840 : i32
      %rem3A_1845 = arith.remsi %squeeze3A_1837, %select_n3A_1844 : i32
      %ne3A_1846 = arith.constant 0 : i32
      %ne3A_1847 = arith.cmpi ne, %rem3A_1845, %ne3A_1846 : i32
      %lt3A_1848 = arith.constant 0 : i32
      %lt3A_1849 = arith.cmpi slt, %rem3A_1845, %lt3A_1848 : i32
      %lt3A_1850 = arith.constant 0 : i32
      %lt3A_1851 = arith.cmpi slt, %select_n3A_1844, %lt3A_1850 : i32
      %ne3A_1852 = arith.xori %lt3A_1849, %lt3A_1851 : i1
      %and3A_1853 = arith.andi %ne3A_1852, %ne3A_1847 : i1
      %add3A_1854 = arith.addi %rem3A_1845, %select_n3A_1844 : i32
      %select_n3A_1855 = arith.select %and3A_1853, %add3A_1854, %rem3A_1845 : i32
      %broadcast_in_dim3A_1856 = vector.broadcast %select_n3A_1855 : i32 to vector<16xi32>
      %jit3A_1857 = arith.constant 128 : i32
      %eq3A_1858 = arith.constant 0 : i32
      %eq3A_1859 = arith.cmpi eq, %jit3A_1857, %eq3A_1858 : i32
      %jit3A_1860 = arith.constant 1 : i32
      %select_n3A_1861 = arith.select %eq3A_1859, %jit3A_1860, %jit3A_1857 : i32
      %rem3A_1862 = arith.remsi %squeeze3A_1839, %select_n3A_1861 : i32
      %ne3A_1863 = arith.constant 0 : i32
      %ne3A_1864 = arith.cmpi ne, %rem3A_1862, %ne3A_1863 : i32
      %lt3A_1865 = arith.constant 0 : i32
      %lt3A_1866 = arith.cmpi slt, %rem3A_1862, %lt3A_1865 : i32
      %lt3A_1867 = arith.constant 0 : i32
      %lt3A_1868 = arith.cmpi slt, %select_n3A_1861, %lt3A_1867 : i32
      %ne3A_1869 = arith.xori %lt3A_1866, %lt3A_1868 : i1
      %and3A_1870 = arith.andi %ne3A_1869, %ne3A_1864 : i1
      %add3A_1871 = arith.addi %rem3A_1862, %select_n3A_1861 : i32
      %select_n3A_1872 = arith.select %and3A_1870, %add3A_1871, %rem3A_1862 : i32
      %broadcast_in_dim3A_1873 = vector.broadcast %select_n3A_1872 : i32 to vector<16xi32>
      %broadcast_in_dim3A_1874 = arith.constant 6 : i32
      %broadcast_in_dim3A_1875 = vector.broadcast %broadcast_in_dim3A_1874 : i32 to vector<16xi32>
      %add3A_1876 = arith.constant 0 : i32
      %add3A_1877 = vector.broadcast %add3A_1876 : i32 to vector<16xi32>
      %add3A_1878 = arith.addi %iota3A, %add3A_1877 : vector<16xi32>
      %gather3A_1879 = tpu.vector_load_idx %arg9[%broadcast_in_dim3A_1875, %add3A_1878, %broadcast_in_dim3A_1856] : memref<8x32x128xf32, #tpu.memory_space<vmem>>[vector<16xi32>, vector<16xi32>, vector<16xi32>], vector<16xf32>,
      %gather3A_1880 = tpu.vector_load_idx %arg10[%broadcast_in_dim3A_1875, %add3A_1878, %broadcast_in_dim3A_1873] : memref<8x32x128xf32, #tpu.memory_space<vmem>>[vector<16xi32>, vector<16xi32>, vector<16xi32>], vector<16xf32>,
      %mul3A_1881 = arith.constant 512 : i32
      %mul3A_1882 = vector.broadcast %mul3A_1881 : i32 to vector<16xi32>
      %mul3A_1883 = arith.muli %add3A_1878, %mul3A_1882 : vector<16xi32>
      %add3A_1884 = vector.broadcast %add3A_1805 : i32 to vector<16xi32>
      %add3A_1885 = arith.addi %mul3A_1883, %add3A_1884 : vector<16xi32>
      tpu.vector_store_idx %arg11[%add3A_1885], %gather3A_1879 : memref<16384xf32, #tpu.memory_space<vmem>>[vector<16xi32>], vector<16xf32>,
      %mul3A_1886 = arith.constant 512 : i32
      %mul3A_1887 = vector.broadcast %mul3A_1886 : i32 to vector<16xi32>
      %mul3A_1888 = arith.muli %add3A_1878, %mul3A_1887 : vector<16xi32>
      %add3A_1889 = vector.broadcast %add3A_1805 : i32 to vector<16xi32>
      %add3A_1890 = arith.addi %mul3A_1888, %add3A_1889 : vector<16xi32>
      tpu.vector_store_idx %arg12[%add3A_1890], %gather3A_1880 : memref<16384xf32, #tpu.memory_space<vmem>>[vector<16xi32>], vector<16xf32>,
      %add3A_1891 = arith.constant 16 : i32
      %add3A_1892 = vector.broadcast %add3A_1891 : i32 to vector<16xi32>
      %add3A_1893 = arith.addi %iota3A, %add3A_1892 : vector<16xi32>
      %gather3A_1894 = tpu.vector_load_idx %arg9[%broadcast_in_dim3A_1875, %add3A_1893, %broadcast_in_dim3A_1856] : memref<8x32x128xf32, #tpu.memory_space<vmem>>[vector<16xi32>, vector<16xi32>, vector<16xi32>], vector<16xf32>,
      %gather3A_1895 = tpu.vector_load_idx %arg10[%broadcast_in_dim3A_1875, %add3A_1893, %broadcast_in_dim3A_1873] : memref<8x32x128xf32, #tpu.memory_space<vmem>>[vector<16xi32>, vector<16xi32>, vector<16xi32>], vector<16xf32>,
      %mul3A_1896 = arith.constant 512 : i32
      %mul3A_1897 = vector.broadcast %mul3A_1896 : i32 to vector<16xi32>
      %mul3A_1898 = arith.muli %add3A_1893, %mul3A_1897 : vector<16xi32>
      %add3A_1899 = vector.broadcast %add3A_1805 : i32 to vector<16xi32>
      %add3A_1900 = arith.addi %mul3A_1898, %add3A_1899 : vector<16xi32>
      tpu.vector_store_idx %arg11[%add3A_1900], %gather3A_1894 : memref<16384xf32, #tpu.memory_space<vmem>>[vector<16xi32>], vector<16xf32>,
      %mul3A_1901 = arith.constant 512 : i32
      %mul3A_1902 = vector.broadcast %mul3A_1901 : i32 to vector<16xi32>
      %mul3A_1903 = arith.muli %add3A_1893, %mul3A_1902 : vector<16xi32>
      %add3A_1904 = vector.broadcast %add3A_1805 : i32 to vector<16xi32>
      %add3A_1905 = arith.addi %mul3A_1903, %add3A_1904 : vector<16xi32>
      tpu.vector_store_idx %arg12[%add3A_1905], %gather3A_1895 : memref<16384xf32, #tpu.memory_space<vmem>>[vector<16xi32>], vector<16xf32>,
      %slice3A_1906 = vector.extract_strided_slice %get3A_681 {offsets = [14], sizes = [1], strides = [1]} : vector<16xi32> to vector<1xi32>
      %squeeze3A_1907 = vector.extract %slice3A_1906[0] : i32 from vector<1xi32>
      %slice3A_1908 = vector.extract_strided_slice %get3A_683 {offsets = [14], sizes = [1], strides = [1]} : vector<16xi32> to vector<1xi32>
      %squeeze3A_1909 = vector.extract %slice3A_1908[0] : i32 from vector<1xi32>
      %jit3A_1910 = arith.constant 128 : i32
      %div3A_1911 = arith.divsi %squeeze3A_1907, %jit3A_1910 : i32
      %sign3A_1912 = arith.constant 0 : i32
      %sign3A_1913 = arith.cmpi sgt, %squeeze3A_1907, %sign3A_1912 : i32
      %sign3A_1914 = arith.extui %sign3A_1913 : i1 to i32
      %sign3A_1915 = arith.constant 0 : i32
      %sign3A_1916 = arith.cmpi slt, %squeeze3A_1907, %sign3A_1915 : i32
      %sign3A_1917 = arith.extui %sign3A_1916 : i1 to i32
      %sign3A_1918 = arith.subi %sign3A_1914, %sign3A_1917 : i32
      %sign3A_1919 = arith.constant 0 : i32
      %sign3A_1920 = arith.cmpi sgt, %jit3A_1910, %sign3A_1919 : i32
      %sign3A_1921 = arith.extui %sign3A_1920 : i1 to i32
      %sign3A_1922 = arith.constant 0 : i32
      %sign3A_1923 = arith.cmpi slt, %jit3A_1910, %sign3A_1922 : i32
      %sign3A_1924 = arith.extui %sign3A_1923 : i1 to i32
      %sign3A_1925 = arith.subi %sign3A_1921, %sign3A_1924 : i32
      %ne3A_1926 = arith.cmpi ne, %sign3A_1918, %sign3A_1925 : i32
      %rem3A_1927 = arith.remsi %squeeze3A_1907, %jit3A_1910 : i32
      %ne3A_1928 = arith.constant 0 : i32
      %ne3A_1929 = arith.cmpi ne, %rem3A_1927, %ne3A_1928 : i32
      %and3A_1930 = arith.andi %ne3A_1926, %ne3A_1929 : i1
      %sub3A_1931 = arith.constant 1 : i32
      %sub3A_1932 = arith.subi %div3A_1911, %sub3A_1931 : i32
      %select_n3A_1933 = arith.select %and3A_1930, %sub3A_1932, %div3A_1911 : i32
      %mul3A_1934 = arith.constant 128 : i32
      %mul3A_1935 = arith.muli %select_n3A_1933, %mul3A_1934 : i32
      %multiple_of3A_1936 = tpu.assume_multiple %mul3A_1935, 128 : i32
      %jit3A_1937 = arith.constant 128 : i32
      %div3A_1938 = arith.divsi %squeeze3A_1909, %jit3A_1937 : i32
      %sign3A_1939 = arith.constant 0 : i32
      %sign3A_1940 = arith.cmpi sgt, %squeeze3A_1909, %sign3A_1939 : i32
      %sign3A_1941 = arith.extui %sign3A_1940 : i1 to i32
      %sign3A_1942 = arith.constant 0 : i32
      %sign3A_1943 = arith.cmpi slt, %squeeze3A_1909, %sign3A_1942 : i32
      %sign3A_1944 = arith.extui %sign3A_1943 : i1 to i32
      %sign3A_1945 = arith.subi %sign3A_1941, %sign3A_1944 : i32
      %sign3A_1946 = arith.constant 0 : i32
      %sign3A_1947 = arith.cmpi sgt, %jit3A_1937, %sign3A_1946 : i32
      %sign3A_1948 = arith.extui %sign3A_1947 : i1 to i32
      %sign3A_1949 = arith.constant 0 : i32
      %sign3A_1950 = arith.cmpi slt, %jit3A_1937, %sign3A_1949 : i32
      %sign3A_1951 = arith.extui %sign3A_1950 : i1 to i32
      %sign3A_1952 = arith.subi %sign3A_1948, %sign3A_1951 : i32
      %ne3A_1953 = arith.cmpi ne, %sign3A_1945, %sign3A_1952 : i32
      %rem3A_1954 = arith.remsi %squeeze3A_1909, %jit3A_1937 : i32
      %ne3A_1955 = arith.constant 0 : i32
      %ne3A_1956 = arith.cmpi ne, %rem3A_1954, %ne3A_1955 : i32
      %and3A_1957 = arith.andi %ne3A_1953, %ne3A_1956 : i1
      %sub3A_1958 = arith.constant 1 : i32
      %sub3A_1959 = arith.subi %div3A_1938, %sub3A_1958 : i32
      %select_n3A_1960 = arith.select %and3A_1957, %sub3A_1959, %div3A_1938 : i32
      %mul3A_1961 = arith.constant 128 : i32
      %mul3A_1962 = arith.muli %select_n3A_1960, %mul3A_1961 : i32
      %multiple_of3A_1963 = tpu.assume_multiple %mul3A_1962, 128 : i32
      %dma_start3A_1964 = arith.constant 6 : i32
      %dma_start3A_1965 = arith.constant 0 : i32
      %dma_start3A_1966 = arith.constant 0 : i32
      %dma_start3A_1967 = tpu.memref_slice %arg9[%dma_start3A_1964, %dma_start3A_1965, %dma_start3A_1966] : memref<8x32x128xf32, #tpu.memory_space<vmem>> -> memref<1x32x128xf32, #tpu.memory_space<vmem>>
      %dma_start3A_1968 = tpu.memref_squeeze %dma_start3A_1967 : memref<1x32x128xf32, #tpu.memory_space<vmem>> -> memref<32x128xf32, #tpu.memory_space<vmem>>
      %dma_start3A_1969 = arith.constant 0 : i32
      %dma_start3A_1970 = tpu.memref_slice %arg4[%dma_start3A_1969, %multiple_of3A_1936] : memref<32x1000000xf32, #tpu.memory_space<hbm>> -> memref<32x128xf32, #tpu.memory_space<hbm>>
      %dma_start3A_1971 = arith.constant 0 : i32
      %dma_start3A_1972 = arith.constant 0 : i32
      %dma_start3A_1973 = tpu.memref_slice %arg9[%dma_start3A_1964, %dma_start3A_1971, %dma_start3A_1972] : memref<8x32x128xf32, #tpu.memory_space<vmem>> -> memref<1x32x128xf32, #tpu.memory_space<vmem>>
      %dma_start3A_1974 = tpu.memref_squeeze %dma_start3A_1973 : memref<1x32x128xf32, #tpu.memory_space<vmem>> -> memref<32x128xf32, #tpu.memory_space<vmem>>
      %dma_start3A_1975 = arith.constant 0 : i32
      %dma_start3A_1976 = tpu.memref_slice %arg4[%dma_start3A_1975, %multiple_of3A_1936] : memref<32x1000000xf32, #tpu.memory_space<hbm>> -> memref<32x128xf32, #tpu.memory_space<hbm>>
      tpu.enqueue_dma source(%dma_start3A_1976 : memref<32x128xf32, #tpu.memory_space<hbm>>) target(%dma_start3A_1974 : memref<32x128xf32, #tpu.memory_space<vmem>>) target_semaphore(%arg14 : memref<!tpu.dma_semaphore, #tpu.memory_space<semaphore_mem>>)
      %dma_start3A_1977 = arith.constant 6 : i32
      %dma_start3A_1978 = arith.constant 0 : i32
      %dma_start3A_1979 = arith.constant 0 : i32
      %dma_start3A_1980 = tpu.memref_slice %arg10[%dma_start3A_1977, %dma_start3A_1978, %dma_start3A_1979] : memref<8x32x128xf32, #tpu.memory_space<vmem>> -> memref<1x32x128xf32, #tpu.memory_space<vmem>>
      %dma_start3A_1981 = tpu.memref_squeeze %dma_start3A_1980 : memref<1x32x128xf32, #tpu.memory_space<vmem>> -> memref<32x128xf32, #tpu.memory_space<vmem>>
      %dma_start3A_1982 = arith.constant 0 : i32
      %dma_start3A_1983 = tpu.memref_slice %arg5[%dma_start3A_1982, %multiple_of3A_1963] : memref<32x1000000xf32, #tpu.memory_space<hbm>> -> memref<32x128xf32, #tpu.memory_space<hbm>>
      %dma_start3A_1984 = arith.constant 0 : i32
      %dma_start3A_1985 = arith.constant 0 : i32
      %dma_start3A_1986 = tpu.memref_slice %arg10[%dma_start3A_1977, %dma_start3A_1984, %dma_start3A_1985] : memref<8x32x128xf32, #tpu.memory_space<vmem>> -> memref<1x32x128xf32, #tpu.memory_space<vmem>>
      %dma_start3A_1987 = tpu.memref_squeeze %dma_start3A_1986 : memref<1x32x128xf32, #tpu.memory_space<vmem>> -> memref<32x128xf32, #tpu.memory_space<vmem>>
      %dma_start3A_1988 = arith.constant 0 : i32
      %dma_start3A_1989 = tpu.memref_slice %arg5[%dma_start3A_1988, %multiple_of3A_1963] : memref<32x1000000xf32, #tpu.memory_space<hbm>> -> memref<32x128xf32, #tpu.memory_space<hbm>>
      tpu.enqueue_dma source(%dma_start3A_1989 : memref<32x128xf32, #tpu.memory_space<hbm>>) target(%dma_start3A_1987 : memref<32x128xf32, #tpu.memory_space<vmem>>) target_semaphore(%arg15 : memref<!tpu.dma_semaphore, #tpu.memory_space<semaphore_mem>>)
      %add3A_1990 = arith.constant 7 : i32
      %add3A_1991 = arith.addi %mul3A_679, %add3A_1990 : i32
      %dma_wait3A_1992 = arith.constant 0 : i32
      %dma_wait3A_1993 = arith.constant 0 : i32
      %dma_wait3A_1994 = arith.constant 0 : i32
      %dma_wait3A_1995 = tpu.memref_slice %arg9[%dma_wait3A_1992, %dma_wait3A_1993, %dma_wait3A_1994] : memref<8x32x128xf32, #tpu.memory_space<vmem>> -> memref<1x32x128xf32, #tpu.memory_space<vmem>>
      %dma_wait3A_1996 = tpu.memref_squeeze %dma_wait3A_1995 : memref<1x32x128xf32, #tpu.memory_space<vmem>> -> memref<32x128xf32, #tpu.memory_space<vmem>>
      %dma_wait3A_1997 = arith.constant 0 : i32
      %dma_wait3A_1998 = arith.constant 0 : i32
      %dma_wait3A_1999 = tpu.memref_slice %arg4[%dma_wait3A_1997, %dma_wait3A_1998] : memref<32x1000000xf32, #tpu.memory_space<hbm>> -> memref<32x128xf32, #tpu.memory_space<hbm>>
      %dma_wait3A_2000 = arith.constant 0 : i32
      %dma_wait3A_2001 = arith.constant 0 : i32
      %dma_wait3A_2002 = tpu.memref_slice %arg9[%dma_wait3A_1992, %dma_wait3A_2000, %dma_wait3A_2001] : memref<8x32x128xf32, #tpu.memory_space<vmem>> -> memref<1x32x128xf32, #tpu.memory_space<vmem>>
      %dma_wait3A_2003 = tpu.memref_squeeze %dma_wait3A_2002 : memref<1x32x128xf32, #tpu.memory_space<vmem>> -> memref<32x128xf32, #tpu.memory_space<vmem>>
      %dma_wait3A_2004 = arith.constant 0 : i32
      %dma_wait3A_2005 = arith.constant 0 : i32
      %dma_wait3A_2006 = tpu.memref_slice %arg4[%dma_wait3A_2004, %dma_wait3A_2005] : memref<32x1000000xf32, #tpu.memory_space<hbm>> -> memref<32x128xf32, #tpu.memory_space<hbm>>
      tpu.wait_dma2 semaphore(%arg14 : memref<!tpu.dma_semaphore, #tpu.memory_space<semaphore_mem>>) src(%dma_wait3A_2006 : memref<32x128xf32, #tpu.memory_space<hbm>>) dst(%dma_wait3A_2003 : memref<32x128xf32, #tpu.memory_space<vmem>>)
      %dma_wait3A_2007 = arith.constant 0 : i32
      %dma_wait3A_2008 = arith.constant 0 : i32
      %dma_wait3A_2009 = arith.constant 0 : i32
      %dma_wait3A_2010 = tpu.memref_slice %arg10[%dma_wait3A_2007, %dma_wait3A_2008, %dma_wait3A_2009] : memref<8x32x128xf32, #tpu.memory_space<vmem>> -> memref<1x32x128xf32, #tpu.memory_space<vmem>>
      %dma_wait3A_2011 = tpu.memref_squeeze %dma_wait3A_2010 : memref<1x32x128xf32, #tpu.memory_space<vmem>> -> memref<32x128xf32, #tpu.memory_space<vmem>>
      %dma_wait3A_2012 = arith.constant 0 : i32
      %dma_wait3A_2013 = arith.constant 0 : i32
      %dma_wait3A_2014 = tpu.memref_slice %arg5[%dma_wait3A_2012, %dma_wait3A_2013] : memref<32x1000000xf32, #tpu.memory_space<hbm>> -> memref<32x128xf32, #tpu.memory_space<hbm>>
      %dma_wait3A_2015 = arith.constant 0 : i32
      %dma_wait3A_2016 = arith.constant 0 : i32
      %dma_wait3A_2017 = tpu.memref_slice %arg10[%dma_wait3A_2007, %dma_wait3A_2015, %dma_wait3A_2016] : memref<8x32x128xf32, #tpu.memory_space<vmem>> -> memref<1x32x128xf32, #tpu.memory_space<vmem>>
      %dma_wait3A_2018 = tpu.memref_squeeze %dma_wait3A_2017 : memref<1x32x128xf32, #tpu.memory_space<vmem>> -> memref<32x128xf32, #tpu.memory_space<vmem>>
      %dma_wait3A_2019 = arith.constant 0 : i32
      %dma_wait3A_2020 = arith.constant 0 : i32
      %dma_wait3A_2021 = tpu.memref_slice %arg5[%dma_wait3A_2019, %dma_wait3A_2020] : memref<32x1000000xf32, #tpu.memory_space<hbm>> -> memref<32x128xf32, #tpu.memory_space<hbm>>
      tpu.wait_dma2 semaphore(%arg15 : memref<!tpu.dma_semaphore, #tpu.memory_space<semaphore_mem>>) src(%dma_wait3A_2021 : memref<32x128xf32, #tpu.memory_space<hbm>>) dst(%dma_wait3A_2018 : memref<32x128xf32, #tpu.memory_space<vmem>>)
      %slice3A_2022 = vector.extract_strided_slice %get3A_681 {offsets = [7], sizes = [1], strides = [1]} : vector<16xi32> to vector<1xi32>
      %squeeze3A_2023 = vector.extract %slice3A_2022[0] : i32 from vector<1xi32>
      %slice3A_2024 = vector.extract_strided_slice %get3A_683 {offsets = [7], sizes = [1], strides = [1]} : vector<16xi32> to vector<1xi32>
      %squeeze3A_2025 = vector.extract %slice3A_2024[0] : i32 from vector<1xi32>
      %jit3A_2026 = arith.constant 128 : i32
      %eq3A_2027 = arith.constant 0 : i32
      %eq3A_2028 = arith.cmpi eq, %jit3A_2026, %eq3A_2027 : i32
      %jit3A_2029 = arith.constant 1 : i32
      %select_n3A_2030 = arith.select %eq3A_2028, %jit3A_2029, %jit3A_2026 : i32
      %rem3A_2031 = arith.remsi %squeeze3A_2023, %select_n3A_2030 : i32
      %ne3A_2032 = arith.constant 0 : i32
      %ne3A_2033 = arith.cmpi ne, %rem3A_2031, %ne3A_2032 : i32
      %lt3A_2034 = arith.constant 0 : i32
      %lt3A_2035 = arith.cmpi slt, %rem3A_2031, %lt3A_2034 : i32
      %lt3A_2036 = arith.constant 0 : i32
      %lt3A_2037 = arith.cmpi slt, %select_n3A_2030, %lt3A_2036 : i32
      %ne3A_2038 = arith.xori %lt3A_2035, %lt3A_2037 : i1
      %and3A_2039 = arith.andi %ne3A_2038, %ne3A_2033 : i1
      %add3A_2040 = arith.addi %rem3A_2031, %select_n3A_2030 : i32
      %select_n3A_2041 = arith.select %and3A_2039, %add3A_2040, %rem3A_2031 : i32
      %broadcast_in_dim3A_2042 = vector.broadcast %select_n3A_2041 : i32 to vector<16xi32>
      %jit3A_2043 = arith.constant 128 : i32
      %eq3A_2044 = arith.constant 0 : i32
      %eq3A_2045 = arith.cmpi eq, %jit3A_2043, %eq3A_2044 : i32
      %jit3A_2046 = arith.constant 1 : i32
      %select_n3A_2047 = arith.select %eq3A_2045, %jit3A_2046, %jit3A_2043 : i32
      %rem3A_2048 = arith.remsi %squeeze3A_2025, %select_n3A_2047 : i32
      %ne3A_2049 = arith.constant 0 : i32
      %ne3A_2050 = arith.cmpi ne, %rem3A_2048, %ne3A_2049 : i32
      %lt3A_2051 = arith.constant 0 : i32
      %lt3A_2052 = arith.cmpi slt, %rem3A_2048, %lt3A_2051 : i32
      %lt3A_2053 = arith.constant 0 : i32
      %lt3A_2054 = arith.cmpi slt, %select_n3A_2047, %lt3A_2053 : i32
      %ne3A_2055 = arith.xori %lt3A_2052, %lt3A_2054 : i1
      %and3A_2056 = arith.andi %ne3A_2055, %ne3A_2050 : i1
      %add3A_2057 = arith.addi %rem3A_2048, %select_n3A_2047 : i32
      %select_n3A_2058 = arith.select %and3A_2056, %add3A_2057, %rem3A_2048 : i32
      %broadcast_in_dim3A_2059 = vector.broadcast %select_n3A_2058 : i32 to vector<16xi32>
      %broadcast_in_dim3A_2060 = arith.constant 7 : i32
      %broadcast_in_dim3A_2061 = vector.broadcast %broadcast_in_dim3A_2060 : i32 to vector<16xi32>
      %add3A_2062 = arith.constant 0 : i32
      %add3A_2063 = vector.broadcast %add3A_2062 : i32 to vector<16xi32>
      %add3A_2064 = arith.addi %iota3A, %add3A_2063 : vector<16xi32>
      %gather3A_2065 = tpu.vector_load_idx %arg9[%broadcast_in_dim3A_2061, %add3A_2064, %broadcast_in_dim3A_2042] : memref<8x32x128xf32, #tpu.memory_space<vmem>>[vector<16xi32>, vector<16xi32>, vector<16xi32>], vector<16xf32>,
      %gather3A_2066 = tpu.vector_load_idx %arg10[%broadcast_in_dim3A_2061, %add3A_2064, %broadcast_in_dim3A_2059] : memref<8x32x128xf32, #tpu.memory_space<vmem>>[vector<16xi32>, vector<16xi32>, vector<16xi32>], vector<16xf32>,
      %mul3A_2067 = arith.constant 512 : i32
      %mul3A_2068 = vector.broadcast %mul3A_2067 : i32 to vector<16xi32>
      %mul3A_2069 = arith.muli %add3A_2064, %mul3A_2068 : vector<16xi32>
      %add3A_2070 = vector.broadcast %add3A_1991 : i32 to vector<16xi32>
      %add3A_2071 = arith.addi %mul3A_2069, %add3A_2070 : vector<16xi32>
      tpu.vector_store_idx %arg11[%add3A_2071], %gather3A_2065 : memref<16384xf32, #tpu.memory_space<vmem>>[vector<16xi32>], vector<16xf32>,
      %mul3A_2072 = arith.constant 512 : i32
      %mul3A_2073 = vector.broadcast %mul3A_2072 : i32 to vector<16xi32>
      %mul3A_2074 = arith.muli %add3A_2064, %mul3A_2073 : vector<16xi32>
      %add3A_2075 = vector.broadcast %add3A_1991 : i32 to vector<16xi32>
      %add3A_2076 = arith.addi %mul3A_2074, %add3A_2075 : vector<16xi32>
      tpu.vector_store_idx %arg12[%add3A_2076], %gather3A_2066 : memref<16384xf32, #tpu.memory_space<vmem>>[vector<16xi32>], vector<16xf32>,
      %add3A_2077 = arith.constant 16 : i32
      %add3A_2078 = vector.broadcast %add3A_2077 : i32 to vector<16xi32>
      %add3A_2079 = arith.addi %iota3A, %add3A_2078 : vector<16xi32>
      %gather3A_2080 = tpu.vector_load_idx %arg9[%broadcast_in_dim3A_2061, %add3A_2079, %broadcast_in_dim3A_2042] : memref<8x32x128xf32, #tpu.memory_space<vmem>>[vector<16xi32>, vector<16xi32>, vector<16xi32>], vector<16xf32>,
      %gather3A_2081 = tpu.vector_load_idx %arg10[%broadcast_in_dim3A_2061, %add3A_2079, %broadcast_in_dim3A_2059] : memref<8x32x128xf32, #tpu.memory_space<vmem>>[vector<16xi32>, vector<16xi32>, vector<16xi32>], vector<16xf32>,
      %mul3A_2082 = arith.constant 512 : i32
      %mul3A_2083 = vector.broadcast %mul3A_2082 : i32 to vector<16xi32>
      %mul3A_2084 = arith.muli %add3A_2079, %mul3A_2083 : vector<16xi32>
      %add3A_2085 = vector.broadcast %add3A_1991 : i32 to vector<16xi32>
      %add3A_2086 = arith.addi %mul3A_2084, %add3A_2085 : vector<16xi32>
      tpu.vector_store_idx %arg11[%add3A_2086], %gather3A_2080 : memref<16384xf32, #tpu.memory_space<vmem>>[vector<16xi32>], vector<16xf32>,
      %mul3A_2087 = arith.constant 512 : i32
      %mul3A_2088 = vector.broadcast %mul3A_2087 : i32 to vector<16xi32>
      %mul3A_2089 = arith.muli %add3A_2079, %mul3A_2088 : vector<16xi32>
      %add3A_2090 = vector.broadcast %add3A_1991 : i32 to vector<16xi32>
      %add3A_2091 = arith.addi %mul3A_2089, %add3A_2090 : vector<16xi32>
      tpu.vector_store_idx %arg12[%add3A_2091], %gather3A_2081 : memref<16384xf32, #tpu.memory_space<vmem>>[vector<16xi32>], vector<16xf32>,
      %slice3A_2092 = vector.extract_strided_slice %get3A_681 {offsets = [15], sizes = [1], strides = [1]} : vector<16xi32> to vector<1xi32>
      %squeeze3A_2093 = vector.extract %slice3A_2092[0] : i32 from vector<1xi32>
      %slice3A_2094 = vector.extract_strided_slice %get3A_683 {offsets = [15], sizes = [1], strides = [1]} : vector<16xi32> to vector<1xi32>
      %squeeze3A_2095 = vector.extract %slice3A_2094[0] : i32 from vector<1xi32>
      %jit3A_2096 = arith.constant 128 : i32
      %div3A_2097 = arith.divsi %squeeze3A_2093, %jit3A_2096 : i32
      %sign3A_2098 = arith.constant 0 : i32
      %sign3A_2099 = arith.cmpi sgt, %squeeze3A_2093, %sign3A_2098 : i32
      %sign3A_2100 = arith.extui %sign3A_2099 : i1 to i32
      %sign3A_2101 = arith.constant 0 : i32
      %sign3A_2102 = arith.cmpi slt, %squeeze3A_2093, %sign3A_2101 : i32
      %sign3A_2103 = arith.extui %sign3A_2102 : i1 to i32
      %sign3A_2104 = arith.subi %sign3A_2100, %sign3A_2103 : i32
      %sign3A_2105 = arith.constant 0 : i32
      %sign3A_2106 = arith.cmpi sgt, %jit3A_2096, %sign3A_2105 : i32
      %sign3A_2107 = arith.extui %sign3A_2106 : i1 to i32
      %sign3A_2108 = arith.constant 0 : i32
      %sign3A_2109 = arith.cmpi slt, %jit3A_2096, %sign3A_2108 : i32
      %sign3A_2110 = arith.extui %sign3A_2109 : i1 to i32
      %sign3A_2111 = arith.subi %sign3A_2107, %sign3A_2110 : i32
      %ne3A_2112 = arith.cmpi ne, %sign3A_2104, %sign3A_2111 : i32
      %rem3A_2113 = arith.remsi %squeeze3A_2093, %jit3A_2096 : i32
      %ne3A_2114 = arith.constant 0 : i32
      %ne3A_2115 = arith.cmpi ne, %rem3A_2113, %ne3A_2114 : i32
      %and3A_2116 = arith.andi %ne3A_2112, %ne3A_2115 : i1
      %sub3A_2117 = arith.constant 1 : i32
      %sub3A_2118 = arith.subi %div3A_2097, %sub3A_2117 : i32
      %select_n3A_2119 = arith.select %and3A_2116, %sub3A_2118, %div3A_2097 : i32
      %mul3A_2120 = arith.constant 128 : i32
      %mul3A_2121 = arith.muli %select_n3A_2119, %mul3A_2120 : i32
      %multiple_of3A_2122 = tpu.assume_multiple %mul3A_2121, 128 : i32
      %jit3A_2123 = arith.constant 128 : i32
      %div3A_2124 = arith.divsi %squeeze3A_2095, %jit3A_2123 : i32
      %sign3A_2125 = arith.constant 0 : i32
      %sign3A_2126 = arith.cmpi sgt, %squeeze3A_2095, %sign3A_2125 : i32
      %sign3A_2127 = arith.extui %sign3A_2126 : i1 to i32
      %sign3A_2128 = arith.constant 0 : i32
      %sign3A_2129 = arith.cmpi slt, %squeeze3A_2095, %sign3A_2128 : i32
      %sign3A_2130 = arith.extui %sign3A_2129 : i1 to i32
      %sign3A_2131 = arith.subi %sign3A_2127, %sign3A_2130 : i32
      %sign3A_2132 = arith.constant 0 : i32
      %sign3A_2133 = arith.cmpi sgt, %jit3A_2123, %sign3A_2132 : i32
      %sign3A_2134 = arith.extui %sign3A_2133 : i1 to i32
      %sign3A_2135 = arith.constant 0 : i32
      %sign3A_2136 = arith.cmpi slt, %jit3A_2123, %sign3A_2135 : i32
      %sign3A_2137 = arith.extui %sign3A_2136 : i1 to i32
      %sign3A_2138 = arith.subi %sign3A_2134, %sign3A_2137 : i32
      %ne3A_2139 = arith.cmpi ne, %sign3A_2131, %sign3A_2138 : i32
      %rem3A_2140 = arith.remsi %squeeze3A_2095, %jit3A_2123 : i32
      %ne3A_2141 = arith.constant 0 : i32
      %ne3A_2142 = arith.cmpi ne, %rem3A_2140, %ne3A_2141 : i32
      %and3A_2143 = arith.andi %ne3A_2139, %ne3A_2142 : i1
      %sub3A_2144 = arith.constant 1 : i32
      %sub3A_2145 = arith.subi %div3A_2124, %sub3A_2144 : i32
      %select_n3A_2146 = arith.select %and3A_2143, %sub3A_2145, %div3A_2124 : i32
      %mul3A_2147 = arith.constant 128 : i32
      %mul3A_2148 = arith.muli %select_n3A_2146, %mul3A_2147 : i32
      %multiple_of3A_2149 = tpu.assume_multiple %mul3A_2148, 128 : i32
      %dma_start3A_2150 = arith.constant 7 : i32
      %dma_start3A_2151 = arith.constant 0 : i32
      %dma_start3A_2152 = arith.constant 0 : i32
      %dma_start3A_2153 = tpu.memref_slice %arg9[%dma_start3A_2150, %dma_start3A_2151, %dma_start3A_2152] : memref<8x32x128xf32, #tpu.memory_space<vmem>> -> memref<1x32x128xf32, #tpu.memory_space<vmem>>
      %dma_start3A_2154 = tpu.memref_squeeze %dma_start3A_2153 : memref<1x32x128xf32, #tpu.memory_space<vmem>> -> memref<32x128xf32, #tpu.memory_space<vmem>>
      %dma_start3A_2155 = arith.constant 0 : i32
      %dma_start3A_2156 = tpu.memref_slice %arg4[%dma_start3A_2155, %multiple_of3A_2122] : memref<32x1000000xf32, #tpu.memory_space<hbm>> -> memref<32x128xf32, #tpu.memory_space<hbm>>
      %dma_start3A_2157 = arith.constant 0 : i32
      %dma_start3A_2158 = arith.constant 0 : i32
      %dma_start3A_2159 = tpu.memref_slice %arg9[%dma_start3A_2150, %dma_start3A_2157, %dma_start3A_2158] : memref<8x32x128xf32, #tpu.memory_space<vmem>> -> memref<1x32x128xf32, #tpu.memory_space<vmem>>
      %dma_start3A_2160 = tpu.memref_squeeze %dma_start3A_2159 : memref<1x32x128xf32, #tpu.memory_space<vmem>> -> memref<32x128xf32, #tpu.memory_space<vmem>>
      %dma_start3A_2161 = arith.constant 0 : i32
      %dma_start3A_2162 = tpu.memref_slice %arg4[%dma_start3A_2161, %multiple_of3A_2122] : memref<32x1000000xf32, #tpu.memory_space<hbm>> -> memref<32x128xf32, #tpu.memory_space<hbm>>
      tpu.enqueue_dma source(%dma_start3A_2162 : memref<32x128xf32, #tpu.memory_space<hbm>>) target(%dma_start3A_2160 : memref<32x128xf32, #tpu.memory_space<vmem>>) target_semaphore(%arg14 : memref<!tpu.dma_semaphore, #tpu.memory_space<semaphore_mem>>)
      %dma_start3A_2163 = arith.constant 7 : i32
      %dma_start3A_2164 = arith.constant 0 : i32
      %dma_start3A_2165 = arith.constant 0 : i32
      %dma_start3A_2166 = tpu.memref_slice %arg10[%dma_start3A_2163, %dma_start3A_2164, %dma_start3A_2165] : memref<8x32x128xf32, #tpu.memory_space<vmem>> -> memref<1x32x128xf32, #tpu.memory_space<vmem>>
      %dma_start3A_2167 = tpu.memref_squeeze %dma_start3A_2166 : memref<1x32x128xf32, #tpu.memory_space<vmem>> -> memref<32x128xf32, #tpu.memory_space<vmem>>
      %dma_start3A_2168 = arith.constant 0 : i32
      %dma_start3A_2169 = tpu.memref_slice %arg5[%dma_start3A_2168, %multiple_of3A_2149] : memref<32x1000000xf32, #tpu.memory_space<hbm>> -> memref<32x128xf32, #tpu.memory_space<hbm>>
      %dma_start3A_2170 = arith.constant 0 : i32
      %dma_start3A_2171 = arith.constant 0 : i32
      %dma_start3A_2172 = tpu.memref_slice %arg10[%dma_start3A_2163, %dma_start3A_2170, %dma_start3A_2171] : memref<8x32x128xf32, #tpu.memory_space<vmem>> -> memref<1x32x128xf32, #tpu.memory_space<vmem>>
      %dma_start3A_2173 = tpu.memref_squeeze %dma_start3A_2172 : memref<1x32x128xf32, #tpu.memory_space<vmem>> -> memref<32x128xf32, #tpu.memory_space<vmem>>
      %dma_start3A_2174 = arith.constant 0 : i32
      %dma_start3A_2175 = tpu.memref_slice %arg5[%dma_start3A_2174, %multiple_of3A_2149] : memref<32x1000000xf32, #tpu.memory_space<hbm>> -> memref<32x128xf32, #tpu.memory_space<hbm>>
      tpu.enqueue_dma source(%dma_start3A_2175 : memref<32x128xf32, #tpu.memory_space<hbm>>) target(%dma_start3A_2173 : memref<32x128xf32, #tpu.memory_space<vmem>>) target_semaphore(%arg15 : memref<!tpu.dma_semaphore, #tpu.memory_space<semaphore_mem>>)
      %add3A_2176 = arith.constant 8 : i32
      %add3A_2177 = arith.addi %mul3A_679, %add3A_2176 : i32
      %dma_wait3A_2178 = arith.constant 0 : i32
      %dma_wait3A_2179 = arith.constant 0 : i32
      %dma_wait3A_2180 = arith.constant 0 : i32
      %dma_wait3A_2181 = tpu.memref_slice %arg9[%dma_wait3A_2178, %dma_wait3A_2179, %dma_wait3A_2180] : memref<8x32x128xf32, #tpu.memory_space<vmem>> -> memref<1x32x128xf32, #tpu.memory_space<vmem>>
      %dma_wait3A_2182 = tpu.memref_squeeze %dma_wait3A_2181 : memref<1x32x128xf32, #tpu.memory_space<vmem>> -> memref<32x128xf32, #tpu.memory_space<vmem>>
      %dma_wait3A_2183 = arith.constant 0 : i32
      %dma_wait3A_2184 = arith.constant 0 : i32
      %dma_wait3A_2185 = tpu.memref_slice %arg4[%dma_wait3A_2183, %dma_wait3A_2184] : memref<32x1000000xf32, #tpu.memory_space<hbm>> -> memref<32x128xf32, #tpu.memory_space<hbm>>
      %dma_wait3A_2186 = arith.constant 0 : i32
      %dma_wait3A_2187 = arith.constant 0 : i32
      %dma_wait3A_2188 = tpu.memref_slice %arg9[%dma_wait3A_2178, %dma_wait3A_2186, %dma_wait3A_2187] : memref<8x32x128xf32, #tpu.memory_space<vmem>> -> memref<1x32x128xf32, #tpu.memory_space<vmem>>
      %dma_wait3A_2189 = tpu.memref_squeeze %dma_wait3A_2188 : memref<1x32x128xf32, #tpu.memory_space<vmem>> -> memref<32x128xf32, #tpu.memory_space<vmem>>
      %dma_wait3A_2190 = arith.constant 0 : i32
      %dma_wait3A_2191 = arith.constant 0 : i32
      %dma_wait3A_2192 = tpu.memref_slice %arg4[%dma_wait3A_2190, %dma_wait3A_2191] : memref<32x1000000xf32, #tpu.memory_space<hbm>> -> memref<32x128xf32, #tpu.memory_space<hbm>>
      tpu.wait_dma2 semaphore(%arg14 : memref<!tpu.dma_semaphore, #tpu.memory_space<semaphore_mem>>) src(%dma_wait3A_2192 : memref<32x128xf32, #tpu.memory_space<hbm>>) dst(%dma_wait3A_2189 : memref<32x128xf32, #tpu.memory_space<vmem>>)
      %dma_wait3A_2193 = arith.constant 0 : i32
      %dma_wait3A_2194 = arith.constant 0 : i32
      %dma_wait3A_2195 = arith.constant 0 : i32
      %dma_wait3A_2196 = tpu.memref_slice %arg10[%dma_wait3A_2193, %dma_wait3A_2194, %dma_wait3A_2195] : memref<8x32x128xf32, #tpu.memory_space<vmem>> -> memref<1x32x128xf32, #tpu.memory_space<vmem>>
      %dma_wait3A_2197 = tpu.memref_squeeze %dma_wait3A_2196 : memref<1x32x128xf32, #tpu.memory_space<vmem>> -> memref<32x128xf32, #tpu.memory_space<vmem>>
      %dma_wait3A_2198 = arith.constant 0 : i32
      %dma_wait3A_2199 = arith.constant 0 : i32
      %dma_wait3A_2200 = tpu.memref_slice %arg5[%dma_wait3A_2198, %dma_wait3A_2199] : memref<32x1000000xf32, #tpu.memory_space<hbm>> -> memref<32x128xf32, #tpu.memory_space<hbm>>
      %dma_wait3A_2201 = arith.constant 0 : i32
      %dma_wait3A_2202 = arith.constant 0 : i32
      %dma_wait3A_2203 = tpu.memref_slice %arg10[%dma_wait3A_2193, %dma_wait3A_2201, %dma_wait3A_2202] : memref<8x32x128xf32, #tpu.memory_space<vmem>> -> memref<1x32x128xf32, #tpu.memory_space<vmem>>
      %dma_wait3A_2204 = tpu.memref_squeeze %dma_wait3A_2203 : memref<1x32x128xf32, #tpu.memory_space<vmem>> -> memref<32x128xf32, #tpu.memory_space<vmem>>
      %dma_wait3A_2205 = arith.constant 0 : i32
      %dma_wait3A_2206 = arith.constant 0 : i32
      %dma_wait3A_2207 = tpu.memref_slice %arg5[%dma_wait3A_2205, %dma_wait3A_2206] : memref<32x1000000xf32, #tpu.memory_space<hbm>> -> memref<32x128xf32, #tpu.memory_space<hbm>>
      tpu.wait_dma2 semaphore(%arg15 : memref<!tpu.dma_semaphore, #tpu.memory_space<semaphore_mem>>) src(%dma_wait3A_2207 : memref<32x128xf32, #tpu.memory_space<hbm>>) dst(%dma_wait3A_2204 : memref<32x128xf32, #tpu.memory_space<vmem>>)
      %slice3A_2208 = vector.extract_strided_slice %get3A_681 {offsets = [8], sizes = [1], strides = [1]} : vector<16xi32> to vector<1xi32>
      %squeeze3A_2209 = vector.extract %slice3A_2208[0] : i32 from vector<1xi32>
      %slice3A_2210 = vector.extract_strided_slice %get3A_683 {offsets = [8], sizes = [1], strides = [1]} : vector<16xi32> to vector<1xi32>
      %squeeze3A_2211 = vector.extract %slice3A_2210[0] : i32 from vector<1xi32>
      %jit3A_2212 = arith.constant 128 : i32
      %eq3A_2213 = arith.constant 0 : i32
      %eq3A_2214 = arith.cmpi eq, %jit3A_2212, %eq3A_2213 : i32
      %jit3A_2215 = arith.constant 1 : i32
      %select_n3A_2216 = arith.select %eq3A_2214, %jit3A_2215, %jit3A_2212 : i32
      %rem3A_2217 = arith.remsi %squeeze3A_2209, %select_n3A_2216 : i32
      %ne3A_2218 = arith.constant 0 : i32
      %ne3A_2219 = arith.cmpi ne, %rem3A_2217, %ne3A_2218 : i32
      %lt3A_2220 = arith.constant 0 : i32
      %lt3A_2221 = arith.cmpi slt, %rem3A_2217, %lt3A_2220 : i32
      %lt3A_2222 = arith.constant 0 : i32
      %lt3A_2223 = arith.cmpi slt, %select_n3A_2216, %lt3A_2222 : i32
      %ne3A_2224 = arith.xori %lt3A_2221, %lt3A_2223 : i1
      %and3A_2225 = arith.andi %ne3A_2224, %ne3A_2219 : i1
      %add3A_2226 = arith.addi %rem3A_2217, %select_n3A_2216 : i32
      %select_n3A_2227 = arith.select %and3A_2225, %add3A_2226, %rem3A_2217 : i32
      %broadcast_in_dim3A_2228 = vector.broadcast %select_n3A_2227 : i32 to vector<16xi32>
      %jit3A_2229 = arith.constant 128 : i32
      %eq3A_2230 = arith.constant 0 : i32
      %eq3A_2231 = arith.cmpi eq, %jit3A_2229, %eq3A_2230 : i32
      %jit3A_2232 = arith.constant 1 : i32
      %select_n3A_2233 = arith.select %eq3A_2231, %jit3A_2232, %jit3A_2229 : i32
      %rem3A_2234 = arith.remsi %squeeze3A_2211, %select_n3A_2233 : i32
      %ne3A_2235 = arith.constant 0 : i32
      %ne3A_2236 = arith.cmpi ne, %rem3A_2234, %ne3A_2235 : i32
      %lt3A_2237 = arith.constant 0 : i32
      %lt3A_2238 = arith.cmpi slt, %rem3A_2234, %lt3A_2237 : i32
      %lt3A_2239 = arith.constant 0 : i32
      %lt3A_2240 = arith.cmpi slt, %select_n3A_2233, %lt3A_2239 : i32
      %ne3A_2241 = arith.xori %lt3A_2238, %lt3A_2240 : i1
      %and3A_2242 = arith.andi %ne3A_2241, %ne3A_2236 : i1
      %add3A_2243 = arith.addi %rem3A_2234, %select_n3A_2233 : i32
      %select_n3A_2244 = arith.select %and3A_2242, %add3A_2243, %rem3A_2234 : i32
      %broadcast_in_dim3A_2245 = vector.broadcast %select_n3A_2244 : i32 to vector<16xi32>
      %broadcast_in_dim3A_2246 = arith.constant 0 : i32
      %broadcast_in_dim3A_2247 = vector.broadcast %broadcast_in_dim3A_2246 : i32 to vector<16xi32>
      %add3A_2248 = arith.constant 0 : i32
      %add3A_2249 = vector.broadcast %add3A_2248 : i32 to vector<16xi32>
      %add3A_2250 = arith.addi %iota3A, %add3A_2249 : vector<16xi32>
      %gather3A_2251 = tpu.vector_load_idx %arg9[%broadcast_in_dim3A_2247, %add3A_2250, %broadcast_in_dim3A_2228] : memref<8x32x128xf32, #tpu.memory_space<vmem>>[vector<16xi32>, vector<16xi32>, vector<16xi32>], vector<16xf32>,
      %gather3A_2252 = tpu.vector_load_idx %arg10[%broadcast_in_dim3A_2247, %add3A_2250, %broadcast_in_dim3A_2245] : memref<8x32x128xf32, #tpu.memory_space<vmem>>[vector<16xi32>, vector<16xi32>, vector<16xi32>], vector<16xf32>,
      %mul3A_2253 = arith.constant 512 : i32
      %mul3A_2254 = vector.broadcast %mul3A_2253 : i32 to vector<16xi32>
      %mul3A_2255 = arith.muli %add3A_2250, %mul3A_2254 : vector<16xi32>
      %add3A_2256 = vector.broadcast %add3A_2177 : i32 to vector<16xi32>
      %add3A_2257 = arith.addi %mul3A_2255, %add3A_2256 : vector<16xi32>
      tpu.vector_store_idx %arg11[%add3A_2257], %gather3A_2251 : memref<16384xf32, #tpu.memory_space<vmem>>[vector<16xi32>], vector<16xf32>,
      %mul3A_2258 = arith.constant 512 : i32
      %mul3A_2259 = vector.broadcast %mul3A_2258 : i32 to vector<16xi32>
      %mul3A_2260 = arith.muli %add3A_2250, %mul3A_2259 : vector<16xi32>
      %add3A_2261 = vector.broadcast %add3A_2177 : i32 to vector<16xi32>
      %add3A_2262 = arith.addi %mul3A_2260, %add3A_2261 : vector<16xi32>
      tpu.vector_store_idx %arg12[%add3A_2262], %gather3A_2252 : memref<16384xf32, #tpu.memory_space<vmem>>[vector<16xi32>], vector<16xf32>,
      %add3A_2263 = arith.constant 16 : i32
      %add3A_2264 = vector.broadcast %add3A_2263 : i32 to vector<16xi32>
      %add3A_2265 = arith.addi %iota3A, %add3A_2264 : vector<16xi32>
      %gather3A_2266 = tpu.vector_load_idx %arg9[%broadcast_in_dim3A_2247, %add3A_2265, %broadcast_in_dim3A_2228] : memref<8x32x128xf32, #tpu.memory_space<vmem>>[vector<16xi32>, vector<16xi32>, vector<16xi32>], vector<16xf32>,
      %gather3A_2267 = tpu.vector_load_idx %arg10[%broadcast_in_dim3A_2247, %add3A_2265, %broadcast_in_dim3A_2245] : memref<8x32x128xf32, #tpu.memory_space<vmem>>[vector<16xi32>, vector<16xi32>, vector<16xi32>], vector<16xf32>,
      %mul3A_2268 = arith.constant 512 : i32
      %mul3A_2269 = vector.broadcast %mul3A_2268 : i32 to vector<16xi32>
      %mul3A_2270 = arith.muli %add3A_2265, %mul3A_2269 : vector<16xi32>
      %add3A_2271 = vector.broadcast %add3A_2177 : i32 to vector<16xi32>
      %add3A_2272 = arith.addi %mul3A_2270, %add3A_2271 : vector<16xi32>
      tpu.vector_store_idx %arg11[%add3A_2272], %gather3A_2266 : memref<16384xf32, #tpu.memory_space<vmem>>[vector<16xi32>], vector<16xf32>,
      %mul3A_2273 = arith.constant 512 : i32
      %mul3A_2274 = vector.broadcast %mul3A_2273 : i32 to vector<16xi32>
      %mul3A_2275 = arith.muli %add3A_2265, %mul3A_2274 : vector<16xi32>
      %add3A_2276 = vector.broadcast %add3A_2177 : i32 to vector<16xi32>
      %add3A_2277 = arith.addi %mul3A_2275, %add3A_2276 : vector<16xi32>
      tpu.vector_store_idx %arg12[%add3A_2277], %gather3A_2267 : memref<16384xf32, #tpu.memory_space<vmem>>[vector<16xi32>], vector<16xf32>,
      %slice3A_2278 = vector.extract_strided_slice %get3A_681 {offsets = [8], sizes = [1], strides = [1]} : vector<16xi32> to vector<1xi32>
      %squeeze3A_2279 = vector.extract %slice3A_2278[0] : i32 from vector<1xi32>
      %slice3A_2280 = vector.extract_strided_slice %get3A_688 {offsets = [0], sizes = [1], strides = [1]} : vector<16xi32> to vector<1xi32>
      %squeeze3A_2281 = vector.extract %slice3A_2280[0] : i32 from vector<1xi32>
      %select_n3A_2282 = arith.select %eq3A_691, %squeeze3A_2279, %squeeze3A_2281 : i32
      %slice3A_2283 = vector.extract_strided_slice %get3A_683 {offsets = [8], sizes = [1], strides = [1]} : vector<16xi32> to vector<1xi32>
      %squeeze3A_2284 = vector.extract %slice3A_2283[0] : i32 from vector<1xi32>
      %slice3A_2285 = vector.extract_strided_slice %get3A_690 {offsets = [0], sizes = [1], strides = [1]} : vector<16xi32> to vector<1xi32>
      %squeeze3A_2286 = vector.extract %slice3A_2285[0] : i32 from vector<1xi32>
      %select_n3A_2287 = arith.select %eq3A_691, %squeeze3A_2284, %squeeze3A_2286 : i32
      %not3A = arith.constant true
      %not3A_2288 = arith.xori %eq3A_691, %not3A : i1
      %convert_element_type3A = arith.extui %not3A_2288 : i1 to i32
      %cond3A = arith.constant 0 : i32
      %cond3A_2289 = arith.cmpi ne, %convert_element_type3A, %cond3A : i32
      scf.if %cond3A_2289 {
        %jit3A_3109 = arith.constant 128 : i32
        %div3A_3110 = arith.divsi %select_n3A_2282, %jit3A_3109 : i32
        %sign3A_3111 = arith.constant 0 : i32
        %sign3A_3112 = arith.cmpi sgt, %select_n3A_2282, %sign3A_3111 : i32
        %sign3A_3113 = arith.extui %sign3A_3112 : i1 to i32
        %sign3A_3114 = arith.constant 0 : i32
        %sign3A_3115 = arith.cmpi slt, %select_n3A_2282, %sign3A_3114 : i32
        %sign3A_3116 = arith.extui %sign3A_3115 : i1 to i32
        %sign3A_3117 = arith.subi %sign3A_3113, %sign3A_3116 : i32
        %sign3A_3118 = arith.constant 0 : i32
        %sign3A_3119 = arith.cmpi sgt, %jit3A_3109, %sign3A_3118 : i32
        %sign3A_3120 = arith.extui %sign3A_3119 : i1 to i32
        %sign3A_3121 = arith.constant 0 : i32
        %sign3A_3122 = arith.cmpi slt, %jit3A_3109, %sign3A_3121 : i32
        %sign3A_3123 = arith.extui %sign3A_3122 : i1 to i32
        %sign3A_3124 = arith.subi %sign3A_3120, %sign3A_3123 : i32
        %ne3A_3125 = arith.cmpi ne, %sign3A_3117, %sign3A_3124 : i32
        %rem3A_3126 = arith.remsi %select_n3A_2282, %jit3A_3109 : i32
        %ne3A_3127 = arith.constant 0 : i32
        %ne3A_3128 = arith.cmpi ne, %rem3A_3126, %ne3A_3127 : i32
        %and3A_3129 = arith.andi %ne3A_3125, %ne3A_3128 : i1
        %sub3A_3130 = arith.constant 1 : i32
        %sub3A_3131 = arith.subi %div3A_3110, %sub3A_3130 : i32
        %select_n3A_3132 = arith.select %and3A_3129, %sub3A_3131, %div3A_3110 : i32
        %mul3A_3133 = arith.constant 128 : i32
        %mul3A_3134 = arith.muli %select_n3A_3132, %mul3A_3133 : i32
        %multiple_of3A_3135 = tpu.assume_multiple %mul3A_3134, 128 : i32
        %jit3A_3136 = arith.constant 128 : i32
        %div3A_3137 = arith.divsi %select_n3A_2287, %jit3A_3136 : i32
        %sign3A_3138 = arith.constant 0 : i32
        %sign3A_3139 = arith.cmpi sgt, %select_n3A_2287, %sign3A_3138 : i32
        %sign3A_3140 = arith.extui %sign3A_3139 : i1 to i32
        %sign3A_3141 = arith.constant 0 : i32
        %sign3A_3142 = arith.cmpi slt, %select_n3A_2287, %sign3A_3141 : i32
        %sign3A_3143 = arith.extui %sign3A_3142 : i1 to i32
        %sign3A_3144 = arith.subi %sign3A_3140, %sign3A_3143 : i32
        %sign3A_3145 = arith.constant 0 : i32
        %sign3A_3146 = arith.cmpi sgt, %jit3A_3136, %sign3A_3145 : i32
        %sign3A_3147 = arith.extui %sign3A_3146 : i1 to i32
        %sign3A_3148 = arith.constant 0 : i32
        %sign3A_3149 = arith.cmpi slt, %jit3A_3136, %sign3A_3148 : i32
        %sign3A_3150 = arith.extui %sign3A_3149 : i1 to i32
        %sign3A_3151 = arith.subi %sign3A_3147, %sign3A_3150 : i32
        %ne3A_3152 = arith.cmpi ne, %sign3A_3144, %sign3A_3151 : i32
        %rem3A_3153 = arith.remsi %select_n3A_2287, %jit3A_3136 : i32
        %ne3A_3154 = arith.constant 0 : i32
        %ne3A_3155 = arith.cmpi ne, %rem3A_3153, %ne3A_3154 : i32
        %and3A_3156 = arith.andi %ne3A_3152, %ne3A_3155 : i1
        %sub3A_3157 = arith.constant 1 : i32
        %sub3A_3158 = arith.subi %div3A_3137, %sub3A_3157 : i32
        %select_n3A_3159 = arith.select %and3A_3156, %sub3A_3158, %div3A_3137 : i32
        %mul3A_3160 = arith.constant 128 : i32
        %mul3A_3161 = arith.muli %select_n3A_3159, %mul3A_3160 : i32
        %multiple_of3A_3162 = tpu.assume_multiple %mul3A_3161, 128 : i32
        %dma_start3A_3163 = arith.constant 0 : i32
        %dma_start3A_3164 = arith.constant 0 : i32
        %dma_start3A_3165 = arith.constant 0 : i32
        %dma_start3A_3166 = tpu.memref_slice %arg9[%dma_start3A_3163, %dma_start3A_3164, %dma_start3A_3165] : memref<8x32x128xf32, #tpu.memory_space<vmem>> -> memref<1x32x128xf32, #tpu.memory_space<vmem>>
        %dma_start3A_3167 = tpu.memref_squeeze %dma_start3A_3166 : memref<1x32x128xf32, #tpu.memory_space<vmem>> -> memref<32x128xf32, #tpu.memory_space<vmem>>
        %dma_start3A_3168 = arith.constant 0 : i32
        %dma_start3A_3169 = tpu.memref_slice %arg4[%dma_start3A_3168, %multiple_of3A_3135] : memref<32x1000000xf32, #tpu.memory_space<hbm>> -> memref<32x128xf32, #tpu.memory_space<hbm>>
        %dma_start3A_3170 = arith.constant 0 : i32
        %dma_start3A_3171 = arith.constant 0 : i32
        %dma_start3A_3172 = tpu.memref_slice %arg9[%dma_start3A_3163, %dma_start3A_3170, %dma_start3A_3171] : memref<8x32x128xf32, #tpu.memory_space<vmem>> -> memref<1x32x128xf32, #tpu.memory_space<vmem>>
        %dma_start3A_3173 = tpu.memref_squeeze %dma_start3A_3172 : memref<1x32x128xf32, #tpu.memory_space<vmem>> -> memref<32x128xf32, #tpu.memory_space<vmem>>
        %dma_start3A_3174 = arith.constant 0 : i32
        %dma_start3A_3175 = tpu.memref_slice %arg4[%dma_start3A_3174, %multiple_of3A_3135] : memref<32x1000000xf32, #tpu.memory_space<hbm>> -> memref<32x128xf32, #tpu.memory_space<hbm>>
        tpu.enqueue_dma source(%dma_start3A_3175 : memref<32x128xf32, #tpu.memory_space<hbm>>) target(%dma_start3A_3173 : memref<32x128xf32, #tpu.memory_space<vmem>>) target_semaphore(%arg14 : memref<!tpu.dma_semaphore, #tpu.memory_space<semaphore_mem>>)
        %dma_start3A_3176 = arith.constant 0 : i32
        %dma_start3A_3177 = arith.constant 0 : i32
        %dma_start3A_3178 = arith.constant 0 : i32
        %dma_start3A_3179 = tpu.memref_slice %arg10[%dma_start3A_3176, %dma_start3A_3177, %dma_start3A_3178] : memref<8x32x128xf32, #tpu.memory_space<vmem>> -> memref<1x32x128xf32, #tpu.memory_space<vmem>>
        %dma_start3A_3180 = tpu.memref_squeeze %dma_start3A_3179 : memref<1x32x128xf32, #tpu.memory_space<vmem>> -> memref<32x128xf32, #tpu.memory_space<vmem>>
        %dma_start3A_3181 = arith.constant 0 : i32
        %dma_start3A_3182 = tpu.memref_slice %arg5[%dma_start3A_3181, %multiple_of3A_3162] : memref<32x1000000xf32, #tpu.memory_space<hbm>> -> memref<32x128xf32, #tpu.memory_space<hbm>>
        %dma_start3A_3183 = arith.constant 0 : i32
        %dma_start3A_3184 = arith.constant 0 : i32
        %dma_start3A_3185 = tpu.memref_slice %arg10[%dma_start3A_3176, %dma_start3A_3183, %dma_start3A_3184] : memref<8x32x128xf32, #tpu.memory_space<vmem>> -> memref<1x32x128xf32, #tpu.memory_space<vmem>>
        %dma_start3A_3186 = tpu.memref_squeeze %dma_start3A_3185 : memref<1x32x128xf32, #tpu.memory_space<vmem>> -> memref<32x128xf32, #tpu.memory_space<vmem>>
        %dma_start3A_3187 = arith.constant 0 : i32
        %dma_start3A_3188 = tpu.memref_slice %arg5[%dma_start3A_3187, %multiple_of3A_3162] : memref<32x1000000xf32, #tpu.memory_space<hbm>> -> memref<32x128xf32, #tpu.memory_space<hbm>>
        tpu.enqueue_dma source(%dma_start3A_3188 : memref<32x128xf32, #tpu.memory_space<hbm>>) target(%dma_start3A_3186 : memref<32x128xf32, #tpu.memory_space<vmem>>) target_semaphore(%arg15 : memref<!tpu.dma_semaphore, #tpu.memory_space<semaphore_mem>>)
      } else {
      }
      %add3A_2290 = arith.constant 9 : i32
      %add3A_2291 = arith.addi %mul3A_679, %add3A_2290 : i32
      %dma_wait3A_2292 = arith.constant 0 : i32
      %dma_wait3A_2293 = arith.constant 0 : i32
      %dma_wait3A_2294 = arith.constant 0 : i32
      %dma_wait3A_2295 = tpu.memref_slice %arg9[%dma_wait3A_2292, %dma_wait3A_2293, %dma_wait3A_2294] : memref<8x32x128xf32, #tpu.memory_space<vmem>> -> memref<1x32x128xf32, #tpu.memory_space<vmem>>
      %dma_wait3A_2296 = tpu.memref_squeeze %dma_wait3A_2295 : memref<1x32x128xf32, #tpu.memory_space<vmem>> -> memref<32x128xf32, #tpu.memory_space<vmem>>
      %dma_wait3A_2297 = arith.constant 0 : i32
      %dma_wait3A_2298 = arith.constant 0 : i32
      %dma_wait3A_2299 = tpu.memref_slice %arg4[%dma_wait3A_2297, %dma_wait3A_2298] : memref<32x1000000xf32, #tpu.memory_space<hbm>> -> memref<32x128xf32, #tpu.memory_space<hbm>>
      %dma_wait3A_2300 = arith.constant 0 : i32
      %dma_wait3A_2301 = arith.constant 0 : i32
      %dma_wait3A_2302 = tpu.memref_slice %arg9[%dma_wait3A_2292, %dma_wait3A_2300, %dma_wait3A_2301] : memref<8x32x128xf32, #tpu.memory_space<vmem>> -> memref<1x32x128xf32, #tpu.memory_space<vmem>>
      %dma_wait3A_2303 = tpu.memref_squeeze %dma_wait3A_2302 : memref<1x32x128xf32, #tpu.memory_space<vmem>> -> memref<32x128xf32, #tpu.memory_space<vmem>>
      %dma_wait3A_2304 = arith.constant 0 : i32
      %dma_wait3A_2305 = arith.constant 0 : i32
      %dma_wait3A_2306 = tpu.memref_slice %arg4[%dma_wait3A_2304, %dma_wait3A_2305] : memref<32x1000000xf32, #tpu.memory_space<hbm>> -> memref<32x128xf32, #tpu.memory_space<hbm>>
      tpu.wait_dma2 semaphore(%arg14 : memref<!tpu.dma_semaphore, #tpu.memory_space<semaphore_mem>>) src(%dma_wait3A_2306 : memref<32x128xf32, #tpu.memory_space<hbm>>) dst(%dma_wait3A_2303 : memref<32x128xf32, #tpu.memory_space<vmem>>)
      %dma_wait3A_2307 = arith.constant 0 : i32
      %dma_wait3A_2308 = arith.constant 0 : i32
      %dma_wait3A_2309 = arith.constant 0 : i32
      %dma_wait3A_2310 = tpu.memref_slice %arg10[%dma_wait3A_2307, %dma_wait3A_2308, %dma_wait3A_2309] : memref<8x32x128xf32, #tpu.memory_space<vmem>> -> memref<1x32x128xf32, #tpu.memory_space<vmem>>
      %dma_wait3A_2311 = tpu.memref_squeeze %dma_wait3A_2310 : memref<1x32x128xf32, #tpu.memory_space<vmem>> -> memref<32x128xf32, #tpu.memory_space<vmem>>
      %dma_wait3A_2312 = arith.constant 0 : i32
      %dma_wait3A_2313 = arith.constant 0 : i32
      %dma_wait3A_2314 = tpu.memref_slice %arg5[%dma_wait3A_2312, %dma_wait3A_2313] : memref<32x1000000xf32, #tpu.memory_space<hbm>> -> memref<32x128xf32, #tpu.memory_space<hbm>>
      %dma_wait3A_2315 = arith.constant 0 : i32
      %dma_wait3A_2316 = arith.constant 0 : i32
      %dma_wait3A_2317 = tpu.memref_slice %arg10[%dma_wait3A_2307, %dma_wait3A_2315, %dma_wait3A_2316] : memref<8x32x128xf32, #tpu.memory_space<vmem>> -> memref<1x32x128xf32, #tpu.memory_space<vmem>>
      %dma_wait3A_2318 = tpu.memref_squeeze %dma_wait3A_2317 : memref<1x32x128xf32, #tpu.memory_space<vmem>> -> memref<32x128xf32, #tpu.memory_space<vmem>>
      %dma_wait3A_2319 = arith.constant 0 : i32
      %dma_wait3A_2320 = arith.constant 0 : i32
      %dma_wait3A_2321 = tpu.memref_slice %arg5[%dma_wait3A_2319, %dma_wait3A_2320] : memref<32x1000000xf32, #tpu.memory_space<hbm>> -> memref<32x128xf32, #tpu.memory_space<hbm>>
      tpu.wait_dma2 semaphore(%arg15 : memref<!tpu.dma_semaphore, #tpu.memory_space<semaphore_mem>>) src(%dma_wait3A_2321 : memref<32x128xf32, #tpu.memory_space<hbm>>) dst(%dma_wait3A_2318 : memref<32x128xf32, #tpu.memory_space<vmem>>)
      %slice3A_2322 = vector.extract_strided_slice %get3A_681 {offsets = [9], sizes = [1], strides = [1]} : vector<16xi32> to vector<1xi32>
      %squeeze3A_2323 = vector.extract %slice3A_2322[0] : i32 from vector<1xi32>
      %slice3A_2324 = vector.extract_strided_slice %get3A_683 {offsets = [9], sizes = [1], strides = [1]} : vector<16xi32> to vector<1xi32>
      %squeeze3A_2325 = vector.extract %slice3A_2324[0] : i32 from vector<1xi32>
      %jit3A_2326 = arith.constant 128 : i32
      %eq3A_2327 = arith.constant 0 : i32
      %eq3A_2328 = arith.cmpi eq, %jit3A_2326, %eq3A_2327 : i32
      %jit3A_2329 = arith.constant 1 : i32
      %select_n3A_2330 = arith.select %eq3A_2328, %jit3A_2329, %jit3A_2326 : i32
      %rem3A_2331 = arith.remsi %squeeze3A_2323, %select_n3A_2330 : i32
      %ne3A_2332 = arith.constant 0 : i32
      %ne3A_2333 = arith.cmpi ne, %rem3A_2331, %ne3A_2332 : i32
      %lt3A_2334 = arith.constant 0 : i32
      %lt3A_2335 = arith.cmpi slt, %rem3A_2331, %lt3A_2334 : i32
      %lt3A_2336 = arith.constant 0 : i32
      %lt3A_2337 = arith.cmpi slt, %select_n3A_2330, %lt3A_2336 : i32
      %ne3A_2338 = arith.xori %lt3A_2335, %lt3A_2337 : i1
      %and3A_2339 = arith.andi %ne3A_2338, %ne3A_2333 : i1
      %add3A_2340 = arith.addi %rem3A_2331, %select_n3A_2330 : i32
      %select_n3A_2341 = arith.select %and3A_2339, %add3A_2340, %rem3A_2331 : i32
      %broadcast_in_dim3A_2342 = vector.broadcast %select_n3A_2341 : i32 to vector<16xi32>
      %jit3A_2343 = arith.constant 128 : i32
      %eq3A_2344 = arith.constant 0 : i32
      %eq3A_2345 = arith.cmpi eq, %jit3A_2343, %eq3A_2344 : i32
      %jit3A_2346 = arith.constant 1 : i32
      %select_n3A_2347 = arith.select %eq3A_2345, %jit3A_2346, %jit3A_2343 : i32
      %rem3A_2348 = arith.remsi %squeeze3A_2325, %select_n3A_2347 : i32
      %ne3A_2349 = arith.constant 0 : i32
      %ne3A_2350 = arith.cmpi ne, %rem3A_2348, %ne3A_2349 : i32
      %lt3A_2351 = arith.constant 0 : i32
      %lt3A_2352 = arith.cmpi slt, %rem3A_2348, %lt3A_2351 : i32
      %lt3A_2353 = arith.constant 0 : i32
      %lt3A_2354 = arith.cmpi slt, %select_n3A_2347, %lt3A_2353 : i32
      %ne3A_2355 = arith.xori %lt3A_2352, %lt3A_2354 : i1
      %and3A_2356 = arith.andi %ne3A_2355, %ne3A_2350 : i1
      %add3A_2357 = arith.addi %rem3A_2348, %select_n3A_2347 : i32
      %select_n3A_2358 = arith.select %and3A_2356, %add3A_2357, %rem3A_2348 : i32
      %broadcast_in_dim3A_2359 = vector.broadcast %select_n3A_2358 : i32 to vector<16xi32>
      %broadcast_in_dim3A_2360 = arith.constant 1 : i32
      %broadcast_in_dim3A_2361 = vector.broadcast %broadcast_in_dim3A_2360 : i32 to vector<16xi32>
      %add3A_2362 = arith.constant 0 : i32
      %add3A_2363 = vector.broadcast %add3A_2362 : i32 to vector<16xi32>
      %add3A_2364 = arith.addi %iota3A, %add3A_2363 : vector<16xi32>
      %gather3A_2365 = tpu.vector_load_idx %arg9[%broadcast_in_dim3A_2361, %add3A_2364, %broadcast_in_dim3A_2342] : memref<8x32x128xf32, #tpu.memory_space<vmem>>[vector<16xi32>, vector<16xi32>, vector<16xi32>], vector<16xf32>,
      %gather3A_2366 = tpu.vector_load_idx %arg10[%broadcast_in_dim3A_2361, %add3A_2364, %broadcast_in_dim3A_2359] : memref<8x32x128xf32, #tpu.memory_space<vmem>>[vector<16xi32>, vector<16xi32>, vector<16xi32>], vector<16xf32>,
      %mul3A_2367 = arith.constant 512 : i32
      %mul3A_2368 = vector.broadcast %mul3A_2367 : i32 to vector<16xi32>
      %mul3A_2369 = arith.muli %add3A_2364, %mul3A_2368 : vector<16xi32>
      %add3A_2370 = vector.broadcast %add3A_2291 : i32 to vector<16xi32>
      %add3A_2371 = arith.addi %mul3A_2369, %add3A_2370 : vector<16xi32>
      tpu.vector_store_idx %arg11[%add3A_2371], %gather3A_2365 : memref<16384xf32, #tpu.memory_space<vmem>>[vector<16xi32>], vector<16xf32>,
      %mul3A_2372 = arith.constant 512 : i32
      %mul3A_2373 = vector.broadcast %mul3A_2372 : i32 to vector<16xi32>
      %mul3A_2374 = arith.muli %add3A_2364, %mul3A_2373 : vector<16xi32>
      %add3A_2375 = vector.broadcast %add3A_2291 : i32 to vector<16xi32>
      %add3A_2376 = arith.addi %mul3A_2374, %add3A_2375 : vector<16xi32>
      tpu.vector_store_idx %arg12[%add3A_2376], %gather3A_2366 : memref<16384xf32, #tpu.memory_space<vmem>>[vector<16xi32>], vector<16xf32>,
      %add3A_2377 = arith.constant 16 : i32
      %add3A_2378 = vector.broadcast %add3A_2377 : i32 to vector<16xi32>
      %add3A_2379 = arith.addi %iota3A, %add3A_2378 : vector<16xi32>
      %gather3A_2380 = tpu.vector_load_idx %arg9[%broadcast_in_dim3A_2361, %add3A_2379, %broadcast_in_dim3A_2342] : memref<8x32x128xf32, #tpu.memory_space<vmem>>[vector<16xi32>, vector<16xi32>, vector<16xi32>], vector<16xf32>,
      %gather3A_2381 = tpu.vector_load_idx %arg10[%broadcast_in_dim3A_2361, %add3A_2379, %broadcast_in_dim3A_2359] : memref<8x32x128xf32, #tpu.memory_space<vmem>>[vector<16xi32>, vector<16xi32>, vector<16xi32>], vector<16xf32>,
      %mul3A_2382 = arith.constant 512 : i32
      %mul3A_2383 = vector.broadcast %mul3A_2382 : i32 to vector<16xi32>
      %mul3A_2384 = arith.muli %add3A_2379, %mul3A_2383 : vector<16xi32>
      %add3A_2385 = vector.broadcast %add3A_2291 : i32 to vector<16xi32>
      %add3A_2386 = arith.addi %mul3A_2384, %add3A_2385 : vector<16xi32>
      tpu.vector_store_idx %arg11[%add3A_2386], %gather3A_2380 : memref<16384xf32, #tpu.memory_space<vmem>>[vector<16xi32>], vector<16xf32>,
      %mul3A_2387 = arith.constant 512 : i32
      %mul3A_2388 = vector.broadcast %mul3A_2387 : i32 to vector<16xi32>
      %mul3A_2389 = arith.muli %add3A_2379, %mul3A_2388 : vector<16xi32>
      %add3A_2390 = vector.broadcast %add3A_2291 : i32 to vector<16xi32>
      %add3A_2391 = arith.addi %mul3A_2389, %add3A_2390 : vector<16xi32>
      tpu.vector_store_idx %arg12[%add3A_2391], %gather3A_2381 : memref<16384xf32, #tpu.memory_space<vmem>>[vector<16xi32>], vector<16xf32>,
      %slice3A_2392 = vector.extract_strided_slice %get3A_681 {offsets = [9], sizes = [1], strides = [1]} : vector<16xi32> to vector<1xi32>
      %squeeze3A_2393 = vector.extract %slice3A_2392[0] : i32 from vector<1xi32>
      %slice3A_2394 = vector.extract_strided_slice %get3A_688 {offsets = [1], sizes = [1], strides = [1]} : vector<16xi32> to vector<1xi32>
      %squeeze3A_2395 = vector.extract %slice3A_2394[0] : i32 from vector<1xi32>
      %select_n3A_2396 = arith.select %eq3A_691, %squeeze3A_2393, %squeeze3A_2395 : i32
      %slice3A_2397 = vector.extract_strided_slice %get3A_683 {offsets = [9], sizes = [1], strides = [1]} : vector<16xi32> to vector<1xi32>
      %squeeze3A_2398 = vector.extract %slice3A_2397[0] : i32 from vector<1xi32>
      %slice3A_2399 = vector.extract_strided_slice %get3A_690 {offsets = [1], sizes = [1], strides = [1]} : vector<16xi32> to vector<1xi32>
      %squeeze3A_2400 = vector.extract %slice3A_2399[0] : i32 from vector<1xi32>
      %select_n3A_2401 = arith.select %eq3A_691, %squeeze3A_2398, %squeeze3A_2400 : i32
      %not3A_2402 = arith.constant true
      %not3A_2403 = arith.xori %eq3A_691, %not3A_2402 : i1
      %convert_element_type3A_2404 = arith.extui %not3A_2403 : i1 to i32
      %cond3A_2405 = arith.constant 0 : i32
      %cond3A_2406 = arith.cmpi ne, %convert_element_type3A_2404, %cond3A_2405 : i32
      scf.if %cond3A_2406 {
        %jit3A_3109 = arith.constant 128 : i32
        %div3A_3110 = arith.divsi %select_n3A_2396, %jit3A_3109 : i32
        %sign3A_3111 = arith.constant 0 : i32
        %sign3A_3112 = arith.cmpi sgt, %select_n3A_2396, %sign3A_3111 : i32
        %sign3A_3113 = arith.extui %sign3A_3112 : i1 to i32
        %sign3A_3114 = arith.constant 0 : i32
        %sign3A_3115 = arith.cmpi slt, %select_n3A_2396, %sign3A_3114 : i32
        %sign3A_3116 = arith.extui %sign3A_3115 : i1 to i32
        %sign3A_3117 = arith.subi %sign3A_3113, %sign3A_3116 : i32
        %sign3A_3118 = arith.constant 0 : i32
        %sign3A_3119 = arith.cmpi sgt, %jit3A_3109, %sign3A_3118 : i32
        %sign3A_3120 = arith.extui %sign3A_3119 : i1 to i32
        %sign3A_3121 = arith.constant 0 : i32
        %sign3A_3122 = arith.cmpi slt, %jit3A_3109, %sign3A_3121 : i32
        %sign3A_3123 = arith.extui %sign3A_3122 : i1 to i32
        %sign3A_3124 = arith.subi %sign3A_3120, %sign3A_3123 : i32
        %ne3A_3125 = arith.cmpi ne, %sign3A_3117, %sign3A_3124 : i32
        %rem3A_3126 = arith.remsi %select_n3A_2396, %jit3A_3109 : i32
        %ne3A_3127 = arith.constant 0 : i32
        %ne3A_3128 = arith.cmpi ne, %rem3A_3126, %ne3A_3127 : i32
        %and3A_3129 = arith.andi %ne3A_3125, %ne3A_3128 : i1
        %sub3A_3130 = arith.constant 1 : i32
        %sub3A_3131 = arith.subi %div3A_3110, %sub3A_3130 : i32
        %select_n3A_3132 = arith.select %and3A_3129, %sub3A_3131, %div3A_3110 : i32
        %mul3A_3133 = arith.constant 128 : i32
        %mul3A_3134 = arith.muli %select_n3A_3132, %mul3A_3133 : i32
        %multiple_of3A_3135 = tpu.assume_multiple %mul3A_3134, 128 : i32
        %jit3A_3136 = arith.constant 128 : i32
        %div3A_3137 = arith.divsi %select_n3A_2401, %jit3A_3136 : i32
        %sign3A_3138 = arith.constant 0 : i32
        %sign3A_3139 = arith.cmpi sgt, %select_n3A_2401, %sign3A_3138 : i32
        %sign3A_3140 = arith.extui %sign3A_3139 : i1 to i32
        %sign3A_3141 = arith.constant 0 : i32
        %sign3A_3142 = arith.cmpi slt, %select_n3A_2401, %sign3A_3141 : i32
        %sign3A_3143 = arith.extui %sign3A_3142 : i1 to i32
        %sign3A_3144 = arith.subi %sign3A_3140, %sign3A_3143 : i32
        %sign3A_3145 = arith.constant 0 : i32
        %sign3A_3146 = arith.cmpi sgt, %jit3A_3136, %sign3A_3145 : i32
        %sign3A_3147 = arith.extui %sign3A_3146 : i1 to i32
        %sign3A_3148 = arith.constant 0 : i32
        %sign3A_3149 = arith.cmpi slt, %jit3A_3136, %sign3A_3148 : i32
        %sign3A_3150 = arith.extui %sign3A_3149 : i1 to i32
        %sign3A_3151 = arith.subi %sign3A_3147, %sign3A_3150 : i32
        %ne3A_3152 = arith.cmpi ne, %sign3A_3144, %sign3A_3151 : i32
        %rem3A_3153 = arith.remsi %select_n3A_2401, %jit3A_3136 : i32
        %ne3A_3154 = arith.constant 0 : i32
        %ne3A_3155 = arith.cmpi ne, %rem3A_3153, %ne3A_3154 : i32
        %and3A_3156 = arith.andi %ne3A_3152, %ne3A_3155 : i1
        %sub3A_3157 = arith.constant 1 : i32
        %sub3A_3158 = arith.subi %div3A_3137, %sub3A_3157 : i32
        %select_n3A_3159 = arith.select %and3A_3156, %sub3A_3158, %div3A_3137 : i32
        %mul3A_3160 = arith.constant 128 : i32
        %mul3A_3161 = arith.muli %select_n3A_3159, %mul3A_3160 : i32
        %multiple_of3A_3162 = tpu.assume_multiple %mul3A_3161, 128 : i32
        %dma_start3A_3163 = arith.constant 1 : i32
        %dma_start3A_3164 = arith.constant 0 : i32
        %dma_start3A_3165 = arith.constant 0 : i32
        %dma_start3A_3166 = tpu.memref_slice %arg9[%dma_start3A_3163, %dma_start3A_3164, %dma_start3A_3165] : memref<8x32x128xf32, #tpu.memory_space<vmem>> -> memref<1x32x128xf32, #tpu.memory_space<vmem>>
        %dma_start3A_3167 = tpu.memref_squeeze %dma_start3A_3166 : memref<1x32x128xf32, #tpu.memory_space<vmem>> -> memref<32x128xf32, #tpu.memory_space<vmem>>
        %dma_start3A_3168 = arith.constant 0 : i32
        %dma_start3A_3169 = tpu.memref_slice %arg4[%dma_start3A_3168, %multiple_of3A_3135] : memref<32x1000000xf32, #tpu.memory_space<hbm>> -> memref<32x128xf32, #tpu.memory_space<hbm>>
        %dma_start3A_3170 = arith.constant 0 : i32
        %dma_start3A_3171 = arith.constant 0 : i32
        %dma_start3A_3172 = tpu.memref_slice %arg9[%dma_start3A_3163, %dma_start3A_3170, %dma_start3A_3171] : memref<8x32x128xf32, #tpu.memory_space<vmem>> -> memref<1x32x128xf32, #tpu.memory_space<vmem>>
        %dma_start3A_3173 = tpu.memref_squeeze %dma_start3A_3172 : memref<1x32x128xf32, #tpu.memory_space<vmem>> -> memref<32x128xf32, #tpu.memory_space<vmem>>
        %dma_start3A_3174 = arith.constant 0 : i32
        %dma_start3A_3175 = tpu.memref_slice %arg4[%dma_start3A_3174, %multiple_of3A_3135] : memref<32x1000000xf32, #tpu.memory_space<hbm>> -> memref<32x128xf32, #tpu.memory_space<hbm>>
        tpu.enqueue_dma source(%dma_start3A_3175 : memref<32x128xf32, #tpu.memory_space<hbm>>) target(%dma_start3A_3173 : memref<32x128xf32, #tpu.memory_space<vmem>>) target_semaphore(%arg14 : memref<!tpu.dma_semaphore, #tpu.memory_space<semaphore_mem>>)
        %dma_start3A_3176 = arith.constant 1 : i32
        %dma_start3A_3177 = arith.constant 0 : i32
        %dma_start3A_3178 = arith.constant 0 : i32
        %dma_start3A_3179 = tpu.memref_slice %arg10[%dma_start3A_3176, %dma_start3A_3177, %dma_start3A_3178] : memref<8x32x128xf32, #tpu.memory_space<vmem>> -> memref<1x32x128xf32, #tpu.memory_space<vmem>>
        %dma_start3A_3180 = tpu.memref_squeeze %dma_start3A_3179 : memref<1x32x128xf32, #tpu.memory_space<vmem>> -> memref<32x128xf32, #tpu.memory_space<vmem>>
        %dma_start3A_3181 = arith.constant 0 : i32
        %dma_start3A_3182 = tpu.memref_slice %arg5[%dma_start3A_3181, %multiple_of3A_3162] : memref<32x1000000xf32, #tpu.memory_space<hbm>> -> memref<32x128xf32, #tpu.memory_space<hbm>>
        %dma_start3A_3183 = arith.constant 0 : i32
        %dma_start3A_3184 = arith.constant 0 : i32
        %dma_start3A_3185 = tpu.memref_slice %arg10[%dma_start3A_3176, %dma_start3A_3183, %dma_start3A_3184] : memref<8x32x128xf32, #tpu.memory_space<vmem>> -> memref<1x32x128xf32, #tpu.memory_space<vmem>>
        %dma_start3A_3186 = tpu.memref_squeeze %dma_start3A_3185 : memref<1x32x128xf32, #tpu.memory_space<vmem>> -> memref<32x128xf32, #tpu.memory_space<vmem>>
        %dma_start3A_3187 = arith.constant 0 : i32
        %dma_start3A_3188 = tpu.memref_slice %arg5[%dma_start3A_3187, %multiple_of3A_3162] : memref<32x1000000xf32, #tpu.memory_space<hbm>> -> memref<32x128xf32, #tpu.memory_space<hbm>>
        tpu.enqueue_dma source(%dma_start3A_3188 : memref<32x128xf32, #tpu.memory_space<hbm>>) target(%dma_start3A_3186 : memref<32x128xf32, #tpu.memory_space<vmem>>) target_semaphore(%arg15 : memref<!tpu.dma_semaphore, #tpu.memory_space<semaphore_mem>>)
      } else {
      }
      %add3A_2407 = arith.constant 10 : i32
      %add3A_2408 = arith.addi %mul3A_679, %add3A_2407 : i32
      %dma_wait3A_2409 = arith.constant 0 : i32
      %dma_wait3A_2410 = arith.constant 0 : i32
      %dma_wait3A_2411 = arith.constant 0 : i32
      %dma_wait3A_2412 = tpu.memref_slice %arg9[%dma_wait3A_2409, %dma_wait3A_2410, %dma_wait3A_2411] : memref<8x32x128xf32, #tpu.memory_space<vmem>> -> memref<1x32x128xf32, #tpu.memory_space<vmem>>
      %dma_wait3A_2413 = tpu.memref_squeeze %dma_wait3A_2412 : memref<1x32x128xf32, #tpu.memory_space<vmem>> -> memref<32x128xf32, #tpu.memory_space<vmem>>
      %dma_wait3A_2414 = arith.constant 0 : i32
      %dma_wait3A_2415 = arith.constant 0 : i32
      %dma_wait3A_2416 = tpu.memref_slice %arg4[%dma_wait3A_2414, %dma_wait3A_2415] : memref<32x1000000xf32, #tpu.memory_space<hbm>> -> memref<32x128xf32, #tpu.memory_space<hbm>>
      %dma_wait3A_2417 = arith.constant 0 : i32
      %dma_wait3A_2418 = arith.constant 0 : i32
      %dma_wait3A_2419 = tpu.memref_slice %arg9[%dma_wait3A_2409, %dma_wait3A_2417, %dma_wait3A_2418] : memref<8x32x128xf32, #tpu.memory_space<vmem>> -> memref<1x32x128xf32, #tpu.memory_space<vmem>>
      %dma_wait3A_2420 = tpu.memref_squeeze %dma_wait3A_2419 : memref<1x32x128xf32, #tpu.memory_space<vmem>> -> memref<32x128xf32, #tpu.memory_space<vmem>>
      %dma_wait3A_2421 = arith.constant 0 : i32
      %dma_wait3A_2422 = arith.constant 0 : i32
      %dma_wait3A_2423 = tpu.memref_slice %arg4[%dma_wait3A_2421, %dma_wait3A_2422] : memref<32x1000000xf32, #tpu.memory_space<hbm>> -> memref<32x128xf32, #tpu.memory_space<hbm>>
      tpu.wait_dma2 semaphore(%arg14 : memref<!tpu.dma_semaphore, #tpu.memory_space<semaphore_mem>>) src(%dma_wait3A_2423 : memref<32x128xf32, #tpu.memory_space<hbm>>) dst(%dma_wait3A_2420 : memref<32x128xf32, #tpu.memory_space<vmem>>)
      %dma_wait3A_2424 = arith.constant 0 : i32
      %dma_wait3A_2425 = arith.constant 0 : i32
      %dma_wait3A_2426 = arith.constant 0 : i32
      %dma_wait3A_2427 = tpu.memref_slice %arg10[%dma_wait3A_2424, %dma_wait3A_2425, %dma_wait3A_2426] : memref<8x32x128xf32, #tpu.memory_space<vmem>> -> memref<1x32x128xf32, #tpu.memory_space<vmem>>
      %dma_wait3A_2428 = tpu.memref_squeeze %dma_wait3A_2427 : memref<1x32x128xf32, #tpu.memory_space<vmem>> -> memref<32x128xf32, #tpu.memory_space<vmem>>
      %dma_wait3A_2429 = arith.constant 0 : i32
      %dma_wait3A_2430 = arith.constant 0 : i32
      %dma_wait3A_2431 = tpu.memref_slice %arg5[%dma_wait3A_2429, %dma_wait3A_2430] : memref<32x1000000xf32, #tpu.memory_space<hbm>> -> memref<32x128xf32, #tpu.memory_space<hbm>>
      %dma_wait3A_2432 = arith.constant 0 : i32
      %dma_wait3A_2433 = arith.constant 0 : i32
      %dma_wait3A_2434 = tpu.memref_slice %arg10[%dma_wait3A_2424, %dma_wait3A_2432, %dma_wait3A_2433] : memref<8x32x128xf32, #tpu.memory_space<vmem>> -> memref<1x32x128xf32, #tpu.memory_space<vmem>>
      %dma_wait3A_2435 = tpu.memref_squeeze %dma_wait3A_2434 : memref<1x32x128xf32, #tpu.memory_space<vmem>> -> memref<32x128xf32, #tpu.memory_space<vmem>>
      %dma_wait3A_2436 = arith.constant 0 : i32
      %dma_wait3A_2437 = arith.constant 0 : i32
      %dma_wait3A_2438 = tpu.memref_slice %arg5[%dma_wait3A_2436, %dma_wait3A_2437] : memref<32x1000000xf32, #tpu.memory_space<hbm>> -> memref<32x128xf32, #tpu.memory_space<hbm>>
      tpu.wait_dma2 semaphore(%arg15 : memref<!tpu.dma_semaphore, #tpu.memory_space<semaphore_mem>>) src(%dma_wait3A_2438 : memref<32x128xf32, #tpu.memory_space<hbm>>) dst(%dma_wait3A_2435 : memref<32x128xf32, #tpu.memory_space<vmem>>)
      %slice3A_2439 = vector.extract_strided_slice %get3A_681 {offsets = [10], sizes = [1], strides = [1]} : vector<16xi32> to vector<1xi32>
      %squeeze3A_2440 = vector.extract %slice3A_2439[0] : i32 from vector<1xi32>
      %slice3A_2441 = vector.extract_strided_slice %get3A_683 {offsets = [10], sizes = [1], strides = [1]} : vector<16xi32> to vector<1xi32>
      %squeeze3A_2442 = vector.extract %slice3A_2441[0] : i32 from vector<1xi32>
      %jit3A_2443 = arith.constant 128 : i32
      %eq3A_2444 = arith.constant 0 : i32
      %eq3A_2445 = arith.cmpi eq, %jit3A_2443, %eq3A_2444 : i32
      %jit3A_2446 = arith.constant 1 : i32
      %select_n3A_2447 = arith.select %eq3A_2445, %jit3A_2446, %jit3A_2443 : i32
      %rem3A_2448 = arith.remsi %squeeze3A_2440, %select_n3A_2447 : i32
      %ne3A_2449 = arith.constant 0 : i32
      %ne3A_2450 = arith.cmpi ne, %rem3A_2448, %ne3A_2449 : i32
      %lt3A_2451 = arith.constant 0 : i32
      %lt3A_2452 = arith.cmpi slt, %rem3A_2448, %lt3A_2451 : i32
      %lt3A_2453 = arith.constant 0 : i32
      %lt3A_2454 = arith.cmpi slt, %select_n3A_2447, %lt3A_2453 : i32
      %ne3A_2455 = arith.xori %lt3A_2452, %lt3A_2454 : i1
      %and3A_2456 = arith.andi %ne3A_2455, %ne3A_2450 : i1
      %add3A_2457 = arith.addi %rem3A_2448, %select_n3A_2447 : i32
      %select_n3A_2458 = arith.select %and3A_2456, %add3A_2457, %rem3A_2448 : i32
      %broadcast_in_dim3A_2459 = vector.broadcast %select_n3A_2458 : i32 to vector<16xi32>
      %jit3A_2460 = arith.constant 128 : i32
      %eq3A_2461 = arith.constant 0 : i32
      %eq3A_2462 = arith.cmpi eq, %jit3A_2460, %eq3A_2461 : i32
      %jit3A_2463 = arith.constant 1 : i32
      %select_n3A_2464 = arith.select %eq3A_2462, %jit3A_2463, %jit3A_2460 : i32
      %rem3A_2465 = arith.remsi %squeeze3A_2442, %select_n3A_2464 : i32
      %ne3A_2466 = arith.constant 0 : i32
      %ne3A_2467 = arith.cmpi ne, %rem3A_2465, %ne3A_2466 : i32
      %lt3A_2468 = arith.constant 0 : i32
      %lt3A_2469 = arith.cmpi slt, %rem3A_2465, %lt3A_2468 : i32
      %lt3A_2470 = arith.constant 0 : i32
      %lt3A_2471 = arith.cmpi slt, %select_n3A_2464, %lt3A_2470 : i32
      %ne3A_2472 = arith.xori %lt3A_2469, %lt3A_2471 : i1
      %and3A_2473 = arith.andi %ne3A_2472, %ne3A_2467 : i1
      %add3A_2474 = arith.addi %rem3A_2465, %select_n3A_2464 : i32
      %select_n3A_2475 = arith.select %and3A_2473, %add3A_2474, %rem3A_2465 : i32
      %broadcast_in_dim3A_2476 = vector.broadcast %select_n3A_2475 : i32 to vector<16xi32>
      %broadcast_in_dim3A_2477 = arith.constant 2 : i32
      %broadcast_in_dim3A_2478 = vector.broadcast %broadcast_in_dim3A_2477 : i32 to vector<16xi32>
      %add3A_2479 = arith.constant 0 : i32
      %add3A_2480 = vector.broadcast %add3A_2479 : i32 to vector<16xi32>
      %add3A_2481 = arith.addi %iota3A, %add3A_2480 : vector<16xi32>
      %gather3A_2482 = tpu.vector_load_idx %arg9[%broadcast_in_dim3A_2478, %add3A_2481, %broadcast_in_dim3A_2459] : memref<8x32x128xf32, #tpu.memory_space<vmem>>[vector<16xi32>, vector<16xi32>, vector<16xi32>], vector<16xf32>,
      %gather3A_2483 = tpu.vector_load_idx %arg10[%broadcast_in_dim3A_2478, %add3A_2481, %broadcast_in_dim3A_2476] : memref<8x32x128xf32, #tpu.memory_space<vmem>>[vector<16xi32>, vector<16xi32>, vector<16xi32>], vector<16xf32>,
      %mul3A_2484 = arith.constant 512 : i32
      %mul3A_2485 = vector.broadcast %mul3A_2484 : i32 to vector<16xi32>
      %mul3A_2486 = arith.muli %add3A_2481, %mul3A_2485 : vector<16xi32>
      %add3A_2487 = vector.broadcast %add3A_2408 : i32 to vector<16xi32>
      %add3A_2488 = arith.addi %mul3A_2486, %add3A_2487 : vector<16xi32>
      tpu.vector_store_idx %arg11[%add3A_2488], %gather3A_2482 : memref<16384xf32, #tpu.memory_space<vmem>>[vector<16xi32>], vector<16xf32>,
      %mul3A_2489 = arith.constant 512 : i32
      %mul3A_2490 = vector.broadcast %mul3A_2489 : i32 to vector<16xi32>
      %mul3A_2491 = arith.muli %add3A_2481, %mul3A_2490 : vector<16xi32>
      %add3A_2492 = vector.broadcast %add3A_2408 : i32 to vector<16xi32>
      %add3A_2493 = arith.addi %mul3A_2491, %add3A_2492 : vector<16xi32>
      tpu.vector_store_idx %arg12[%add3A_2493], %gather3A_2483 : memref<16384xf32, #tpu.memory_space<vmem>>[vector<16xi32>], vector<16xf32>,
      %add3A_2494 = arith.constant 16 : i32
      %add3A_2495 = vector.broadcast %add3A_2494 : i32 to vector<16xi32>
      %add3A_2496 = arith.addi %iota3A, %add3A_2495 : vector<16xi32>
      %gather3A_2497 = tpu.vector_load_idx %arg9[%broadcast_in_dim3A_2478, %add3A_2496, %broadcast_in_dim3A_2459] : memref<8x32x128xf32, #tpu.memory_space<vmem>>[vector<16xi32>, vector<16xi32>, vector<16xi32>], vector<16xf32>,
      %gather3A_2498 = tpu.vector_load_idx %arg10[%broadcast_in_dim3A_2478, %add3A_2496, %broadcast_in_dim3A_2476] : memref<8x32x128xf32, #tpu.memory_space<vmem>>[vector<16xi32>, vector<16xi32>, vector<16xi32>], vector<16xf32>,
      %mul3A_2499 = arith.constant 512 : i32
      %mul3A_2500 = vector.broadcast %mul3A_2499 : i32 to vector<16xi32>
      %mul3A_2501 = arith.muli %add3A_2496, %mul3A_2500 : vector<16xi32>
      %add3A_2502 = vector.broadcast %add3A_2408 : i32 to vector<16xi32>
      %add3A_2503 = arith.addi %mul3A_2501, %add3A_2502 : vector<16xi32>
      tpu.vector_store_idx %arg11[%add3A_2503], %gather3A_2497 : memref<16384xf32, #tpu.memory_space<vmem>>[vector<16xi32>], vector<16xf32>,
      %mul3A_2504 = arith.constant 512 : i32
      %mul3A_2505 = vector.broadcast %mul3A_2504 : i32 to vector<16xi32>
      %mul3A_2506 = arith.muli %add3A_2496, %mul3A_2505 : vector<16xi32>
      %add3A_2507 = vector.broadcast %add3A_2408 : i32 to vector<16xi32>
      %add3A_2508 = arith.addi %mul3A_2506, %add3A_2507 : vector<16xi32>
      tpu.vector_store_idx %arg12[%add3A_2508], %gather3A_2498 : memref<16384xf32, #tpu.memory_space<vmem>>[vector<16xi32>], vector<16xf32>,
      %slice3A_2509 = vector.extract_strided_slice %get3A_681 {offsets = [10], sizes = [1], strides = [1]} : vector<16xi32> to vector<1xi32>
      %squeeze3A_2510 = vector.extract %slice3A_2509[0] : i32 from vector<1xi32>
      %slice3A_2511 = vector.extract_strided_slice %get3A_688 {offsets = [2], sizes = [1], strides = [1]} : vector<16xi32> to vector<1xi32>
      %squeeze3A_2512 = vector.extract %slice3A_2511[0] : i32 from vector<1xi32>
      %select_n3A_2513 = arith.select %eq3A_691, %squeeze3A_2510, %squeeze3A_2512 : i32
      %slice3A_2514 = vector.extract_strided_slice %get3A_683 {offsets = [10], sizes = [1], strides = [1]} : vector<16xi32> to vector<1xi32>
      %squeeze3A_2515 = vector.extract %slice3A_2514[0] : i32 from vector<1xi32>
      %slice3A_2516 = vector.extract_strided_slice %get3A_690 {offsets = [2], sizes = [1], strides = [1]} : vector<16xi32> to vector<1xi32>
      %squeeze3A_2517 = vector.extract %slice3A_2516[0] : i32 from vector<1xi32>
      %select_n3A_2518 = arith.select %eq3A_691, %squeeze3A_2515, %squeeze3A_2517 : i32
      %not3A_2519 = arith.constant true
      %not3A_2520 = arith.xori %eq3A_691, %not3A_2519 : i1
      %convert_element_type3A_2521 = arith.extui %not3A_2520 : i1 to i32
      %cond3A_2522 = arith.constant 0 : i32
      %cond3A_2523 = arith.cmpi ne, %convert_element_type3A_2521, %cond3A_2522 : i32
      scf.if %cond3A_2523 {
        %jit3A_3109 = arith.constant 128 : i32
        %div3A_3110 = arith.divsi %select_n3A_2513, %jit3A_3109 : i32
        %sign3A_3111 = arith.constant 0 : i32
        %sign3A_3112 = arith.cmpi sgt, %select_n3A_2513, %sign3A_3111 : i32
        %sign3A_3113 = arith.extui %sign3A_3112 : i1 to i32
        %sign3A_3114 = arith.constant 0 : i32
        %sign3A_3115 = arith.cmpi slt, %select_n3A_2513, %sign3A_3114 : i32
        %sign3A_3116 = arith.extui %sign3A_3115 : i1 to i32
        %sign3A_3117 = arith.subi %sign3A_3113, %sign3A_3116 : i32
        %sign3A_3118 = arith.constant 0 : i32
        %sign3A_3119 = arith.cmpi sgt, %jit3A_3109, %sign3A_3118 : i32
        %sign3A_3120 = arith.extui %sign3A_3119 : i1 to i32
        %sign3A_3121 = arith.constant 0 : i32
        %sign3A_3122 = arith.cmpi slt, %jit3A_3109, %sign3A_3121 : i32
        %sign3A_3123 = arith.extui %sign3A_3122 : i1 to i32
        %sign3A_3124 = arith.subi %sign3A_3120, %sign3A_3123 : i32
        %ne3A_3125 = arith.cmpi ne, %sign3A_3117, %sign3A_3124 : i32
        %rem3A_3126 = arith.remsi %select_n3A_2513, %jit3A_3109 : i32
        %ne3A_3127 = arith.constant 0 : i32
        %ne3A_3128 = arith.cmpi ne, %rem3A_3126, %ne3A_3127 : i32
        %and3A_3129 = arith.andi %ne3A_3125, %ne3A_3128 : i1
        %sub3A_3130 = arith.constant 1 : i32
        %sub3A_3131 = arith.subi %div3A_3110, %sub3A_3130 : i32
        %select_n3A_3132 = arith.select %and3A_3129, %sub3A_3131, %div3A_3110 : i32
        %mul3A_3133 = arith.constant 128 : i32
        %mul3A_3134 = arith.muli %select_n3A_3132, %mul3A_3133 : i32
        %multiple_of3A_3135 = tpu.assume_multiple %mul3A_3134, 128 : i32
        %jit3A_3136 = arith.constant 128 : i32
        %div3A_3137 = arith.divsi %select_n3A_2518, %jit3A_3136 : i32
        %sign3A_3138 = arith.constant 0 : i32
        %sign3A_3139 = arith.cmpi sgt, %select_n3A_2518, %sign3A_3138 : i32
        %sign3A_3140 = arith.extui %sign3A_3139 : i1 to i32
        %sign3A_3141 = arith.constant 0 : i32
        %sign3A_3142 = arith.cmpi slt, %select_n3A_2518, %sign3A_3141 : i32
        %sign3A_3143 = arith.extui %sign3A_3142 : i1 to i32
        %sign3A_3144 = arith.subi %sign3A_3140, %sign3A_3143 : i32
        %sign3A_3145 = arith.constant 0 : i32
        %sign3A_3146 = arith.cmpi sgt, %jit3A_3136, %sign3A_3145 : i32
        %sign3A_3147 = arith.extui %sign3A_3146 : i1 to i32
        %sign3A_3148 = arith.constant 0 : i32
        %sign3A_3149 = arith.cmpi slt, %jit3A_3136, %sign3A_3148 : i32
        %sign3A_3150 = arith.extui %sign3A_3149 : i1 to i32
        %sign3A_3151 = arith.subi %sign3A_3147, %sign3A_3150 : i32
        %ne3A_3152 = arith.cmpi ne, %sign3A_3144, %sign3A_3151 : i32
        %rem3A_3153 = arith.remsi %select_n3A_2518, %jit3A_3136 : i32
        %ne3A_3154 = arith.constant 0 : i32
        %ne3A_3155 = arith.cmpi ne, %rem3A_3153, %ne3A_3154 : i32
        %and3A_3156 = arith.andi %ne3A_3152, %ne3A_3155 : i1
        %sub3A_3157 = arith.constant 1 : i32
        %sub3A_3158 = arith.subi %div3A_3137, %sub3A_3157 : i32
        %select_n3A_3159 = arith.select %and3A_3156, %sub3A_3158, %div3A_3137 : i32
        %mul3A_3160 = arith.constant 128 : i32
        %mul3A_3161 = arith.muli %select_n3A_3159, %mul3A_3160 : i32
        %multiple_of3A_3162 = tpu.assume_multiple %mul3A_3161, 128 : i32
        %dma_start3A_3163 = arith.constant 2 : i32
        %dma_start3A_3164 = arith.constant 0 : i32
        %dma_start3A_3165 = arith.constant 0 : i32
        %dma_start3A_3166 = tpu.memref_slice %arg9[%dma_start3A_3163, %dma_start3A_3164, %dma_start3A_3165] : memref<8x32x128xf32, #tpu.memory_space<vmem>> -> memref<1x32x128xf32, #tpu.memory_space<vmem>>
        %dma_start3A_3167 = tpu.memref_squeeze %dma_start3A_3166 : memref<1x32x128xf32, #tpu.memory_space<vmem>> -> memref<32x128xf32, #tpu.memory_space<vmem>>
        %dma_start3A_3168 = arith.constant 0 : i32
        %dma_start3A_3169 = tpu.memref_slice %arg4[%dma_start3A_3168, %multiple_of3A_3135] : memref<32x1000000xf32, #tpu.memory_space<hbm>> -> memref<32x128xf32, #tpu.memory_space<hbm>>
        %dma_start3A_3170 = arith.constant 0 : i32
        %dma_start3A_3171 = arith.constant 0 : i32
        %dma_start3A_3172 = tpu.memref_slice %arg9[%dma_start3A_3163, %dma_start3A_3170, %dma_start3A_3171] : memref<8x32x128xf32, #tpu.memory_space<vmem>> -> memref<1x32x128xf32, #tpu.memory_space<vmem>>
        %dma_start3A_3173 = tpu.memref_squeeze %dma_start3A_3172 : memref<1x32x128xf32, #tpu.memory_space<vmem>> -> memref<32x128xf32, #tpu.memory_space<vmem>>
        %dma_start3A_3174 = arith.constant 0 : i32
        %dma_start3A_3175 = tpu.memref_slice %arg4[%dma_start3A_3174, %multiple_of3A_3135] : memref<32x1000000xf32, #tpu.memory_space<hbm>> -> memref<32x128xf32, #tpu.memory_space<hbm>>
        tpu.enqueue_dma source(%dma_start3A_3175 : memref<32x128xf32, #tpu.memory_space<hbm>>) target(%dma_start3A_3173 : memref<32x128xf32, #tpu.memory_space<vmem>>) target_semaphore(%arg14 : memref<!tpu.dma_semaphore, #tpu.memory_space<semaphore_mem>>)
        %dma_start3A_3176 = arith.constant 2 : i32
        %dma_start3A_3177 = arith.constant 0 : i32
        %dma_start3A_3178 = arith.constant 0 : i32
        %dma_start3A_3179 = tpu.memref_slice %arg10[%dma_start3A_3176, %dma_start3A_3177, %dma_start3A_3178] : memref<8x32x128xf32, #tpu.memory_space<vmem>> -> memref<1x32x128xf32, #tpu.memory_space<vmem>>
        %dma_start3A_3180 = tpu.memref_squeeze %dma_start3A_3179 : memref<1x32x128xf32, #tpu.memory_space<vmem>> -> memref<32x128xf32, #tpu.memory_space<vmem>>
        %dma_start3A_3181 = arith.constant 0 : i32
        %dma_start3A_3182 = tpu.memref_slice %arg5[%dma_start3A_3181, %multiple_of3A_3162] : memref<32x1000000xf32, #tpu.memory_space<hbm>> -> memref<32x128xf32, #tpu.memory_space<hbm>>
        %dma_start3A_3183 = arith.constant 0 : i32
        %dma_start3A_3184 = arith.constant 0 : i32
        %dma_start3A_3185 = tpu.memref_slice %arg10[%dma_start3A_3176, %dma_start3A_3183, %dma_start3A_3184] : memref<8x32x128xf32, #tpu.memory_space<vmem>> -> memref<1x32x128xf32, #tpu.memory_space<vmem>>
        %dma_start3A_3186 = tpu.memref_squeeze %dma_start3A_3185 : memref<1x32x128xf32, #tpu.memory_space<vmem>> -> memref<32x128xf32, #tpu.memory_space<vmem>>
        %dma_start3A_3187 = arith.constant 0 : i32
        %dma_start3A_3188 = tpu.memref_slice %arg5[%dma_start3A_3187, %multiple_of3A_3162] : memref<32x1000000xf32, #tpu.memory_space<hbm>> -> memref<32x128xf32, #tpu.memory_space<hbm>>
        tpu.enqueue_dma source(%dma_start3A_3188 : memref<32x128xf32, #tpu.memory_space<hbm>>) target(%dma_start3A_3186 : memref<32x128xf32, #tpu.memory_space<vmem>>) target_semaphore(%arg15 : memref<!tpu.dma_semaphore, #tpu.memory_space<semaphore_mem>>)
      } else {
      }
      %add3A_2524 = arith.constant 11 : i32
      %add3A_2525 = arith.addi %mul3A_679, %add3A_2524 : i32
      %dma_wait3A_2526 = arith.constant 0 : i32
      %dma_wait3A_2527 = arith.constant 0 : i32
      %dma_wait3A_2528 = arith.constant 0 : i32
      %dma_wait3A_2529 = tpu.memref_slice %arg9[%dma_wait3A_2526, %dma_wait3A_2527, %dma_wait3A_2528] : memref<8x32x128xf32, #tpu.memory_space<vmem>> -> memref<1x32x128xf32, #tpu.memory_space<vmem>>
      %dma_wait3A_2530 = tpu.memref_squeeze %dma_wait3A_2529 : memref<1x32x128xf32, #tpu.memory_space<vmem>> -> memref<32x128xf32, #tpu.memory_space<vmem>>
      %dma_wait3A_2531 = arith.constant 0 : i32
      %dma_wait3A_2532 = arith.constant 0 : i32
      %dma_wait3A_2533 = tpu.memref_slice %arg4[%dma_wait3A_2531, %dma_wait3A_2532] : memref<32x1000000xf32, #tpu.memory_space<hbm>> -> memref<32x128xf32, #tpu.memory_space<hbm>>
      %dma_wait3A_2534 = arith.constant 0 : i32
      %dma_wait3A_2535 = arith.constant 0 : i32
      %dma_wait3A_2536 = tpu.memref_slice %arg9[%dma_wait3A_2526, %dma_wait3A_2534, %dma_wait3A_2535] : memref<8x32x128xf32, #tpu.memory_space<vmem>> -> memref<1x32x128xf32, #tpu.memory_space<vmem>>
      %dma_wait3A_2537 = tpu.memref_squeeze %dma_wait3A_2536 : memref<1x32x128xf32, #tpu.memory_space<vmem>> -> memref<32x128xf32, #tpu.memory_space<vmem>>
      %dma_wait3A_2538 = arith.constant 0 : i32
      %dma_wait3A_2539 = arith.constant 0 : i32
      %dma_wait3A_2540 = tpu.memref_slice %arg4[%dma_wait3A_2538, %dma_wait3A_2539] : memref<32x1000000xf32, #tpu.memory_space<hbm>> -> memref<32x128xf32, #tpu.memory_space<hbm>>
      tpu.wait_dma2 semaphore(%arg14 : memref<!tpu.dma_semaphore, #tpu.memory_space<semaphore_mem>>) src(%dma_wait3A_2540 : memref<32x128xf32, #tpu.memory_space<hbm>>) dst(%dma_wait3A_2537 : memref<32x128xf32, #tpu.memory_space<vmem>>)
      %dma_wait3A_2541 = arith.constant 0 : i32
      %dma_wait3A_2542 = arith.constant 0 : i32
      %dma_wait3A_2543 = arith.constant 0 : i32
      %dma_wait3A_2544 = tpu.memref_slice %arg10[%dma_wait3A_2541, %dma_wait3A_2542, %dma_wait3A_2543] : memref<8x32x128xf32, #tpu.memory_space<vmem>> -> memref<1x32x128xf32, #tpu.memory_space<vmem>>
      %dma_wait3A_2545 = tpu.memref_squeeze %dma_wait3A_2544 : memref<1x32x128xf32, #tpu.memory_space<vmem>> -> memref<32x128xf32, #tpu.memory_space<vmem>>
      %dma_wait3A_2546 = arith.constant 0 : i32
      %dma_wait3A_2547 = arith.constant 0 : i32
      %dma_wait3A_2548 = tpu.memref_slice %arg5[%dma_wait3A_2546, %dma_wait3A_2547] : memref<32x1000000xf32, #tpu.memory_space<hbm>> -> memref<32x128xf32, #tpu.memory_space<hbm>>
      %dma_wait3A_2549 = arith.constant 0 : i32
      %dma_wait3A_2550 = arith.constant 0 : i32
      %dma_wait3A_2551 = tpu.memref_slice %arg10[%dma_wait3A_2541, %dma_wait3A_2549, %dma_wait3A_2550] : memref<8x32x128xf32, #tpu.memory_space<vmem>> -> memref<1x32x128xf32, #tpu.memory_space<vmem>>
      %dma_wait3A_2552 = tpu.memref_squeeze %dma_wait3A_2551 : memref<1x32x128xf32, #tpu.memory_space<vmem>> -> memref<32x128xf32, #tpu.memory_space<vmem>>
      %dma_wait3A_2553 = arith.constant 0 : i32
      %dma_wait3A_2554 = arith.constant 0 : i32
      %dma_wait3A_2555 = tpu.memref_slice %arg5[%dma_wait3A_2553, %dma_wait3A_2554] : memref<32x1000000xf32, #tpu.memory_space<hbm>> -> memref<32x128xf32, #tpu.memory_space<hbm>>
      tpu.wait_dma2 semaphore(%arg15 : memref<!tpu.dma_semaphore, #tpu.memory_space<semaphore_mem>>) src(%dma_wait3A_2555 : memref<32x128xf32, #tpu.memory_space<hbm>>) dst(%dma_wait3A_2552 : memref<32x128xf32, #tpu.memory_space<vmem>>)
      %slice3A_2556 = vector.extract_strided_slice %get3A_681 {offsets = [11], sizes = [1], strides = [1]} : vector<16xi32> to vector<1xi32>
      %squeeze3A_2557 = vector.extract %slice3A_2556[0] : i32 from vector<1xi32>
      %slice3A_2558 = vector.extract_strided_slice %get3A_683 {offsets = [11], sizes = [1], strides = [1]} : vector<16xi32> to vector<1xi32>
      %squeeze3A_2559 = vector.extract %slice3A_2558[0] : i32 from vector<1xi32>
      %jit3A_2560 = arith.constant 128 : i32
      %eq3A_2561 = arith.constant 0 : i32
      %eq3A_2562 = arith.cmpi eq, %jit3A_2560, %eq3A_2561 : i32
      %jit3A_2563 = arith.constant 1 : i32
      %select_n3A_2564 = arith.select %eq3A_2562, %jit3A_2563, %jit3A_2560 : i32
      %rem3A_2565 = arith.remsi %squeeze3A_2557, %select_n3A_2564 : i32
      %ne3A_2566 = arith.constant 0 : i32
      %ne3A_2567 = arith.cmpi ne, %rem3A_2565, %ne3A_2566 : i32
      %lt3A_2568 = arith.constant 0 : i32
      %lt3A_2569 = arith.cmpi slt, %rem3A_2565, %lt3A_2568 : i32
      %lt3A_2570 = arith.constant 0 : i32
      %lt3A_2571 = arith.cmpi slt, %select_n3A_2564, %lt3A_2570 : i32
      %ne3A_2572 = arith.xori %lt3A_2569, %lt3A_2571 : i1
      %and3A_2573 = arith.andi %ne3A_2572, %ne3A_2567 : i1
      %add3A_2574 = arith.addi %rem3A_2565, %select_n3A_2564 : i32
      %select_n3A_2575 = arith.select %and3A_2573, %add3A_2574, %rem3A_2565 : i32
      %broadcast_in_dim3A_2576 = vector.broadcast %select_n3A_2575 : i32 to vector<16xi32>
      %jit3A_2577 = arith.constant 128 : i32
      %eq3A_2578 = arith.constant 0 : i32
      %eq3A_2579 = arith.cmpi eq, %jit3A_2577, %eq3A_2578 : i32
      %jit3A_2580 = arith.constant 1 : i32
      %select_n3A_2581 = arith.select %eq3A_2579, %jit3A_2580, %jit3A_2577 : i32
      %rem3A_2582 = arith.remsi %squeeze3A_2559, %select_n3A_2581 : i32
      %ne3A_2583 = arith.constant 0 : i32
      %ne3A_2584 = arith.cmpi ne, %rem3A_2582, %ne3A_2583 : i32
      %lt3A_2585 = arith.constant 0 : i32
      %lt3A_2586 = arith.cmpi slt, %rem3A_2582, %lt3A_2585 : i32
      %lt3A_2587 = arith.constant 0 : i32
      %lt3A_2588 = arith.cmpi slt, %select_n3A_2581, %lt3A_2587 : i32
      %ne3A_2589 = arith.xori %lt3A_2586, %lt3A_2588 : i1
      %and3A_2590 = arith.andi %ne3A_2589, %ne3A_2584 : i1
      %add3A_2591 = arith.addi %rem3A_2582, %select_n3A_2581 : i32
      %select_n3A_2592 = arith.select %and3A_2590, %add3A_2591, %rem3A_2582 : i32
      %broadcast_in_dim3A_2593 = vector.broadcast %select_n3A_2592 : i32 to vector<16xi32>
      %broadcast_in_dim3A_2594 = arith.constant 3 : i32
      %broadcast_in_dim3A_2595 = vector.broadcast %broadcast_in_dim3A_2594 : i32 to vector<16xi32>
      %add3A_2596 = arith.constant 0 : i32
      %add3A_2597 = vector.broadcast %add3A_2596 : i32 to vector<16xi32>
      %add3A_2598 = arith.addi %iota3A, %add3A_2597 : vector<16xi32>
      %gather3A_2599 = tpu.vector_load_idx %arg9[%broadcast_in_dim3A_2595, %add3A_2598, %broadcast_in_dim3A_2576] : memref<8x32x128xf32, #tpu.memory_space<vmem>>[vector<16xi32>, vector<16xi32>, vector<16xi32>], vector<16xf32>,
      %gather3A_2600 = tpu.vector_load_idx %arg10[%broadcast_in_dim3A_2595, %add3A_2598, %broadcast_in_dim3A_2593] : memref<8x32x128xf32, #tpu.memory_space<vmem>>[vector<16xi32>, vector<16xi32>, vector<16xi32>], vector<16xf32>,
      %mul3A_2601 = arith.constant 512 : i32
      %mul3A_2602 = vector.broadcast %mul3A_2601 : i32 to vector<16xi32>
      %mul3A_2603 = arith.muli %add3A_2598, %mul3A_2602 : vector<16xi32>
      %add3A_2604 = vector.broadcast %add3A_2525 : i32 to vector<16xi32>
      %add3A_2605 = arith.addi %mul3A_2603, %add3A_2604 : vector<16xi32>
      tpu.vector_store_idx %arg11[%add3A_2605], %gather3A_2599 : memref<16384xf32, #tpu.memory_space<vmem>>[vector<16xi32>], vector<16xf32>,
      %mul3A_2606 = arith.constant 512 : i32
      %mul3A_2607 = vector.broadcast %mul3A_2606 : i32 to vector<16xi32>
      %mul3A_2608 = arith.muli %add3A_2598, %mul3A_2607 : vector<16xi32>
      %add3A_2609 = vector.broadcast %add3A_2525 : i32 to vector<16xi32>
      %add3A_2610 = arith.addi %mul3A_2608, %add3A_2609 : vector<16xi32>
      tpu.vector_store_idx %arg12[%add3A_2610], %gather3A_2600 : memref<16384xf32, #tpu.memory_space<vmem>>[vector<16xi32>], vector<16xf32>,
      %add3A_2611 = arith.constant 16 : i32
      %add3A_2612 = vector.broadcast %add3A_2611 : i32 to vector<16xi32>
      %add3A_2613 = arith.addi %iota3A, %add3A_2612 : vector<16xi32>
      %gather3A_2614 = tpu.vector_load_idx %arg9[%broadcast_in_dim3A_2595, %add3A_2613, %broadcast_in_dim3A_2576] : memref<8x32x128xf32, #tpu.memory_space<vmem>>[vector<16xi32>, vector<16xi32>, vector<16xi32>], vector<16xf32>,
      %gather3A_2615 = tpu.vector_load_idx %arg10[%broadcast_in_dim3A_2595, %add3A_2613, %broadcast_in_dim3A_2593] : memref<8x32x128xf32, #tpu.memory_space<vmem>>[vector<16xi32>, vector<16xi32>, vector<16xi32>], vector<16xf32>,
      %mul3A_2616 = arith.constant 512 : i32
      %mul3A_2617 = vector.broadcast %mul3A_2616 : i32 to vector<16xi32>
      %mul3A_2618 = arith.muli %add3A_2613, %mul3A_2617 : vector<16xi32>
      %add3A_2619 = vector.broadcast %add3A_2525 : i32 to vector<16xi32>
      %add3A_2620 = arith.addi %mul3A_2618, %add3A_2619 : vector<16xi32>
      tpu.vector_store_idx %arg11[%add3A_2620], %gather3A_2614 : memref<16384xf32, #tpu.memory_space<vmem>>[vector<16xi32>], vector<16xf32>,
      %mul3A_2621 = arith.constant 512 : i32
      %mul3A_2622 = vector.broadcast %mul3A_2621 : i32 to vector<16xi32>
      %mul3A_2623 = arith.muli %add3A_2613, %mul3A_2622 : vector<16xi32>
      %add3A_2624 = vector.broadcast %add3A_2525 : i32 to vector<16xi32>
      %add3A_2625 = arith.addi %mul3A_2623, %add3A_2624 : vector<16xi32>
      tpu.vector_store_idx %arg12[%add3A_2625], %gather3A_2615 : memref<16384xf32, #tpu.memory_space<vmem>>[vector<16xi32>], vector<16xf32>,
      %slice3A_2626 = vector.extract_strided_slice %get3A_681 {offsets = [11], sizes = [1], strides = [1]} : vector<16xi32> to vector<1xi32>
      %squeeze3A_2627 = vector.extract %slice3A_2626[0] : i32 from vector<1xi32>
      %slice3A_2628 = vector.extract_strided_slice %get3A_688 {offsets = [3], sizes = [1], strides = [1]} : vector<16xi32> to vector<1xi32>
      %squeeze3A_2629 = vector.extract %slice3A_2628[0] : i32 from vector<1xi32>
      %select_n3A_2630 = arith.select %eq3A_691, %squeeze3A_2627, %squeeze3A_2629 : i32
      %slice3A_2631 = vector.extract_strided_slice %get3A_683 {offsets = [11], sizes = [1], strides = [1]} : vector<16xi32> to vector<1xi32>
      %squeeze3A_2632 = vector.extract %slice3A_2631[0] : i32 from vector<1xi32>
      %slice3A_2633 = vector.extract_strided_slice %get3A_690 {offsets = [3], sizes = [1], strides = [1]} : vector<16xi32> to vector<1xi32>
      %squeeze3A_2634 = vector.extract %slice3A_2633[0] : i32 from vector<1xi32>
      %select_n3A_2635 = arith.select %eq3A_691, %squeeze3A_2632, %squeeze3A_2634 : i32
      %not3A_2636 = arith.constant true
      %not3A_2637 = arith.xori %eq3A_691, %not3A_2636 : i1
      %convert_element_type3A_2638 = arith.extui %not3A_2637 : i1 to i32
      %cond3A_2639 = arith.constant 0 : i32
      %cond3A_2640 = arith.cmpi ne, %convert_element_type3A_2638, %cond3A_2639 : i32
      scf.if %cond3A_2640 {
        %jit3A_3109 = arith.constant 128 : i32
        %div3A_3110 = arith.divsi %select_n3A_2630, %jit3A_3109 : i32
        %sign3A_3111 = arith.constant 0 : i32
        %sign3A_3112 = arith.cmpi sgt, %select_n3A_2630, %sign3A_3111 : i32
        %sign3A_3113 = arith.extui %sign3A_3112 : i1 to i32
        %sign3A_3114 = arith.constant 0 : i32
        %sign3A_3115 = arith.cmpi slt, %select_n3A_2630, %sign3A_3114 : i32
        %sign3A_3116 = arith.extui %sign3A_3115 : i1 to i32
        %sign3A_3117 = arith.subi %sign3A_3113, %sign3A_3116 : i32
        %sign3A_3118 = arith.constant 0 : i32
        %sign3A_3119 = arith.cmpi sgt, %jit3A_3109, %sign3A_3118 : i32
        %sign3A_3120 = arith.extui %sign3A_3119 : i1 to i32
        %sign3A_3121 = arith.constant 0 : i32
        %sign3A_3122 = arith.cmpi slt, %jit3A_3109, %sign3A_3121 : i32
        %sign3A_3123 = arith.extui %sign3A_3122 : i1 to i32
        %sign3A_3124 = arith.subi %sign3A_3120, %sign3A_3123 : i32
        %ne3A_3125 = arith.cmpi ne, %sign3A_3117, %sign3A_3124 : i32
        %rem3A_3126 = arith.remsi %select_n3A_2630, %jit3A_3109 : i32
        %ne3A_3127 = arith.constant 0 : i32
        %ne3A_3128 = arith.cmpi ne, %rem3A_3126, %ne3A_3127 : i32
        %and3A_3129 = arith.andi %ne3A_3125, %ne3A_3128 : i1
        %sub3A_3130 = arith.constant 1 : i32
        %sub3A_3131 = arith.subi %div3A_3110, %sub3A_3130 : i32
        %select_n3A_3132 = arith.select %and3A_3129, %sub3A_3131, %div3A_3110 : i32
        %mul3A_3133 = arith.constant 128 : i32
        %mul3A_3134 = arith.muli %select_n3A_3132, %mul3A_3133 : i32
        %multiple_of3A_3135 = tpu.assume_multiple %mul3A_3134, 128 : i32
        %jit3A_3136 = arith.constant 128 : i32
        %div3A_3137 = arith.divsi %select_n3A_2635, %jit3A_3136 : i32
        %sign3A_3138 = arith.constant 0 : i32
        %sign3A_3139 = arith.cmpi sgt, %select_n3A_2635, %sign3A_3138 : i32
        %sign3A_3140 = arith.extui %sign3A_3139 : i1 to i32
        %sign3A_3141 = arith.constant 0 : i32
        %sign3A_3142 = arith.cmpi slt, %select_n3A_2635, %sign3A_3141 : i32
        %sign3A_3143 = arith.extui %sign3A_3142 : i1 to i32
        %sign3A_3144 = arith.subi %sign3A_3140, %sign3A_3143 : i32
        %sign3A_3145 = arith.constant 0 : i32
        %sign3A_3146 = arith.cmpi sgt, %jit3A_3136, %sign3A_3145 : i32
        %sign3A_3147 = arith.extui %sign3A_3146 : i1 to i32
        %sign3A_3148 = arith.constant 0 : i32
        %sign3A_3149 = arith.cmpi slt, %jit3A_3136, %sign3A_3148 : i32
        %sign3A_3150 = arith.extui %sign3A_3149 : i1 to i32
        %sign3A_3151 = arith.subi %sign3A_3147, %sign3A_3150 : i32
        %ne3A_3152 = arith.cmpi ne, %sign3A_3144, %sign3A_3151 : i32
        %rem3A_3153 = arith.remsi %select_n3A_2635, %jit3A_3136 : i32
        %ne3A_3154 = arith.constant 0 : i32
        %ne3A_3155 = arith.cmpi ne, %rem3A_3153, %ne3A_3154 : i32
        %and3A_3156 = arith.andi %ne3A_3152, %ne3A_3155 : i1
        %sub3A_3157 = arith.constant 1 : i32
        %sub3A_3158 = arith.subi %div3A_3137, %sub3A_3157 : i32
        %select_n3A_3159 = arith.select %and3A_3156, %sub3A_3158, %div3A_3137 : i32
        %mul3A_3160 = arith.constant 128 : i32
        %mul3A_3161 = arith.muli %select_n3A_3159, %mul3A_3160 : i32
        %multiple_of3A_3162 = tpu.assume_multiple %mul3A_3161, 128 : i32
        %dma_start3A_3163 = arith.constant 3 : i32
        %dma_start3A_3164 = arith.constant 0 : i32
        %dma_start3A_3165 = arith.constant 0 : i32
        %dma_start3A_3166 = tpu.memref_slice %arg9[%dma_start3A_3163, %dma_start3A_3164, %dma_start3A_3165] : memref<8x32x128xf32, #tpu.memory_space<vmem>> -> memref<1x32x128xf32, #tpu.memory_space<vmem>>
        %dma_start3A_3167 = tpu.memref_squeeze %dma_start3A_3166 : memref<1x32x128xf32, #tpu.memory_space<vmem>> -> memref<32x128xf32, #tpu.memory_space<vmem>>
        %dma_start3A_3168 = arith.constant 0 : i32
        %dma_start3A_3169 = tpu.memref_slice %arg4[%dma_start3A_3168, %multiple_of3A_3135] : memref<32x1000000xf32, #tpu.memory_space<hbm>> -> memref<32x128xf32, #tpu.memory_space<hbm>>
        %dma_start3A_3170 = arith.constant 0 : i32
        %dma_start3A_3171 = arith.constant 0 : i32
        %dma_start3A_3172 = tpu.memref_slice %arg9[%dma_start3A_3163, %dma_start3A_3170, %dma_start3A_3171] : memref<8x32x128xf32, #tpu.memory_space<vmem>> -> memref<1x32x128xf32, #tpu.memory_space<vmem>>
        %dma_start3A_3173 = tpu.memref_squeeze %dma_start3A_3172 : memref<1x32x128xf32, #tpu.memory_space<vmem>> -> memref<32x128xf32, #tpu.memory_space<vmem>>
        %dma_start3A_3174 = arith.constant 0 : i32
        %dma_start3A_3175 = tpu.memref_slice %arg4[%dma_start3A_3174, %multiple_of3A_3135] : memref<32x1000000xf32, #tpu.memory_space<hbm>> -> memref<32x128xf32, #tpu.memory_space<hbm>>
        tpu.enqueue_dma source(%dma_start3A_3175 : memref<32x128xf32, #tpu.memory_space<hbm>>) target(%dma_start3A_3173 : memref<32x128xf32, #tpu.memory_space<vmem>>) target_semaphore(%arg14 : memref<!tpu.dma_semaphore, #tpu.memory_space<semaphore_mem>>)
        %dma_start3A_3176 = arith.constant 3 : i32
        %dma_start3A_3177 = arith.constant 0 : i32
        %dma_start3A_3178 = arith.constant 0 : i32
        %dma_start3A_3179 = tpu.memref_slice %arg10[%dma_start3A_3176, %dma_start3A_3177, %dma_start3A_3178] : memref<8x32x128xf32, #tpu.memory_space<vmem>> -> memref<1x32x128xf32, #tpu.memory_space<vmem>>
        %dma_start3A_3180 = tpu.memref_squeeze %dma_start3A_3179 : memref<1x32x128xf32, #tpu.memory_space<vmem>> -> memref<32x128xf32, #tpu.memory_space<vmem>>
        %dma_start3A_3181 = arith.constant 0 : i32
        %dma_start3A_3182 = tpu.memref_slice %arg5[%dma_start3A_3181, %multiple_of3A_3162] : memref<32x1000000xf32, #tpu.memory_space<hbm>> -> memref<32x128xf32, #tpu.memory_space<hbm>>
        %dma_start3A_3183 = arith.constant 0 : i32
        %dma_start3A_3184 = arith.constant 0 : i32
        %dma_start3A_3185 = tpu.memref_slice %arg10[%dma_start3A_3176, %dma_start3A_3183, %dma_start3A_3184] : memref<8x32x128xf32, #tpu.memory_space<vmem>> -> memref<1x32x128xf32, #tpu.memory_space<vmem>>
        %dma_start3A_3186 = tpu.memref_squeeze %dma_start3A_3185 : memref<1x32x128xf32, #tpu.memory_space<vmem>> -> memref<32x128xf32, #tpu.memory_space<vmem>>
        %dma_start3A_3187 = arith.constant 0 : i32
        %dma_start3A_3188 = tpu.memref_slice %arg5[%dma_start3A_3187, %multiple_of3A_3162] : memref<32x1000000xf32, #tpu.memory_space<hbm>> -> memref<32x128xf32, #tpu.memory_space<hbm>>
        tpu.enqueue_dma source(%dma_start3A_3188 : memref<32x128xf32, #tpu.memory_space<hbm>>) target(%dma_start3A_3186 : memref<32x128xf32, #tpu.memory_space<vmem>>) target_semaphore(%arg15 : memref<!tpu.dma_semaphore, #tpu.memory_space<semaphore_mem>>)
      } else {
      }
      %add3A_2641 = arith.constant 12 : i32
      %add3A_2642 = arith.addi %mul3A_679, %add3A_2641 : i32
      %dma_wait3A_2643 = arith.constant 0 : i32
      %dma_wait3A_2644 = arith.constant 0 : i32
      %dma_wait3A_2645 = arith.constant 0 : i32
      %dma_wait3A_2646 = tpu.memref_slice %arg9[%dma_wait3A_2643, %dma_wait3A_2644, %dma_wait3A_2645] : memref<8x32x128xf32, #tpu.memory_space<vmem>> -> memref<1x32x128xf32, #tpu.memory_space<vmem>>
      %dma_wait3A_2647 = tpu.memref_squeeze %dma_wait3A_2646 : memref<1x32x128xf32, #tpu.memory_space<vmem>> -> memref<32x128xf32, #tpu.memory_space<vmem>>
      %dma_wait3A_2648 = arith.constant 0 : i32
      %dma_wait3A_2649 = arith.constant 0 : i32
      %dma_wait3A_2650 = tpu.memref_slice %arg4[%dma_wait3A_2648, %dma_wait3A_2649] : memref<32x1000000xf32, #tpu.memory_space<hbm>> -> memref<32x128xf32, #tpu.memory_space<hbm>>
      %dma_wait3A_2651 = arith.constant 0 : i32
      %dma_wait3A_2652 = arith.constant 0 : i32
      %dma_wait3A_2653 = tpu.memref_slice %arg9[%dma_wait3A_2643, %dma_wait3A_2651, %dma_wait3A_2652] : memref<8x32x128xf32, #tpu.memory_space<vmem>> -> memref<1x32x128xf32, #tpu.memory_space<vmem>>
      %dma_wait3A_2654 = tpu.memref_squeeze %dma_wait3A_2653 : memref<1x32x128xf32, #tpu.memory_space<vmem>> -> memref<32x128xf32, #tpu.memory_space<vmem>>
      %dma_wait3A_2655 = arith.constant 0 : i32
      %dma_wait3A_2656 = arith.constant 0 : i32
      %dma_wait3A_2657 = tpu.memref_slice %arg4[%dma_wait3A_2655, %dma_wait3A_2656] : memref<32x1000000xf32, #tpu.memory_space<hbm>> -> memref<32x128xf32, #tpu.memory_space<hbm>>
      tpu.wait_dma2 semaphore(%arg14 : memref<!tpu.dma_semaphore, #tpu.memory_space<semaphore_mem>>) src(%dma_wait3A_2657 : memref<32x128xf32, #tpu.memory_space<hbm>>) dst(%dma_wait3A_2654 : memref<32x128xf32, #tpu.memory_space<vmem>>)
      %dma_wait3A_2658 = arith.constant 0 : i32
      %dma_wait3A_2659 = arith.constant 0 : i32
      %dma_wait3A_2660 = arith.constant 0 : i32
      %dma_wait3A_2661 = tpu.memref_slice %arg10[%dma_wait3A_2658, %dma_wait3A_2659, %dma_wait3A_2660] : memref<8x32x128xf32, #tpu.memory_space<vmem>> -> memref<1x32x128xf32, #tpu.memory_space<vmem>>
      %dma_wait3A_2662 = tpu.memref_squeeze %dma_wait3A_2661 : memref<1x32x128xf32, #tpu.memory_space<vmem>> -> memref<32x128xf32, #tpu.memory_space<vmem>>
      %dma_wait3A_2663 = arith.constant 0 : i32
      %dma_wait3A_2664 = arith.constant 0 : i32
      %dma_wait3A_2665 = tpu.memref_slice %arg5[%dma_wait3A_2663, %dma_wait3A_2664] : memref<32x1000000xf32, #tpu.memory_space<hbm>> -> memref<32x128xf32, #tpu.memory_space<hbm>>
      %dma_wait3A_2666 = arith.constant 0 : i32
      %dma_wait3A_2667 = arith.constant 0 : i32
      %dma_wait3A_2668 = tpu.memref_slice %arg10[%dma_wait3A_2658, %dma_wait3A_2666, %dma_wait3A_2667] : memref<8x32x128xf32, #tpu.memory_space<vmem>> -> memref<1x32x128xf32, #tpu.memory_space<vmem>>
      %dma_wait3A_2669 = tpu.memref_squeeze %dma_wait3A_2668 : memref<1x32x128xf32, #tpu.memory_space<vmem>> -> memref<32x128xf32, #tpu.memory_space<vmem>>
      %dma_wait3A_2670 = arith.constant 0 : i32
      %dma_wait3A_2671 = arith.constant 0 : i32
      %dma_wait3A_2672 = tpu.memref_slice %arg5[%dma_wait3A_2670, %dma_wait3A_2671] : memref<32x1000000xf32, #tpu.memory_space<hbm>> -> memref<32x128xf32, #tpu.memory_space<hbm>>
      tpu.wait_dma2 semaphore(%arg15 : memref<!tpu.dma_semaphore, #tpu.memory_space<semaphore_mem>>) src(%dma_wait3A_2672 : memref<32x128xf32, #tpu.memory_space<hbm>>) dst(%dma_wait3A_2669 : memref<32x128xf32, #tpu.memory_space<vmem>>)
      %slice3A_2673 = vector.extract_strided_slice %get3A_681 {offsets = [12], sizes = [1], strides = [1]} : vector<16xi32> to vector<1xi32>
      %squeeze3A_2674 = vector.extract %slice3A_2673[0] : i32 from vector<1xi32>
      %slice3A_2675 = vector.extract_strided_slice %get3A_683 {offsets = [12], sizes = [1], strides = [1]} : vector<16xi32> to vector<1xi32>
      %squeeze3A_2676 = vector.extract %slice3A_2675[0] : i32 from vector<1xi32>
      %jit3A_2677 = arith.constant 128 : i32
      %eq3A_2678 = arith.constant 0 : i32
      %eq3A_2679 = arith.cmpi eq, %jit3A_2677, %eq3A_2678 : i32
      %jit3A_2680 = arith.constant 1 : i32
      %select_n3A_2681 = arith.select %eq3A_2679, %jit3A_2680, %jit3A_2677 : i32
      %rem3A_2682 = arith.remsi %squeeze3A_2674, %select_n3A_2681 : i32
      %ne3A_2683 = arith.constant 0 : i32
      %ne3A_2684 = arith.cmpi ne, %rem3A_2682, %ne3A_2683 : i32
      %lt3A_2685 = arith.constant 0 : i32
      %lt3A_2686 = arith.cmpi slt, %rem3A_2682, %lt3A_2685 : i32
      %lt3A_2687 = arith.constant 0 : i32
      %lt3A_2688 = arith.cmpi slt, %select_n3A_2681, %lt3A_2687 : i32
      %ne3A_2689 = arith.xori %lt3A_2686, %lt3A_2688 : i1
      %and3A_2690 = arith.andi %ne3A_2689, %ne3A_2684 : i1
      %add3A_2691 = arith.addi %rem3A_2682, %select_n3A_2681 : i32
      %select_n3A_2692 = arith.select %and3A_2690, %add3A_2691, %rem3A_2682 : i32
      %broadcast_in_dim3A_2693 = vector.broadcast %select_n3A_2692 : i32 to vector<16xi32>
      %jit3A_2694 = arith.constant 128 : i32
      %eq3A_2695 = arith.constant 0 : i32
      %eq3A_2696 = arith.cmpi eq, %jit3A_2694, %eq3A_2695 : i32
      %jit3A_2697 = arith.constant 1 : i32
      %select_n3A_2698 = arith.select %eq3A_2696, %jit3A_2697, %jit3A_2694 : i32
      %rem3A_2699 = arith.remsi %squeeze3A_2676, %select_n3A_2698 : i32
      %ne3A_2700 = arith.constant 0 : i32
      %ne3A_2701 = arith.cmpi ne, %rem3A_2699, %ne3A_2700 : i32
      %lt3A_2702 = arith.constant 0 : i32
      %lt3A_2703 = arith.cmpi slt, %rem3A_2699, %lt3A_2702 : i32
      %lt3A_2704 = arith.constant 0 : i32
      %lt3A_2705 = arith.cmpi slt, %select_n3A_2698, %lt3A_2704 : i32
      %ne3A_2706 = arith.xori %lt3A_2703, %lt3A_2705 : i1
      %and3A_2707 = arith.andi %ne3A_2706, %ne3A_2701 : i1
      %add3A_2708 = arith.addi %rem3A_2699, %select_n3A_2698 : i32
      %select_n3A_2709 = arith.select %and3A_2707, %add3A_2708, %rem3A_2699 : i32
      %broadcast_in_dim3A_2710 = vector.broadcast %select_n3A_2709 : i32 to vector<16xi32>
      %broadcast_in_dim3A_2711 = arith.constant 4 : i32
      %broadcast_in_dim3A_2712 = vector.broadcast %broadcast_in_dim3A_2711 : i32 to vector<16xi32>
      %add3A_2713 = arith.constant 0 : i32
      %add3A_2714 = vector.broadcast %add3A_2713 : i32 to vector<16xi32>
      %add3A_2715 = arith.addi %iota3A, %add3A_2714 : vector<16xi32>
      %gather3A_2716 = tpu.vector_load_idx %arg9[%broadcast_in_dim3A_2712, %add3A_2715, %broadcast_in_dim3A_2693] : memref<8x32x128xf32, #tpu.memory_space<vmem>>[vector<16xi32>, vector<16xi32>, vector<16xi32>], vector<16xf32>,
      %gather3A_2717 = tpu.vector_load_idx %arg10[%broadcast_in_dim3A_2712, %add3A_2715, %broadcast_in_dim3A_2710] : memref<8x32x128xf32, #tpu.memory_space<vmem>>[vector<16xi32>, vector<16xi32>, vector<16xi32>], vector<16xf32>,
      %mul3A_2718 = arith.constant 512 : i32
      %mul3A_2719 = vector.broadcast %mul3A_2718 : i32 to vector<16xi32>
      %mul3A_2720 = arith.muli %add3A_2715, %mul3A_2719 : vector<16xi32>
      %add3A_2721 = vector.broadcast %add3A_2642 : i32 to vector<16xi32>
      %add3A_2722 = arith.addi %mul3A_2720, %add3A_2721 : vector<16xi32>
      tpu.vector_store_idx %arg11[%add3A_2722], %gather3A_2716 : memref<16384xf32, #tpu.memory_space<vmem>>[vector<16xi32>], vector<16xf32>,
      %mul3A_2723 = arith.constant 512 : i32
      %mul3A_2724 = vector.broadcast %mul3A_2723 : i32 to vector<16xi32>
      %mul3A_2725 = arith.muli %add3A_2715, %mul3A_2724 : vector<16xi32>
      %add3A_2726 = vector.broadcast %add3A_2642 : i32 to vector<16xi32>
      %add3A_2727 = arith.addi %mul3A_2725, %add3A_2726 : vector<16xi32>
      tpu.vector_store_idx %arg12[%add3A_2727], %gather3A_2717 : memref<16384xf32, #tpu.memory_space<vmem>>[vector<16xi32>], vector<16xf32>,
      %add3A_2728 = arith.constant 16 : i32
      %add3A_2729 = vector.broadcast %add3A_2728 : i32 to vector<16xi32>
      %add3A_2730 = arith.addi %iota3A, %add3A_2729 : vector<16xi32>
      %gather3A_2731 = tpu.vector_load_idx %arg9[%broadcast_in_dim3A_2712, %add3A_2730, %broadcast_in_dim3A_2693] : memref<8x32x128xf32, #tpu.memory_space<vmem>>[vector<16xi32>, vector<16xi32>, vector<16xi32>], vector<16xf32>,
      %gather3A_2732 = tpu.vector_load_idx %arg10[%broadcast_in_dim3A_2712, %add3A_2730, %broadcast_in_dim3A_2710] : memref<8x32x128xf32, #tpu.memory_space<vmem>>[vector<16xi32>, vector<16xi32>, vector<16xi32>], vector<16xf32>,
      %mul3A_2733 = arith.constant 512 : i32
      %mul3A_2734 = vector.broadcast %mul3A_2733 : i32 to vector<16xi32>
      %mul3A_2735 = arith.muli %add3A_2730, %mul3A_2734 : vector<16xi32>
      %add3A_2736 = vector.broadcast %add3A_2642 : i32 to vector<16xi32>
      %add3A_2737 = arith.addi %mul3A_2735, %add3A_2736 : vector<16xi32>
      tpu.vector_store_idx %arg11[%add3A_2737], %gather3A_2731 : memref<16384xf32, #tpu.memory_space<vmem>>[vector<16xi32>], vector<16xf32>,
      %mul3A_2738 = arith.constant 512 : i32
      %mul3A_2739 = vector.broadcast %mul3A_2738 : i32 to vector<16xi32>
      %mul3A_2740 = arith.muli %add3A_2730, %mul3A_2739 : vector<16xi32>
      %add3A_2741 = vector.broadcast %add3A_2642 : i32 to vector<16xi32>
      %add3A_2742 = arith.addi %mul3A_2740, %add3A_2741 : vector<16xi32>
      tpu.vector_store_idx %arg12[%add3A_2742], %gather3A_2732 : memref<16384xf32, #tpu.memory_space<vmem>>[vector<16xi32>], vector<16xf32>,
      %slice3A_2743 = vector.extract_strided_slice %get3A_681 {offsets = [12], sizes = [1], strides = [1]} : vector<16xi32> to vector<1xi32>
      %squeeze3A_2744 = vector.extract %slice3A_2743[0] : i32 from vector<1xi32>
      %slice3A_2745 = vector.extract_strided_slice %get3A_688 {offsets = [4], sizes = [1], strides = [1]} : vector<16xi32> to vector<1xi32>
      %squeeze3A_2746 = vector.extract %slice3A_2745[0] : i32 from vector<1xi32>
      %select_n3A_2747 = arith.select %eq3A_691, %squeeze3A_2744, %squeeze3A_2746 : i32
      %slice3A_2748 = vector.extract_strided_slice %get3A_683 {offsets = [12], sizes = [1], strides = [1]} : vector<16xi32> to vector<1xi32>
      %squeeze3A_2749 = vector.extract %slice3A_2748[0] : i32 from vector<1xi32>
      %slice3A_2750 = vector.extract_strided_slice %get3A_690 {offsets = [4], sizes = [1], strides = [1]} : vector<16xi32> to vector<1xi32>
      %squeeze3A_2751 = vector.extract %slice3A_2750[0] : i32 from vector<1xi32>
      %select_n3A_2752 = arith.select %eq3A_691, %squeeze3A_2749, %squeeze3A_2751 : i32
      %not3A_2753 = arith.constant true
      %not3A_2754 = arith.xori %eq3A_691, %not3A_2753 : i1
      %convert_element_type3A_2755 = arith.extui %not3A_2754 : i1 to i32
      %cond3A_2756 = arith.constant 0 : i32
      %cond3A_2757 = arith.cmpi ne, %convert_element_type3A_2755, %cond3A_2756 : i32
      scf.if %cond3A_2757 {
        %jit3A_3109 = arith.constant 128 : i32
        %div3A_3110 = arith.divsi %select_n3A_2747, %jit3A_3109 : i32
        %sign3A_3111 = arith.constant 0 : i32
        %sign3A_3112 = arith.cmpi sgt, %select_n3A_2747, %sign3A_3111 : i32
        %sign3A_3113 = arith.extui %sign3A_3112 : i1 to i32
        %sign3A_3114 = arith.constant 0 : i32
        %sign3A_3115 = arith.cmpi slt, %select_n3A_2747, %sign3A_3114 : i32
        %sign3A_3116 = arith.extui %sign3A_3115 : i1 to i32
        %sign3A_3117 = arith.subi %sign3A_3113, %sign3A_3116 : i32
        %sign3A_3118 = arith.constant 0 : i32
        %sign3A_3119 = arith.cmpi sgt, %jit3A_3109, %sign3A_3118 : i32
        %sign3A_3120 = arith.extui %sign3A_3119 : i1 to i32
        %sign3A_3121 = arith.constant 0 : i32
        %sign3A_3122 = arith.cmpi slt, %jit3A_3109, %sign3A_3121 : i32
        %sign3A_3123 = arith.extui %sign3A_3122 : i1 to i32
        %sign3A_3124 = arith.subi %sign3A_3120, %sign3A_3123 : i32
        %ne3A_3125 = arith.cmpi ne, %sign3A_3117, %sign3A_3124 : i32
        %rem3A_3126 = arith.remsi %select_n3A_2747, %jit3A_3109 : i32
        %ne3A_3127 = arith.constant 0 : i32
        %ne3A_3128 = arith.cmpi ne, %rem3A_3126, %ne3A_3127 : i32
        %and3A_3129 = arith.andi %ne3A_3125, %ne3A_3128 : i1
        %sub3A_3130 = arith.constant 1 : i32
        %sub3A_3131 = arith.subi %div3A_3110, %sub3A_3130 : i32
        %select_n3A_3132 = arith.select %and3A_3129, %sub3A_3131, %div3A_3110 : i32
        %mul3A_3133 = arith.constant 128 : i32
        %mul3A_3134 = arith.muli %select_n3A_3132, %mul3A_3133 : i32
        %multiple_of3A_3135 = tpu.assume_multiple %mul3A_3134, 128 : i32
        %jit3A_3136 = arith.constant 128 : i32
        %div3A_3137 = arith.divsi %select_n3A_2752, %jit3A_3136 : i32
        %sign3A_3138 = arith.constant 0 : i32
        %sign3A_3139 = arith.cmpi sgt, %select_n3A_2752, %sign3A_3138 : i32
        %sign3A_3140 = arith.extui %sign3A_3139 : i1 to i32
        %sign3A_3141 = arith.constant 0 : i32
        %sign3A_3142 = arith.cmpi slt, %select_n3A_2752, %sign3A_3141 : i32
        %sign3A_3143 = arith.extui %sign3A_3142 : i1 to i32
        %sign3A_3144 = arith.subi %sign3A_3140, %sign3A_3143 : i32
        %sign3A_3145 = arith.constant 0 : i32
        %sign3A_3146 = arith.cmpi sgt, %jit3A_3136, %sign3A_3145 : i32
        %sign3A_3147 = arith.extui %sign3A_3146 : i1 to i32
        %sign3A_3148 = arith.constant 0 : i32
        %sign3A_3149 = arith.cmpi slt, %jit3A_3136, %sign3A_3148 : i32
        %sign3A_3150 = arith.extui %sign3A_3149 : i1 to i32
        %sign3A_3151 = arith.subi %sign3A_3147, %sign3A_3150 : i32
        %ne3A_3152 = arith.cmpi ne, %sign3A_3144, %sign3A_3151 : i32
        %rem3A_3153 = arith.remsi %select_n3A_2752, %jit3A_3136 : i32
        %ne3A_3154 = arith.constant 0 : i32
        %ne3A_3155 = arith.cmpi ne, %rem3A_3153, %ne3A_3154 : i32
        %and3A_3156 = arith.andi %ne3A_3152, %ne3A_3155 : i1
        %sub3A_3157 = arith.constant 1 : i32
        %sub3A_3158 = arith.subi %div3A_3137, %sub3A_3157 : i32
        %select_n3A_3159 = arith.select %and3A_3156, %sub3A_3158, %div3A_3137 : i32
        %mul3A_3160 = arith.constant 128 : i32
        %mul3A_3161 = arith.muli %select_n3A_3159, %mul3A_3160 : i32
        %multiple_of3A_3162 = tpu.assume_multiple %mul3A_3161, 128 : i32
        %dma_start3A_3163 = arith.constant 4 : i32
        %dma_start3A_3164 = arith.constant 0 : i32
        %dma_start3A_3165 = arith.constant 0 : i32
        %dma_start3A_3166 = tpu.memref_slice %arg9[%dma_start3A_3163, %dma_start3A_3164, %dma_start3A_3165] : memref<8x32x128xf32, #tpu.memory_space<vmem>> -> memref<1x32x128xf32, #tpu.memory_space<vmem>>
        %dma_start3A_3167 = tpu.memref_squeeze %dma_start3A_3166 : memref<1x32x128xf32, #tpu.memory_space<vmem>> -> memref<32x128xf32, #tpu.memory_space<vmem>>
        %dma_start3A_3168 = arith.constant 0 : i32
        %dma_start3A_3169 = tpu.memref_slice %arg4[%dma_start3A_3168, %multiple_of3A_3135] : memref<32x1000000xf32, #tpu.memory_space<hbm>> -> memref<32x128xf32, #tpu.memory_space<hbm>>
        %dma_start3A_3170 = arith.constant 0 : i32
        %dma_start3A_3171 = arith.constant 0 : i32
        %dma_start3A_3172 = tpu.memref_slice %arg9[%dma_start3A_3163, %dma_start3A_3170, %dma_start3A_3171] : memref<8x32x128xf32, #tpu.memory_space<vmem>> -> memref<1x32x128xf32, #tpu.memory_space<vmem>>
        %dma_start3A_3173 = tpu.memref_squeeze %dma_start3A_3172 : memref<1x32x128xf32, #tpu.memory_space<vmem>> -> memref<32x128xf32, #tpu.memory_space<vmem>>
        %dma_start3A_3174 = arith.constant 0 : i32
        %dma_start3A_3175 = tpu.memref_slice %arg4[%dma_start3A_3174, %multiple_of3A_3135] : memref<32x1000000xf32, #tpu.memory_space<hbm>> -> memref<32x128xf32, #tpu.memory_space<hbm>>
        tpu.enqueue_dma source(%dma_start3A_3175 : memref<32x128xf32, #tpu.memory_space<hbm>>) target(%dma_start3A_3173 : memref<32x128xf32, #tpu.memory_space<vmem>>) target_semaphore(%arg14 : memref<!tpu.dma_semaphore, #tpu.memory_space<semaphore_mem>>)
        %dma_start3A_3176 = arith.constant 4 : i32
        %dma_start3A_3177 = arith.constant 0 : i32
        %dma_start3A_3178 = arith.constant 0 : i32
        %dma_start3A_3179 = tpu.memref_slice %arg10[%dma_start3A_3176, %dma_start3A_3177, %dma_start3A_3178] : memref<8x32x128xf32, #tpu.memory_space<vmem>> -> memref<1x32x128xf32, #tpu.memory_space<vmem>>
        %dma_start3A_3180 = tpu.memref_squeeze %dma_start3A_3179 : memref<1x32x128xf32, #tpu.memory_space<vmem>> -> memref<32x128xf32, #tpu.memory_space<vmem>>
        %dma_start3A_3181 = arith.constant 0 : i32
        %dma_start3A_3182 = tpu.memref_slice %arg5[%dma_start3A_3181, %multiple_of3A_3162] : memref<32x1000000xf32, #tpu.memory_space<hbm>> -> memref<32x128xf32, #tpu.memory_space<hbm>>
        %dma_start3A_3183 = arith.constant 0 : i32
        %dma_start3A_3184 = arith.constant 0 : i32
        %dma_start3A_3185 = tpu.memref_slice %arg10[%dma_start3A_3176, %dma_start3A_3183, %dma_start3A_3184] : memref<8x32x128xf32, #tpu.memory_space<vmem>> -> memref<1x32x128xf32, #tpu.memory_space<vmem>>
        %dma_start3A_3186 = tpu.memref_squeeze %dma_start3A_3185 : memref<1x32x128xf32, #tpu.memory_space<vmem>> -> memref<32x128xf32, #tpu.memory_space<vmem>>
        %dma_start3A_3187 = arith.constant 0 : i32
        %dma_start3A_3188 = tpu.memref_slice %arg5[%dma_start3A_3187, %multiple_of3A_3162] : memref<32x1000000xf32, #tpu.memory_space<hbm>> -> memref<32x128xf32, #tpu.memory_space<hbm>>
        tpu.enqueue_dma source(%dma_start3A_3188 : memref<32x128xf32, #tpu.memory_space<hbm>>) target(%dma_start3A_3186 : memref<32x128xf32, #tpu.memory_space<vmem>>) target_semaphore(%arg15 : memref<!tpu.dma_semaphore, #tpu.memory_space<semaphore_mem>>)
      } else {
      }
      %add3A_2758 = arith.constant 13 : i32
      %add3A_2759 = arith.addi %mul3A_679, %add3A_2758 : i32
      %dma_wait3A_2760 = arith.constant 0 : i32
      %dma_wait3A_2761 = arith.constant 0 : i32
      %dma_wait3A_2762 = arith.constant 0 : i32
      %dma_wait3A_2763 = tpu.memref_slice %arg9[%dma_wait3A_2760, %dma_wait3A_2761, %dma_wait3A_2762] : memref<8x32x128xf32, #tpu.memory_space<vmem>> -> memref<1x32x128xf32, #tpu.memory_space<vmem>>
      %dma_wait3A_2764 = tpu.memref_squeeze %dma_wait3A_2763 : memref<1x32x128xf32, #tpu.memory_space<vmem>> -> memref<32x128xf32, #tpu.memory_space<vmem>>
      %dma_wait3A_2765 = arith.constant 0 : i32
      %dma_wait3A_2766 = arith.constant 0 : i32
      %dma_wait3A_2767 = tpu.memref_slice %arg4[%dma_wait3A_2765, %dma_wait3A_2766] : memref<32x1000000xf32, #tpu.memory_space<hbm>> -> memref<32x128xf32, #tpu.memory_space<hbm>>
      %dma_wait3A_2768 = arith.constant 0 : i32
      %dma_wait3A_2769 = arith.constant 0 : i32
      %dma_wait3A_2770 = tpu.memref_slice %arg9[%dma_wait3A_2760, %dma_wait3A_2768, %dma_wait3A_2769] : memref<8x32x128xf32, #tpu.memory_space<vmem>> -> memref<1x32x128xf32, #tpu.memory_space<vmem>>
      %dma_wait3A_2771 = tpu.memref_squeeze %dma_wait3A_2770 : memref<1x32x128xf32, #tpu.memory_space<vmem>> -> memref<32x128xf32, #tpu.memory_space<vmem>>
      %dma_wait3A_2772 = arith.constant 0 : i32
      %dma_wait3A_2773 = arith.constant 0 : i32
      %dma_wait3A_2774 = tpu.memref_slice %arg4[%dma_wait3A_2772, %dma_wait3A_2773] : memref<32x1000000xf32, #tpu.memory_space<hbm>> -> memref<32x128xf32, #tpu.memory_space<hbm>>
      tpu.wait_dma2 semaphore(%arg14 : memref<!tpu.dma_semaphore, #tpu.memory_space<semaphore_mem>>) src(%dma_wait3A_2774 : memref<32x128xf32, #tpu.memory_space<hbm>>) dst(%dma_wait3A_2771 : memref<32x128xf32, #tpu.memory_space<vmem>>)
      %dma_wait3A_2775 = arith.constant 0 : i32
      %dma_wait3A_2776 = arith.constant 0 : i32
      %dma_wait3A_2777 = arith.constant 0 : i32
      %dma_wait3A_2778 = tpu.memref_slice %arg10[%dma_wait3A_2775, %dma_wait3A_2776, %dma_wait3A_2777] : memref<8x32x128xf32, #tpu.memory_space<vmem>> -> memref<1x32x128xf32, #tpu.memory_space<vmem>>
      %dma_wait3A_2779 = tpu.memref_squeeze %dma_wait3A_2778 : memref<1x32x128xf32, #tpu.memory_space<vmem>> -> memref<32x128xf32, #tpu.memory_space<vmem>>
      %dma_wait3A_2780 = arith.constant 0 : i32
      %dma_wait3A_2781 = arith.constant 0 : i32
      %dma_wait3A_2782 = tpu.memref_slice %arg5[%dma_wait3A_2780, %dma_wait3A_2781] : memref<32x1000000xf32, #tpu.memory_space<hbm>> -> memref<32x128xf32, #tpu.memory_space<hbm>>
      %dma_wait3A_2783 = arith.constant 0 : i32
      %dma_wait3A_2784 = arith.constant 0 : i32
      %dma_wait3A_2785 = tpu.memref_slice %arg10[%dma_wait3A_2775, %dma_wait3A_2783, %dma_wait3A_2784] : memref<8x32x128xf32, #tpu.memory_space<vmem>> -> memref<1x32x128xf32, #tpu.memory_space<vmem>>
      %dma_wait3A_2786 = tpu.memref_squeeze %dma_wait3A_2785 : memref<1x32x128xf32, #tpu.memory_space<vmem>> -> memref<32x128xf32, #tpu.memory_space<vmem>>
      %dma_wait3A_2787 = arith.constant 0 : i32
      %dma_wait3A_2788 = arith.constant 0 : i32
      %dma_wait3A_2789 = tpu.memref_slice %arg5[%dma_wait3A_2787, %dma_wait3A_2788] : memref<32x1000000xf32, #tpu.memory_space<hbm>> -> memref<32x128xf32, #tpu.memory_space<hbm>>
      tpu.wait_dma2 semaphore(%arg15 : memref<!tpu.dma_semaphore, #tpu.memory_space<semaphore_mem>>) src(%dma_wait3A_2789 : memref<32x128xf32, #tpu.memory_space<hbm>>) dst(%dma_wait3A_2786 : memref<32x128xf32, #tpu.memory_space<vmem>>)
      %slice3A_2790 = vector.extract_strided_slice %get3A_681 {offsets = [13], sizes = [1], strides = [1]} : vector<16xi32> to vector<1xi32>
      %squeeze3A_2791 = vector.extract %slice3A_2790[0] : i32 from vector<1xi32>
      %slice3A_2792 = vector.extract_strided_slice %get3A_683 {offsets = [13], sizes = [1], strides = [1]} : vector<16xi32> to vector<1xi32>
      %squeeze3A_2793 = vector.extract %slice3A_2792[0] : i32 from vector<1xi32>
      %jit3A_2794 = arith.constant 128 : i32
      %eq3A_2795 = arith.constant 0 : i32
      %eq3A_2796 = arith.cmpi eq, %jit3A_2794, %eq3A_2795 : i32
      %jit3A_2797 = arith.constant 1 : i32
      %select_n3A_2798 = arith.select %eq3A_2796, %jit3A_2797, %jit3A_2794 : i32
      %rem3A_2799 = arith.remsi %squeeze3A_2791, %select_n3A_2798 : i32
      %ne3A_2800 = arith.constant 0 : i32
      %ne3A_2801 = arith.cmpi ne, %rem3A_2799, %ne3A_2800 : i32
      %lt3A_2802 = arith.constant 0 : i32
      %lt3A_2803 = arith.cmpi slt, %rem3A_2799, %lt3A_2802 : i32
      %lt3A_2804 = arith.constant 0 : i32
      %lt3A_2805 = arith.cmpi slt, %select_n3A_2798, %lt3A_2804 : i32
      %ne3A_2806 = arith.xori %lt3A_2803, %lt3A_2805 : i1
      %and3A_2807 = arith.andi %ne3A_2806, %ne3A_2801 : i1
      %add3A_2808 = arith.addi %rem3A_2799, %select_n3A_2798 : i32
      %select_n3A_2809 = arith.select %and3A_2807, %add3A_2808, %rem3A_2799 : i32
      %broadcast_in_dim3A_2810 = vector.broadcast %select_n3A_2809 : i32 to vector<16xi32>
      %jit3A_2811 = arith.constant 128 : i32
      %eq3A_2812 = arith.constant 0 : i32
      %eq3A_2813 = arith.cmpi eq, %jit3A_2811, %eq3A_2812 : i32
      %jit3A_2814 = arith.constant 1 : i32
      %select_n3A_2815 = arith.select %eq3A_2813, %jit3A_2814, %jit3A_2811 : i32
      %rem3A_2816 = arith.remsi %squeeze3A_2793, %select_n3A_2815 : i32
      %ne3A_2817 = arith.constant 0 : i32
      %ne3A_2818 = arith.cmpi ne, %rem3A_2816, %ne3A_2817 : i32
      %lt3A_2819 = arith.constant 0 : i32
      %lt3A_2820 = arith.cmpi slt, %rem3A_2816, %lt3A_2819 : i32
      %lt3A_2821 = arith.constant 0 : i32
      %lt3A_2822 = arith.cmpi slt, %select_n3A_2815, %lt3A_2821 : i32
      %ne3A_2823 = arith.xori %lt3A_2820, %lt3A_2822 : i1
      %and3A_2824 = arith.andi %ne3A_2823, %ne3A_2818 : i1
      %add3A_2825 = arith.addi %rem3A_2816, %select_n3A_2815 : i32
      %select_n3A_2826 = arith.select %and3A_2824, %add3A_2825, %rem3A_2816 : i32
      %broadcast_in_dim3A_2827 = vector.broadcast %select_n3A_2826 : i32 to vector<16xi32>
      %broadcast_in_dim3A_2828 = arith.constant 5 : i32
      %broadcast_in_dim3A_2829 = vector.broadcast %broadcast_in_dim3A_2828 : i32 to vector<16xi32>
      %add3A_2830 = arith.constant 0 : i32
      %add3A_2831 = vector.broadcast %add3A_2830 : i32 to vector<16xi32>
      %add3A_2832 = arith.addi %iota3A, %add3A_2831 : vector<16xi32>
      %gather3A_2833 = tpu.vector_load_idx %arg9[%broadcast_in_dim3A_2829, %add3A_2832, %broadcast_in_dim3A_2810] : memref<8x32x128xf32, #tpu.memory_space<vmem>>[vector<16xi32>, vector<16xi32>, vector<16xi32>], vector<16xf32>,
      %gather3A_2834 = tpu.vector_load_idx %arg10[%broadcast_in_dim3A_2829, %add3A_2832, %broadcast_in_dim3A_2827] : memref<8x32x128xf32, #tpu.memory_space<vmem>>[vector<16xi32>, vector<16xi32>, vector<16xi32>], vector<16xf32>,
      %mul3A_2835 = arith.constant 512 : i32
      %mul3A_2836 = vector.broadcast %mul3A_2835 : i32 to vector<16xi32>
      %mul3A_2837 = arith.muli %add3A_2832, %mul3A_2836 : vector<16xi32>
      %add3A_2838 = vector.broadcast %add3A_2759 : i32 to vector<16xi32>
      %add3A_2839 = arith.addi %mul3A_2837, %add3A_2838 : vector<16xi32>
      tpu.vector_store_idx %arg11[%add3A_2839], %gather3A_2833 : memref<16384xf32, #tpu.memory_space<vmem>>[vector<16xi32>], vector<16xf32>,
      %mul3A_2840 = arith.constant 512 : i32
      %mul3A_2841 = vector.broadcast %mul3A_2840 : i32 to vector<16xi32>
      %mul3A_2842 = arith.muli %add3A_2832, %mul3A_2841 : vector<16xi32>
      %add3A_2843 = vector.broadcast %add3A_2759 : i32 to vector<16xi32>
      %add3A_2844 = arith.addi %mul3A_2842, %add3A_2843 : vector<16xi32>
      tpu.vector_store_idx %arg12[%add3A_2844], %gather3A_2834 : memref<16384xf32, #tpu.memory_space<vmem>>[vector<16xi32>], vector<16xf32>,
      %add3A_2845 = arith.constant 16 : i32
      %add3A_2846 = vector.broadcast %add3A_2845 : i32 to vector<16xi32>
      %add3A_2847 = arith.addi %iota3A, %add3A_2846 : vector<16xi32>
      %gather3A_2848 = tpu.vector_load_idx %arg9[%broadcast_in_dim3A_2829, %add3A_2847, %broadcast_in_dim3A_2810] : memref<8x32x128xf32, #tpu.memory_space<vmem>>[vector<16xi32>, vector<16xi32>, vector<16xi32>], vector<16xf32>,
      %gather3A_2849 = tpu.vector_load_idx %arg10[%broadcast_in_dim3A_2829, %add3A_2847, %broadcast_in_dim3A_2827] : memref<8x32x128xf32, #tpu.memory_space<vmem>>[vector<16xi32>, vector<16xi32>, vector<16xi32>], vector<16xf32>,
      %mul3A_2850 = arith.constant 512 : i32
      %mul3A_2851 = vector.broadcast %mul3A_2850 : i32 to vector<16xi32>
      %mul3A_2852 = arith.muli %add3A_2847, %mul3A_2851 : vector<16xi32>
      %add3A_2853 = vector.broadcast %add3A_2759 : i32 to vector<16xi32>
      %add3A_2854 = arith.addi %mul3A_2852, %add3A_2853 : vector<16xi32>
      tpu.vector_store_idx %arg11[%add3A_2854], %gather3A_2848 : memref<16384xf32, #tpu.memory_space<vmem>>[vector<16xi32>], vector<16xf32>,
      %mul3A_2855 = arith.constant 512 : i32
      %mul3A_2856 = vector.broadcast %mul3A_2855 : i32 to vector<16xi32>
      %mul3A_2857 = arith.muli %add3A_2847, %mul3A_2856 : vector<16xi32>
      %add3A_2858 = vector.broadcast %add3A_2759 : i32 to vector<16xi32>
      %add3A_2859 = arith.addi %mul3A_2857, %add3A_2858 : vector<16xi32>
      tpu.vector_store_idx %arg12[%add3A_2859], %gather3A_2849 : memref<16384xf32, #tpu.memory_space<vmem>>[vector<16xi32>], vector<16xf32>,
      %slice3A_2860 = vector.extract_strided_slice %get3A_681 {offsets = [13], sizes = [1], strides = [1]} : vector<16xi32> to vector<1xi32>
      %squeeze3A_2861 = vector.extract %slice3A_2860[0] : i32 from vector<1xi32>
      %slice3A_2862 = vector.extract_strided_slice %get3A_688 {offsets = [5], sizes = [1], strides = [1]} : vector<16xi32> to vector<1xi32>
      %squeeze3A_2863 = vector.extract %slice3A_2862[0] : i32 from vector<1xi32>
      %select_n3A_2864 = arith.select %eq3A_691, %squeeze3A_2861, %squeeze3A_2863 : i32
      %slice3A_2865 = vector.extract_strided_slice %get3A_683 {offsets = [13], sizes = [1], strides = [1]} : vector<16xi32> to vector<1xi32>
      %squeeze3A_2866 = vector.extract %slice3A_2865[0] : i32 from vector<1xi32>
      %slice3A_2867 = vector.extract_strided_slice %get3A_690 {offsets = [5], sizes = [1], strides = [1]} : vector<16xi32> to vector<1xi32>
      %squeeze3A_2868 = vector.extract %slice3A_2867[0] : i32 from vector<1xi32>
      %select_n3A_2869 = arith.select %eq3A_691, %squeeze3A_2866, %squeeze3A_2868 : i32
      %not3A_2870 = arith.constant true
      %not3A_2871 = arith.xori %eq3A_691, %not3A_2870 : i1
      %convert_element_type3A_2872 = arith.extui %not3A_2871 : i1 to i32
      %cond3A_2873 = arith.constant 0 : i32
      %cond3A_2874 = arith.cmpi ne, %convert_element_type3A_2872, %cond3A_2873 : i32
      scf.if %cond3A_2874 {
        %jit3A_3109 = arith.constant 128 : i32
        %div3A_3110 = arith.divsi %select_n3A_2864, %jit3A_3109 : i32
        %sign3A_3111 = arith.constant 0 : i32
        %sign3A_3112 = arith.cmpi sgt, %select_n3A_2864, %sign3A_3111 : i32
        %sign3A_3113 = arith.extui %sign3A_3112 : i1 to i32
        %sign3A_3114 = arith.constant 0 : i32
        %sign3A_3115 = arith.cmpi slt, %select_n3A_2864, %sign3A_3114 : i32
        %sign3A_3116 = arith.extui %sign3A_3115 : i1 to i32
        %sign3A_3117 = arith.subi %sign3A_3113, %sign3A_3116 : i32
        %sign3A_3118 = arith.constant 0 : i32
        %sign3A_3119 = arith.cmpi sgt, %jit3A_3109, %sign3A_3118 : i32
        %sign3A_3120 = arith.extui %sign3A_3119 : i1 to i32
        %sign3A_3121 = arith.constant 0 : i32
        %sign3A_3122 = arith.cmpi slt, %jit3A_3109, %sign3A_3121 : i32
        %sign3A_3123 = arith.extui %sign3A_3122 : i1 to i32
        %sign3A_3124 = arith.subi %sign3A_3120, %sign3A_3123 : i32
        %ne3A_3125 = arith.cmpi ne, %sign3A_3117, %sign3A_3124 : i32
        %rem3A_3126 = arith.remsi %select_n3A_2864, %jit3A_3109 : i32
        %ne3A_3127 = arith.constant 0 : i32
        %ne3A_3128 = arith.cmpi ne, %rem3A_3126, %ne3A_3127 : i32
        %and3A_3129 = arith.andi %ne3A_3125, %ne3A_3128 : i1
        %sub3A_3130 = arith.constant 1 : i32
        %sub3A_3131 = arith.subi %div3A_3110, %sub3A_3130 : i32
        %select_n3A_3132 = arith.select %and3A_3129, %sub3A_3131, %div3A_3110 : i32
        %mul3A_3133 = arith.constant 128 : i32
        %mul3A_3134 = arith.muli %select_n3A_3132, %mul3A_3133 : i32
        %multiple_of3A_3135 = tpu.assume_multiple %mul3A_3134, 128 : i32
        %jit3A_3136 = arith.constant 128 : i32
        %div3A_3137 = arith.divsi %select_n3A_2869, %jit3A_3136 : i32
        %sign3A_3138 = arith.constant 0 : i32
        %sign3A_3139 = arith.cmpi sgt, %select_n3A_2869, %sign3A_3138 : i32
        %sign3A_3140 = arith.extui %sign3A_3139 : i1 to i32
        %sign3A_3141 = arith.constant 0 : i32
        %sign3A_3142 = arith.cmpi slt, %select_n3A_2869, %sign3A_3141 : i32
        %sign3A_3143 = arith.extui %sign3A_3142 : i1 to i32
        %sign3A_3144 = arith.subi %sign3A_3140, %sign3A_3143 : i32
        %sign3A_3145 = arith.constant 0 : i32
        %sign3A_3146 = arith.cmpi sgt, %jit3A_3136, %sign3A_3145 : i32
        %sign3A_3147 = arith.extui %sign3A_3146 : i1 to i32
        %sign3A_3148 = arith.constant 0 : i32
        %sign3A_3149 = arith.cmpi slt, %jit3A_3136, %sign3A_3148 : i32
        %sign3A_3150 = arith.extui %sign3A_3149 : i1 to i32
        %sign3A_3151 = arith.subi %sign3A_3147, %sign3A_3150 : i32
        %ne3A_3152 = arith.cmpi ne, %sign3A_3144, %sign3A_3151 : i32
        %rem3A_3153 = arith.remsi %select_n3A_2869, %jit3A_3136 : i32
        %ne3A_3154 = arith.constant 0 : i32
        %ne3A_3155 = arith.cmpi ne, %rem3A_3153, %ne3A_3154 : i32
        %and3A_3156 = arith.andi %ne3A_3152, %ne3A_3155 : i1
        %sub3A_3157 = arith.constant 1 : i32
        %sub3A_3158 = arith.subi %div3A_3137, %sub3A_3157 : i32
        %select_n3A_3159 = arith.select %and3A_3156, %sub3A_3158, %div3A_3137 : i32
        %mul3A_3160 = arith.constant 128 : i32
        %mul3A_3161 = arith.muli %select_n3A_3159, %mul3A_3160 : i32
        %multiple_of3A_3162 = tpu.assume_multiple %mul3A_3161, 128 : i32
        %dma_start3A_3163 = arith.constant 5 : i32
        %dma_start3A_3164 = arith.constant 0 : i32
        %dma_start3A_3165 = arith.constant 0 : i32
        %dma_start3A_3166 = tpu.memref_slice %arg9[%dma_start3A_3163, %dma_start3A_3164, %dma_start3A_3165] : memref<8x32x128xf32, #tpu.memory_space<vmem>> -> memref<1x32x128xf32, #tpu.memory_space<vmem>>
        %dma_start3A_3167 = tpu.memref_squeeze %dma_start3A_3166 : memref<1x32x128xf32, #tpu.memory_space<vmem>> -> memref<32x128xf32, #tpu.memory_space<vmem>>
        %dma_start3A_3168 = arith.constant 0 : i32
        %dma_start3A_3169 = tpu.memref_slice %arg4[%dma_start3A_3168, %multiple_of3A_3135] : memref<32x1000000xf32, #tpu.memory_space<hbm>> -> memref<32x128xf32, #tpu.memory_space<hbm>>
        %dma_start3A_3170 = arith.constant 0 : i32
        %dma_start3A_3171 = arith.constant 0 : i32
        %dma_start3A_3172 = tpu.memref_slice %arg9[%dma_start3A_3163, %dma_start3A_3170, %dma_start3A_3171] : memref<8x32x128xf32, #tpu.memory_space<vmem>> -> memref<1x32x128xf32, #tpu.memory_space<vmem>>
        %dma_start3A_3173 = tpu.memref_squeeze %dma_start3A_3172 : memref<1x32x128xf32, #tpu.memory_space<vmem>> -> memref<32x128xf32, #tpu.memory_space<vmem>>
        %dma_start3A_3174 = arith.constant 0 : i32
        %dma_start3A_3175 = tpu.memref_slice %arg4[%dma_start3A_3174, %multiple_of3A_3135] : memref<32x1000000xf32, #tpu.memory_space<hbm>> -> memref<32x128xf32, #tpu.memory_space<hbm>>
        tpu.enqueue_dma source(%dma_start3A_3175 : memref<32x128xf32, #tpu.memory_space<hbm>>) target(%dma_start3A_3173 : memref<32x128xf32, #tpu.memory_space<vmem>>) target_semaphore(%arg14 : memref<!tpu.dma_semaphore, #tpu.memory_space<semaphore_mem>>)
        %dma_start3A_3176 = arith.constant 5 : i32
        %dma_start3A_3177 = arith.constant 0 : i32
        %dma_start3A_3178 = arith.constant 0 : i32
        %dma_start3A_3179 = tpu.memref_slice %arg10[%dma_start3A_3176, %dma_start3A_3177, %dma_start3A_3178] : memref<8x32x128xf32, #tpu.memory_space<vmem>> -> memref<1x32x128xf32, #tpu.memory_space<vmem>>
        %dma_start3A_3180 = tpu.memref_squeeze %dma_start3A_3179 : memref<1x32x128xf32, #tpu.memory_space<vmem>> -> memref<32x128xf32, #tpu.memory_space<vmem>>
        %dma_start3A_3181 = arith.constant 0 : i32
        %dma_start3A_3182 = tpu.memref_slice %arg5[%dma_start3A_3181, %multiple_of3A_3162] : memref<32x1000000xf32, #tpu.memory_space<hbm>> -> memref<32x128xf32, #tpu.memory_space<hbm>>
        %dma_start3A_3183 = arith.constant 0 : i32
        %dma_start3A_3184 = arith.constant 0 : i32
        %dma_start3A_3185 = tpu.memref_slice %arg10[%dma_start3A_3176, %dma_start3A_3183, %dma_start3A_3184] : memref<8x32x128xf32, #tpu.memory_space<vmem>> -> memref<1x32x128xf32, #tpu.memory_space<vmem>>
        %dma_start3A_3186 = tpu.memref_squeeze %dma_start3A_3185 : memref<1x32x128xf32, #tpu.memory_space<vmem>> -> memref<32x128xf32, #tpu.memory_space<vmem>>
        %dma_start3A_3187 = arith.constant 0 : i32
        %dma_start3A_3188 = tpu.memref_slice %arg5[%dma_start3A_3187, %multiple_of3A_3162] : memref<32x1000000xf32, #tpu.memory_space<hbm>> -> memref<32x128xf32, #tpu.memory_space<hbm>>
        tpu.enqueue_dma source(%dma_start3A_3188 : memref<32x128xf32, #tpu.memory_space<hbm>>) target(%dma_start3A_3186 : memref<32x128xf32, #tpu.memory_space<vmem>>) target_semaphore(%arg15 : memref<!tpu.dma_semaphore, #tpu.memory_space<semaphore_mem>>)
      } else {
      }
      %add3A_2875 = arith.constant 14 : i32
      %add3A_2876 = arith.addi %mul3A_679, %add3A_2875 : i32
      %dma_wait3A_2877 = arith.constant 0 : i32
      %dma_wait3A_2878 = arith.constant 0 : i32
      %dma_wait3A_2879 = arith.constant 0 : i32
      %dma_wait3A_2880 = tpu.memref_slice %arg9[%dma_wait3A_2877, %dma_wait3A_2878, %dma_wait3A_2879] : memref<8x32x128xf32, #tpu.memory_space<vmem>> -> memref<1x32x128xf32, #tpu.memory_space<vmem>>
      %dma_wait3A_2881 = tpu.memref_squeeze %dma_wait3A_2880 : memref<1x32x128xf32, #tpu.memory_space<vmem>> -> memref<32x128xf32, #tpu.memory_space<vmem>>
      %dma_wait3A_2882 = arith.constant 0 : i32
      %dma_wait3A_2883 = arith.constant 0 : i32
      %dma_wait3A_2884 = tpu.memref_slice %arg4[%dma_wait3A_2882, %dma_wait3A_2883] : memref<32x1000000xf32, #tpu.memory_space<hbm>> -> memref<32x128xf32, #tpu.memory_space<hbm>>
      %dma_wait3A_2885 = arith.constant 0 : i32
      %dma_wait3A_2886 = arith.constant 0 : i32
      %dma_wait3A_2887 = tpu.memref_slice %arg9[%dma_wait3A_2877, %dma_wait3A_2885, %dma_wait3A_2886] : memref<8x32x128xf32, #tpu.memory_space<vmem>> -> memref<1x32x128xf32, #tpu.memory_space<vmem>>
      %dma_wait3A_2888 = tpu.memref_squeeze %dma_wait3A_2887 : memref<1x32x128xf32, #tpu.memory_space<vmem>> -> memref<32x128xf32, #tpu.memory_space<vmem>>
      %dma_wait3A_2889 = arith.constant 0 : i32
      %dma_wait3A_2890 = arith.constant 0 : i32
      %dma_wait3A_2891 = tpu.memref_slice %arg4[%dma_wait3A_2889, %dma_wait3A_2890] : memref<32x1000000xf32, #tpu.memory_space<hbm>> -> memref<32x128xf32, #tpu.memory_space<hbm>>
      tpu.wait_dma2 semaphore(%arg14 : memref<!tpu.dma_semaphore, #tpu.memory_space<semaphore_mem>>) src(%dma_wait3A_2891 : memref<32x128xf32, #tpu.memory_space<hbm>>) dst(%dma_wait3A_2888 : memref<32x128xf32, #tpu.memory_space<vmem>>)
      %dma_wait3A_2892 = arith.constant 0 : i32
      %dma_wait3A_2893 = arith.constant 0 : i32
      %dma_wait3A_2894 = arith.constant 0 : i32
      %dma_wait3A_2895 = tpu.memref_slice %arg10[%dma_wait3A_2892, %dma_wait3A_2893, %dma_wait3A_2894] : memref<8x32x128xf32, #tpu.memory_space<vmem>> -> memref<1x32x128xf32, #tpu.memory_space<vmem>>
      %dma_wait3A_2896 = tpu.memref_squeeze %dma_wait3A_2895 : memref<1x32x128xf32, #tpu.memory_space<vmem>> -> memref<32x128xf32, #tpu.memory_space<vmem>>
      %dma_wait3A_2897 = arith.constant 0 : i32
      %dma_wait3A_2898 = arith.constant 0 : i32
      %dma_wait3A_2899 = tpu.memref_slice %arg5[%dma_wait3A_2897, %dma_wait3A_2898] : memref<32x1000000xf32, #tpu.memory_space<hbm>> -> memref<32x128xf32, #tpu.memory_space<hbm>>
      %dma_wait3A_2900 = arith.constant 0 : i32
      %dma_wait3A_2901 = arith.constant 0 : i32
      %dma_wait3A_2902 = tpu.memref_slice %arg10[%dma_wait3A_2892, %dma_wait3A_2900, %dma_wait3A_2901] : memref<8x32x128xf32, #tpu.memory_space<vmem>> -> memref<1x32x128xf32, #tpu.memory_space<vmem>>
      %dma_wait3A_2903 = tpu.memref_squeeze %dma_wait3A_2902 : memref<1x32x128xf32, #tpu.memory_space<vmem>> -> memref<32x128xf32, #tpu.memory_space<vmem>>
      %dma_wait3A_2904 = arith.constant 0 : i32
      %dma_wait3A_2905 = arith.constant 0 : i32
      %dma_wait3A_2906 = tpu.memref_slice %arg5[%dma_wait3A_2904, %dma_wait3A_2905] : memref<32x1000000xf32, #tpu.memory_space<hbm>> -> memref<32x128xf32, #tpu.memory_space<hbm>>
      tpu.wait_dma2 semaphore(%arg15 : memref<!tpu.dma_semaphore, #tpu.memory_space<semaphore_mem>>) src(%dma_wait3A_2906 : memref<32x128xf32, #tpu.memory_space<hbm>>) dst(%dma_wait3A_2903 : memref<32x128xf32, #tpu.memory_space<vmem>>)
      %slice3A_2907 = vector.extract_strided_slice %get3A_681 {offsets = [14], sizes = [1], strides = [1]} : vector<16xi32> to vector<1xi32>
      %squeeze3A_2908 = vector.extract %slice3A_2907[0] : i32 from vector<1xi32>
      %slice3A_2909 = vector.extract_strided_slice %get3A_683 {offsets = [14], sizes = [1], strides = [1]} : vector<16xi32> to vector<1xi32>
      %squeeze3A_2910 = vector.extract %slice3A_2909[0] : i32 from vector<1xi32>
      %jit3A_2911 = arith.constant 128 : i32
      %eq3A_2912 = arith.constant 0 : i32
      %eq3A_2913 = arith.cmpi eq, %jit3A_2911, %eq3A_2912 : i32
      %jit3A_2914 = arith.constant 1 : i32
      %select_n3A_2915 = arith.select %eq3A_2913, %jit3A_2914, %jit3A_2911 : i32
      %rem3A_2916 = arith.remsi %squeeze3A_2908, %select_n3A_2915 : i32
      %ne3A_2917 = arith.constant 0 : i32
      %ne3A_2918 = arith.cmpi ne, %rem3A_2916, %ne3A_2917 : i32
      %lt3A_2919 = arith.constant 0 : i32
      %lt3A_2920 = arith.cmpi slt, %rem3A_2916, %lt3A_2919 : i32
      %lt3A_2921 = arith.constant 0 : i32
      %lt3A_2922 = arith.cmpi slt, %select_n3A_2915, %lt3A_2921 : i32
      %ne3A_2923 = arith.xori %lt3A_2920, %lt3A_2922 : i1
      %and3A_2924 = arith.andi %ne3A_2923, %ne3A_2918 : i1
      %add3A_2925 = arith.addi %rem3A_2916, %select_n3A_2915 : i32
      %select_n3A_2926 = arith.select %and3A_2924, %add3A_2925, %rem3A_2916 : i32
      %broadcast_in_dim3A_2927 = vector.broadcast %select_n3A_2926 : i32 to vector<16xi32>
      %jit3A_2928 = arith.constant 128 : i32
      %eq3A_2929 = arith.constant 0 : i32
      %eq3A_2930 = arith.cmpi eq, %jit3A_2928, %eq3A_2929 : i32
      %jit3A_2931 = arith.constant 1 : i32
      %select_n3A_2932 = arith.select %eq3A_2930, %jit3A_2931, %jit3A_2928 : i32
      %rem3A_2933 = arith.remsi %squeeze3A_2910, %select_n3A_2932 : i32
      %ne3A_2934 = arith.constant 0 : i32
      %ne3A_2935 = arith.cmpi ne, %rem3A_2933, %ne3A_2934 : i32
      %lt3A_2936 = arith.constant 0 : i32
      %lt3A_2937 = arith.cmpi slt, %rem3A_2933, %lt3A_2936 : i32
      %lt3A_2938 = arith.constant 0 : i32
      %lt3A_2939 = arith.cmpi slt, %select_n3A_2932, %lt3A_2938 : i32
      %ne3A_2940 = arith.xori %lt3A_2937, %lt3A_2939 : i1
      %and3A_2941 = arith.andi %ne3A_2940, %ne3A_2935 : i1
      %add3A_2942 = arith.addi %rem3A_2933, %select_n3A_2932 : i32
      %select_n3A_2943 = arith.select %and3A_2941, %add3A_2942, %rem3A_2933 : i32
      %broadcast_in_dim3A_2944 = vector.broadcast %select_n3A_2943 : i32 to vector<16xi32>
      %broadcast_in_dim3A_2945 = arith.constant 6 : i32
      %broadcast_in_dim3A_2946 = vector.broadcast %broadcast_in_dim3A_2945 : i32 to vector<16xi32>
      %add3A_2947 = arith.constant 0 : i32
      %add3A_2948 = vector.broadcast %add3A_2947 : i32 to vector<16xi32>
      %add3A_2949 = arith.addi %iota3A, %add3A_2948 : vector<16xi32>
      %gather3A_2950 = tpu.vector_load_idx %arg9[%broadcast_in_dim3A_2946, %add3A_2949, %broadcast_in_dim3A_2927] : memref<8x32x128xf32, #tpu.memory_space<vmem>>[vector<16xi32>, vector<16xi32>, vector<16xi32>], vector<16xf32>,
      %gather3A_2951 = tpu.vector_load_idx %arg10[%broadcast_in_dim3A_2946, %add3A_2949, %broadcast_in_dim3A_2944] : memref<8x32x128xf32, #tpu.memory_space<vmem>>[vector<16xi32>, vector<16xi32>, vector<16xi32>], vector<16xf32>,
      %mul3A_2952 = arith.constant 512 : i32
      %mul3A_2953 = vector.broadcast %mul3A_2952 : i32 to vector<16xi32>
      %mul3A_2954 = arith.muli %add3A_2949, %mul3A_2953 : vector<16xi32>
      %add3A_2955 = vector.broadcast %add3A_2876 : i32 to vector<16xi32>
      %add3A_2956 = arith.addi %mul3A_2954, %add3A_2955 : vector<16xi32>
      tpu.vector_store_idx %arg11[%add3A_2956], %gather3A_2950 : memref<16384xf32, #tpu.memory_space<vmem>>[vector<16xi32>], vector<16xf32>,
      %mul3A_2957 = arith.constant 512 : i32
      %mul3A_2958 = vector.broadcast %mul3A_2957 : i32 to vector<16xi32>
      %mul3A_2959 = arith.muli %add3A_2949, %mul3A_2958 : vector<16xi32>
      %add3A_2960 = vector.broadcast %add3A_2876 : i32 to vector<16xi32>
      %add3A_2961 = arith.addi %mul3A_2959, %add3A_2960 : vector<16xi32>
      tpu.vector_store_idx %arg12[%add3A_2961], %gather3A_2951 : memref<16384xf32, #tpu.memory_space<vmem>>[vector<16xi32>], vector<16xf32>,
      %add3A_2962 = arith.constant 16 : i32
      %add3A_2963 = vector.broadcast %add3A_2962 : i32 to vector<16xi32>
      %add3A_2964 = arith.addi %iota3A, %add3A_2963 : vector<16xi32>
      %gather3A_2965 = tpu.vector_load_idx %arg9[%broadcast_in_dim3A_2946, %add3A_2964, %broadcast_in_dim3A_2927] : memref<8x32x128xf32, #tpu.memory_space<vmem>>[vector<16xi32>, vector<16xi32>, vector<16xi32>], vector<16xf32>,
      %gather3A_2966 = tpu.vector_load_idx %arg10[%broadcast_in_dim3A_2946, %add3A_2964, %broadcast_in_dim3A_2944] : memref<8x32x128xf32, #tpu.memory_space<vmem>>[vector<16xi32>, vector<16xi32>, vector<16xi32>], vector<16xf32>,
      %mul3A_2967 = arith.constant 512 : i32
      %mul3A_2968 = vector.broadcast %mul3A_2967 : i32 to vector<16xi32>
      %mul3A_2969 = arith.muli %add3A_2964, %mul3A_2968 : vector<16xi32>
      %add3A_2970 = vector.broadcast %add3A_2876 : i32 to vector<16xi32>
      %add3A_2971 = arith.addi %mul3A_2969, %add3A_2970 : vector<16xi32>
      tpu.vector_store_idx %arg11[%add3A_2971], %gather3A_2965 : memref<16384xf32, #tpu.memory_space<vmem>>[vector<16xi32>], vector<16xf32>,
      %mul3A_2972 = arith.constant 512 : i32
      %mul3A_2973 = vector.broadcast %mul3A_2972 : i32 to vector<16xi32>
      %mul3A_2974 = arith.muli %add3A_2964, %mul3A_2973 : vector<16xi32>
      %add3A_2975 = vector.broadcast %add3A_2876 : i32 to vector<16xi32>
      %add3A_2976 = arith.addi %mul3A_2974, %add3A_2975 : vector<16xi32>
      tpu.vector_store_idx %arg12[%add3A_2976], %gather3A_2966 : memref<16384xf32, #tpu.memory_space<vmem>>[vector<16xi32>], vector<16xf32>,
      %slice3A_2977 = vector.extract_strided_slice %get3A_681 {offsets = [14], sizes = [1], strides = [1]} : vector<16xi32> to vector<1xi32>
      %squeeze3A_2978 = vector.extract %slice3A_2977[0] : i32 from vector<1xi32>
      %slice3A_2979 = vector.extract_strided_slice %get3A_688 {offsets = [6], sizes = [1], strides = [1]} : vector<16xi32> to vector<1xi32>
      %squeeze3A_2980 = vector.extract %slice3A_2979[0] : i32 from vector<1xi32>
      %select_n3A_2981 = arith.select %eq3A_691, %squeeze3A_2978, %squeeze3A_2980 : i32
      %slice3A_2982 = vector.extract_strided_slice %get3A_683 {offsets = [14], sizes = [1], strides = [1]} : vector<16xi32> to vector<1xi32>
      %squeeze3A_2983 = vector.extract %slice3A_2982[0] : i32 from vector<1xi32>
      %slice3A_2984 = vector.extract_strided_slice %get3A_690 {offsets = [6], sizes = [1], strides = [1]} : vector<16xi32> to vector<1xi32>
      %squeeze3A_2985 = vector.extract %slice3A_2984[0] : i32 from vector<1xi32>
      %select_n3A_2986 = arith.select %eq3A_691, %squeeze3A_2983, %squeeze3A_2985 : i32
      %not3A_2987 = arith.constant true
      %not3A_2988 = arith.xori %eq3A_691, %not3A_2987 : i1
      %convert_element_type3A_2989 = arith.extui %not3A_2988 : i1 to i32
      %cond3A_2990 = arith.constant 0 : i32
      %cond3A_2991 = arith.cmpi ne, %convert_element_type3A_2989, %cond3A_2990 : i32
      scf.if %cond3A_2991 {
        %jit3A_3109 = arith.constant 128 : i32
        %div3A_3110 = arith.divsi %select_n3A_2981, %jit3A_3109 : i32
        %sign3A_3111 = arith.constant 0 : i32
        %sign3A_3112 = arith.cmpi sgt, %select_n3A_2981, %sign3A_3111 : i32
        %sign3A_3113 = arith.extui %sign3A_3112 : i1 to i32
        %sign3A_3114 = arith.constant 0 : i32
        %sign3A_3115 = arith.cmpi slt, %select_n3A_2981, %sign3A_3114 : i32
        %sign3A_3116 = arith.extui %sign3A_3115 : i1 to i32
        %sign3A_3117 = arith.subi %sign3A_3113, %sign3A_3116 : i32
        %sign3A_3118 = arith.constant 0 : i32
        %sign3A_3119 = arith.cmpi sgt, %jit3A_3109, %sign3A_3118 : i32
        %sign3A_3120 = arith.extui %sign3A_3119 : i1 to i32
        %sign3A_3121 = arith.constant 0 : i32
        %sign3A_3122 = arith.cmpi slt, %jit3A_3109, %sign3A_3121 : i32
        %sign3A_3123 = arith.extui %sign3A_3122 : i1 to i32
        %sign3A_3124 = arith.subi %sign3A_3120, %sign3A_3123 : i32
        %ne3A_3125 = arith.cmpi ne, %sign3A_3117, %sign3A_3124 : i32
        %rem3A_3126 = arith.remsi %select_n3A_2981, %jit3A_3109 : i32
        %ne3A_3127 = arith.constant 0 : i32
        %ne3A_3128 = arith.cmpi ne, %rem3A_3126, %ne3A_3127 : i32
        %and3A_3129 = arith.andi %ne3A_3125, %ne3A_3128 : i1
        %sub3A_3130 = arith.constant 1 : i32
        %sub3A_3131 = arith.subi %div3A_3110, %sub3A_3130 : i32
        %select_n3A_3132 = arith.select %and3A_3129, %sub3A_3131, %div3A_3110 : i32
        %mul3A_3133 = arith.constant 128 : i32
        %mul3A_3134 = arith.muli %select_n3A_3132, %mul3A_3133 : i32
        %multiple_of3A_3135 = tpu.assume_multiple %mul3A_3134, 128 : i32
        %jit3A_3136 = arith.constant 128 : i32
        %div3A_3137 = arith.divsi %select_n3A_2986, %jit3A_3136 : i32
        %sign3A_3138 = arith.constant 0 : i32
        %sign3A_3139 = arith.cmpi sgt, %select_n3A_2986, %sign3A_3138 : i32
        %sign3A_3140 = arith.extui %sign3A_3139 : i1 to i32
        %sign3A_3141 = arith.constant 0 : i32
        %sign3A_3142 = arith.cmpi slt, %select_n3A_2986, %sign3A_3141 : i32
        %sign3A_3143 = arith.extui %sign3A_3142 : i1 to i32
        %sign3A_3144 = arith.subi %sign3A_3140, %sign3A_3143 : i32
        %sign3A_3145 = arith.constant 0 : i32
        %sign3A_3146 = arith.cmpi sgt, %jit3A_3136, %sign3A_3145 : i32
        %sign3A_3147 = arith.extui %sign3A_3146 : i1 to i32
        %sign3A_3148 = arith.constant 0 : i32
        %sign3A_3149 = arith.cmpi slt, %jit3A_3136, %sign3A_3148 : i32
        %sign3A_3150 = arith.extui %sign3A_3149 : i1 to i32
        %sign3A_3151 = arith.subi %sign3A_3147, %sign3A_3150 : i32
        %ne3A_3152 = arith.cmpi ne, %sign3A_3144, %sign3A_3151 : i32
        %rem3A_3153 = arith.remsi %select_n3A_2986, %jit3A_3136 : i32
        %ne3A_3154 = arith.constant 0 : i32
        %ne3A_3155 = arith.cmpi ne, %rem3A_3153, %ne3A_3154 : i32
        %and3A_3156 = arith.andi %ne3A_3152, %ne3A_3155 : i1
        %sub3A_3157 = arith.constant 1 : i32
        %sub3A_3158 = arith.subi %div3A_3137, %sub3A_3157 : i32
        %select_n3A_3159 = arith.select %and3A_3156, %sub3A_3158, %div3A_3137 : i32
        %mul3A_3160 = arith.constant 128 : i32
        %mul3A_3161 = arith.muli %select_n3A_3159, %mul3A_3160 : i32
        %multiple_of3A_3162 = tpu.assume_multiple %mul3A_3161, 128 : i32
        %dma_start3A_3163 = arith.constant 6 : i32
        %dma_start3A_3164 = arith.constant 0 : i32
        %dma_start3A_3165 = arith.constant 0 : i32
        %dma_start3A_3166 = tpu.memref_slice %arg9[%dma_start3A_3163, %dma_start3A_3164, %dma_start3A_3165] : memref<8x32x128xf32, #tpu.memory_space<vmem>> -> memref<1x32x128xf32, #tpu.memory_space<vmem>>
        %dma_start3A_3167 = tpu.memref_squeeze %dma_start3A_3166 : memref<1x32x128xf32, #tpu.memory_space<vmem>> -> memref<32x128xf32, #tpu.memory_space<vmem>>
        %dma_start3A_3168 = arith.constant 0 : i32
        %dma_start3A_3169 = tpu.memref_slice %arg4[%dma_start3A_3168, %multiple_of3A_3135] : memref<32x1000000xf32, #tpu.memory_space<hbm>> -> memref<32x128xf32, #tpu.memory_space<hbm>>
        %dma_start3A_3170 = arith.constant 0 : i32
        %dma_start3A_3171 = arith.constant 0 : i32
        %dma_start3A_3172 = tpu.memref_slice %arg9[%dma_start3A_3163, %dma_start3A_3170, %dma_start3A_3171] : memref<8x32x128xf32, #tpu.memory_space<vmem>> -> memref<1x32x128xf32, #tpu.memory_space<vmem>>
        %dma_start3A_3173 = tpu.memref_squeeze %dma_start3A_3172 : memref<1x32x128xf32, #tpu.memory_space<vmem>> -> memref<32x128xf32, #tpu.memory_space<vmem>>
        %dma_start3A_3174 = arith.constant 0 : i32
        %dma_start3A_3175 = tpu.memref_slice %arg4[%dma_start3A_3174, %multiple_of3A_3135] : memref<32x1000000xf32, #tpu.memory_space<hbm>> -> memref<32x128xf32, #tpu.memory_space<hbm>>
        tpu.enqueue_dma source(%dma_start3A_3175 : memref<32x128xf32, #tpu.memory_space<hbm>>) target(%dma_start3A_3173 : memref<32x128xf32, #tpu.memory_space<vmem>>) target_semaphore(%arg14 : memref<!tpu.dma_semaphore, #tpu.memory_space<semaphore_mem>>)
        %dma_start3A_3176 = arith.constant 6 : i32
        %dma_start3A_3177 = arith.constant 0 : i32
        %dma_start3A_3178 = arith.constant 0 : i32
        %dma_start3A_3179 = tpu.memref_slice %arg10[%dma_start3A_3176, %dma_start3A_3177, %dma_start3A_3178] : memref<8x32x128xf32, #tpu.memory_space<vmem>> -> memref<1x32x128xf32, #tpu.memory_space<vmem>>
        %dma_start3A_3180 = tpu.memref_squeeze %dma_start3A_3179 : memref<1x32x128xf32, #tpu.memory_space<vmem>> -> memref<32x128xf32, #tpu.memory_space<vmem>>
        %dma_start3A_3181 = arith.constant 0 : i32
        %dma_start3A_3182 = tpu.memref_slice %arg5[%dma_start3A_3181, %multiple_of3A_3162] : memref<32x1000000xf32, #tpu.memory_space<hbm>> -> memref<32x128xf32, #tpu.memory_space<hbm>>
        %dma_start3A_3183 = arith.constant 0 : i32
        %dma_start3A_3184 = arith.constant 0 : i32
        %dma_start3A_3185 = tpu.memref_slice %arg10[%dma_start3A_3176, %dma_start3A_3183, %dma_start3A_3184] : memref<8x32x128xf32, #tpu.memory_space<vmem>> -> memref<1x32x128xf32, #tpu.memory_space<vmem>>
        %dma_start3A_3186 = tpu.memref_squeeze %dma_start3A_3185 : memref<1x32x128xf32, #tpu.memory_space<vmem>> -> memref<32x128xf32, #tpu.memory_space<vmem>>
        %dma_start3A_3187 = arith.constant 0 : i32
        %dma_start3A_3188 = tpu.memref_slice %arg5[%dma_start3A_3187, %multiple_of3A_3162] : memref<32x1000000xf32, #tpu.memory_space<hbm>> -> memref<32x128xf32, #tpu.memory_space<hbm>>
        tpu.enqueue_dma source(%dma_start3A_3188 : memref<32x128xf32, #tpu.memory_space<hbm>>) target(%dma_start3A_3186 : memref<32x128xf32, #tpu.memory_space<vmem>>) target_semaphore(%arg15 : memref<!tpu.dma_semaphore, #tpu.memory_space<semaphore_mem>>)
      } else {
      }
      %add3A_2992 = arith.constant 15 : i32
      %add3A_2993 = arith.addi %mul3A_679, %add3A_2992 : i32
      %dma_wait3A_2994 = arith.constant 0 : i32
      %dma_wait3A_2995 = arith.constant 0 : i32
      %dma_wait3A_2996 = arith.constant 0 : i32
      %dma_wait3A_2997 = tpu.memref_slice %arg9[%dma_wait3A_2994, %dma_wait3A_2995, %dma_wait3A_2996] : memref<8x32x128xf32, #tpu.memory_space<vmem>> -> memref<1x32x128xf32, #tpu.memory_space<vmem>>
      %dma_wait3A_2998 = tpu.memref_squeeze %dma_wait3A_2997 : memref<1x32x128xf32, #tpu.memory_space<vmem>> -> memref<32x128xf32, #tpu.memory_space<vmem>>
      %dma_wait3A_2999 = arith.constant 0 : i32
      %dma_wait3A_3000 = arith.constant 0 : i32
      %dma_wait3A_3001 = tpu.memref_slice %arg4[%dma_wait3A_2999, %dma_wait3A_3000] : memref<32x1000000xf32, #tpu.memory_space<hbm>> -> memref<32x128xf32, #tpu.memory_space<hbm>>
      %dma_wait3A_3002 = arith.constant 0 : i32
      %dma_wait3A_3003 = arith.constant 0 : i32
      %dma_wait3A_3004 = tpu.memref_slice %arg9[%dma_wait3A_2994, %dma_wait3A_3002, %dma_wait3A_3003] : memref<8x32x128xf32, #tpu.memory_space<vmem>> -> memref<1x32x128xf32, #tpu.memory_space<vmem>>
      %dma_wait3A_3005 = tpu.memref_squeeze %dma_wait3A_3004 : memref<1x32x128xf32, #tpu.memory_space<vmem>> -> memref<32x128xf32, #tpu.memory_space<vmem>>
      %dma_wait3A_3006 = arith.constant 0 : i32
      %dma_wait3A_3007 = arith.constant 0 : i32
      %dma_wait3A_3008 = tpu.memref_slice %arg4[%dma_wait3A_3006, %dma_wait3A_3007] : memref<32x1000000xf32, #tpu.memory_space<hbm>> -> memref<32x128xf32, #tpu.memory_space<hbm>>
      tpu.wait_dma2 semaphore(%arg14 : memref<!tpu.dma_semaphore, #tpu.memory_space<semaphore_mem>>) src(%dma_wait3A_3008 : memref<32x128xf32, #tpu.memory_space<hbm>>) dst(%dma_wait3A_3005 : memref<32x128xf32, #tpu.memory_space<vmem>>)
      %dma_wait3A_3009 = arith.constant 0 : i32
      %dma_wait3A_3010 = arith.constant 0 : i32
      %dma_wait3A_3011 = arith.constant 0 : i32
      %dma_wait3A_3012 = tpu.memref_slice %arg10[%dma_wait3A_3009, %dma_wait3A_3010, %dma_wait3A_3011] : memref<8x32x128xf32, #tpu.memory_space<vmem>> -> memref<1x32x128xf32, #tpu.memory_space<vmem>>
      %dma_wait3A_3013 = tpu.memref_squeeze %dma_wait3A_3012 : memref<1x32x128xf32, #tpu.memory_space<vmem>> -> memref<32x128xf32, #tpu.memory_space<vmem>>
      %dma_wait3A_3014 = arith.constant 0 : i32
      %dma_wait3A_3015 = arith.constant 0 : i32
      %dma_wait3A_3016 = tpu.memref_slice %arg5[%dma_wait3A_3014, %dma_wait3A_3015] : memref<32x1000000xf32, #tpu.memory_space<hbm>> -> memref<32x128xf32, #tpu.memory_space<hbm>>
      %dma_wait3A_3017 = arith.constant 0 : i32
      %dma_wait3A_3018 = arith.constant 0 : i32
      %dma_wait3A_3019 = tpu.memref_slice %arg10[%dma_wait3A_3009, %dma_wait3A_3017, %dma_wait3A_3018] : memref<8x32x128xf32, #tpu.memory_space<vmem>> -> memref<1x32x128xf32, #tpu.memory_space<vmem>>
      %dma_wait3A_3020 = tpu.memref_squeeze %dma_wait3A_3019 : memref<1x32x128xf32, #tpu.memory_space<vmem>> -> memref<32x128xf32, #tpu.memory_space<vmem>>
      %dma_wait3A_3021 = arith.constant 0 : i32
      %dma_wait3A_3022 = arith.constant 0 : i32
      %dma_wait3A_3023 = tpu.memref_slice %arg5[%dma_wait3A_3021, %dma_wait3A_3022] : memref<32x1000000xf32, #tpu.memory_space<hbm>> -> memref<32x128xf32, #tpu.memory_space<hbm>>
      tpu.wait_dma2 semaphore(%arg15 : memref<!tpu.dma_semaphore, #tpu.memory_space<semaphore_mem>>) src(%dma_wait3A_3023 : memref<32x128xf32, #tpu.memory_space<hbm>>) dst(%dma_wait3A_3020 : memref<32x128xf32, #tpu.memory_space<vmem>>)
      %slice3A_3024 = vector.extract_strided_slice %get3A_681 {offsets = [15], sizes = [1], strides = [1]} : vector<16xi32> to vector<1xi32>
      %squeeze3A_3025 = vector.extract %slice3A_3024[0] : i32 from vector<1xi32>
      %slice3A_3026 = vector.extract_strided_slice %get3A_683 {offsets = [15], sizes = [1], strides = [1]} : vector<16xi32> to vector<1xi32>
      %squeeze3A_3027 = vector.extract %slice3A_3026[0] : i32 from vector<1xi32>
      %jit3A_3028 = arith.constant 128 : i32
      %eq3A_3029 = arith.constant 0 : i32
      %eq3A_3030 = arith.cmpi eq, %jit3A_3028, %eq3A_3029 : i32
      %jit3A_3031 = arith.constant 1 : i32
      %select_n3A_3032 = arith.select %eq3A_3030, %jit3A_3031, %jit3A_3028 : i32
      %rem3A_3033 = arith.remsi %squeeze3A_3025, %select_n3A_3032 : i32
      %ne3A_3034 = arith.constant 0 : i32
      %ne3A_3035 = arith.cmpi ne, %rem3A_3033, %ne3A_3034 : i32
      %lt3A_3036 = arith.constant 0 : i32
      %lt3A_3037 = arith.cmpi slt, %rem3A_3033, %lt3A_3036 : i32
      %lt3A_3038 = arith.constant 0 : i32
      %lt3A_3039 = arith.cmpi slt, %select_n3A_3032, %lt3A_3038 : i32
      %ne3A_3040 = arith.xori %lt3A_3037, %lt3A_3039 : i1
      %and3A_3041 = arith.andi %ne3A_3040, %ne3A_3035 : i1
      %add3A_3042 = arith.addi %rem3A_3033, %select_n3A_3032 : i32
      %select_n3A_3043 = arith.select %and3A_3041, %add3A_3042, %rem3A_3033 : i32
      %broadcast_in_dim3A_3044 = vector.broadcast %select_n3A_3043 : i32 to vector<16xi32>
      %jit3A_3045 = arith.constant 128 : i32
      %eq3A_3046 = arith.constant 0 : i32
      %eq3A_3047 = arith.cmpi eq, %jit3A_3045, %eq3A_3046 : i32
      %jit3A_3048 = arith.constant 1 : i32
      %select_n3A_3049 = arith.select %eq3A_3047, %jit3A_3048, %jit3A_3045 : i32
      %rem3A_3050 = arith.remsi %squeeze3A_3027, %select_n3A_3049 : i32
      %ne3A_3051 = arith.constant 0 : i32
      %ne3A_3052 = arith.cmpi ne, %rem3A_3050, %ne3A_3051 : i32
      %lt3A_3053 = arith.constant 0 : i32
      %lt3A_3054 = arith.cmpi slt, %rem3A_3050, %lt3A_3053 : i32
      %lt3A_3055 = arith.constant 0 : i32
      %lt3A_3056 = arith.cmpi slt, %select_n3A_3049, %lt3A_3055 : i32
      %ne3A_3057 = arith.xori %lt3A_3054, %lt3A_3056 : i1
      %and3A_3058 = arith.andi %ne3A_3057, %ne3A_3052 : i1
      %add3A_3059 = arith.addi %rem3A_3050, %select_n3A_3049 : i32
      %select_n3A_3060 = arith.select %and3A_3058, %add3A_3059, %rem3A_3050 : i32
      %broadcast_in_dim3A_3061 = vector.broadcast %select_n3A_3060 : i32 to vector<16xi32>
      %broadcast_in_dim3A_3062 = arith.constant 7 : i32
      %broadcast_in_dim3A_3063 = vector.broadcast %broadcast_in_dim3A_3062 : i32 to vector<16xi32>
      %add3A_3064 = arith.constant 0 : i32
      %add3A_3065 = vector.broadcast %add3A_3064 : i32 to vector<16xi32>
      %add3A_3066 = arith.addi %iota3A, %add3A_3065 : vector<16xi32>
      %gather3A_3067 = tpu.vector_load_idx %arg9[%broadcast_in_dim3A_3063, %add3A_3066, %broadcast_in_dim3A_3044] : memref<8x32x128xf32, #tpu.memory_space<vmem>>[vector<16xi32>, vector<16xi32>, vector<16xi32>], vector<16xf32>,
      %gather3A_3068 = tpu.vector_load_idx %arg10[%broadcast_in_dim3A_3063, %add3A_3066, %broadcast_in_dim3A_3061] : memref<8x32x128xf32, #tpu.memory_space<vmem>>[vector<16xi32>, vector<16xi32>, vector<16xi32>], vector<16xf32>,
      %mul3A_3069 = arith.constant 512 : i32
      %mul3A_3070 = vector.broadcast %mul3A_3069 : i32 to vector<16xi32>
      %mul3A_3071 = arith.muli %add3A_3066, %mul3A_3070 : vector<16xi32>
      %add3A_3072 = vector.broadcast %add3A_2993 : i32 to vector<16xi32>
      %add3A_3073 = arith.addi %mul3A_3071, %add3A_3072 : vector<16xi32>
      tpu.vector_store_idx %arg11[%add3A_3073], %gather3A_3067 : memref<16384xf32, #tpu.memory_space<vmem>>[vector<16xi32>], vector<16xf32>,
      %mul3A_3074 = arith.constant 512 : i32
      %mul3A_3075 = vector.broadcast %mul3A_3074 : i32 to vector<16xi32>
      %mul3A_3076 = arith.muli %add3A_3066, %mul3A_3075 : vector<16xi32>
      %add3A_3077 = vector.broadcast %add3A_2993 : i32 to vector<16xi32>
      %add3A_3078 = arith.addi %mul3A_3076, %add3A_3077 : vector<16xi32>
      tpu.vector_store_idx %arg12[%add3A_3078], %gather3A_3068 : memref<16384xf32, #tpu.memory_space<vmem>>[vector<16xi32>], vector<16xf32>,
      %add3A_3079 = arith.constant 16 : i32
      %add3A_3080 = vector.broadcast %add3A_3079 : i32 to vector<16xi32>
      %add3A_3081 = arith.addi %iota3A, %add3A_3080 : vector<16xi32>
      %gather3A_3082 = tpu.vector_load_idx %arg9[%broadcast_in_dim3A_3063, %add3A_3081, %broadcast_in_dim3A_3044] : memref<8x32x128xf32, #tpu.memory_space<vmem>>[vector<16xi32>, vector<16xi32>, vector<16xi32>], vector<16xf32>,
      %gather3A_3083 = tpu.vector_load_idx %arg10[%broadcast_in_dim3A_3063, %add3A_3081, %broadcast_in_dim3A_3061] : memref<8x32x128xf32, #tpu.memory_space<vmem>>[vector<16xi32>, vector<16xi32>, vector<16xi32>], vector<16xf32>,
      %mul3A_3084 = arith.constant 512 : i32
      %mul3A_3085 = vector.broadcast %mul3A_3084 : i32 to vector<16xi32>
      %mul3A_3086 = arith.muli %add3A_3081, %mul3A_3085 : vector<16xi32>
      %add3A_3087 = vector.broadcast %add3A_2993 : i32 to vector<16xi32>
      %add3A_3088 = arith.addi %mul3A_3086, %add3A_3087 : vector<16xi32>
      tpu.vector_store_idx %arg11[%add3A_3088], %gather3A_3082 : memref<16384xf32, #tpu.memory_space<vmem>>[vector<16xi32>], vector<16xf32>,
      %mul3A_3089 = arith.constant 512 : i32
      %mul3A_3090 = vector.broadcast %mul3A_3089 : i32 to vector<16xi32>
      %mul3A_3091 = arith.muli %add3A_3081, %mul3A_3090 : vector<16xi32>
      %add3A_3092 = vector.broadcast %add3A_2993 : i32 to vector<16xi32>
      %add3A_3093 = arith.addi %mul3A_3091, %add3A_3092 : vector<16xi32>
      tpu.vector_store_idx %arg12[%add3A_3093], %gather3A_3083 : memref<16384xf32, #tpu.memory_space<vmem>>[vector<16xi32>], vector<16xf32>,
      %slice3A_3094 = vector.extract_strided_slice %get3A_681 {offsets = [15], sizes = [1], strides = [1]} : vector<16xi32> to vector<1xi32>
      %squeeze3A_3095 = vector.extract %slice3A_3094[0] : i32 from vector<1xi32>
      %slice3A_3096 = vector.extract_strided_slice %get3A_688 {offsets = [7], sizes = [1], strides = [1]} : vector<16xi32> to vector<1xi32>
      %squeeze3A_3097 = vector.extract %slice3A_3096[0] : i32 from vector<1xi32>
      %select_n3A_3098 = arith.select %eq3A_691, %squeeze3A_3095, %squeeze3A_3097 : i32
      %slice3A_3099 = vector.extract_strided_slice %get3A_683 {offsets = [15], sizes = [1], strides = [1]} : vector<16xi32> to vector<1xi32>
      %squeeze3A_3100 = vector.extract %slice3A_3099[0] : i32 from vector<1xi32>
      %slice3A_3101 = vector.extract_strided_slice %get3A_690 {offsets = [7], sizes = [1], strides = [1]} : vector<16xi32> to vector<1xi32>
      %squeeze3A_3102 = vector.extract %slice3A_3101[0] : i32 from vector<1xi32>
      %select_n3A_3103 = arith.select %eq3A_691, %squeeze3A_3100, %squeeze3A_3102 : i32
      %not3A_3104 = arith.constant true
      %not3A_3105 = arith.xori %eq3A_691, %not3A_3104 : i1
      %convert_element_type3A_3106 = arith.extui %not3A_3105 : i1 to i32
      %cond3A_3107 = arith.constant 0 : i32
      %cond3A_3108 = arith.cmpi ne, %convert_element_type3A_3106, %cond3A_3107 : i32
      scf.if %cond3A_3108 {
        %jit3A_3109 = arith.constant 128 : i32
        %div3A_3110 = arith.divsi %select_n3A_3098, %jit3A_3109 : i32
        %sign3A_3111 = arith.constant 0 : i32
        %sign3A_3112 = arith.cmpi sgt, %select_n3A_3098, %sign3A_3111 : i32
        %sign3A_3113 = arith.extui %sign3A_3112 : i1 to i32
        %sign3A_3114 = arith.constant 0 : i32
        %sign3A_3115 = arith.cmpi slt, %select_n3A_3098, %sign3A_3114 : i32
        %sign3A_3116 = arith.extui %sign3A_3115 : i1 to i32
        %sign3A_3117 = arith.subi %sign3A_3113, %sign3A_3116 : i32
        %sign3A_3118 = arith.constant 0 : i32
        %sign3A_3119 = arith.cmpi sgt, %jit3A_3109, %sign3A_3118 : i32
        %sign3A_3120 = arith.extui %sign3A_3119 : i1 to i32
        %sign3A_3121 = arith.constant 0 : i32
        %sign3A_3122 = arith.cmpi slt, %jit3A_3109, %sign3A_3121 : i32
        %sign3A_3123 = arith.extui %sign3A_3122 : i1 to i32
        %sign3A_3124 = arith.subi %sign3A_3120, %sign3A_3123 : i32
        %ne3A_3125 = arith.cmpi ne, %sign3A_3117, %sign3A_3124 : i32
        %rem3A_3126 = arith.remsi %select_n3A_3098, %jit3A_3109 : i32
        %ne3A_3127 = arith.constant 0 : i32
        %ne3A_3128 = arith.cmpi ne, %rem3A_3126, %ne3A_3127 : i32
        %and3A_3129 = arith.andi %ne3A_3125, %ne3A_3128 : i1
        %sub3A_3130 = arith.constant 1 : i32
        %sub3A_3131 = arith.subi %div3A_3110, %sub3A_3130 : i32
        %select_n3A_3132 = arith.select %and3A_3129, %sub3A_3131, %div3A_3110 : i32
        %mul3A_3133 = arith.constant 128 : i32
        %mul3A_3134 = arith.muli %select_n3A_3132, %mul3A_3133 : i32
        %multiple_of3A_3135 = tpu.assume_multiple %mul3A_3134, 128 : i32
        %jit3A_3136 = arith.constant 128 : i32
        %div3A_3137 = arith.divsi %select_n3A_3103, %jit3A_3136 : i32
        %sign3A_3138 = arith.constant 0 : i32
        %sign3A_3139 = arith.cmpi sgt, %select_n3A_3103, %sign3A_3138 : i32
        %sign3A_3140 = arith.extui %sign3A_3139 : i1 to i32
        %sign3A_3141 = arith.constant 0 : i32
        %sign3A_3142 = arith.cmpi slt, %select_n3A_3103, %sign3A_3141 : i32
        %sign3A_3143 = arith.extui %sign3A_3142 : i1 to i32
        %sign3A_3144 = arith.subi %sign3A_3140, %sign3A_3143 : i32
        %sign3A_3145 = arith.constant 0 : i32
        %sign3A_3146 = arith.cmpi sgt, %jit3A_3136, %sign3A_3145 : i32
        %sign3A_3147 = arith.extui %sign3A_3146 : i1 to i32
        %sign3A_3148 = arith.constant 0 : i32
        %sign3A_3149 = arith.cmpi slt, %jit3A_3136, %sign3A_3148 : i32
        %sign3A_3150 = arith.extui %sign3A_3149 : i1 to i32
        %sign3A_3151 = arith.subi %sign3A_3147, %sign3A_3150 : i32
        %ne3A_3152 = arith.cmpi ne, %sign3A_3144, %sign3A_3151 : i32
        %rem3A_3153 = arith.remsi %select_n3A_3103, %jit3A_3136 : i32
        %ne3A_3154 = arith.constant 0 : i32
        %ne3A_3155 = arith.cmpi ne, %rem3A_3153, %ne3A_3154 : i32
        %and3A_3156 = arith.andi %ne3A_3152, %ne3A_3155 : i1
        %sub3A_3157 = arith.constant 1 : i32
        %sub3A_3158 = arith.subi %div3A_3137, %sub3A_3157 : i32
        %select_n3A_3159 = arith.select %and3A_3156, %sub3A_3158, %div3A_3137 : i32
        %mul3A_3160 = arith.constant 128 : i32
        %mul3A_3161 = arith.muli %select_n3A_3159, %mul3A_3160 : i32
        %multiple_of3A_3162 = tpu.assume_multiple %mul3A_3161, 128 : i32
        %dma_start3A_3163 = arith.constant 7 : i32
        %dma_start3A_3164 = arith.constant 0 : i32
        %dma_start3A_3165 = arith.constant 0 : i32
        %dma_start3A_3166 = tpu.memref_slice %arg9[%dma_start3A_3163, %dma_start3A_3164, %dma_start3A_3165] : memref<8x32x128xf32, #tpu.memory_space<vmem>> -> memref<1x32x128xf32, #tpu.memory_space<vmem>>
        %dma_start3A_3167 = tpu.memref_squeeze %dma_start3A_3166 : memref<1x32x128xf32, #tpu.memory_space<vmem>> -> memref<32x128xf32, #tpu.memory_space<vmem>>
        %dma_start3A_3168 = arith.constant 0 : i32
        %dma_start3A_3169 = tpu.memref_slice %arg4[%dma_start3A_3168, %multiple_of3A_3135] : memref<32x1000000xf32, #tpu.memory_space<hbm>> -> memref<32x128xf32, #tpu.memory_space<hbm>>
        %dma_start3A_3170 = arith.constant 0 : i32
        %dma_start3A_3171 = arith.constant 0 : i32
        %dma_start3A_3172 = tpu.memref_slice %arg9[%dma_start3A_3163, %dma_start3A_3170, %dma_start3A_3171] : memref<8x32x128xf32, #tpu.memory_space<vmem>> -> memref<1x32x128xf32, #tpu.memory_space<vmem>>
        %dma_start3A_3173 = tpu.memref_squeeze %dma_start3A_3172 : memref<1x32x128xf32, #tpu.memory_space<vmem>> -> memref<32x128xf32, #tpu.memory_space<vmem>>
        %dma_start3A_3174 = arith.constant 0 : i32
        %dma_start3A_3175 = tpu.memref_slice %arg4[%dma_start3A_3174, %multiple_of3A_3135] : memref<32x1000000xf32, #tpu.memory_space<hbm>> -> memref<32x128xf32, #tpu.memory_space<hbm>>
        tpu.enqueue_dma source(%dma_start3A_3175 : memref<32x128xf32, #tpu.memory_space<hbm>>) target(%dma_start3A_3173 : memref<32x128xf32, #tpu.memory_space<vmem>>) target_semaphore(%arg14 : memref<!tpu.dma_semaphore, #tpu.memory_space<semaphore_mem>>)
        %dma_start3A_3176 = arith.constant 7 : i32
        %dma_start3A_3177 = arith.constant 0 : i32
        %dma_start3A_3178 = arith.constant 0 : i32
        %dma_start3A_3179 = tpu.memref_slice %arg10[%dma_start3A_3176, %dma_start3A_3177, %dma_start3A_3178] : memref<8x32x128xf32, #tpu.memory_space<vmem>> -> memref<1x32x128xf32, #tpu.memory_space<vmem>>
        %dma_start3A_3180 = tpu.memref_squeeze %dma_start3A_3179 : memref<1x32x128xf32, #tpu.memory_space<vmem>> -> memref<32x128xf32, #tpu.memory_space<vmem>>
        %dma_start3A_3181 = arith.constant 0 : i32
        %dma_start3A_3182 = tpu.memref_slice %arg5[%dma_start3A_3181, %multiple_of3A_3162] : memref<32x1000000xf32, #tpu.memory_space<hbm>> -> memref<32x128xf32, #tpu.memory_space<hbm>>
        %dma_start3A_3183 = arith.constant 0 : i32
        %dma_start3A_3184 = arith.constant 0 : i32
        %dma_start3A_3185 = tpu.memref_slice %arg10[%dma_start3A_3176, %dma_start3A_3183, %dma_start3A_3184] : memref<8x32x128xf32, #tpu.memory_space<vmem>> -> memref<1x32x128xf32, #tpu.memory_space<vmem>>
        %dma_start3A_3186 = tpu.memref_squeeze %dma_start3A_3185 : memref<1x32x128xf32, #tpu.memory_space<vmem>> -> memref<32x128xf32, #tpu.memory_space<vmem>>
        %dma_start3A_3187 = arith.constant 0 : i32
        %dma_start3A_3188 = tpu.memref_slice %arg5[%dma_start3A_3187, %multiple_of3A_3162] : memref<32x1000000xf32, #tpu.memory_space<hbm>> -> memref<32x128xf32, #tpu.memory_space<hbm>>
        tpu.enqueue_dma source(%dma_start3A_3188 : memref<32x128xf32, #tpu.memory_space<hbm>>) target(%dma_start3A_3186 : memref<32x128xf32, #tpu.memory_space<vmem>>) target_semaphore(%arg15 : memref<!tpu.dma_semaphore, #tpu.memory_space<semaphore_mem>>)
      } else {
      }
    }
    %scan3A_670 = arith.constant 32 : i32
    %scan3A_671 = arith.constant 0 : i32
    %scan3A_672 = arith.constant 0 : i32
    %scan3A_673 = arith.constant 32 : i32
    %scan3A_674 = arith.addi %scan3A_672, %scan3A_673 : i32
    %scan3A_675 = arith.constant 1 : i32
    scf.for %scan3A_677 = %scan3A_672 to %scan3A_674 step %scan3A_675  : i32 {
      %mul3A_678 = arith.constant 16 : i32
      %mul3A_679 = arith.muli %scan3A_677, %mul3A_678 : i32
      %get3A_680 = arith.index_cast %mul3A_679 : i32 to index
      %get3A_681 = tpu.vector_load %arg11[%get3A_680] {strides = array<i32>} : memref<16384xf32, #tpu.memory_space<vmem>>, vector<16xf32>,
      %get3A_682 = arith.index_cast %mul3A_679 : i32 to index
      %get3A_683 = tpu.vector_load %arg12[%get3A_682] {strides = array<i32>} : memref<16384xf32, #tpu.memory_space<vmem>>, vector<16xf32>,
      %mul3A_684 = arith.mulf %get3A_681, %get3A_683 : vector<16xf32>
      %add3A_685 = arith.constant 512 : i32
      %add3A_686 = arith.addi %add3A_685, %mul3A_679 : i32
      %get3A_687 = arith.index_cast %add3A_686 : i32 to index
      %get3A_688 = tpu.vector_load %arg11[%get3A_687] {strides = array<i32>} : memref<16384xf32, #tpu.memory_space<vmem>>, vector<16xf32>,
      %add3A_689 = arith.constant 512 : i32
      %add3A_690 = arith.addi %add3A_689, %mul3A_679 : i32
      %get3A_691 = arith.index_cast %add3A_690 : i32 to index
      %get3A_692 = tpu.vector_load %arg12[%get3A_691] {strides = array<i32>} : memref<16384xf32, #tpu.memory_space<vmem>>, vector<16xf32>,
      %mul3A_693 = arith.mulf %get3A_688, %get3A_692 : vector<16xf32>
      %add3A_694 = arith.addf %mul3A_684, %mul3A_693 : vector<16xf32>
      %add3A_695 = arith.constant 1024 : i32
      %add3A_696 = arith.addi %add3A_695, %mul3A_679 : i32
      %get3A_697 = arith.index_cast %add3A_696 : i32 to index
      %get3A_698 = tpu.vector_load %arg11[%get3A_697] {strides = array<i32>} : memref<16384xf32, #tpu.memory_space<vmem>>, vector<16xf32>,
      %add3A_699 = arith.constant 1024 : i32
      %add3A_700 = arith.addi %add3A_699, %mul3A_679 : i32
      %get3A_701 = arith.index_cast %add3A_700 : i32 to index
      %get3A_702 = tpu.vector_load %arg12[%get3A_701] {strides = array<i32>} : memref<16384xf32, #tpu.memory_space<vmem>>, vector<16xf32>,
      %mul3A_703 = arith.mulf %get3A_698, %get3A_702 : vector<16xf32>
      %add3A_704 = arith.addf %add3A_694, %mul3A_703 : vector<16xf32>
      %add3A_705 = arith.constant 1536 : i32
      %add3A_706 = arith.addi %add3A_705, %mul3A_679 : i32
      %get3A_707 = arith.index_cast %add3A_706 : i32 to index
      %get3A_708 = tpu.vector_load %arg11[%get3A_707] {strides = array<i32>} : memref<16384xf32, #tpu.memory_space<vmem>>, vector<16xf32>,
      %add3A_709 = arith.constant 1536 : i32
      %add3A_710 = arith.addi %add3A_709, %mul3A_679 : i32
      %get3A_711 = arith.index_cast %add3A_710 : i32 to index
      %get3A_712 = tpu.vector_load %arg12[%get3A_711] {strides = array<i32>} : memref<16384xf32, #tpu.memory_space<vmem>>, vector<16xf32>,
      %mul3A_713 = arith.mulf %get3A_708, %get3A_712 : vector<16xf32>
      %add3A_714 = arith.addf %add3A_704, %mul3A_713 : vector<16xf32>
      %add3A_715 = arith.constant 2048 : i32
      %add3A_716 = arith.addi %add3A_715, %mul3A_679 : i32
      %get3A_717 = arith.index_cast %add3A_716 : i32 to index
      %get3A_718 = tpu.vector_load %arg11[%get3A_717] {strides = array<i32>} : memref<16384xf32, #tpu.memory_space<vmem>>, vector<16xf32>,
      %add3A_719 = arith.constant 2048 : i32
      %add3A_720 = arith.addi %add3A_719, %mul3A_679 : i32
      %get3A_721 = arith.index_cast %add3A_720 : i32 to index
      %get3A_722 = tpu.vector_load %arg12[%get3A_721] {strides = array<i32>} : memref<16384xf32, #tpu.memory_space<vmem>>, vector<16xf32>,
      %mul3A_723 = arith.mulf %get3A_718, %get3A_722 : vector<16xf32>
      %add3A_724 = arith.addf %add3A_714, %mul3A_723 : vector<16xf32>
      %add3A_725 = arith.constant 2560 : i32
      %add3A_726 = arith.addi %add3A_725, %mul3A_679 : i32
      %get3A_727 = arith.index_cast %add3A_726 : i32 to index
      %get3A_728 = tpu.vector_load %arg11[%get3A_727] {strides = array<i32>} : memref<16384xf32, #tpu.memory_space<vmem>>, vector<16xf32>,
      %add3A_729 = arith.constant 2560 : i32
      %add3A_730 = arith.addi %add3A_729, %mul3A_679 : i32
      %get3A_731 = arith.index_cast %add3A_730 : i32 to index
      %get3A_732 = tpu.vector_load %arg12[%get3A_731] {strides = array<i32>} : memref<16384xf32, #tpu.memory_space<vmem>>, vector<16xf32>,
      %mul3A_733 = arith.mulf %get3A_728, %get3A_732 : vector<16xf32>
      %add3A_734 = arith.addf %add3A_724, %mul3A_733 : vector<16xf32>
      %add3A_735 = arith.constant 3072 : i32
      %add3A_736 = arith.addi %add3A_735, %mul3A_679 : i32
      %get3A_737 = arith.index_cast %add3A_736 : i32 to index
      %get3A_738 = tpu.vector_load %arg11[%get3A_737] {strides = array<i32>} : memref<16384xf32, #tpu.memory_space<vmem>>, vector<16xf32>,
      %add3A_739 = arith.constant 3072 : i32
      %add3A_740 = arith.addi %add3A_739, %mul3A_679 : i32
      %get3A_741 = arith.index_cast %add3A_740 : i32 to index
      %get3A_742 = tpu.vector_load %arg12[%get3A_741] {strides = array<i32>} : memref<16384xf32, #tpu.memory_space<vmem>>, vector<16xf32>,
      %mul3A_743 = arith.mulf %get3A_738, %get3A_742 : vector<16xf32>
      %add3A_744 = arith.addf %add3A_734, %mul3A_743 : vector<16xf32>
      %add3A_745 = arith.constant 3584 : i32
      %add3A_746 = arith.addi %add3A_745, %mul3A_679 : i32
      %get3A_747 = arith.index_cast %add3A_746 : i32 to index
      %get3A_748 = tpu.vector_load %arg11[%get3A_747] {strides = array<i32>} : memref<16384xf32, #tpu.memory_space<vmem>>, vector<16xf32>,
      %add3A_749 = arith.constant 3584 : i32
      %add3A_750 = arith.addi %add3A_749, %mul3A_679 : i32
      %get3A_751 = arith.index_cast %add3A_750 : i32 to index
      %get3A_752 = tpu.vector_load %arg12[%get3A_751] {strides = array<i32>} : memref<16384xf32, #tpu.memory_space<vmem>>, vector<16xf32>,
      %mul3A_753 = arith.mulf %get3A_748, %get3A_752 : vector<16xf32>
      %add3A_754 = arith.addf %add3A_744, %mul3A_753 : vector<16xf32>
      %add3A_755 = arith.constant 4096 : i32
      %add3A_756 = arith.addi %add3A_755, %mul3A_679 : i32
      %get3A_757 = arith.index_cast %add3A_756 : i32 to index
      %get3A_758 = tpu.vector_load %arg11[%get3A_757] {strides = array<i32>} : memref<16384xf32, #tpu.memory_space<vmem>>, vector<16xf32>,
      %add3A_759 = arith.constant 4096 : i32
      %add3A_760 = arith.addi %add3A_759, %mul3A_679 : i32
      %get3A_761 = arith.index_cast %add3A_760 : i32 to index
      %get3A_762 = tpu.vector_load %arg12[%get3A_761] {strides = array<i32>} : memref<16384xf32, #tpu.memory_space<vmem>>, vector<16xf32>,
      %mul3A_763 = arith.mulf %get3A_758, %get3A_762 : vector<16xf32>
      %add3A_764 = arith.addf %add3A_754, %mul3A_763 : vector<16xf32>
      %add3A_765 = arith.constant 4608 : i32
      %add3A_766 = arith.addi %add3A_765, %mul3A_679 : i32
      %get3A_767 = arith.index_cast %add3A_766 : i32 to index
      %get3A_768 = tpu.vector_load %arg11[%get3A_767] {strides = array<i32>} : memref<16384xf32, #tpu.memory_space<vmem>>, vector<16xf32>,
      %add3A_769 = arith.constant 4608 : i32
      %add3A_770 = arith.addi %add3A_769, %mul3A_679 : i32
      %get3A_771 = arith.index_cast %add3A_770 : i32 to index
      %get3A_772 = tpu.vector_load %arg12[%get3A_771] {strides = array<i32>} : memref<16384xf32, #tpu.memory_space<vmem>>, vector<16xf32>,
      %mul3A_773 = arith.mulf %get3A_768, %get3A_772 : vector<16xf32>
      %add3A_774 = arith.addf %add3A_764, %mul3A_773 : vector<16xf32>
      %add3A_775 = arith.constant 5120 : i32
      %add3A_776 = arith.addi %add3A_775, %mul3A_679 : i32
      %get3A_777 = arith.index_cast %add3A_776 : i32 to index
      %get3A_778 = tpu.vector_load %arg11[%get3A_777] {strides = array<i32>} : memref<16384xf32, #tpu.memory_space<vmem>>, vector<16xf32>,
      %add3A_779 = arith.constant 5120 : i32
      %add3A_780 = arith.addi %add3A_779, %mul3A_679 : i32
      %get3A_781 = arith.index_cast %add3A_780 : i32 to index
      %get3A_782 = tpu.vector_load %arg12[%get3A_781] {strides = array<i32>} : memref<16384xf32, #tpu.memory_space<vmem>>, vector<16xf32>,
      %mul3A_783 = arith.mulf %get3A_778, %get3A_782 : vector<16xf32>
      %add3A_784 = arith.addf %add3A_774, %mul3A_783 : vector<16xf32>
      %add3A_785 = arith.constant 5632 : i32
      %add3A_786 = arith.addi %add3A_785, %mul3A_679 : i32
      %get3A_787 = arith.index_cast %add3A_786 : i32 to index
      %get3A_788 = tpu.vector_load %arg11[%get3A_787] {strides = array<i32>} : memref<16384xf32, #tpu.memory_space<vmem>>, vector<16xf32>,
      %add3A_789 = arith.constant 5632 : i32
      %add3A_790 = arith.addi %add3A_789, %mul3A_679 : i32
      %get3A_791 = arith.index_cast %add3A_790 : i32 to index
      %get3A_792 = tpu.vector_load %arg12[%get3A_791] {strides = array<i32>} : memref<16384xf32, #tpu.memory_space<vmem>>, vector<16xf32>,
      %mul3A_793 = arith.mulf %get3A_788, %get3A_792 : vector<16xf32>
      %add3A_794 = arith.addf %add3A_784, %mul3A_793 : vector<16xf32>
      %add3A_795 = arith.constant 6144 : i32
      %add3A_796 = arith.addi %add3A_795, %mul3A_679 : i32
      %get3A_797 = arith.index_cast %add3A_796 : i32 to index
      %get3A_798 = tpu.vector_load %arg11[%get3A_797] {strides = array<i32>} : memref<16384xf32, #tpu.memory_space<vmem>>, vector<16xf32>,
      %add3A_799 = arith.constant 6144 : i32
      %add3A_800 = arith.addi %add3A_799, %mul3A_679 : i32
      %get3A_801 = arith.index_cast %add3A_800 : i32 to index
      %get3A_802 = tpu.vector_load %arg12[%get3A_801] {strides = array<i32>} : memref<16384xf32, #tpu.memory_space<vmem>>, vector<16xf32>,
      %mul3A_803 = arith.mulf %get3A_798, %get3A_802 : vector<16xf32>
      %add3A_804 = arith.addf %add3A_794, %mul3A_803 : vector<16xf32>
      %add3A_805 = arith.constant 6656 : i32
      %add3A_806 = arith.addi %add3A_805, %mul3A_679 : i32
      %get3A_807 = arith.index_cast %add3A_806 : i32 to index
      %get3A_808 = tpu.vector_load %arg11[%get3A_807] {strides = array<i32>} : memref<16384xf32, #tpu.memory_space<vmem>>, vector<16xf32>,
      %add3A_809 = arith.constant 6656 : i32
      %add3A_810 = arith.addi %add3A_809, %mul3A_679 : i32
      %get3A_811 = arith.index_cast %add3A_810 : i32 to index
      %get3A_812 = tpu.vector_load %arg12[%get3A_811] {strides = array<i32>} : memref<16384xf32, #tpu.memory_space<vmem>>, vector<16xf32>,
      %mul3A_813 = arith.mulf %get3A_808, %get3A_812 : vector<16xf32>
      %add3A_814 = arith.addf %add3A_804, %mul3A_813 : vector<16xf32>
      %add3A_815 = arith.constant 7168 : i32
      %add3A_816 = arith.addi %add3A_815, %mul3A_679 : i32
      %get3A_817 = arith.index_cast %add3A_816 : i32 to index
      %get3A_818 = tpu.vector_load %arg11[%get3A_817] {strides = array<i32>} : memref<16384xf32, #tpu.memory_space<vmem>>, vector<16xf32>,
      %add3A_819 = arith.constant 7168 : i32
      %add3A_820 = arith.addi %add3A_819, %mul3A_679 : i32
      %get3A_821 = arith.index_cast %add3A_820 : i32 to index
      %get3A_822 = tpu.vector_load %arg12[%get3A_821] {strides = array<i32>} : memref<16384xf32, #tpu.memory_space<vmem>>, vector<16xf32>,
      %mul3A_823 = arith.mulf %get3A_818, %get3A_822 : vector<16xf32>
      %add3A_824 = arith.addf %add3A_814, %mul3A_823 : vector<16xf32>
      %add3A_825 = arith.constant 7680 : i32
      %add3A_826 = arith.addi %add3A_825, %mul3A_679 : i32
      %get3A_827 = arith.index_cast %add3A_826 : i32 to index
      %get3A_828 = tpu.vector_load %arg11[%get3A_827] {strides = array<i32>} : memref<16384xf32, #tpu.memory_space<vmem>>, vector<16xf32>,
      %add3A_829 = arith.constant 7680 : i32
      %add3A_830 = arith.addi %add3A_829, %mul3A_679 : i32
      %get3A_831 = arith.index_cast %add3A_830 : i32 to index
      %get3A_832 = tpu.vector_load %arg12[%get3A_831] {strides = array<i32>} : memref<16384xf32, #tpu.memory_space<vmem>>, vector<16xf32>,
      %mul3A_833 = arith.mulf %get3A_828, %get3A_832 : vector<16xf32>
      %add3A_834 = arith.addf %add3A_824, %mul3A_833 : vector<16xf32>
      %add3A_835 = arith.constant 8192 : i32
      %add3A_836 = arith.addi %add3A_835, %mul3A_679 : i32
      %get3A_837 = arith.index_cast %add3A_836 : i32 to index
      %get3A_838 = tpu.vector_load %arg11[%get3A_837] {strides = array<i32>} : memref<16384xf32, #tpu.memory_space<vmem>>, vector<16xf32>,
      %add3A_839 = arith.constant 8192 : i32
      %add3A_840 = arith.addi %add3A_839, %mul3A_679 : i32
      %get3A_841 = arith.index_cast %add3A_840 : i32 to index
      %get3A_842 = tpu.vector_load %arg12[%get3A_841] {strides = array<i32>} : memref<16384xf32, #tpu.memory_space<vmem>>, vector<16xf32>,
      %mul3A_843 = arith.mulf %get3A_838, %get3A_842 : vector<16xf32>
      %add3A_844 = arith.addf %add3A_834, %mul3A_843 : vector<16xf32>
      %add3A_845 = arith.constant 8704 : i32
      %add3A_846 = arith.addi %add3A_845, %mul3A_679 : i32
      %get3A_847 = arith.index_cast %add3A_846 : i32 to index
      %get3A_848 = tpu.vector_load %arg11[%get3A_847] {strides = array<i32>} : memref<16384xf32, #tpu.memory_space<vmem>>, vector<16xf32>,
      %add3A_849 = arith.constant 8704 : i32
      %add3A_850 = arith.addi %add3A_849, %mul3A_679 : i32
      %get3A_851 = arith.index_cast %add3A_850 : i32 to index
      %get3A_852 = tpu.vector_load %arg12[%get3A_851] {strides = array<i32>} : memref<16384xf32, #tpu.memory_space<vmem>>, vector<16xf32>,
      %mul3A_853 = arith.mulf %get3A_848, %get3A_852 : vector<16xf32>
      %add3A_854 = arith.addf %add3A_844, %mul3A_853 : vector<16xf32>
      %add3A_855 = arith.constant 9216 : i32
      %add3A_856 = arith.addi %add3A_855, %mul3A_679 : i32
      %get3A_857 = arith.index_cast %add3A_856 : i32 to index
      %get3A_858 = tpu.vector_load %arg11[%get3A_857] {strides = array<i32>} : memref<16384xf32, #tpu.memory_space<vmem>>, vector<16xf32>,
      %add3A_859 = arith.constant 9216 : i32
      %add3A_860 = arith.addi %add3A_859, %mul3A_679 : i32
      %get3A_861 = arith.index_cast %add3A_860 : i32 to index
      %get3A_862 = tpu.vector_load %arg12[%get3A_861] {strides = array<i32>} : memref<16384xf32, #tpu.memory_space<vmem>>, vector<16xf32>,
      %mul3A_863 = arith.mulf %get3A_858, %get3A_862 : vector<16xf32>
      %add3A_864 = arith.addf %add3A_854, %mul3A_863 : vector<16xf32>
      %add3A_865 = arith.constant 9728 : i32
      %add3A_866 = arith.addi %add3A_865, %mul3A_679 : i32
      %get3A_867 = arith.index_cast %add3A_866 : i32 to index
      %get3A_868 = tpu.vector_load %arg11[%get3A_867] {strides = array<i32>} : memref<16384xf32, #tpu.memory_space<vmem>>, vector<16xf32>,
      %add3A_869 = arith.constant 9728 : i32
      %add3A_870 = arith.addi %add3A_869, %mul3A_679 : i32
      %get3A_871 = arith.index_cast %add3A_870 : i32 to index
      %get3A_872 = tpu.vector_load %arg12[%get3A_871] {strides = array<i32>} : memref<16384xf32, #tpu.memory_space<vmem>>, vector<16xf32>,
      %mul3A_873 = arith.mulf %get3A_868, %get3A_872 : vector<16xf32>
      %add3A_874 = arith.addf %add3A_864, %mul3A_873 : vector<16xf32>
      %add3A_875 = arith.constant 10240 : i32
      %add3A_876 = arith.addi %add3A_875, %mul3A_679 : i32
      %get3A_877 = arith.index_cast %add3A_876 : i32 to index
      %get3A_878 = tpu.vector_load %arg11[%get3A_877] {strides = array<i32>} : memref<16384xf32, #tpu.memory_space<vmem>>, vector<16xf32>,
      %add3A_879 = arith.constant 10240 : i32
      %add3A_880 = arith.addi %add3A_879, %mul3A_679 : i32
      %get3A_881 = arith.index_cast %add3A_880 : i32 to index
      %get3A_882 = tpu.vector_load %arg12[%get3A_881] {strides = array<i32>} : memref<16384xf32, #tpu.memory_space<vmem>>, vector<16xf32>,
      %mul3A_883 = arith.mulf %get3A_878, %get3A_882 : vector<16xf32>
      %add3A_884 = arith.addf %add3A_874, %mul3A_883 : vector<16xf32>
      %add3A_885 = arith.constant 10752 : i32
      %add3A_886 = arith.addi %add3A_885, %mul3A_679 : i32
      %get3A_887 = arith.index_cast %add3A_886 : i32 to index
      %get3A_888 = tpu.vector_load %arg11[%get3A_887] {strides = array<i32>} : memref<16384xf32, #tpu.memory_space<vmem>>, vector<16xf32>,
      %add3A_889 = arith.constant 10752 : i32
      %add3A_890 = arith.addi %add3A_889, %mul3A_679 : i32
      %get3A_891 = arith.index_cast %add3A_890 : i32 to index
      %get3A_892 = tpu.vector_load %arg12[%get3A_891] {strides = array<i32>} : memref<16384xf32, #tpu.memory_space<vmem>>, vector<16xf32>,
      %mul3A_893 = arith.mulf %get3A_888, %get3A_892 : vector<16xf32>
      %add3A_894 = arith.addf %add3A_884, %mul3A_893 : vector<16xf32>
      %add3A_895 = arith.constant 11264 : i32
      %add3A_896 = arith.addi %add3A_895, %mul3A_679 : i32
      %get3A_897 = arith.index_cast %add3A_896 : i32 to index
      %get3A_898 = tpu.vector_load %arg11[%get3A_897] {strides = array<i32>} : memref<16384xf32, #tpu.memory_space<vmem>>, vector<16xf32>,
      %add3A_899 = arith.constant 11264 : i32
      %add3A_900 = arith.addi %add3A_899, %mul3A_679 : i32
      %get3A_901 = arith.index_cast %add3A_900 : i32 to index
      %get3A_902 = tpu.vector_load %arg12[%get3A_901] {strides = array<i32>} : memref<16384xf32, #tpu.memory_space<vmem>>, vector<16xf32>,
      %mul3A_903 = arith.mulf %get3A_898, %get3A_902 : vector<16xf32>
      %add3A_904 = arith.addf %add3A_894, %mul3A_903 : vector<16xf32>
      %add3A_905 = arith.constant 11776 : i32
      %add3A_906 = arith.addi %add3A_905, %mul3A_679 : i32
      %get3A_907 = arith.index_cast %add3A_906 : i32 to index
      %get3A_908 = tpu.vector_load %arg11[%get3A_907] {strides = array<i32>} : memref<16384xf32, #tpu.memory_space<vmem>>, vector<16xf32>,
      %add3A_909 = arith.constant 11776 : i32
      %add3A_910 = arith.addi %add3A_909, %mul3A_679 : i32
      %get3A_911 = arith.index_cast %add3A_910 : i32 to index
      %get3A_912 = tpu.vector_load %arg12[%get3A_911] {strides = array<i32>} : memref<16384xf32, #tpu.memory_space<vmem>>, vector<16xf32>,
      %mul3A_913 = arith.mulf %get3A_908, %get3A_912 : vector<16xf32>
      %add3A_914 = arith.addf %add3A_904, %mul3A_913 : vector<16xf32>
      %add3A_915 = arith.constant 12288 : i32
      %add3A_916 = arith.addi %add3A_915, %mul3A_679 : i32
      %get3A_917 = arith.index_cast %add3A_916 : i32 to index
      %get3A_918 = tpu.vector_load %arg11[%get3A_917] {strides = array<i32>} : memref<16384xf32, #tpu.memory_space<vmem>>, vector<16xf32>,
      %add3A_919 = arith.constant 12288 : i32
      %add3A_920 = arith.addi %add3A_919, %mul3A_679 : i32
      %get3A_921 = arith.index_cast %add3A_920 : i32 to index
      %get3A_922 = tpu.vector_load %arg12[%get3A_921] {strides = array<i32>} : memref<16384xf32, #tpu.memory_space<vmem>>, vector<16xf32>,
      %mul3A_923 = arith.mulf %get3A_918, %get3A_922 : vector<16xf32>
      %add3A_924 = arith.addf %add3A_914, %mul3A_923 : vector<16xf32>
      %add3A_925 = arith.constant 12800 : i32
      %add3A_926 = arith.addi %add3A_925, %mul3A_679 : i32
      %get3A_927 = arith.index_cast %add3A_926 : i32 to index
      %get3A_928 = tpu.vector_load %arg11[%get3A_927] {strides = array<i32>} : memref<16384xf32, #tpu.memory_space<vmem>>, vector<16xf32>,
      %add3A_929 = arith.constant 12800 : i32
      %add3A_930 = arith.addi %add3A_929, %mul3A_679 : i32
      %get3A_931 = arith.index_cast %add3A_930 : i32 to index
      %get3A_932 = tpu.vector_load %arg12[%get3A_931] {strides = array<i32>} : memref<16384xf32, #tpu.memory_space<vmem>>, vector<16xf32>,
      %mul3A_933 = arith.mulf %get3A_928, %get3A_932 : vector<16xf32>
      %add3A_934 = arith.addf %add3A_924, %mul3A_933 : vector<16xf32>
      %add3A_935 = arith.constant 13312 : i32
      %add3A_936 = arith.addi %add3A_935, %mul3A_679 : i32
      %get3A_937 = arith.index_cast %add3A_936 : i32 to index
      %get3A_938 = tpu.vector_load %arg11[%get3A_937] {strides = array<i32>} : memref<16384xf32, #tpu.memory_space<vmem>>, vector<16xf32>,
      %add3A_939 = arith.constant 13312 : i32
      %add3A_940 = arith.addi %add3A_939, %mul3A_679 : i32
      %get3A_941 = arith.index_cast %add3A_940 : i32 to index
      %get3A_942 = tpu.vector_load %arg12[%get3A_941] {strides = array<i32>} : memref<16384xf32, #tpu.memory_space<vmem>>, vector<16xf32>,
      %mul3A_943 = arith.mulf %get3A_938, %get3A_942 : vector<16xf32>
      %add3A_944 = arith.addf %add3A_934, %mul3A_943 : vector<16xf32>
      %add3A_945 = arith.constant 13824 : i32
      %add3A_946 = arith.addi %add3A_945, %mul3A_679 : i32
      %get3A_947 = arith.index_cast %add3A_946 : i32 to index
      %get3A_948 = tpu.vector_load %arg11[%get3A_947] {strides = array<i32>} : memref<16384xf32, #tpu.memory_space<vmem>>, vector<16xf32>,
      %add3A_949 = arith.constant 13824 : i32
      %add3A_950 = arith.addi %add3A_949, %mul3A_679 : i32
      %get3A_951 = arith.index_cast %add3A_950 : i32 to index
      %get3A_952 = tpu.vector_load %arg12[%get3A_951] {strides = array<i32>} : memref<16384xf32, #tpu.memory_space<vmem>>, vector<16xf32>,
      %mul3A_953 = arith.mulf %get3A_948, %get3A_952 : vector<16xf32>
      %add3A_954 = arith.addf %add3A_944, %mul3A_953 : vector<16xf32>
      %add3A_955 = arith.constant 14336 : i32
      %add3A_956 = arith.addi %add3A_955, %mul3A_679 : i32
      %get3A_957 = arith.index_cast %add3A_956 : i32 to index
      %get3A_958 = tpu.vector_load %arg11[%get3A_957] {strides = array<i32>} : memref<16384xf32, #tpu.memory_space<vmem>>, vector<16xf32>,
      %add3A_959 = arith.constant 14336 : i32
      %add3A_960 = arith.addi %add3A_959, %mul3A_679 : i32
      %get3A_961 = arith.index_cast %add3A_960 : i32 to index
      %get3A_962 = tpu.vector_load %arg12[%get3A_961] {strides = array<i32>} : memref<16384xf32, #tpu.memory_space<vmem>>, vector<16xf32>,
      %mul3A_963 = arith.mulf %get3A_958, %get3A_962 : vector<16xf32>
      %add3A_964 = arith.addf %add3A_954, %mul3A_963 : vector<16xf32>
      %add3A_965 = arith.constant 14848 : i32
      %add3A_966 = arith.addi %add3A_965, %mul3A_679 : i32
      %get3A_967 = arith.index_cast %add3A_966 : i32 to index
      %get3A_968 = tpu.vector_load %arg11[%get3A_967] {strides = array<i32>} : memref<16384xf32, #tpu.memory_space<vmem>>, vector<16xf32>,
      %add3A_969 = arith.constant 14848 : i32
      %add3A_970 = arith.addi %add3A_969, %mul3A_679 : i32
      %get3A_971 = arith.index_cast %add3A_970 : i32 to index
      %get3A_972 = tpu.vector_load %arg12[%get3A_971] {strides = array<i32>} : memref<16384xf32, #tpu.memory_space<vmem>>, vector<16xf32>,
      %mul3A_973 = arith.mulf %get3A_968, %get3A_972 : vector<16xf32>
      %add3A_974 = arith.addf %add3A_964, %mul3A_973 : vector<16xf32>
      %add3A_975 = arith.constant 15360 : i32
      %add3A_976 = arith.addi %add3A_975, %mul3A_679 : i32
      %get3A_977 = arith.index_cast %add3A_976 : i32 to index
      %get3A_978 = tpu.vector_load %arg11[%get3A_977] {strides = array<i32>} : memref<16384xf32, #tpu.memory_space<vmem>>, vector<16xf32>,
      %add3A_979 = arith.constant 15360 : i32
      %add3A_980 = arith.addi %add3A_979, %mul3A_679 : i32
      %get3A_981 = arith.index_cast %add3A_980 : i32 to index
      %get3A_982 = tpu.vector_load %arg12[%get3A_981] {strides = array<i32>} : memref<16384xf32, #tpu.memory_space<vmem>>, vector<16xf32>,
      %mul3A_983 = arith.mulf %get3A_978, %get3A_982 : vector<16xf32>
      %add3A_984 = arith.addf %add3A_974, %mul3A_983 : vector<16xf32>
      %add3A_985 = arith.constant 15872 : i32
      %add3A_986 = arith.addi %add3A_985, %mul3A_679 : i32
      %get3A_987 = arith.index_cast %add3A_986 : i32 to index
      %get3A_988 = tpu.vector_load %arg11[%get3A_987] {strides = array<i32>} : memref<16384xf32, #tpu.memory_space<vmem>>, vector<16xf32>,
      %add3A_989 = arith.constant 15872 : i32
      %add3A_990 = arith.addi %add3A_989, %mul3A_679 : i32
      %get3A_991 = arith.index_cast %add3A_990 : i32 to index
      %get3A_992 = tpu.vector_load %arg12[%get3A_991] {strides = array<i32>} : memref<16384xf32, #tpu.memory_space<vmem>>, vector<16xf32>,
      %mul3A_993 = arith.mulf %get3A_988, %get3A_992 : vector<16xf32>
      %add3A_994 = arith.addf %add3A_984, %mul3A_993 : vector<16xf32>
      %swap3A = arith.index_cast %mul3A_679 : i32 to index
      %swap3A_995 = tpu.vector_load %arg13[%swap3A] {strides = array<i32>} : memref<512xf32, #tpu.memory_space<vmem>>, vector<16xf32>,
      tpu.vector_store %arg13[%swap3A], %add3A_994 {strides = array<i32>} : memref<512xf32, #tpu.memory_space<vmem>>, vector<16xf32>,
    }
    %scan3A_676 = arith.constant 32 : i32
    "tpu.region"() ({
      %run_scoped3A = tpu.sem_alloc : memref<!tpu.dma_semaphore, #tpu.memory_space<semaphore_mem>>
      %dma_start3A_677 = tpu.memref_slice %arg6[%mul3A_2] : memref<16384xf32, #tpu.memory_space<hbm>> -> memref<512xf32, #tpu.memory_space<hbm>>
      %dma_start3A_678 = tpu.memref_slice %arg6[%mul3A_2] : memref<16384xf32, #tpu.memory_space<hbm>> -> memref<512xf32, #tpu.memory_space<hbm>>
      tpu.enqueue_dma source(%arg13 : memref<512xf32, #tpu.memory_space<vmem>>) target(%dma_start3A_678 : memref<512xf32, #tpu.memory_space<hbm>>) target_semaphore(%run_scoped3A : memref<!tpu.dma_semaphore, #tpu.memory_space<semaphore_mem>>)
      %dma_wait3A = tpu.memref_slice %arg6[%mul3A_2] : memref<16384xf32, #tpu.memory_space<hbm>> -> memref<512xf32, #tpu.memory_space<hbm>>
      %dma_wait3A_679 = tpu.memref_slice %arg6[%mul3A_2] : memref<16384xf32, #tpu.memory_space<hbm>> -> memref<512xf32, #tpu.memory_space<hbm>>
      tpu.wait_dma2 semaphore(%run_scoped3A : memref<!tpu.dma_semaphore, #tpu.memory_space<semaphore_mem>>) src(%arg13 : memref<512xf32, #tpu.memory_space<vmem>>) dst(%dma_wait3A_679 : memref<512xf32, #tpu.memory_space<hbm>>)
      tpu.yield
    }) : () -> ()
    return
  }
}

</mosaic_0001>

<sc_bundles>
// kernel: kernel.3.cloned.1.call-start
scs
__scs_entry_jumppad:
0x0: {  	(pc) =	sbr.rel $0x88, $3  }
0x1: {  	(tag) =	ssettag $0x0;
	lr =	simm.s32 $0x1  }
0x2: {  	[smem:$0x3F9E] =	sst lr;
	_ =	strace $0xD0000000  }
0x3: {  	_ = 	snop  }
0x4: {  	_ = 	snop  }
0x5: {  	_ = 	snop  }
0x6: {  	_ = 	snop  }
0x7: {  	_ = 	snop  }
__scs_overlays_trampoline_lowered:
0x8: {  	[smem:$0x3FAD] =	sst s0  }
0x9: {  	[smem:$0x3FAE] =	sst s1  }
0xa: {  	[smem:$0x3FAF] =	sst s2  }
0xb: {  	[smem:$0x3FB0] =	sst s3  }
0xc: {  	[smem:$0x3FB1] =	sst s4  }
0xd: {  	[smem:$0x3FB2] =	sst s5  }
0xe: {  	[smem:$0x3FB3] =	sst s6  }
0xf: {  	[smem:$0x3FB4] =	sst s7  }
0x10: {  	[smem:$0x3FB5] =	sst s8  }
0x11: {  	[smem:$0x3FB6] =	sst s9;
	s0 =	simm.s32 @!p0 $0x0  }
0x12: {  	s1 =	sld [smem:$0x3F9C];
	s0 =	simm.s32 @p0 $0x1  }
0x13: {  	[smem:$0x3FB7] =	sst s0;
	s0 =	simm.s32 @!p1 $0x0  }
0x14: {  	s2 =	sld [smem:$0x3F9B];
	s0 =	simm.s32 @p1 $0x1  }
0x15: {  	[smem:$0x3FB8] =	sst s0;
	s0 =	simm.s32 @!p2 $0x0  }
0x16: {  	s3 =	sld [smem:$0x3FDB];
	s0 =	simm.s32 @p2 $0x1  }
0x17: {  	s4 =	simm.s32 $0x1BF5;
	[smem:$0x3FBA] =	sst s0  }
0x18: {  	s0 =	sld [smem:$0x3F9D];
	_ =	swait.ge [sflag:s4], $0x0  }
0x19: {  	s7 =	sld [smem:$0x3F9E]  }
0x1a: {  	s8 =	sadd.s32 $0xFFFFE003, lr  }
0x1b: {  	s9 =	sadd.s32 $0xFFFFFEF7, lr;
	s5 =	simm.s32 $0xFFFFFFFF;
	p2 =	slt.u32 s8, $0xFFFFF086  }
0x1c: {  	p1 =	slt.u32 s9, $0xF7A;
	s5 =	simm.s32 @!p2 $0x0  }
0x1d: {  	s5 =	simm.s32 @p1 $0x1;
	p0 =	seq.s32 s7, s2  }
0x1e: {  	s7 =	smul.u32 @!p0 $0xF7A, s2;
	p2 =	seq.s32 @!p0 s5, $0x0  }
0x1f: {  	s9 =	smul.u32 $0xF7A, s1;
	s8 =	simm.s32 @!p0 $0x1BF5;
	p2 =	por !p2, p0  }
0x20: {  	[sflag:s8] =	ssyncset.s32 @!p0 $0xFFFFF086;
	s6 =	sadd.s32 @!p0 s3, s7;
	s7 =	simm.s32 @!p0 $0x108  }
0x21: {  	s3 =	sadd.s32 s3, s9;
	s6 =	sadd.s32 @!p0 $0x88, s6;
	s7 =	simm.s32 @p2 $0x1082  }
0x22: {  	[simem:s7], [sflag:s8] =	dma.local @!p0 [hbm:s6], $0xF7A  }
0x23: {  	s9 =	sor.u32 $0xD0000000, s2;
	s6 =	simm.s32 $0x108;
	_ =	swait.ge @!p0 [sflag:s8], $0x0  }
0x24: {  	s3 =	sadd.s32 $0x88, s3;
	s6 =	simm.s32 @!p1 $0x1082;
	[sflag:s4] =	ssyncset.s32 $0xFFFFF086  }
0x25: {  	[simem:s6], [sflag:s4] =	dma.local [hbm:s3], $0xF7A  }
0x26: {  	[smem:$0x3F9E] =	sst s1;
	(tag) =	ssettag s2;
	_ =	strace s9  }
0x27: {  	s1 =	sld [smem:$0x3FAE]  }
0x28: {  	s2 =	sld [smem:$0x3FAF]  }
0x29: {  	s4 =	sld [smem:$0x3FB1]  }
0x2a: {  	p0 =	seq.s32 s5, $0x0;
	s5 =	sld [smem:$0x3FB2]  }
0x2b: {  	s6 =	sld [smem:$0x3FB3]  }
0x2c: {  	s7 =	sld [smem:$0x3FB4]  }
0x2d: {  	s3 =	simm.s32 $0x108;
	s8 =	sld [smem:$0x3FB5]  }
0x2e: {  	s3 =	simm.s32 @!p0 $0x1082;
	s9 =	sld [smem:$0x3FB6]  }
0x2f: {  	lr =	sadd.s32 s0, s3;
	s0 =	sld [smem:$0x3FAD]  }
0x30: {  	s3 =	sld [smem:$0x3FB0]  }
0x31: {  	[smem:$0x3FB9] =	sst s10  }
0x32: {  	s10 =	sld [smem:$0x3FB7];
	_ =	sdelay $0x3  }
0x33: {  	p0 =	seq.s32 s10, $0x1;
	s10 =	sld [smem:$0x3FB9];
	_ =	sdelay $0x3  }
0x34: {  	[smem:$0x3FB9] =	sst s10  }
0x35: {  	s10 =	sld [smem:$0x3FB8];
	_ =	sdelay $0x3  }
0x36: {  	p1 =	seq.s32 s10, $0x1;
	s10 =	sld [smem:$0x3FB9];
	_ =	sdelay $0x3  }
0x37: {  	[smem:$0x3FB9] =	sst s10  }
0x38: {  	s10 =	sld [smem:$0x3FBA]  }
0x39: {  	_ = 	snop;
	(pc) =	sbr.ind lr, $3  }
0x3a: {  	_ = 	snop  }
0x3b: {  	_ = 	snop  }
0x3c: {  	p2 =	seq.s32 s10, $0x1;
	s10 =	sld [smem:$0x3FB9]  }
0x3d: {  	_ =	shalt  }
0x3e: {  	_ =	shalt  }
0x3f: {  	_ =	shalt  }
0x40: {  	_ =	shalt  }
0x41: {  	_ =	shalt  }
0x42: {  	_ =	shalt  }
0x43: {  	_ =	shalt  }
0x44: {  	_ =	shalt  }
0x45: {  	_ =	shalt  }
0x46: {  	_ =	shalt  }
0x47: {  	_ =	shalt  }
0x48: {  	_ =	shalt  }
0x49: {  	_ =	shalt  }
0x4a: {  	_ =	shalt  }
0x4b: {  	_ =	shalt  }
0x4c: {  	_ =	shalt  }
0x4d: {  	_ =	shalt  }
0x4e: {  	_ =	shalt  }
0x4f: {  	_ =	shalt  }
0x50: {  	_ =	shalt  }
0x51: {  	_ =	shalt  }
0x52: {  	_ =	shalt  }
0x53: {  	_ =	shalt  }
0x54: {  	_ =	shalt  }
0x55: {  	_ =	shalt  }
0x56: {  	_ =	shalt  }
0x57: {  	_ =	shalt  }
0x58: {  	_ =	shalt  }
0x59: {  	_ =	shalt  }
0x5a: {  	_ =	shalt  }
0x5b: {  	_ =	shalt  }
0x5c: {  	_ =	shalt  }
0x5d: {  	_ =	shalt  }
0x5e: {  	_ =	shalt  }
0x5f: {  	_ =	shalt  }
0x60: {  	_ =	shalt  }
0x61: {  	_ =	shalt  }
0x62: {  	_ =	shalt  }
0x63: {  	_ =	shalt  }
0x64: {  	_ =	shalt  }
0x65: {  	_ =	shalt  }
0x66: {  	_ =	shalt  }
0x67: {  	_ =	shalt  }
0x68: {  	_ =	shalt  }
0x69: {  	_ =	shalt  }
0x6a: {  	_ =	shalt  }
0x6b: {  	_ =	shalt  }
0x6c: {  	_ =	shalt  }
0x6d: {  	_ =	shalt  }
0x6e: {  	_ =	shalt  }
0x6f: {  	_ =	shalt  }
0x70: {  	_ =	shalt  }
0x71: {  	_ =	shalt  }
0x72: {  	_ =	shalt  }
0x73: {  	_ =	shalt  }
0x74: {  	_ =	shalt  }
0x75: {  	_ =	shalt  }
0x76: {  	_ =	shalt  }
0x77: {  	_ =	shalt  }
0x78: {  	_ =	shalt  }
0x79: {  	_ =	shalt  }
0x7a: {  	_ =	shalt  }
0x7b: {  	_ =	shalt  }
0x7c: {  	_ =	shalt  }
0x7d: {  	_ =	shalt  }
0x7e: {  	_ =	shalt  }
0x7f: {  	_ =	shalt  }
0x80: {  	_ =	shalt  }
0x81: {  	_ =	shalt  }
0x82: {  	_ =	shalt  }
0x83: {  	_ =	shalt  }
0x84: {  	_ =	shalt  }
0x85: {  	_ =	shalt  }
0x86: {  	_ =	shalt  }
0x87: {  	_ =	shalt  }
.Lfunc_end0:
.L_simem_size_0:
called_computation_lowered:
.L_overlay_start_0:
0x88: {  	s2 =	sld [smem:$0x3FD9]  }
0x89: {  	s3 =	sld [smem:$0x3FFE];
	_ =	sdelay $0x1  }
0x8a: {  	s1 =	srdreg.scid  }
0x8b: {  	s0 =	sand.u32 $0x1, s1  }
0x8c: {  	s17 =	sshll.u32 s0, $0xA;
	s2 =	sadd.s32 s3, s2  }
0x8d: {  	s2 =	sadd.s32 s2, s17  }
0x8e: {  	[smem:$0x3FC5] =	sst s2  }
0x8f: {  	_ = 	snop  }
0x90: {  	s2 =	sld [smem:$0x3FC8]  }
0x91: {  	s18 =	sld [smem:$0x3FC7]  }
0x92: {  	s4 =	sld [smem:$0x3FD0];
	(tm) =	ssettm $0x1  }
0x93: {  	s5 =	sld [smem:$0x3FFB];
	_ =	sdelay $0x3  }
0x94: {  	_ =	strace s5  }
0x95: {  	s5 =	sld [smem:$0x3FFC];
	_ =	sdelay $0x3  }
0x96: {  	_ =	strace s5  }
0x97: {  	s5 =	sld [smem:$0x3FFD];
	_ =	sdelay $0x3  }
0x98: {  	_ =	strace s5  }
0x99: {  	_ =	strace $0x8FFFFFFF  }
0x9a: {  	s19 =	sld [smem:$0x3FDB];
	_ =	sdelay $0x1  }
0x9b: {  	s6 =	simm.s32 $_scs_section_size  }
0x9c: {  	s7 =	simm.s32 $_size__tile_overlayer_lowered;
	s8 =	simm.s32 $_tile_overlayer_lowered  }
0x9d: {  	s22 =	simm.s32 $0x1BFF;
	s21 =	sshll.u32 s8, $0x1;
	s5 =	sadd.s32 s6, s19  }
0x9e: {  	s9 =	simm.s32 $0x0;
	s20 =	sshll.u32 s7, $0x1;
	s7 =	sadd.s32 s21, s5  }
0x9f: {  	[timem:s9], [sflag:s22] =	dma.local [hbm:s7], s20  }
0xa0: {  	_ =	swait.ge [sflag:s22], s20  }
0xa1: {  	s6 =	ssub.s32 $0x0, s20;
	[sflag:s22] =	ssyncset.done $0x0  }
0xa2: {  	[sflag:s22] =	ssyncadd.s32 s6;
	_ =	sdelay $0x1  }
0xa3: {  	s23 =	simm.s32 $0x1B8B  }
0xa4: {  	_ =	swait.ge [sflag:s23], $0x1  }
0xa5: {  	[sflag:s23] =	ssyncset.done $0x0  }
0xa6: {  	s25 =	simm.s32 $0x1B8E;
	s24 =	sld [smem:$0x3FFE];
	[sflag:s23] =	ssyncadd.s32 $0xFFFFFFFF  }
0xa7: {  	s26 =	simm.s32 $execute0_lowered;
	[smem:$0x3FD2] =	sst s25  }
0xa8: {  	s7 =	sshll.u32 s26, $0x1;
	_ =	strace $0x80000046;
	[dreg:$0x1] =	wrdreg $0xFFFFFFFF  }
0xa9: {  	s28 =	simm.s32 $_size_execute0_lowered;
	s5 =	sadd.s32 s5, s7;
	[dreg:$0x0] =	wrdreg $0x0  }
0xaa: {  	s7 =	sshll.u32 s28, $0x1;
	[dreg:$0x2] =	wrdreg s5  }
0xab: {  	[dreg:$0x3] =	wrdreg s7  }
0xac: {  	[dreg:$0x4] =	wrdreg $0xC0  }
0xad: {  	_ =	task [dreg:s9], $0x5FFFF  }
0xae: {  	[dreg:$0x1] =	wrdreg $0xFFFFFFFF  }
0xaf: {  	[dreg:$0x0] =	wrdreg $0x60  }
0xb0: {  	[dreg:$0x2] =	wrdreg s24  }
0xb1: {  	[dreg:$0x3] =	wrdreg s2  }
0xb2: {  	[dreg:$0x4] =	wrdreg s18  }
0xb3: {  	[dreg:$0x5] =	wrdreg s4  }
0xb4: {  	[dreg:$0x6] =	wrdreg $0x9  }
0xb5: {  	_ =	task.clear_ibuf [dreg:s9], $0x7FFFF;
	_ =	strace $0x90000046  }
0xb6: {  	s29 =	simm.s32 $0x9;
	_ =	strace $0x80000048  }
0xb7: {  	_ =	swait.ge [sflag:s29], $0x1  }
0xb8: {  	[sflag:s29] =	ssyncadd.s32 $0xFFFFFFFF  }
0xb9: {  	_ =	strace $0x90000048  }
0xba: {  	_ =	sfence  }
0xbb: {  	s30 =	sld [smem:$0x0];
	_ =	sdelay $0x2  }
0xbc: {  	s31 =	sshll.u32 s1, $0xD;
	s1 =	sshrl.u32 s1, $0x2  }
0xbd: {  	s3 =	sand.u32 $0x4000, s31;
	s1 =	sadd.s32 s1, s30  }
0xbe: {  	s0 =	sor.u32 s3, s0;
	s1 =	sshll.u32 s1, $0x11  }
0xbf: {  	s0 =	sor.u32 s1, s0  }
0xc0: {  	s0 =	sadd.s32 $0x8F2B, s0  }
0xc1: {  	[sflag:s0] =	ssyncadd.remote.s32 $0x1  }
0xc2: {  	_ =	sfence.sel $0xFFFF  }
0xc3: {  	[dreg:$0x0] =	wrdreg $0xFFFFFFFF;
	(pc) =	sbr.abs _section_cstart, $3  }
0xc4: {  	[dreg:$0x1] =	wrdreg $0xFFFFFFFF  }
0xc5: {  	_ =	task.clear_ibuf [dreg:s9], $0x2FFFF;
	_ =	strace $0x9FFFFFFF  }
0xc6: {  	(tm) =	ssettm $0x7FFFFFFF  }
0xc7: {  	_ =	shalt  }
tec
execute0_lowered:
.L_overlay_start_1:
0x0: {  	(tag) =	ssettag $0x1  }
0x1: {  	s0 =	rddreg [dreg:$0x0]  }
0x2: {  	s2 =	rddreg [dreg:$0x1]  }
0x3: {  	s3 =	rddreg [dreg:$0x2];
	s1 =	srdreg.scid  }
0x4: {  	s4 =	rddreg [dreg:$0x3];
	s5 =	stileid.u32  }
0x5: {  	s7 =	simm.s32 $0x0;
	s10 =	simm.s32 $0x1;
	s11 =	simm.s32 $0x7A1400  }
0x6: {  	v1 =	vlaneseq.u32;
	s12 =	simm.s32 $0x400;
	s13 =	simm.s32 $0x8400;
	s8 =	simm.s32 $0x7400  }
0x7: {  	s9 =	simm.s32 $0xF400;
	s29 =	simm.s32 $0x2;
	s1 =	sand.u32 $0x1, s1;
	v0 =	vmul.u32 $0x80, v1  }
0x8: {  	s30 =	simm.s32 $0x10400;
	s5 =	sshll.u32 s5, $0x7;
	v1 =	vmul.u32 $0x200, v1;
	s6 =	sshll.u32 s1, $0x6  }
0x9: {  	[smem:$0x7FF] =	sst s7;
	s1 =	ssub.s32 $0x2, s1;
	s5 =	sor.u32 s6, s5;
	v2 =	vor.u32 $0x800, v0  }
0xa: {  	_ =	strace $0x80000047;
	v3 =	vor.u32 $0x2000, v1;
	v4 =	vor.u32 $0x1000, v0;
	v5 =	vor.u32 $0x1800, v0;
	s0 =	sadd.s32 s5, s0;
	s26 =	sadd.s32 s4, s5  }
0xb: {  	s24 =	sshrl.u32 s1, $0x1;
	v6 =	vor.u32 $0x2000, v0;
	v7 =	vor.u32 $0x2800, v0;
	v8 =	vor.u32 $0x3000, v0;
	s25 =	sadd.s32 $0xE00, s0;
	[dreg:$0x7] =	wrdreg s26  }
0xc: {  	v9 =	vor.u32 $0x3800, v0;
	v10 =	vor.u32 $0x4000, v0;
	v11 =	vor.u32 $0x4800, v0;
	s1 =	ssub.s32 s1, s24;
	s0 =	sadd.s32 $0x600, s0;
	[dreg:$0x5] =	wrdreg s25  }
0xd: {  	s31 =	simm.s32 $0x14400;
	v12 =	vor.u32 $0x5000, v0;
	v13 =	vor.u32 $0x5800, v0;
	v14 =	vor.u32 $0x6000, v0;
	s28 =	smax.u32 s1, $0x1;
	[dreg:$0x6] =	wrdreg s0  }
0xe: {  	v15 =	vor.u32 $0x6800, v0;
	v16 =	vor.u32 $0x7000, v0;
	v17 =	vor.u32 $0x7800, v0;
	s4 =	simm.s32 $0x0;
	s1 =	simm.s32 $0x3;
	[dreg:$0x8] =	wrdreg s28  }
.LBB2_1:
0xf: {  	[dreg:$0x9] =	wrdreg s4  }
0x10: {  	s0 =	rddreg [dreg:$0x5]  }
0x11: {  	[tilespmem:s7], [sflag:$0x3] =	stream.linear.gather [hbm4b:s0+s7], $0x200, $0x38;
	[tilespmem:$0x18600] =	vst v63  }
0x12: {  	_ =	swait.ge [sflag:s1], $0x200  }
0x13: {  	[sflag:s1] =	ssyncset.done $0x0  }
0x14: {  	s14 =	simm.s32 $0x200;
	s24 =	rddreg [dreg:$0x6];
	[sflag:s1] =	ssyncadd.s32 $0xFFFFFE00  }
0x15: {  	[tilespmem:s14], [sflag:$0x3] =	stream.linear.gather [hbm4b:s24+s7], $0x200, $0x38;
	[tilespmem:$0x18600] =	vst v63  }
0x16: {  	_ =	swait.ge [sflag:s1], $0x200  }
0x17: {  	[sflag:s1] =	ssyncset.done $0x0  }
0x18: {  	[sflag:s1] =	ssyncadd.s32 $0xFFFFFE00  }
0x19: {  	v19 =	vld [tilespmem:$0x200];
	_ =	sdelay $0x4  }
0x1a: {  	(v2sf) =	vpush v19, $0x0;
	_ =	sdelay $0x5  }
0x1b: {  	v18 =	vld [tilespmem:$0x0];
	_ =	sdelay $0x4  }
0x1c: {  	(v2sf) =	vpush v18, $0x0;
	_ =	sdelay $0x2  }
0x1d: {  	(v2sf) =	vpush v19, $0x1  }
0x1e: {  	s25 =	spop (v2sf);
	(v2sf) =	vpush v18, $0x1;
	_ =	sdelay $0xa  }
0x1f: {  	s26 =	sand.u32 $0x7F, s25;
	s5 =	spop (v2sf);
	s6 =	sshra.s32 s25, $0x1F;
	(v2sf) =	vpush v19, $0x2  }
0x20: {  	p6 =	slt.s32 s25, $0x1;
	p0 =	sne.s32 s26, $0x0;
	s28 =	sand.u32 $0x7F, s5  }
0x21: {  	s0 =	sshra.s32 s5, $0x1F;
	p2 =	slt.s32 s5, $0x1;
	s6 =	sshrl.u32 s6, $0x19  }
0x22: {  	s7 =	spop (v2sf);
	p1 =	sne.s32 s28, $0x0;
	s4 =	sshrl.u32 s0, $0x19  }
0x23: {  	s1 =	sadd.s32 s6, s25;
	p1 =	por !p2, !p1;
	s16 =	spop (v2sf);
	(v2sf) =	vpush v18, $0x2  }
0x24: {  	s4 =	sadd.s32 s4, s5;
	s5 =	simm.s32 $0x1;
	p1 =	por !p1, !p1  }
0x25: {  	p0 =	por !p6, !p0;
	s4 =	sshrl.u32 s4, $0x7;
	s5 =	simm.s32 @!p1 $0x0  }
0x26: {  	p0 =	por !p0, !p0;
	s4 =	ssub.s32 s4, s5;
	s5 =	simm.s32 $0x1  }
0x27: {  	s1 =	sshrl.u32 s1, $0x7;
	s4 =	sshll.u32 s4, $0x7;
	s5 =	simm.s32 @!p0 $0x0  }
0x28: {  	s20 =	simm.s32 $0x1400;
	s4 =	sand.u32 $0x1FFFFF80, s4;
	s1 =	ssub.s32 s1, s5  }
0x29: {  	s15 =	sand.u32 $0x7F, s7;
	s4 =	sadd.s32 s2, s4;
	s1 =	sshll.u32 s1, $0x7  }
0x2a: {  	[tilespmem:s12], [sflag:$0x1] =	stream.strided.gather [hbm4b:s4+s12], $0x1000, s11, s12, $0x38;
	[tilespmem:$0x18600] =	vst v63  }
0x2b: {  	s17 =	sshra.s32 s7, $0x1F;
	p6 =	slt.s32 s7, $0x1;
	s1 =	sand.u32 $0x1FFFFF80, s1  }
0x2c: {  	p3 =	sne.s32 s15, $0x0;
	s6 =	sshrl.u32 s17, $0x19;
	s1 =	sadd.s32 s3, s1  }
0x2d: {  	[tilespmem:s13], [sflag:$0x2] =	stream.strided.gather [hbm4b:s1+s12], $0x1000, s11, s12, $0x38;
	[tilespmem:$0x18600] =	vst v63  }
0x2e: {  	p0 =	por !p6, !p3;
	s18 =	sand.u32 $0x7F, s16;
	s22 =	spop (v2sf);
	(v2sf) =	vpush v19, $0x3  }
0x2f: {  	s19 =	sshra.s32 s16, $0x1F;
	p5 =	slt.s32 s16, $0x1;
	p4 =	sne.s32 s18, $0x0  }
0x30: {  	s5 =	simm.s32 $0x1;
	s1 =	sshrl.u32 s19, $0x19;
	p1 =	por !p5, !p4  }
0x31: {  	p0 =	por !p0, !p0;
	s1 =	sadd.s32 s1, s16;
	p1 =	por !p1, !p1  }
0x32: {  	s1 =	sshrl.u32 s1, $0x7;
	s5 =	simm.s32 @!p1 $0x0;
	s25 =	spop (v2sf);
	(v2sf) =	vpush v18, $0x3  }
0x33: {  	s4 =	sadd.s32 s6, s7;
	s1 =	ssub.s32 s1, s5;
	s5 =	simm.s32 $0x1  }
0x34: {  	s4 =	sshrl.u32 s4, $0x7;
	s1 =	sshll.u32 s1, $0x7;
	s5 =	simm.s32 @!p0 $0x0  }
0x35: {  	s23 =	simm.s32 $0x9400;
	s1 =	sand.u32 $0x1FFFFF80, s1;
	s4 =	ssub.s32 s4, s5  }
0x36: {  	s24 =	sand.u32 $0x7F, s22;
	s1 =	sadd.s32 s2, s1;
	s21 =	sshll.u32 s4, $0x7  }
0x37: {  	[tilespmem:s20], [sflag:$0x1] =	stream.strided.gather [hbm4b:s1+s12], $0x1000, s11, s12, $0x38;
	[tilespmem:$0x18600] =	vst v63  }
0x38: {  	s26 =	sshra.s32 s22, $0x1F;
	p6 =	slt.s32 s22, $0x1;
	s1 =	sand.u32 $0x1FFFFF80, s21  }
0x39: {  	p3 =	sne.s32 s24, $0x0;
	s6 =	sshrl.u32 s26, $0x19;
	s1 =	sadd.s32 s3, s1  }
0x3a: {  	[tilespmem:s23], [sflag:$0x2] =	stream.strided.gather [hbm4b:s1+s12], $0x1000, s11, s12, $0x38;
	[tilespmem:$0x18600] =	vst v63  }
0x3b: {  	p0 =	por !p6, !p3;
	s5 =	simm.s32 $0x1;
	s28 =	sand.u32 $0x7F, s25  }
0x3c: {  	s0 =	sshra.s32 s25, $0x1F;
	p5 =	slt.s32 s25, $0x1;
	p4 =	sne.s32 s28, $0x0  }
0x3d: {  	s15 =	spop (v2sf);
	(v2sf) =	vpush v19, $0x4;
	s1 =	sshrl.u32 s0, $0x19;
	p1 =	por !p5, !p4  }
0x3e: {  	p0 =	por !p0, !p0;
	s1 =	sadd.s32 s1, s25;
	p1 =	por !p1, !p1  }
0x3f: {  	s4 =	sadd.s32 s6, s22;
	s1 =	sshrl.u32 s1, $0x7;
	s5 =	simm.s32 @!p1 $0x0  }
0x40: {  	s4 =	sshrl.u32 s4, $0x7;
	s1 =	ssub.s32 s1, s5;
	s5 =	simm.s32 $0x1  }
0x41: {  	s1 =	sshll.u32 s1, $0x7;
	s5 =	simm.s32 @!p0 $0x0;
	s18 =	spop (v2sf);
	(v2sf) =	vpush v18, $0x4  }
0x42: {  	s16 =	simm.s32 $0xA400;
	s1 =	sand.u32 $0x1FFFFF80, s1;
	s4 =	ssub.s32 s4, s5  }
0x43: {  	s6 =	simm.s32 $0x2400;
	s1 =	sadd.s32 s2, s1;
	s7 =	sshll.u32 s4, $0x7  }
0x44: {  	[tilespmem:s6], [sflag:$0x1] =	stream.strided.gather [hbm4b:s1+s12], $0x1000, s11, s12, $0x38;
	[tilespmem:$0x18600] =	vst v63  }
0x45: {  	s17 =	sand.u32 $0x7F, s15;
	s19 =	sshra.s32 s15, $0x1F;
	s1 =	sand.u32 $0x1FFFFF80, s7  }
0x46: {  	p6 =	slt.s32 s15, $0x1;
	p3 =	sne.s32 s17, $0x0;
	s1 =	sadd.s32 s3, s1  }
0x47: {  	[tilespmem:s16], [sflag:$0x2] =	stream.strided.gather [hbm4b:s1+s12], $0x1000, s11, s12, $0x38;
	[tilespmem:$0x18600] =	vst v63  }
0x48: {  	p0 =	por !p6, !p3;
	s5 =	simm.s32 $0x1;
	s20 =	sand.u32 $0x7F, s18  }
0x49: {  	s21 =	sshra.s32 s18, $0x1F;
	p5 =	slt.s32 s18, $0x1;
	p4 =	sne.s32 s20, $0x0  }
0x4a: {  	p0 =	por !p0, !p0;
	s1 =	sshrl.u32 s21, $0x19;
	p1 =	por !p5, !p4  }
0x4b: {  	s6 =	sshrl.u32 s19, $0x19;
	s1 =	sadd.s32 s1, s18;
	p1 =	por !p1, !p1  }
0x4c: {  	s24 =	spop (v2sf);
	(v2sf) =	vpush v19, $0x5;
	s1 =	sshrl.u32 s1, $0x7;
	s5 =	simm.s32 @!p1 $0x0  }
0x4d: {  	s4 =	sadd.s32 s6, s15;
	s1 =	ssub.s32 s1, s5;
	s5 =	simm.s32 $0x1  }
0x4e: {  	s4 =	sshrl.u32 s4, $0x7;
	s1 =	sshll.u32 s1, $0x7;
	s5 =	simm.s32 @!p0 $0x0  }
0x4f: {  	s22 =	simm.s32 $0x3400;
	s1 =	sand.u32 $0x1FFFFF80, s1;
	s4 =	ssub.s32 s4, s5  }
0x50: {  	s1 =	sadd.s32 s2, s1;
	s23 =	sshll.u32 s4, $0x7;
	s28 =	spop (v2sf);
	(v2sf) =	vpush v18, $0x5  }
0x51: {  	[tilespmem:s22], [sflag:$0x1] =	stream.strided.gather [hbm4b:s1+s12], $0x1000, s11, s12, $0x38;
	[tilespmem:$0x18600] =	vst v63  }
0x52: {  	s25 =	simm.s32 $0xB400;
	s1 =	sand.u32 $0x1FFFFF80, s23  }
0x53: {  	s26 =	sand.u32 $0x7F, s24;
	s0 =	sshra.s32 s24, $0x1F;
	s1 =	sadd.s32 s3, s1  }
0x54: {  	[tilespmem:s25], [sflag:$0x2] =	stream.strided.gather [hbm4b:s1+s12], $0x1000, s11, s12, $0x38;
	[tilespmem:$0x18600] =	vst v63  }
0x55: {  	p6 =	slt.s32 s24, $0x1;
	p3 =	sne.s32 s26, $0x0;
	s7 =	sand.u32 $0x7F, s28  }
0x56: {  	s15 =	sshra.s32 s28, $0x1F;
	p5 =	slt.s32 s28, $0x1;
	p4 =	sne.s32 s7, $0x0  }
0x57: {  	s6 =	sshrl.u32 s0, $0x19;
	s1 =	sshrl.u32 s15, $0x19;
	p1 =	por !p5, !p4  }
0x58: {  	s5 =	simm.s32 $0x1;
	s1 =	sadd.s32 s1, s28;
	p1 =	por !p1, !p1  }
0x59: {  	p0 =	por !p6, !p3;
	s1 =	sshrl.u32 s1, $0x7;
	s5 =	simm.s32 @!p1 $0x0  }
0x5a: {  	p0 =	por !p0, !p0;
	s4 =	sadd.s32 s6, s24;
	s1 =	ssub.s32 s1, s5  }
0x5b: {  	s18 =	spop (v2sf);
	(v2sf) =	vpush v19, $0x6;
	s5 =	simm.s32 $0x1;
	s1 =	sshll.u32 s1, $0x7  }
0x5c: {  	s4 =	sshrl.u32 s4, $0x7;
	s5 =	simm.s32 @!p0 $0x0;
	s1 =	sand.u32 $0x1FFFFF80, s1  }
0x5d: {  	s16 =	simm.s32 $0x4400;
	s4 =	ssub.s32 s4, s5;
	s1 =	sadd.s32 s2, s1  }
0x5e: {  	[tilespmem:s16], [sflag:$0x1] =	stream.strided.gather [hbm4b:s1+s12], $0x1000, s11, s12, $0x38;
	[tilespmem:$0x18600] =	vst v63  }
0x5f: {  	s19 =	simm.s32 $0xC400;
	s17 =	sshll.u32 s4, $0x7;
	s21 =	spop (v2sf);
	(v2sf) =	vpush v18, $0x6  }
0x60: {  	s25 =	simm.s32 $0x5400;
	s20 =	sand.u32 $0x7F, s18;
	s1 =	sand.u32 $0x1FFFFF80, s17  }
0x61: {  	s22 =	sshra.s32 s18, $0x1F;
	p6 =	slt.s32 s18, $0x1;
	s1 =	sadd.s32 s3, s1  }
0x62: {  	[tilespmem:s19], [sflag:$0x2] =	stream.strided.gather [hbm4b:s1+s12], $0x1000, s11, s12, $0x38;
	[tilespmem:$0x18600] =	vst v63  }
0x63: {  	p3 =	sne.s32 s20, $0x0;
	s6 =	sshrl.u32 s22, $0x19;
	s23 =	sand.u32 $0x7F, s21  }
0x64: {  	s24 =	sshra.s32 s21, $0x1F;
	p5 =	slt.s32 s21, $0x1;
	p4 =	sne.s32 s23, $0x0  }
0x65: {  	p0 =	por !p6, !p3;
	s1 =	sshrl.u32 s24, $0x19;
	p1 =	por !p5, !p4  }
0x66: {  	s5 =	simm.s32 $0x1;
	s1 =	sadd.s32 s1, s21;
	p1 =	por !p1, !p1  }
0x67: {  	p0 =	por !p0, !p0;
	s1 =	sshrl.u32 s1, $0x7;
	s5 =	simm.s32 @!p1 $0x0  }
0x68: {  	s4 =	sadd.s32 s6, s18;
	s1 =	ssub.s32 s1, s5;
	s5 =	simm.s32 $0x1  }
0x69: {  	s4 =	sshrl.u32 s4, $0x7;
	s1 =	sshll.u32 s1, $0x7;
	s5 =	simm.s32 @!p0 $0x0  }
0x6a: {  	s28 =	spop (v2sf);
	s1 =	sand.u32 $0x1FFFFF80, s1;
	s4 =	ssub.s32 s4, s5  }
0x6b: {  	(v2sf) =	vpush v19, $0x7;
	s6 =	sand.u32 $0x7F, s28;
	s1 =	sadd.s32 s2, s1;
	s26 =	sshll.u32 s4, $0x7  }
0x6c: {  	[tilespmem:s25], [sflag:$0x1] =	stream.strided.gather [hbm4b:s1+s12], $0x1000, s11, s12, $0x38;
	[tilespmem:$0x18600] =	vst v63  }
0x6d: {  	s15 =	sshra.s32 s28, $0x1F;
	p6 =	slt.s32 s28, $0x1;
	s1 =	sand.u32 $0x1FFFFF80, s26  }
0x6e: {  	s5 =	simm.s32 $0xD400;
	s1 =	sadd.s32 s3, s1;
	s7 =	spop (v2sf);
	(v2sf) =	vpush v18, $0x7  }
0x6f: {  	[tilespmem:s5], [sflag:$0x2] =	stream.strided.gather [hbm4b:s1+s12], $0x1000, s11, s12, $0x38;
	[tilespmem:$0x18600] =	vst v63  }
0x70: {  	p3 =	sne.s32 s6, $0x0;
	s6 =	sshrl.u32 s15, $0x19;
	s16 =	sand.u32 $0x7F, s7  }
0x71: {  	s17 =	sshra.s32 s7, $0x1F;
	p5 =	slt.s32 s7, $0x1;
	p4 =	sne.s32 s16, $0x0  }
0x72: {  	p0 =	por !p6, !p3;
	s1 =	sshrl.u32 s17, $0x19;
	p1 =	por !p5, !p4  }
0x73: {  	s5 =	simm.s32 $0x1;
	s1 =	sadd.s32 s1, s7;
	p1 =	por !p1, !p1  }
0x74: {  	p0 =	por !p0, !p0;
	s1 =	sshrl.u32 s1, $0x7;
	s5 =	simm.s32 @!p1 $0x0  }
0x75: {  	s4 =	sadd.s32 s6, s28;
	s1 =	ssub.s32 s1, s5;
	s5 =	simm.s32 $0x1  }
0x76: {  	s4 =	sshrl.u32 s4, $0x7;
	s1 =	sshll.u32 s1, $0x7;
	s5 =	simm.s32 @!p0 $0x0  }
0x77: {  	s1 =	sand.u32 $0x1FFFFF80, s1;
	s4 =	ssub.s32 s4, s5  }
0x78: {  	s18 =	simm.s32 $0x6400;
	s1 =	sadd.s32 s2, s1;
	s19 =	sshll.u32 s4, $0x7  }
0x79: {  	[tilespmem:s18], [sflag:$0x1] =	stream.strided.gather [hbm4b:s1+s12], $0x1000, s11, s12, $0x38;
	[tilespmem:$0x18600] =	vst v63  }
0x7a: {  	s20 =	spop (v2sf);
	s1 =	sand.u32 $0x1FFFFF80, s19  }
0x7b: {  	s21 =	simm.s32 $0xE400;
	s22 =	sand.u32 $0x7F, s20;
	s1 =	sadd.s32 s3, s1  }
0x7c: {  	[tilespmem:s21], [sflag:$0x2] =	stream.strided.gather [hbm4b:s1+s12], $0x1000, s11, s12, $0x38;
	[tilespmem:$0x18600] =	vst v63  }
0x7d: {  	s24 =	sshra.s32 s20, $0x1F;
	p6 =	slt.s32 s20, $0x1;
	s23 =	spop (v2sf)  }
0x7e: {  	p3 =	sne.s32 s22, $0x0;
	s6 =	sshrl.u32 s24, $0x19;
	s25 =	sand.u32 $0x7F, s23  }
0x7f: {  	s26 =	sshra.s32 s23, $0x1F;
	p5 =	slt.s32 s23, $0x1;
	p4 =	sne.s32 s25, $0x0  }
0x80: {  	p0 =	por !p6, !p3;
	s1 =	sshrl.u32 s26, $0x19;
	p1 =	por !p5, !p4  }
0x81: {  	s5 =	simm.s32 $0x1;
	s1 =	sadd.s32 s1, s23;
	p1 =	por !p1, !p1  }
0x82: {  	p0 =	por !p0, !p0;
	s1 =	sshrl.u32 s1, $0x7;
	s5 =	simm.s32 @!p1 $0x0  }
0x83: {  	s4 =	sadd.s32 s6, s20;
	s1 =	ssub.s32 s1, s5;
	s5 =	simm.s32 $0x1  }
0x84: {  	s4 =	sshrl.u32 s4, $0x7;
	s1 =	sshll.u32 s1, $0x7;
	s5 =	simm.s32 @!p0 $0x0  }
0x85: {  	s1 =	sand.u32 $0x1FFFFF80, s1;
	s4 =	ssub.s32 s4, s5  }
0x86: {  	s1 =	sadd.s32 s2, s1;
	s28 =	sshll.u32 s4, $0x7  }
0x87: {  	[tilespmem:s8], [sflag:$0x1] =	stream.strided.gather [hbm4b:s1+s12], $0x1000, s11, s12, $0x38;
	[tilespmem:$0x18600] =	vst v63  }
0x88: {  	s1 =	sand.u32 $0x1FFFFF80, s28  }
0x89: {  	s0 =	simm.s32 $0x0;
	s6 =	simm.s32 $0x0;
	s1 =	sadd.s32 s3, s1  }
0x8a: {  	[tilespmem:s9], [sflag:$0x2] =	stream.strided.gather [hbm4b:s1+s12], $0x1000, s11, s12, $0x38;
	[tilespmem:$0x18600] =	vst v63  }
.LBB2_2:
0x8b: {  	v20 =	vld [tilespmem:s0+$0x0]  }
0x8c: {  	v21 =	vld [tilespmem:s14+$0x0];
	s1 =	smin.u32 s6, $0x1E0  }
0x8d: {  	[dreg:$0xa] =	wrdreg s0;
	v18 =	vld [tilespmem:s1+$0x10]  }
0x8e: {  	v19 =	vld [tilespmem:s1+$0x210];
	_ =	swait.ge [sflag:s10], $0x1000  }
0x8f: {  	[sflag:s10] =	ssyncset.done $0x0  }
0x90: {  	[sflag:s10] =	ssyncadd.s32 $0xFFFFF000  }
0x91: {  	_ =	swait.ge [sflag:s29], $0x1000  }
0x92: {  	(v2sf) =	vpush v20, $0x0  }
0x93: {  	(v2sf) =	vpush v21, $0x0;
	_ =	sdelay $0x6  }
0x94: {  	(v2sf) =	vpush v20, $0x8;
	_ =	sdelay $0x1  }
0x95: {  	(v2sf) =	vpush v21, $0x8;
	_ =	sdelay $0x4  }
0x96: {  	s17 =	spop (v2sf)  }
0x97: {  	s4 =	spop (v2sf);
	s1 =	sand.u32 $0x7F, s17  }
0x98: {  	s4 =	sand.u32 $0x7F, s4;
	v22 =	vor.u32 s1, v0  }
0x99: {  	v23 =	vor.u32 s4, v0;
	_ =	sdelay $0x1  }
0x9a: {  	[sflag:s29] =	ssyncset.done $0x0  }
0x9b: {  	[sflag:s29] =	ssyncadd.s32 $0xFFFFF000  }
0x9c: {  	v24 =	vor.u32 s6, v1;
	v22 =	vld.idx.msk [tilespmem:v22+s12+$0x0], $0xffff  }
0x9d: {  	s15 =	spop (v2sf);
	v23 =	vld.idx.msk [tilespmem:v23+s13+$0x0], $0xffff  }
0x9e: {  	v25 =	vor.u32 s1, v2;
	s18 =	sshra.s32 s15, $0x1F  }
0x9f: {  	v26 =	vor.u32 s4, v2;
	s23 =	spop (v2sf);
	s1 =	sshrl.u32 s18, $0x19  }
0xa0: {  	s7 =	sshra.s32 s23, $0x1F;
	s1 =	sadd.s32 s1, s15  }
0xa1: {  	s7 =	sshrl.u32 s7, $0x19;
	s19 =	sand.u32 $0xFFFFFF80, s1;
	[tilespmem:v24+s30+$0x0] =	vst.idx.msk $0xffff, v22  }
0xa2: {  	p0 =	slt.s32 s15, $0x1;
	s20 =	sadd.s32 s7, s23;
	p1 =	sne.s32 s15, s19;
	[tilespmem:v24+s31+$0x0] =	vst.idx.msk $0xffff, v23  }
0xa3: {  	v63 =	vor.u32 s6, v3;
	s8 =	simm.s32 $0x1;
	s7 =	sand.u32 $0xFFFFFF80, s20;
	p0 =	por !p0, !p1;
	v22 =	vld.idx.msk [tilespmem:v25+s12+$0x0], $0xffff  }
0xa4: {  	p6 =	slt.s32 s23, $0x1;
	p2 =	sne.s32 s23, s7;
	p0 =	por !p0, !p0;
	v24 =	vld.idx.msk [tilespmem:v26+s13+$0x0], $0xffff  }
0xa5: {  	s1 =	sshrl.u32 s1, $0x7;
	p2 =	por !p6, !p2;
	s8 =	simm.s32 @!p0 $0x0  }
0xa6: {  	s7 =	simm.s32 $0x1;
	p0 =	por !p2, !p2;
	s1 =	ssub.s32 s1, s8  }
0xa7: {  	s4 =	sshrl.u32 s20, $0x7;
	s7 =	simm.s32 @!p0 $0x0;
	s1 =	sshll.u32 s1, $0x7  }
0xa8: {  	s4 =	ssub.s32 s4, s7;
	s1 =	sand.u32 $0x1FFFFF80, s1;
	[tilespmem:v63+s30+$0x0] =	vst.idx.msk $0xffff, v22  }
0xa9: {  	s21 =	sshll.u32 s4, $0x7;
	s1 =	sadd.s32 s2, s1;
	[tilespmem:v63+s31+$0x0] =	vst.idx.msk $0xffff, v24  }
0xaa: {  	[tilespmem:s12], [sflag:$0x1] =	stream.strided.gather [hbm4b:s1+s12], $0x1000, s11, s12, $0x38;
	[tilespmem:$0x18600] =	vst v63  }
0xab: {  	s1 =	sand.u32 $0x1FFFFF80, s21  }
0xac: {  	s1 =	sadd.s32 s3, s1  }
0xad: {  	[tilespmem:s13], [sflag:$0x2] =	stream.strided.gather [hbm4b:s1+s12], $0x1000, s11, s12, $0x38;
	[tilespmem:$0x18600] =	vst v63  }
0xae: {  	_ =	swait.ge [sflag:s10], $0x1000  }
0xaf: {  	[sflag:s10] =	ssyncset.done $0x0  }
0xb0: {  	[sflag:s10] =	ssyncadd.s32 $0xFFFFF000  }
0xb1: {  	_ =	swait.ge [sflag:s29], $0x1000  }
0xb2: {  	(v2sf) =	vpush v20, $0x1  }
0xb3: {  	(v2sf) =	vpush v21, $0x1;
	_ =	sdelay $0x6  }
0xb4: {  	(v2sf) =	vpush v20, $0x9;
	_ =	sdelay $0x1  }
0xb5: {  	(v2sf) =	vpush v21, $0x9;
	_ =	sdelay $0x4  }
0xb6: {  	s22 =	spop (v2sf)  }
0xb7: {  	s24 =	spop (v2sf);
	s1 =	sand.u32 $0x7F, s22  }
0xb8: {  	s4 =	sand.u32 $0x7F, s24;
	v28 =	vor.u32 s1, v4  }
0xb9: {  	v29 =	vor.u32 s4, v4;
	_ =	sdelay $0x1  }
0xba: {  	[sflag:s29] =	ssyncset.done $0x0  }
0xbb: {  	s25 =	sadd.s32 $0x1, s6;
	[sflag:s29] =	ssyncadd.s32 $0xFFFFF000  }
0xbc: {  	v30 =	vor.u32 s25, v1;
	v22 =	vld.idx.msk [tilespmem:v28+s12+$0x0], $0xffff  }
0xbd: {  	s7 =	spop (v2sf);
	v23 =	vld.idx.msk [tilespmem:v29+s13+$0x0], $0xffff  }
0xbe: {  	v31 =	vor.u32 s1, v5;
	s26 =	sshra.s32 s7, $0x1F  }
0xbf: {  	v32 =	vor.u32 s4, v5;
	s16 =	spop (v2sf);
	s1 =	sshrl.u32 s26, $0x19  }
0xc0: {  	s9 =	sshra.s32 s16, $0x1F;
	s1 =	sadd.s32 s1, s7  }
0xc1: {  	s5 =	smov.u32 s14;
	s9 =	sshrl.u32 s9, $0x19;
	s28 =	sand.u32 $0xFFFFFF80, s1;
	[tilespmem:v30+s30+$0x0] =	vst.idx.msk $0xffff, v22  }
0xc2: {  	p3 =	slt.s32 s7, $0x1;
	s0 =	sadd.s32 s9, s16;
	p4 =	sne.s32 s7, s28;
	[tilespmem:v30+s31+$0x0] =	vst.idx.msk $0xffff, v23  }
0xc3: {  	v33 =	vor.u32 s25, v3;
	p5 =	slt.s32 s16, $0x1;
	s14 =	sand.u32 $0xFFFFFF80, s0;
	p0 =	por !p3, !p4;
	v22 =	vld.idx.msk [tilespmem:v31+s12+$0x0], $0xffff  }
0xc4: {  	s9 =	simm.s32 $0x1;
	p6 =	sne.s32 s16, s14;
	p0 =	por !p0, !p0;
	v24 =	vld.idx.msk [tilespmem:v32+s13+$0x0], $0xffff  }
0xc5: {  	s1 =	sshrl.u32 s1, $0x7;
	p2 =	por !p5, !p6;
	s9 =	simm.s32 @!p0 $0x0  }
0xc6: {  	s8 =	simm.s32 $0x1;
	p0 =	por !p2, !p2;
	s1 =	ssub.s32 s1, s9  }
0xc7: {  	s4 =	sshrl.u32 s0, $0x7;
	s8 =	simm.s32 @!p0 $0x0;
	s1 =	sshll.u32 s1, $0x7  }
0xc8: {  	s4 =	ssub.s32 s4, s8;
	s1 =	sand.u32 $0x1FFFFF80, s1;
	[tilespmem:v33+s30+$0x0] =	vst.idx.msk $0xffff, v22  }
0xc9: {  	s17 =	simm.s32 $0x1400;
	s18 =	sshll.u32 s4, $0x7;
	s1 =	sadd.s32 s2, s1;
	[tilespmem:v33+s31+$0x0] =	vst.idx.msk $0xffff, v24  }
0xca: {  	[tilespmem:s17], [sflag:$0x1] =	stream.strided.gather [hbm4b:s1+s12], $0x1000, s11, s12, $0x38;
	[tilespmem:$0x18600] =	vst v63  }
0xcb: {  	s1 =	sand.u32 $0x1FFFFF80, s18  }
0xcc: {  	s19 =	simm.s32 $0x9400;
	s1 =	sadd.s32 s3, s1  }
0xcd: {  	[tilespmem:s19], [sflag:$0x2] =	stream.strided.gather [hbm4b:s1+s12], $0x1000, s11, s12, $0x38;
	[tilespmem:$0x18600] =	vst v63  }
0xce: {  	_ =	swait.ge [sflag:s10], $0x1000  }
0xcf: {  	[sflag:s10] =	ssyncset.done $0x0  }
0xd0: {  	[sflag:s10] =	ssyncadd.s32 $0xFFFFF000  }
0xd1: {  	_ =	swait.ge [sflag:s29], $0x1000  }
0xd2: {  	(v2sf) =	vpush v20, $0x2  }
0xd3: {  	(v2sf) =	vpush v21, $0x2;
	_ =	sdelay $0x6  }
0xd4: {  	(v2sf) =	vpush v20, $0xA;
	_ =	sdelay $0x1  }
0xd5: {  	(v2sf) =	vpush v21, $0xA;
	_ =	sdelay $0x4  }
0xd6: {  	s20 =	spop (v2sf)  }
0xd7: {  	s21 =	spop (v2sf);
	s1 =	sand.u32 $0x7F, s20  }
0xd8: {  	s4 =	sand.u32 $0x7F, s21;
	v34 =	vor.u32 s1, v6  }
0xd9: {  	v35 =	vor.u32 s4, v6;
	_ =	sdelay $0x1  }
0xda: {  	[sflag:s29] =	ssyncset.done $0x0  }
0xdb: {  	s22 =	sadd.s32 $0x2, s6;
	[sflag:s29] =	ssyncadd.s32 $0xFFFFF000  }
0xdc: {  	v36 =	vor.u32 s22, v1;
	v22 =	vld.idx.msk [tilespmem:v34+s12+$0x0], $0xffff  }
0xdd: {  	s8 =	spop (v2sf);
	v23 =	vld.idx.msk [tilespmem:v35+s13+$0x0], $0xffff  }
0xde: {  	v37 =	vor.u32 s1, v7;
	s24 =	sshra.s32 s8, $0x1F  }
0xdf: {  	v38 =	vor.u32 s4, v7;
	s17 =	spop (v2sf);
	s1 =	sshrl.u32 s24, $0x19  }
0xe0: {  	s26 =	sshra.s32 s17, $0x1F;
	s1 =	sadd.s32 s1, s8  }
0xe1: {  	s14 =	sshrl.u32 s26, $0x19;
	s25 =	sand.u32 $0xFFFFFF80, s1;
	[tilespmem:v36+s30+$0x0] =	vst.idx.msk $0xffff, v22  }
0xe2: {  	p3 =	slt.s32 s8, $0x1;
	s28 =	sadd.s32 s14, s17;
	p4 =	sne.s32 s8, s25;
	[tilespmem:v36+s31+$0x0] =	vst.idx.msk $0xffff, v23  }
0xe3: {  	v39 =	vor.u32 s22, v3;
	p5 =	slt.s32 s17, $0x1;
	s0 =	sand.u32 $0xFFFFFF80, s28;
	p0 =	por !p3, !p4;
	v22 =	vld.idx.msk [tilespmem:v37+s12+$0x0], $0xffff  }
0xe4: {  	s14 =	simm.s32 $0x1;
	p6 =	sne.s32 s17, s0;
	p0 =	por !p0, !p0;
	v24 =	vld.idx.msk [tilespmem:v38+s13+$0x0], $0xffff  }
0xe5: {  	s1 =	sshrl.u32 s1, $0x7;
	p2 =	por !p5, !p6;
	s14 =	simm.s32 @!p0 $0x0  }
0xe6: {  	s9 =	simm.s32 $0x1;
	p0 =	por !p2, !p2;
	s1 =	ssub.s32 s1, s14  }
0xe7: {  	s4 =	sshrl.u32 s28, $0x7;
	s9 =	simm.s32 @!p0 $0x0;
	s1 =	sshll.u32 s1, $0x7  }
0xe8: {  	s4 =	ssub.s32 s4, s9;
	s1 =	sand.u32 $0x1FFFFF80, s1;
	[tilespmem:v39+s30+$0x0] =	vst.idx.msk $0xffff, v22  }
0xe9: {  	s14 =	simm.s32 $0x2400;
	s18 =	sshll.u32 s4, $0x7;
	s1 =	sadd.s32 s2, s1;
	[tilespmem:v39+s31+$0x0] =	vst.idx.msk $0xffff, v24  }
0xea: {  	[tilespmem:s14], [sflag:$0x1] =	stream.strided.gather [hbm4b:s1+s12], $0x1000, s11, s12, $0x38;
	[tilespmem:$0x18600] =	vst v63  }
0xeb: {  	s1 =	sand.u32 $0x1FFFFF80, s18  }
0xec: {  	s19 =	simm.s32 $0xA400;
	s1 =	sadd.s32 s3, s1  }
0xed: {  	[tilespmem:s19], [sflag:$0x2] =	stream.strided.gather [hbm4b:s1+s12], $0x1000, s11, s12, $0x38;
	[tilespmem:$0x18600] =	vst v63  }
0xee: {  	_ =	swait.ge [sflag:s10], $0x1000  }
0xef: {  	[sflag:s10] =	ssyncset.done $0x0  }
0xf0: {  	[sflag:s10] =	ssyncadd.s32 $0xFFFFF000  }
0xf1: {  	_ =	swait.ge [sflag:s29], $0x1000  }
0xf2: {  	(v2sf) =	vpush v20, $0x3  }
0xf3: {  	(v2sf) =	vpush v21, $0x3;
	_ =	sdelay $0x6  }
0xf4: {  	(v2sf) =	vpush v20, $0xB;
	_ =	sdelay $0x1  }
0xf5: {  	(v2sf) =	vpush v21, $0xB;
	_ =	sdelay $0x4  }
0xf6: {  	s20 =	spop (v2sf)  }
0xf7: {  	s21 =	spop (v2sf);
	s1 =	sand.u32 $0x7F, s20  }
0xf8: {  	s22 =	sand.u32 $0x7F, s21;
	v40 =	vor.u32 s1, v8  }
0xf9: {  	v41 =	vor.u32 s22, v8;
	_ =	sdelay $0x1  }
0xfa: {  	[sflag:s29] =	ssyncset.done $0x0  }
0xfb: {  	s24 =	sadd.s32 $0x3, s6;
	[sflag:s29] =	ssyncadd.s32 $0xFFFFF000  }
0xfc: {  	v42 =	vor.u32 s24, v1;
	v22 =	vld.idx.msk [tilespmem:v40+s12+$0x0], $0xffff  }
0xfd: {  	s4 =	spop (v2sf);
	v23 =	vld.idx.msk [tilespmem:v41+s13+$0x0], $0xffff  }
0xfe: {  	v43 =	vor.u32 s1, v9;
	s25 =	sshra.s32 s4, $0x1F  }
0xff: {  	v44 =	vor.u32 s22, v9;
	s18 =	spop (v2sf);
	s1 =	sshrl.u32 s25, $0x19  }
0x100: {  	s19 =	sshra.s32 s18, $0x1F;
	s1 =	sadd.s32 s1, s4  }
0x101: {  	s19 =	sshrl.u32 s19, $0x19;
	s26 =	sand.u32 $0xFFFFFF80, s1;
	[tilespmem:v42+s30+$0x0] =	vst.idx.msk $0xffff, v22  }
0x102: {  	p3 =	slt.s32 s4, $0x1;
	s28 =	sadd.s32 s19, s18;
	p4 =	sne.s32 s4, s26;
	[tilespmem:v42+s31+$0x0] =	vst.idx.msk $0xffff, v23  }
0x103: {  	v45 =	vor.u32 s24, v3;
	p5 =	slt.s32 s18, $0x1;
	s0 =	sand.u32 $0xFFFFFF80, s28;
	p0 =	por !p3, !p4;
	v22 =	vld.idx.msk [tilespmem:v43+s12+$0x0], $0xffff  }
0x104: {  	s19 =	simm.s32 $0x1;
	p6 =	sne.s32 s18, s0;
	p0 =	por !p0, !p0;
	v24 =	vld.idx.msk [tilespmem:v44+s13+$0x0], $0xffff  }
0x105: {  	s1 =	sshrl.u32 s1, $0x7;
	p2 =	por !p5, !p6;
	s19 =	simm.s32 @!p0 $0x0  }
0x106: {  	s14 =	simm.s32 $0x1;
	p0 =	por !p2, !p2;
	s1 =	ssub.s32 s1, s19  }
0x107: {  	s9 =	sshrl.u32 s28, $0x7;
	s14 =	simm.s32 @!p0 $0x0;
	s1 =	sshll.u32 s1, $0x7  }
0x108: {  	s9 =	ssub.s32 s9, s14;
	s1 =	sand.u32 $0x1FFFFF80, s1;
	[tilespmem:v45+s30+$0x0] =	vst.idx.msk $0xffff, v22  }
0x109: {  	s14 =	simm.s32 $0x3400;
	s19 =	sshll.u32 s9, $0x7;
	s1 =	sadd.s32 s2, s1;
	[tilespmem:v45+s31+$0x0] =	vst.idx.msk $0xffff, v24  }
0x10a: {  	[tilespmem:s14], [sflag:$0x1] =	stream.strided.gather [hbm4b:s1+s12], $0x1000, s11, s12, $0x38;
	[tilespmem:$0x18600] =	vst v63  }
0x10b: {  	s1 =	sand.u32 $0x1FFFFF80, s19  }
0x10c: {  	s20 =	simm.s32 $0xB400;
	s1 =	sadd.s32 s3, s1  }
0x10d: {  	[tilespmem:s20], [sflag:$0x2] =	stream.strided.gather [hbm4b:s1+s12], $0x1000, s11, s12, $0x38;
	[tilespmem:$0x18600] =	vst v63  }
0x10e: {  	_ =	swait.ge [sflag:s10], $0x1000  }
0x10f: {  	[sflag:s10] =	ssyncset.done $0x0  }
0x110: {  	[sflag:s10] =	ssyncadd.s32 $0xFFFFF000  }
0x111: {  	_ =	swait.ge [sflag:s29], $0x1000  }
0x112: {  	(v2sf) =	vpush v20, $0x4  }
0x113: {  	(v2sf) =	vpush v21, $0x4;
	_ =	sdelay $0x6  }
0x114: {  	(v2sf) =	vpush v20, $0xC;
	_ =	sdelay $0x1  }
0x115: {  	(v2sf) =	vpush v21, $0xC;
	_ =	sdelay $0x4  }
0x116: {  	s21 =	spop (v2sf)  }
0x117: {  	s22 =	spop (v2sf);
	s1 =	sand.u32 $0x7F, s21  }
0x118: {  	s24 =	sand.u32 $0x7F, s22;
	v46 =	vor.u32 s1, v10  }
0x119: {  	v47 =	vor.u32 s24, v10;
	_ =	sdelay $0x1  }
0x11a: {  	[sflag:s29] =	ssyncset.done $0x0  }
0x11b: {  	s20 =	sadd.s32 $0x4, s6;
	[sflag:s29] =	ssyncadd.s32 $0xFFFFF000  }
0x11c: {  	v48 =	vor.u32 s20, v1;
	v22 =	vld.idx.msk [tilespmem:v46+s12+$0x0], $0xffff  }
0x11d: {  	s9 =	spop (v2sf);
	v23 =	vld.idx.msk [tilespmem:v47+s13+$0x0], $0xffff  }
0x11e: {  	v49 =	vor.u32 s1, v11;
	s25 =	sshra.s32 s9, $0x1F  }
0x11f: {  	v50 =	vor.u32 s24, v11;
	s19 =	spop (v2sf);
	s1 =	sshrl.u32 s25, $0x19  }
0x120: {  	s21 =	sshra.s32 s19, $0x1F;
	s1 =	sadd.s32 s1, s9  }
0x121: {  	s21 =	sshrl.u32 s21, $0x19;
	s26 =	sand.u32 $0xFFFFFF80, s1;
	[tilespmem:v48+s30+$0x0] =	vst.idx.msk $0xffff, v22  }
0x122: {  	p3 =	slt.s32 s9, $0x1;
	s28 =	sadd.s32 s21, s19;
	p4 =	sne.s32 s9, s26;
	[tilespmem:v48+s31+$0x0] =	vst.idx.msk $0xffff, v23  }
0x123: {  	v51 =	vor.u32 s20, v3;
	p5 =	slt.s32 s19, $0x1;
	s0 =	sand.u32 $0xFFFFFF80, s28;
	p0 =	por !p3, !p4;
	v22 =	vld.idx.msk [tilespmem:v49+s12+$0x0], $0xffff  }
0x124: {  	s21 =	simm.s32 $0x1;
	p6 =	sne.s32 s19, s0;
	p0 =	por !p0, !p0;
	v24 =	vld.idx.msk [tilespmem:v50+s13+$0x0], $0xffff  }
0x125: {  	s1 =	sshrl.u32 s1, $0x7;
	p2 =	por !p5, !p6;
	s21 =	simm.s32 @!p0 $0x0  }
0x126: {  	s20 =	simm.s32 $0x1;
	p0 =	por !p2, !p2;
	s1 =	ssub.s32 s1, s21  }
0x127: {  	s14 =	sshrl.u32 s28, $0x7;
	s20 =	simm.s32 @!p0 $0x0;
	s1 =	sshll.u32 s1, $0x7  }
0x128: {  	s14 =	ssub.s32 s14, s20;
	s1 =	sand.u32 $0x1FFFFF80, s1;
	[tilespmem:v51+s30+$0x0] =	vst.idx.msk $0xffff, v22  }
0x129: {  	s21 =	simm.s32 $0x4400;
	s22 =	sshll.u32 s14, $0x7;
	s1 =	sadd.s32 s2, s1;
	[tilespmem:v51+s31+$0x0] =	vst.idx.msk $0xffff, v24  }
0x12a: {  	[tilespmem:s21], [sflag:$0x1] =	stream.strided.gather [hbm4b:s1+s12], $0x1000, s11, s12, $0x38;
	[tilespmem:$0x18600] =	vst v63  }
0x12b: {  	s1 =	sand.u32 $0x1FFFFF80, s22  }
0x12c: {  	s24 =	simm.s32 $0xC400;
	s1 =	sadd.s32 s3, s1  }
0x12d: {  	[tilespmem:s24], [sflag:$0x2] =	stream.strided.gather [hbm4b:s1+s12], $0x1000, s11, s12, $0x38;
	[tilespmem:$0x18600] =	vst v63  }
0x12e: {  	_ =	swait.ge [sflag:s10], $0x1000  }
0x12f: {  	[sflag:s10] =	ssyncset.done $0x0  }
0x130: {  	[sflag:s10] =	ssyncadd.s32 $0xFFFFF000  }
0x131: {  	_ =	swait.ge [sflag:s29], $0x1000  }
0x132: {  	(v2sf) =	vpush v20, $0x5  }
0x133: {  	(v2sf) =	vpush v21, $0x5;
	_ =	sdelay $0x6  }
0x134: {  	(v2sf) =	vpush v20, $0xD;
	_ =	sdelay $0x1  }
0x135: {  	(v2sf) =	vpush v21, $0xD;
	_ =	sdelay $0x4  }
0x136: {  	s25 =	spop (v2sf)  }
0x137: {  	s26 =	spop (v2sf);
	s28 =	sand.u32 $0x7F, s25  }
0x138: {  	s14 =	sand.u32 $0x7F, s26;
	v52 =	vor.u32 s28, v12  }
0x139: {  	v53 =	vor.u32 s14, v12;
	_ =	sdelay $0x1  }
0x13a: {  	[sflag:s29] =	ssyncset.done $0x0  }
0x13b: {  	s0 =	sadd.s32 $0x5, s6;
	[sflag:s29] =	ssyncadd.s32 $0xFFFFF000  }
0x13c: {  	v54 =	vor.u32 s0, v1;
	v22 =	vld.idx.msk [tilespmem:v52+s12+$0x0], $0xffff  }
0x13d: {  	s1 =	spop (v2sf);
	v23 =	vld.idx.msk [tilespmem:v53+s13+$0x0], $0xffff  }
0x13e: {  	v55 =	vor.u32 s28, v13;
	s22 =	sshra.s32 s1, $0x1F  }
0x13f: {  	v56 =	vor.u32 s14, v13;
	s20 =	spop (v2sf);
	s24 =	sshrl.u32 s22, $0x19  }
0x140: {  	s14 =	sadd.s32 s24, s1;
	s24 =	sshra.s32 s20, $0x1F  }
0x141: {  	s22 =	sand.u32 $0xFFFFFF80, s14;
	s24 =	sshrl.u32 s24, $0x19;
	[tilespmem:v54+s30+$0x0] =	vst.idx.msk $0xffff, v22  }
0x142: {  	p3 =	slt.s32 s1, $0x1;
	p4 =	sne.s32 s1, s22;
	s25 =	sadd.s32 s24, s20;
	[tilespmem:v54+s31+$0x0] =	vst.idx.msk $0xffff, v23  }
0x143: {  	v57 =	vor.u32 s0, v3;
	p5 =	slt.s32 s20, $0x1;
	p0 =	por !p3, !p4;
	s26 =	sand.u32 $0xFFFFFF80, s25;
	v22 =	vld.idx.msk [tilespmem:v55+s12+$0x0], $0xffff  }
0x144: {  	s24 =	simm.s32 $0x1;
	p0 =	por !p0, !p0;
	p6 =	sne.s32 s20, s26;
	v24 =	vld.idx.msk [tilespmem:v56+s13+$0x0], $0xffff  }
0x145: {  	s14 =	sshrl.u32 s14, $0x7;
	s24 =	simm.s32 @!p0 $0x0;
	p2 =	por !p5, !p6  }
0x146: {  	s22 =	simm.s32 $0x1;
	s14 =	ssub.s32 s14, s24;
	p0 =	por !p2, !p2  }
0x147: {  	s21 =	sshrl.u32 s25, $0x7;
	s14 =	sshll.u32 s14, $0x7;
	s22 =	simm.s32 @!p0 $0x0  }
0x148: {  	s14 =	sand.u32 $0x1FFFFF80, s14;
	s21 =	ssub.s32 s21, s22;
	[tilespmem:v57+s30+$0x0] =	vst.idx.msk $0xffff, v22  }
0x149: {  	s28 =	simm.s32 $0x5400;
	s14 =	sadd.s32 s2, s14;
	s22 =	sshll.u32 s21, $0x7;
	[tilespmem:v57+s31+$0x0] =	vst.idx.msk $0xffff, v24  }
0x14a: {  	[tilespmem:s28], [sflag:$0x1] =	stream.strided.gather [hbm4b:s14+s12], $0x1000, s11, s12, $0x38;
	[tilespmem:$0x18600] =	vst v63  }
0x14b: {  	s14 =	sand.u32 $0x1FFFFF80, s22  }
0x14c: {  	s24 =	simm.s32 $0xD400;
	s14 =	sadd.s32 s3, s14  }
0x14d: {  	[tilespmem:s24], [sflag:$0x2] =	stream.strided.gather [hbm4b:s14+s12], $0x1000, s11, s12, $0x38;
	[tilespmem:$0x18600] =	vst v63  }
0x14e: {  	_ =	swait.ge [sflag:s10], $0x1000  }
0x14f: {  	[sflag:s10] =	ssyncset.done $0x0  }
0x150: {  	[sflag:s10] =	ssyncadd.s32 $0xFFFFF000  }
0x151: {  	_ =	swait.ge [sflag:s29], $0x1000  }
0x152: {  	(v2sf) =	vpush v20, $0x6  }
0x153: {  	(v2sf) =	vpush v21, $0x6;
	_ =	sdelay $0x6  }
0x154: {  	(v2sf) =	vpush v20, $0xE;
	_ =	sdelay $0x1  }
0x155: {  	(v2sf) =	vpush v21, $0xE;
	_ =	sdelay $0x4  }
0x156: {  	s25 =	spop (v2sf)  }
0x157: {  	s26 =	spop (v2sf);
	s28 =	sand.u32 $0x7F, s25  }
0x158: {  	s21 =	sand.u32 $0x7F, s26;
	v58 =	vor.u32 s28, v14  }
0x159: {  	v59 =	vor.u32 s21, v14;
	_ =	sdelay $0x1  }
0x15a: {  	[sflag:s29] =	ssyncset.done $0x0  }
0x15b: {  	s0 =	sadd.s32 $0x6, s6;
	[sflag:s29] =	ssyncadd.s32 $0xFFFFF000  }
0x15c: {  	v60 =	vor.u32 s0, v1;
	v22 =	vld.idx.msk [tilespmem:v58+s12+$0x0], $0xffff  }
0x15d: {  	s14 =	spop (v2sf);
	v23 =	vld.idx.msk [tilespmem:v59+s13+$0x0], $0xffff  }
0x15e: {  	v61 =	vor.u32 s28, v15;
	s26 =	sshra.s32 s14, $0x1F  }
0x15f: {  	v62 =	vor.u32 s21, v15;
	s21 =	spop (v2sf);
	s22 =	sshrl.u32 s26, $0x19  }
0x160: {  	s26 =	sshra.s32 s21, $0x1F;
	s22 =	sadd.s32 s22, s14  }
0x161: {  	s26 =	sshrl.u32 s26, $0x19;
	s25 =	sand.u32 $0xFFFFFF80, s22;
	[tilespmem:v60+s30+$0x0] =	vst.idx.msk $0xffff, v22  }
0x162: {  	p3 =	slt.s32 s14, $0x1;
	s28 =	sadd.s32 s26, s21;
	p4 =	sne.s32 s14, s25;
	[tilespmem:v60+s31+$0x0] =	vst.idx.msk $0xffff, v23  }
0x163: {  	v63 =	vor.u32 s0, v3;
	p5 =	slt.s32 s21, $0x1;
	s0 =	sand.u32 $0xFFFFFF80, s28;
	p0 =	por !p3, !p4;
	v22 =	vld.idx.msk [tilespmem:v61+s12+$0x0], $0xffff  }
0x164: {  	s26 =	simm.s32 $0x1;
	p6 =	sne.s32 s21, s0;
	p0 =	por !p0, !p0;
	v24 =	vld.idx.msk [tilespmem:v62+s13+$0x0], $0xffff  }
0x165: {  	s22 =	sshrl.u32 s22, $0x7;
	p1 =	por !p5, !p6;
	s26 =	simm.s32 @!p0 $0x0  }
0x166: {  	s25 =	simm.s32 $0x1;
	p0 =	por !p1, !p1;
	s22 =	ssub.s32 s22, s26  }
0x167: {  	s24 =	sshrl.u32 s28, $0x7;
	s25 =	simm.s32 @!p0 $0x0;
	s22 =	sshll.u32 s22, $0x7  }
0x168: {  	s24 =	ssub.s32 s24, s25;
	s22 =	sand.u32 $0x1FFFFF80, s22;
	[tilespmem:v63+s30+$0x0] =	vst.idx.msk $0xffff, v22  }
0x169: {  	s28 =	simm.s32 $0x6400;
	s0 =	sshll.u32 s24, $0x7;
	s22 =	sadd.s32 s2, s22;
	[tilespmem:v63+s31+$0x0] =	vst.idx.msk $0xffff, v24  }
0x16a: {  	[tilespmem:s28], [sflag:$0x1] =	stream.strided.gather [hbm4b:s22+s12], $0x1000, s11, s12, $0x38;
	[tilespmem:$0x18600] =	vst v63  }
0x16b: {  	s22 =	sand.u32 $0x1FFFFF80, s0  }
0x16c: {  	s24 =	simm.s32 $0xE400;
	s22 =	sadd.s32 s3, s22  }
0x16d: {  	[tilespmem:s24], [sflag:$0x2] =	stream.strided.gather [hbm4b:s22+s12], $0x1000, s11, s12, $0x38;
	[tilespmem:$0x18600] =	vst v63  }
0x16e: {  	_ =	swait.ge [sflag:s10], $0x1000  }
0x16f: {  	[sflag:s10] =	ssyncset.done $0x0  }
0x170: {  	[sflag:s10] =	ssyncadd.s32 $0xFFFFF000  }
0x171: {  	_ =	swait.ge [sflag:s29], $0x1000  }
0x172: {  	(v2sf) =	vpush v20, $0x7  }
0x173: {  	(v2sf) =	vpush v21, $0x7;
	_ =	sdelay $0x5  }
0x174: {  	(v2sf) =	vpush v20, $0xF;
	_ =	sdelay $0x1  }
0x175: {  	(v2sf) =	vpush v21, $0xF;
	_ =	sdelay $0x5  }
0x176: {  	s25 =	spop (v2sf)  }
0x177: {  	s26 =	spop (v2sf);
	s28 =	sand.u32 $0x7F, s25  }
0x178: {  	s24 =	sand.u32 $0x7F, s26;
	v20 =	vor.u32 s28, v16  }
0x179: {  	v27 =	vor.u32 s24, v16;
	_ =	sdelay $0x1  }
0x17a: {  	[sflag:s29] =	ssyncset.done $0x0  }
0x17b: {  	[sflag:s29] =	ssyncadd.s32 $0xFFFFF000;
	s26 =	sadd.s32 $0x7, s6  }
0x17c: {  	s22 =	spop (v2sf);
	v28 =	vor.u32 s26, v1;
	v20 =	vld.idx.msk [tilespmem:v20+s12+$0x0], $0xffff  }
0x17d: {  	s0 =	sshra.s32 s22, $0x1F;
	v21 =	vld.idx.msk [tilespmem:v27+s13+$0x0], $0xffff  }
0x17e: {  	v29 =	vor.u32 s28, v17;
	v30 =	vor.u32 s24, v17;
	s24 =	spop (v2sf);
	s25 =	sshrl.u32 s0, $0x19  }
0x17f: {  	s28 =	sshra.s32 s24, $0x1F;
	s25 =	sadd.s32 s25, s22  }
0x180: {  	s28 =	sshrl.u32 s28, $0x19;
	s0 =	sand.u32 $0xFFFFFF80, s25  }
0x181: {  	p3 =	slt.s32 s22, $0x1;
	p2 =	sne.s32 s22, s0;
	s0 =	sadd.s32 s28, s24;
	[tilespmem:v28+s30+$0x0] =	vst.idx.msk $0xffff, v20  }
0x182: {  	v31 =	vor.u32 s26, v3;
	s26 =	simm.s32 $0x1;
	s28 =	sand.u32 $0xFFFFFF80, s0;
	p0 =	por !p3, !p2;
	[tilespmem:v28+s31+$0x0] =	vst.idx.msk $0xffff, v21  }
0x183: {  	p5 =	slt.s32 s24, $0x1;
	p4 =	sne.s32 s24, s28;
	p0 =	por !p0, !p0;
	v20 =	vld.idx.msk [tilespmem:v29+s12+$0x0], $0xffff  }
0x184: {  	s25 =	sshrl.u32 s25, $0x7;
	s26 =	simm.s32 @!p0 $0x0;
	p6 =	por !p5, !p4;
	v22 =	vld.idx.msk [tilespmem:v30+s13+$0x0], $0xffff  }
0x185: {  	s25 =	ssub.s32 s25, s26;
	p0 =	por !p6, !p6;
	s26 =	simm.s32 $0x1  }
0x186: {  	s0 =	sshrl.u32 s0, $0x7;
	s26 =	simm.s32 @!p0 $0x0  }
0x187: {  	s25 =	sshll.u32 s25, $0x7;
	s0 =	ssub.s32 s0, s26  }
0x188: {  	s25 =	sand.u32 $0x1FFFFF80, s25;
	s0 =	sshll.u32 s0, $0x7;
	[tilespmem:v31+s30+$0x0] =	vst.idx.msk $0xffff, v20  }
0x189: {  	s28 =	simm.s32 $0x7400;
	s25 =	sadd.s32 s2, s25;
	s0 =	sand.u32 $0x1FFFFF80, s0;
	[tilespmem:v31+s31+$0x0] =	vst.idx.msk $0xffff, v22  }
0x18a: {  	[tilespmem:s28], [sflag:$0x1] =	stream.strided.gather [hbm4b:s25+s12], $0x1000, s11, s12, $0x38;
	[tilespmem:$0x18600] =	vst v63  }
0x18b: {  	s0 =	sadd.s32 s3, s0;
	s28 =	simm.s32 $0xF400  }
0x18c: {  	[tilespmem:s28], [sflag:$0x2] =	stream.strided.gather [hbm4b:s0+s12], $0x1000, s11, s12, $0x38;
	[tilespmem:$0x18600] =	vst v63  }
0x18d: {  	_ =	swait.ge [sflag:s10], $0x1000  }
0x18e: {  	[sflag:s10] =	ssyncset.done $0x0  }
0x18f: {  	[sflag:s10] =	ssyncadd.s32 $0xFFFFF000  }
0x190: {  	p0 =	seq.s32 s6, $0x1F0;
	_ =	swait.ge [sflag:s29], $0x1000  }
0x191: {  	(v2sf) =	vpush @!p0 v19, $0x0;
	_ =	sdelay $0x1  }
0x192: {  	(v2sf) =	vpush @!p0 v18, $0x0;
	_ =	sdelay $0x5  }
0x193: {  	s25 =	sand.u32 $0x7F, s15  }
0x194: {  	s26 =	sand.u32 $0x7F, s23;
	v20 =	vor.u32 s25, v0  }
0x195: {  	v32 =	vor.u32 s26, v0;
	_ =	sdelay $0x1  }
0x196: {  	[sflag:s29] =	ssyncset.done $0x0  }
0x197: {  	s28 =	sadd.s32 $0x8, s6;
	[sflag:s29] =	ssyncadd.s32 $0xFFFFF000  }
0x198: {  	v33 =	vor.u32 s28, v1;
	v20 =	vld.idx.msk [tilespmem:v20+s12+$0x0], $0xffff  }
0x199: {  	v21 =	vld.idx.msk [tilespmem:v32+s13+$0x0], $0xffff;
	s0 =	spop @!p0 (v2sf)  }
0x19a: {  	s23 =	simm.s32 @!p0 $0x1;
	v34 =	vor.u32 s25, v2;
	s15 =	sshra.s32 @!p0 s0, $0x1F  }
0x19b: {  	v35 =	vor.u32 s26, v2;
	s25 =	sand.u32 @!p0 $0x7F, s0;
	s26 =	spop @!p0 (v2sf);
	p1 =	slt.s32 @!p0 s0, $0x1  }
0x19c: {  	p2 =	sne.s32 @!p0 s25, $0x0;
	s25 =	sand.u32 @!p0 $0x7F, s26;
	s15 =	sshrl.u32 @!p0 s15, $0x19  }
0x19d: {  	[tilespmem:v33+s30+$0x0] =	vst.idx.msk $0xffff, v20;
	p1 =	por @!p0 !p1, !p2;
	p2 =	slt.s32 @!p0 s26, $0x1;
	p3 =	sne.s32 @!p0 s25, $0x0  }
0x19e: {  	[tilespmem:v33+s31+$0x0] =	vst.idx.msk $0xffff, v21;
	s25 =	sshra.s32 @!p0 s26, $0x1F;
	s0 =	sadd.s32 @!p0 s15, s0;
	p2 =	por @!p0 !p2, !p3  }
0x19f: {  	v20 =	vor.u32 s28, v3;
	v21 =	vld.idx.msk [tilespmem:v34+s12+$0x0], $0xffff;
	s15 =	sshrl.u32 @!p0 s25, $0x19;
	p1 =	por @!p0 !p1, !p1;
	p2 =	por @!p0 !p2, !p2  }
0x1a0: {  	v22 =	vld.idx.msk [tilespmem:v35+s13+$0x0], $0xffff;
	s25 =	simm.s32 @!p0 $0x1;
	s15 =	sadd.s32 @!p0 s15, s26;
	p2 =	por !p2, p0  }
0x1a1: {  	p1 =	por !p1, p0;
	s15 =	sshrl.u32 @!p0 s15, $0x7;
	s23 =	simm.s32 @p2 $0x0  }
0x1a2: {  	s0 =	sshrl.u32 @!p0 s0, $0x7;
	s25 =	simm.s32 @p1 $0x0;
	s15 =	ssub.s32 @!p0 s15, s23  }
0x1a3: {  	s0 =	ssub.s32 @!p0 s0, s25;
	s15 =	sshll.u32 @!p0 s15, $0x7  }
0x1a4: {  	[tilespmem:v20+s30+$0x0] =	vst.idx.msk $0xffff, v21;
	s23 =	simm.s32 @!p0 $0x400;
	s0 =	sshll.u32 @!p0 s0, $0x7;
	s15 =	sand.u32 @!p0 $0x1FFFFF80, s15  }
0x1a5: {  	[tilespmem:v20+s31+$0x0] =	vst.idx.msk $0xffff, v22;
	s0 =	sand.u32 @!p0 $0x1FFFFF80, s0;
	s25 =	sadd.s32 @!p0 s2, s15;
	s15 =	simm.s32 @!p0 $0x7A1400  }
0x1a6: {  	[tilespmem:s23], [sflag:$0x1] =	stream.strided.gather @!p0 [hbm4b:s25+s23], $0x1000, s15, s23, $0x38;
	[tilespmem:$0x18600] =	vst v63  }
0x1a7: {  	s0 =	sadd.s32 @!p0 s3, s0;
	s25 =	simm.s32 @!p0 $0x8400  }
0x1a8: {  	[tilespmem:s25], [sflag:$0x2] =	stream.strided.gather @!p0 [hbm4b:s0+s23], $0x1000, s15, s23, $0x38;
	[tilespmem:$0x18600] =	vst v63  }
0x1a9: {  	_ =	swait.ge [sflag:s10], $0x1000  }
0x1aa: {  	[sflag:s10] =	ssyncset.done $0x0  }
0x1ab: {  	[sflag:s10] =	ssyncadd.s32 $0xFFFFF000  }
0x1ac: {  	_ =	swait.ge [sflag:s29], $0x1000  }
0x1ad: {  	(v2sf) =	vpush @!p0 v19, $0x1  }
0x1ae: {  	(v2sf) =	vpush @!p0 v18, $0x1;
	_ =	sdelay $0x5  }
0x1af: {  	s25 =	sand.u32 $0x7F, s7  }
0x1b0: {  	s26 =	sand.u32 $0x7F, s16;
	v20 =	vor.u32 s25, v4  }
0x1b1: {  	v36 =	vor.u32 s26, v4;
	_ =	sdelay $0x1  }
0x1b2: {  	[sflag:s29] =	ssyncset.done $0x0  }
0x1b3: {  	s28 =	sadd.s32 $0x9, s6;
	[sflag:s29] =	ssyncadd.s32 $0xFFFFF000  }
0x1b4: {  	v37 =	vor.u32 s28, v1;
	v20 =	vld.idx.msk [tilespmem:v20+s12+$0x0], $0xffff  }
0x1b5: {  	v21 =	vld.idx.msk [tilespmem:v36+s13+$0x0], $0xffff  }
0x1b6: {  	v38 =	vor.u32 s25, v5;
	s0 =	spop @!p0 (v2sf)  }
0x1b7: {  	v39 =	vor.u32 s26, v5;
	s7 =	spop @!p0 (v2sf)  }
0x1b8: {  	s25 =	sand.u32 @!p0 $0x7F, s7  }
0x1b9: {  	[tilespmem:v37+s30+$0x0] =	vst.idx.msk $0xffff, v20;
	p1 =	slt.s32 @!p0 s7, $0x1;
	p2 =	sne.s32 @!p0 s25, $0x0  }
0x1ba: {  	[tilespmem:v37+s31+$0x0] =	vst.idx.msk $0xffff, v21;
	s25 =	sshra.s32 @!p0 s7, $0x1F;
	p1 =	por @!p0 !p1, !p2  }
0x1bb: {  	v20 =	vor.u32 s28, v3;
	v21 =	vld.idx.msk [tilespmem:v38+s12+$0x0], $0xffff;
	s16 =	sshrl.u32 @!p0 s25, $0x19;
	p1 =	por @!p0 !p1, !p1  }
0x1bc: {  	v22 =	vld.idx.msk [tilespmem:v39+s13+$0x0], $0xffff;
	s7 =	sadd.s32 @!p0 s16, s7;
	s16 =	simm.s32 @!p0 $0x1;
	p1 =	por !p1, p0  }
0x1bd: {  	s7 =	sshrl.u32 @!p0 s7, $0x7;
	s16 =	simm.s32 @p1 $0x0  }
0x1be: {  	s7 =	ssub.s32 @!p0 s7, s16  }
0x1bf: {  	s7 =	sshll.u32 @!p0 s7, $0x7  }
0x1c0: {  	[tilespmem:v20+s30+$0x0] =	vst.idx.msk $0xffff, v21;
	s7 =	sand.u32 @!p0 $0x1FFFFF80, s7  }
0x1c1: {  	[tilespmem:v20+s31+$0x0] =	vst.idx.msk $0xffff, v22;
	s16 =	simm.s32 @!p0 $0x1400;
	s7 =	sadd.s32 @!p0 s2, s7  }
0x1c2: {  	[tilespmem:s16], [sflag:$0x1] =	stream.strided.gather @!p0 [hbm4b:s7+s23], $0x1000, s15, s23, $0x38;
	[tilespmem:$0x18600] =	vst v63  }
0x1c3: {  	s7 =	sand.u32 @!p0 $0x7F, s0  }
0x1c4: {  	p1 =	slt.s32 @!p0 s0, $0x1;
	p2 =	sne.s32 @!p0 s7, $0x0  }
0x1c5: {  	s7 =	sshra.s32 @!p0 s0, $0x1F;
	p1 =	por @!p0 !p1, !p2  }
0x1c6: {  	s7 =	sshrl.u32 @!p0 s7, $0x19;
	p1 =	por @!p0 !p1, !p1  }
0x1c7: {  	s0 =	sadd.s32 @!p0 s7, s0;
	s7 =	simm.s32 @!p0 $0x1;
	p1 =	por !p1, p0  }
0x1c8: {  	s0 =	sshrl.u32 @!p0 s0, $0x7;
	s7 =	simm.s32 @p1 $0x0  }
0x1c9: {  	s0 =	ssub.s32 @!p0 s0, s7  }
0x1ca: {  	s0 =	sshll.u32 @!p0 s0, $0x7  }
0x1cb: {  	s0 =	sand.u32 @!p0 $0x1FFFFF80, s0  }
0x1cc: {  	s7 =	simm.s32 @!p0 $0x9400;
	s0 =	sadd.s32 @!p0 s3, s0  }
0x1cd: {  	[tilespmem:s7], [sflag:$0x2] =	stream.strided.gather @!p0 [hbm4b:s0+s23], $0x1000, s15, s23, $0x38;
	[tilespmem:$0x18600] =	vst v63  }
0x1ce: {  	_ =	swait.ge [sflag:s10], $0x1000  }
0x1cf: {  	[sflag:s10] =	ssyncset.done $0x0  }
0x1d0: {  	[sflag:s10] =	ssyncadd.s32 $0xFFFFF000  }
0x1d1: {  	_ =	swait.ge [sflag:s29], $0x1000  }
0x1d2: {  	(v2sf) =	vpush @!p0 v19, $0x2  }
0x1d3: {  	(v2sf) =	vpush @!p0 v18, $0x2;
	_ =	sdelay $0x5  }
0x1d4: {  	s8 =	sand.u32 $0x7F, s8  }
0x1d5: {  	v20 =	vor.u32 s8, v6;
	s16 =	sand.u32 $0x7F, s17  }
0x1d6: {  	v40 =	vor.u32 s16, v6;
	_ =	sdelay $0x1  }
0x1d7: {  	[sflag:s29] =	ssyncset.done $0x0  }
0x1d8: {  	s17 =	sadd.s32 $0xA, s6;
	[sflag:s29] =	ssyncadd.s32 $0xFFFFF000  }
0x1d9: {  	v41 =	vor.u32 s17, v1;
	v20 =	vld.idx.msk [tilespmem:v20+s12+$0x0], $0xffff  }
0x1da: {  	v21 =	vld.idx.msk [tilespmem:v40+s13+$0x0], $0xffff  }
0x1db: {  	v42 =	vor.u32 s8, v7;
	s0 =	spop @!p0 (v2sf)  }
0x1dc: {  	v43 =	vor.u32 s16, v7;
	s7 =	spop @!p0 (v2sf)  }
0x1dd: {  	s16 =	sand.u32 @!p0 $0x7F, s7  }
0x1de: {  	[tilespmem:v41+s30+$0x0] =	vst.idx.msk $0xffff, v20;
	p1 =	slt.s32 @!p0 s7, $0x1;
	p2 =	sne.s32 @!p0 s16, $0x0  }
0x1df: {  	[tilespmem:v41+s31+$0x0] =	vst.idx.msk $0xffff, v21;
	s16 =	sshra.s32 @!p0 s7, $0x1F;
	p1 =	por @!p0 !p1, !p2  }
0x1e0: {  	v20 =	vor.u32 s17, v3;
	v21 =	vld.idx.msk [tilespmem:v42+s12+$0x0], $0xffff;
	s8 =	sshrl.u32 @!p0 s16, $0x19;
	p1 =	por @!p0 !p1, !p1  }
0x1e1: {  	v22 =	vld.idx.msk [tilespmem:v43+s13+$0x0], $0xffff;
	s7 =	sadd.s32 @!p0 s8, s7;
	s8 =	simm.s32 @!p0 $0x1;
	p1 =	por !p1, p0  }
0x1e2: {  	s7 =	sshrl.u32 @!p0 s7, $0x7;
	s8 =	simm.s32 @p1 $0x0  }
0x1e3: {  	s7 =	ssub.s32 @!p0 s7, s8  }
0x1e4: {  	s7 =	sshll.u32 @!p0 s7, $0x7  }
0x1e5: {  	[tilespmem:v20+s30+$0x0] =	vst.idx.msk $0xffff, v21;
	s7 =	sand.u32 @!p0 $0x1FFFFF80, s7  }
0x1e6: {  	[tilespmem:v20+s31+$0x0] =	vst.idx.msk $0xffff, v22;
	s8 =	simm.s32 @!p0 $0x2400;
	s7 =	sadd.s32 @!p0 s2, s7  }
0x1e7: {  	[tilespmem:s8], [sflag:$0x1] =	stream.strided.gather @!p0 [hbm4b:s7+s23], $0x1000, s15, s23, $0x38;
	[tilespmem:$0x18600] =	vst v63  }
0x1e8: {  	s7 =	sand.u32 @!p0 $0x7F, s0  }
0x1e9: {  	p1 =	slt.s32 @!p0 s0, $0x1;
	p2 =	sne.s32 @!p0 s7, $0x0  }
0x1ea: {  	s7 =	sshra.s32 @!p0 s0, $0x1F;
	p1 =	por @!p0 !p1, !p2  }
0x1eb: {  	s7 =	sshrl.u32 @!p0 s7, $0x19;
	p1 =	por @!p0 !p1, !p1  }
0x1ec: {  	s0 =	sadd.s32 @!p0 s7, s0;
	s7 =	simm.s32 @!p0 $0x1;
	p1 =	por !p1, p0  }
0x1ed: {  	s0 =	sshrl.u32 @!p0 s0, $0x7;
	s7 =	simm.s32 @p1 $0x0  }
0x1ee: {  	s0 =	ssub.s32 @!p0 s0, s7  }
0x1ef: {  	s0 =	sshll.u32 @!p0 s0, $0x7  }
0x1f0: {  	s0 =	sand.u32 @!p0 $0x1FFFFF80, s0  }
0x1f1: {  	s7 =	simm.s32 @!p0 $0xA400;
	s0 =	sadd.s32 @!p0 s3, s0  }
0x1f2: {  	[tilespmem:s7], [sflag:$0x2] =	stream.strided.gather @!p0 [hbm4b:s0+s23], $0x1000, s15, s23, $0x38;
	[tilespmem:$0x18600] =	vst v63  }
0x1f3: {  	_ =	swait.ge [sflag:s10], $0x1000  }
0x1f4: {  	[sflag:s10] =	ssyncset.done $0x0  }
0x1f5: {  	[sflag:s10] =	ssyncadd.s32 $0xFFFFF000  }
0x1f6: {  	_ =	swait.ge [sflag:s29], $0x1000  }
0x1f7: {  	(v2sf) =	vpush @!p0 v19, $0x3  }
0x1f8: {  	(v2sf) =	vpush @!p0 v18, $0x3;
	_ =	sdelay $0x5  }
0x1f9: {  	s25 =	sand.u32 $0x7F, s4  }
0x1fa: {  	s26 =	sand.u32 $0x7F, s18;
	v20 =	vor.u32 s25, v8  }
0x1fb: {  	v44 =	vor.u32 s26, v8;
	_ =	sdelay $0x1  }
0x1fc: {  	[sflag:s29] =	ssyncset.done $0x0  }
0x1fd: {  	s28 =	sadd.s32 $0xB, s6;
	[sflag:s29] =	ssyncadd.s32 $0xFFFFF000  }
0x1fe: {  	v45 =	vor.u32 s28, v1;
	v20 =	vld.idx.msk [tilespmem:v20+s12+$0x0], $0xffff  }
0x1ff: {  	v21 =	vld.idx.msk [tilespmem:v44+s13+$0x0], $0xffff  }
0x200: {  	v46 =	vor.u32 s25, v9;
	s0 =	spop @!p0 (v2sf)  }
0x201: {  	v47 =	vor.u32 s26, v9;
	s4 =	spop @!p0 (v2sf)  }
0x202: {  	s8 =	sand.u32 @!p0 $0x7F, s4  }
0x203: {  	[tilespmem:v45+s30+$0x0] =	vst.idx.msk $0xffff, v20;
	p1 =	slt.s32 @!p0 s4, $0x1;
	p2 =	sne.s32 @!p0 s8, $0x0  }
0x204: {  	[tilespmem:v45+s31+$0x0] =	vst.idx.msk $0xffff, v21;
	s8 =	sshra.s32 @!p0 s4, $0x1F;
	p1 =	por @!p0 !p1, !p2  }
0x205: {  	v20 =	vor.u32 s28, v3;
	v21 =	vld.idx.msk [tilespmem:v46+s12+$0x0], $0xffff;
	s7 =	sshrl.u32 @!p0 s8, $0x19;
	p1 =	por @!p0 !p1, !p1  }
0x206: {  	v22 =	vld.idx.msk [tilespmem:v47+s13+$0x0], $0xffff;
	s4 =	sadd.s32 @!p0 s7, s4;
	s7 =	simm.s32 @!p0 $0x1;
	p1 =	por !p1, p0  }
0x207: {  	s4 =	sshrl.u32 @!p0 s4, $0x7;
	s7 =	simm.s32 @p1 $0x0  }
0x208: {  	s4 =	ssub.s32 @!p0 s4, s7  }
0x209: {  	s4 =	sshll.u32 @!p0 s4, $0x7  }
0x20a: {  	[tilespmem:v20+s30+$0x0] =	vst.idx.msk $0xffff, v21;
	s4 =	sand.u32 @!p0 $0x1FFFFF80, s4  }
0x20b: {  	[tilespmem:v20+s31+$0x0] =	vst.idx.msk $0xffff, v22;
	s7 =	simm.s32 @!p0 $0x3400;
	s4 =	sadd.s32 @!p0 s2, s4  }
0x20c: {  	[tilespmem:s7], [sflag:$0x1] =	stream.strided.gather @!p0 [hbm4b:s4+s23], $0x1000, s15, s23, $0x38;
	[tilespmem:$0x18600] =	vst v63  }
0x20d: {  	s4 =	sand.u32 @!p0 $0x7F, s0  }
0x20e: {  	p1 =	slt.s32 @!p0 s0, $0x1;
	p2 =	sne.s32 @!p0 s4, $0x0  }
0x20f: {  	s4 =	sshra.s32 @!p0 s0, $0x1F;
	p1 =	por @!p0 !p1, !p2  }
0x210: {  	s4 =	sshrl.u32 @!p0 s4, $0x19;
	p1 =	por @!p0 !p1, !p1  }
0x211: {  	s0 =	sadd.s32 @!p0 s4, s0;
	s4 =	simm.s32 @!p0 $0x1;
	p1 =	por !p1, p0  }
0x212: {  	s0 =	sshrl.u32 @!p0 s0, $0x7;
	s4 =	simm.s32 @p1 $0x0  }
0x213: {  	s0 =	ssub.s32 @!p0 s0, s4  }
0x214: {  	s0 =	sshll.u32 @!p0 s0, $0x7  }
0x215: {  	s0 =	sand.u32 @!p0 $0x1FFFFF80, s0  }
0x216: {  	s4 =	simm.s32 @!p0 $0xB400;
	s0 =	sadd.s32 @!p0 s3, s0  }
0x217: {  	[tilespmem:s4], [sflag:$0x2] =	stream.strided.gather @!p0 [hbm4b:s0+s23], $0x1000, s15, s23, $0x38;
	[tilespmem:$0x18600] =	vst v63  }
0x218: {  	_ =	swait.ge [sflag:s10], $0x1000  }
0x219: {  	[sflag:s10] =	ssyncset.done $0x0  }
0x21a: {  	[sflag:s10] =	ssyncadd.s32 $0xFFFFF000  }
0x21b: {  	_ =	swait.ge [sflag:s29], $0x1000  }
0x21c: {  	(v2sf) =	vpush @!p0 v19, $0x4  }
0x21d: {  	(v2sf) =	vpush @!p0 v18, $0x4;
	_ =	sdelay $0x5  }
0x21e: {  	s7 =	sand.u32 $0x7F, s9  }
0x21f: {  	s8 =	sand.u32 $0x7F, s19;
	v20 =	vor.u32 s7, v10  }
0x220: {  	v48 =	vor.u32 s8, v10;
	_ =	sdelay $0x1  }
0x221: {  	[sflag:s29] =	ssyncset.done $0x0  }
0x222: {  	s9 =	sadd.s32 $0xC, s6;
	[sflag:s29] =	ssyncadd.s32 $0xFFFFF000  }
0x223: {  	v49 =	vor.u32 s9, v1;
	v20 =	vld.idx.msk [tilespmem:v20+s12+$0x0], $0xffff  }
0x224: {  	v21 =	vld.idx.msk [tilespmem:v48+s13+$0x0], $0xffff  }
0x225: {  	v50 =	vor.u32 s7, v11;
	s0 =	spop @!p0 (v2sf)  }
0x226: {  	v51 =	vor.u32 s8, v11;
	s4 =	spop @!p0 (v2sf)  }
0x227: {  	s8 =	sand.u32 @!p0 $0x7F, s4  }
0x228: {  	[tilespmem:v49+s30+$0x0] =	vst.idx.msk $0xffff, v20;
	p1 =	slt.s32 @!p0 s4, $0x1;
	p2 =	sne.s32 @!p0 s8, $0x0  }
0x229: {  	[tilespmem:v49+s31+$0x0] =	vst.idx.msk $0xffff, v21;
	s8 =	sshra.s32 @!p0 s4, $0x1F;
	p1 =	por @!p0 !p1, !p2  }
0x22a: {  	v20 =	vor.u32 s9, v3;
	v21 =	vld.idx.msk [tilespmem:v50+s12+$0x0], $0xffff;
	s7 =	sshrl.u32 @!p0 s8, $0x19;
	p1 =	por @!p0 !p1, !p1  }
0x22b: {  	v22 =	vld.idx.msk [tilespmem:v51+s13+$0x0], $0xffff;
	s4 =	sadd.s32 @!p0 s7, s4;
	s7 =	simm.s32 @!p0 $0x1;
	p1 =	por !p1, p0  }
0x22c: {  	s4 =	sshrl.u32 @!p0 s4, $0x7;
	s7 =	simm.s32 @p1 $0x0  }
0x22d: {  	s4 =	ssub.s32 @!p0 s4, s7  }
0x22e: {  	s4 =	sshll.u32 @!p0 s4, $0x7  }
0x22f: {  	[tilespmem:v20+s30+$0x0] =	vst.idx.msk $0xffff, v21;
	s4 =	sand.u32 @!p0 $0x1FFFFF80, s4  }
0x230: {  	[tilespmem:v20+s31+$0x0] =	vst.idx.msk $0xffff, v22;
	s7 =	simm.s32 @!p0 $0x4400;
	s4 =	sadd.s32 @!p0 s2, s4  }
0x231: {  	[tilespmem:s7], [sflag:$0x1] =	stream.strided.gather @!p0 [hbm4b:s4+s23], $0x1000, s15, s23, $0x38;
	[tilespmem:$0x18600] =	vst v63  }
0x232: {  	s4 =	sand.u32 @!p0 $0x7F, s0  }
0x233: {  	p1 =	slt.s32 @!p0 s0, $0x1;
	p2 =	sne.s32 @!p0 s4, $0x0  }
0x234: {  	s4 =	sshra.s32 @!p0 s0, $0x1F;
	p1 =	por @!p0 !p1, !p2  }
0x235: {  	s4 =	sshrl.u32 @!p0 s4, $0x19;
	p1 =	por @!p0 !p1, !p1  }
0x236: {  	s0 =	sadd.s32 @!p0 s4, s0;
	s4 =	simm.s32 @!p0 $0x1;
	p1 =	por !p1, p0  }
0x237: {  	s0 =	sshrl.u32 @!p0 s0, $0x7;
	s4 =	simm.s32 @p1 $0x0  }
0x238: {  	s0 =	ssub.s32 @!p0 s0, s4  }
0x239: {  	s0 =	sshll.u32 @!p0 s0, $0x7  }
0x23a: {  	s0 =	sand.u32 @!p0 $0x1FFFFF80, s0  }
0x23b: {  	s4 =	simm.s32 @!p0 $0xC400;
	s0 =	sadd.s32 @!p0 s3, s0  }
0x23c: {  	[tilespmem:s4], [sflag:$0x2] =	stream.strided.gather @!p0 [hbm4b:s0+s23], $0x1000, s15, s23, $0x38;
	[tilespmem:$0x18600] =	vst v63  }
0x23d: {  	_ =	swait.ge [sflag:s10], $0x1000  }
0x23e: {  	[sflag:s10] =	ssyncset.done $0x0  }
0x23f: {  	[sflag:s10] =	ssyncadd.s32 $0xFFFFF000  }
0x240: {  	_ =	swait.ge [sflag:s29], $0x1000  }
0x241: {  	(v2sf) =	vpush @!p0 v19, $0x5  }
0x242: {  	(v2sf) =	vpush @!p0 v18, $0x5;
	_ =	sdelay $0x5  }
0x243: {  	s16 =	sand.u32 $0x7F, s1  }
0x244: {  	s17 =	sand.u32 $0x7F, s20;
	v20 =	vor.u32 s16, v12  }
0x245: {  	v52 =	vor.u32 s17, v12;
	_ =	sdelay $0x1  }
0x246: {  	[sflag:s29] =	ssyncset.done $0x0  }
0x247: {  	s18 =	sadd.s32 $0xD, s6;
	[sflag:s29] =	ssyncadd.s32 $0xFFFFF000  }
0x248: {  	v53 =	vor.u32 s18, v1;
	v20 =	vld.idx.msk [tilespmem:v20+s12+$0x0], $0xffff  }
0x249: {  	v21 =	vld.idx.msk [tilespmem:v52+s13+$0x0], $0xffff  }
0x24a: {  	v54 =	vor.u32 s16, v13;
	s0 =	spop @!p0 (v2sf)  }
0x24b: {  	v55 =	vor.u32 s17, v13;
	s1 =	spop @!p0 (v2sf)  }
0x24c: {  	s7 =	sand.u32 @!p0 $0x7F, s1  }
0x24d: {  	[tilespmem:v53+s30+$0x0] =	vst.idx.msk $0xffff, v20;
	p1 =	slt.s32 @!p0 s1, $0x1;
	p2 =	sne.s32 @!p0 s7, $0x0  }
0x24e: {  	[tilespmem:v53+s31+$0x0] =	vst.idx.msk $0xffff, v21;
	s7 =	sshra.s32 @!p0 s1, $0x1F;
	p1 =	por @!p0 !p1, !p2  }
0x24f: {  	v20 =	vor.u32 s18, v3;
	v21 =	vld.idx.msk [tilespmem:v54+s12+$0x0], $0xffff;
	s4 =	sshrl.u32 @!p0 s7, $0x19;
	p1 =	por @!p0 !p1, !p1  }
0x250: {  	v22 =	vld.idx.msk [tilespmem:v55+s13+$0x0], $0xffff;
	s1 =	sadd.s32 @!p0 s4, s1;
	s4 =	simm.s32 @!p0 $0x1;
	p1 =	por !p1, p0  }
0x251: {  	s1 =	sshrl.u32 @!p0 s1, $0x7;
	s4 =	simm.s32 @p1 $0x0  }
0x252: {  	s1 =	ssub.s32 @!p0 s1, s4  }
0x253: {  	s1 =	sshll.u32 @!p0 s1, $0x7  }
0x254: {  	[tilespmem:v20+s30+$0x0] =	vst.idx.msk $0xffff, v21;
	s1 =	sand.u32 @!p0 $0x1FFFFF80, s1  }
0x255: {  	[tilespmem:v20+s31+$0x0] =	vst.idx.msk $0xffff, v22;
	s4 =	simm.s32 @!p0 $0x5400;
	s1 =	sadd.s32 @!p0 s2, s1  }
0x256: {  	[tilespmem:s4], [sflag:$0x1] =	stream.strided.gather @!p0 [hbm4b:s1+s23], $0x1000, s15, s23, $0x38;
	[tilespmem:$0x18600] =	vst v63  }
0x257: {  	s1 =	sand.u32 @!p0 $0x7F, s0  }
0x258: {  	p1 =	slt.s32 @!p0 s0, $0x1;
	p2 =	sne.s32 @!p0 s1, $0x0  }
0x259: {  	s1 =	sshra.s32 @!p0 s0, $0x1F;
	p1 =	por @!p0 !p1, !p2  }
0x25a: {  	s1 =	sshrl.u32 @!p0 s1, $0x19;
	p1 =	por @!p0 !p1, !p1  }
0x25b: {  	s0 =	sadd.s32 @!p0 s1, s0;
	s1 =	simm.s32 @!p0 $0x1;
	p1 =	por !p1, p0  }
0x25c: {  	s0 =	sshrl.u32 @!p0 s0, $0x7;
	s1 =	simm.s32 @p1 $0x0  }
0x25d: {  	s0 =	ssub.s32 @!p0 s0, s1  }
0x25e: {  	s0 =	sshll.u32 @!p0 s0, $0x7  }
0x25f: {  	s0 =	sand.u32 @!p0 $0x1FFFFF80, s0  }
0x260: {  	s1 =	simm.s32 @!p0 $0xD400;
	s0 =	sadd.s32 @!p0 s3, s0  }
0x261: {  	[tilespmem:s1], [sflag:$0x2] =	stream.strided.gather @!p0 [hbm4b:s0+s23], $0x1000, s15, s23, $0x38;
	[tilespmem:$0x18600] =	vst v63  }
0x262: {  	_ =	swait.ge [sflag:s10], $0x1000  }
0x263: {  	[sflag:s10] =	ssyncset.done $0x0  }
0x264: {  	[sflag:s10] =	ssyncadd.s32 $0xFFFFF000  }
0x265: {  	_ =	swait.ge [sflag:s29], $0x1000  }
0x266: {  	(v2sf) =	vpush @!p0 v19, $0x6  }
0x267: {  	(v2sf) =	vpush @!p0 v18, $0x6;
	_ =	sdelay $0x5  }
0x268: {  	s19 =	sand.u32 $0x7F, s14  }
0x269: {  	s20 =	sand.u32 $0x7F, s21;
	v20 =	vor.u32 s19, v14  }
0x26a: {  	v56 =	vor.u32 s20, v14;
	_ =	sdelay $0x1  }
0x26b: {  	[sflag:s29] =	ssyncset.done $0x0  }
0x26c: {  	s21 =	sadd.s32 $0xE, s6;
	[sflag:s29] =	ssyncadd.s32 $0xFFFFF000  }
0x26d: {  	v57 =	vor.u32 s21, v1;
	v20 =	vld.idx.msk [tilespmem:v20+s12+$0x0], $0xffff  }
0x26e: {  	v21 =	vld.idx.msk [tilespmem:v56+s13+$0x0], $0xffff  }
0x26f: {  	v58 =	vor.u32 s19, v15;
	s7 =	spop @!p0 (v2sf)  }
0x270: {  	v59 =	vor.u32 s20, v15;
	s0 =	spop @!p0 (v2sf)  }
0x271: {  	s1 =	sand.u32 @!p0 $0x7F, s0  }
0x272: {  	[tilespmem:v57+s30+$0x0] =	vst.idx.msk $0xffff, v20;
	p1 =	slt.s32 @!p0 s0, $0x1;
	p2 =	sne.s32 @!p0 s1, $0x0  }
0x273: {  	[tilespmem:v57+s31+$0x0] =	vst.idx.msk $0xffff, v21;
	s1 =	sshra.s32 @!p0 s0, $0x1F;
	p1 =	por @!p0 !p1, !p2  }
0x274: {  	v20 =	vor.u32 s21, v3;
	v21 =	vld.idx.msk [tilespmem:v58+s12+$0x0], $0xffff;
	s1 =	sshrl.u32 @!p0 s1, $0x19;
	p1 =	por @!p0 !p1, !p1  }
0x275: {  	v22 =	vld.idx.msk [tilespmem:v59+s13+$0x0], $0xffff;
	s0 =	sadd.s32 @!p0 s1, s0;
	s1 =	simm.s32 @!p0 $0x1;
	p1 =	por !p1, p0  }
0x276: {  	s0 =	sshrl.u32 @!p0 s0, $0x7;
	s1 =	simm.s32 @p1 $0x0  }
0x277: {  	s0 =	ssub.s32 @!p0 s0, s1  }
0x278: {  	s0 =	sshll.u32 @!p0 s0, $0x7  }
0x279: {  	[tilespmem:v20+s30+$0x0] =	vst.idx.msk $0xffff, v21;
	s0 =	sand.u32 @!p0 $0x1FFFFF80, s0  }
0x27a: {  	[tilespmem:v20+s31+$0x0] =	vst.idx.msk $0xffff, v22;
	s1 =	simm.s32 @!p0 $0x6400;
	s0 =	sadd.s32 @!p0 s2, s0  }
0x27b: {  	[tilespmem:s1], [sflag:$0x1] =	stream.strided.gather @!p0 [hbm4b:s0+s23], $0x1000, s15, s23, $0x38;
	[tilespmem:$0x18600] =	vst v63  }
0x27c: {  	s0 =	sand.u32 @!p0 $0x7F, s7  }
0x27d: {  	p1 =	slt.s32 @!p0 s7, $0x1;
	p2 =	sne.s32 @!p0 s0, $0x0  }
0x27e: {  	s0 =	sshra.s32 @!p0 s7, $0x1F;
	p1 =	por @!p0 !p1, !p2  }
0x27f: {  	s0 =	sshrl.u32 @!p0 s0, $0x19;
	p1 =	por @!p0 !p1, !p1  }
0x280: {  	s1 =	simm.s32 @!p0 $0x1;
	s0 =	sadd.s32 @!p0 s0, s7;
	p1 =	por !p1, p0  }
0x281: {  	s0 =	sshrl.u32 @!p0 s0, $0x7;
	s1 =	simm.s32 @p1 $0x0  }
0x282: {  	s0 =	ssub.s32 @!p0 s0, s1  }
0x283: {  	s0 =	sshll.u32 @!p0 s0, $0x7  }
0x284: {  	s0 =	sand.u32 @!p0 $0x1FFFFF80, s0  }
0x285: {  	s1 =	simm.s32 @!p0 $0xE400;
	s0 =	sadd.s32 @!p0 s3, s0  }
0x286: {  	[tilespmem:s1], [sflag:$0x2] =	stream.strided.gather @!p0 [hbm4b:s0+s23], $0x1000, s15, s23, $0x38;
	[tilespmem:$0x18600] =	vst v63  }
0x287: {  	s25 =	sand.u32 $0x7F, s22;
	_ =	swait.ge [sflag:s10], $0x1000  }
0x288: {  	s26 =	sand.u32 $0x7F, s24;
	v20 =	vor.u32 s25, v16;
	[sflag:s10] =	ssyncset.done $0x0  }
0x289: {  	v60 =	vor.u32 s26, v16;
	[sflag:s10] =	ssyncadd.s32 $0xFFFFF000  }
0x28a: {  	_ =	swait.ge [sflag:s29], $0x1000  }
0x28b: {  	[sflag:s29] =	ssyncset.done $0x0  }
0x28c: {  	s28 =	sadd.s32 $0xF, s6;
	[sflag:s29] =	ssyncadd.s32 $0xFFFFF000  }
0x28d: {  	v61 =	vor.u32 s28, v1;
	v20 =	vld.idx.msk [tilespmem:v20+s12+$0x0], $0xffff  }
0x28e: {  	v21 =	vld.idx.msk [tilespmem:v60+s13+$0x0], $0xffff  }
0x28f: {  	v62 =	vor.u32 s25, v17  }
0x290: {  	v63 =	vor.u32 s26, v17;
	_ =	sdelay $0x1  }
0x291: {  	[tilespmem:v61+s30+$0x0] =	vst.idx.msk $0xffff, v20  }
0x292: {  	[tilespmem:v61+s31+$0x0] =	vst.idx.msk $0xffff, v21  }
0x293: {  	v20 =	vor.u32 s28, v3;
	v21 =	vld.idx.msk [tilespmem:v62+s12+$0x0], $0xffff  }
0x294: {  	v22 =	vld.idx.msk [tilespmem:v63+s13+$0x0], $0xffff  }
.Ltmp0:
0x295: {  	_ = 	snop;
	(pc) =	sbr.rel @p0 .LBB2_4-.Ltmp0, $3  }
0x296: {  	_ =	sdelay $0x1  }
0x297: {  	[tilespmem:v20+s30+$0x0] =	vst.idx.msk $0xffff, v21  }
0x298: {  	s9 =	simm.s32 $0xF400;
	s8 =	simm.s32 $0x7400;
	[tilespmem:v20+s31+$0x0] =	vst.idx.msk $0xffff, v22  }
0x299: {  	(v2sf) =	vpush v19, $0x7  }
0x29a: {  	(v2sf) =	vpush v18, $0x7;
	_ =	sdelay $0xd  }
0x29b: {  	s0 =	spop (v2sf)  }
0x29c: {  	s1 =	sand.u32 $0x7F, s0;
	s4 =	spop (v2sf)  }
0x29d: {  	s7 =	sshra.s32 s0, $0x1F;
	p6 =	slt.s32 s0, $0x1;
	s25 =	sand.u32 $0x7F, s4  }
0x29e: {  	s26 =	sshra.s32 s4, $0x1F;
	p2 =	slt.s32 s4, $0x1;
	p1 =	sne.s32 s25, $0x0  }
0x29f: {  	p0 =	sne.s32 s1, $0x0;
	s1 =	sshrl.u32 s26, $0x19;
	p1 =	por !p2, !p1  }
0x2a0: {  	s1 =	sadd.s32 s1, s4;
	s4 =	simm.s32 $0x1;
	p1 =	por !p1, !p1  }
0x2a1: {  	s7 =	sshrl.u32 s7, $0x19;
	s1 =	sshrl.u32 s1, $0x7;
	s4 =	simm.s32 @!p1 $0x0  }
0x2a2: {  	s0 =	sadd.s32 s7, s0;
	p0 =	por !p6, !p0;
	s1 =	ssub.s32 s1, s4  }
0x2a3: {  	p0 =	por !p0, !p0;
	s4 =	simm.s32 $0x1;
	s1 =	sshll.u32 s1, $0x7  }
0x2a4: {  	s0 =	sshrl.u32 s0, $0x7;
	s4 =	simm.s32 @!p0 $0x0;
	s1 =	sand.u32 $0x1FFFFF80, s1  }
0x2a5: {  	s0 =	ssub.s32 s0, s4;
	s1 =	sadd.s32 s2, s1  }
0x2a6: {  	[tilespmem:s8], [sflag:$0x1] =	stream.strided.gather [hbm4b:s1+s12], $0x1000, s11, s12, $0x38;
	[tilespmem:$0x18600] =	vst v63  }
.Ltmp1:
0x2a7: {  	s0 =	sshll.u32 s0, $0x7;
	(pc) =	sbr.rel .LBB2_2-.Ltmp1, $4  }
0x2a8: {  	s0 =	sand.u32 $0x1FFFFF80, s0  }
0x2a9: {  	s28 =	rddreg [dreg:$0xa];
	s0 =	sadd.s32 s3, s0  }
0x2aa: {  	[tilespmem:s9], [sflag:$0x2] =	stream.strided.gather [hbm4b:s0+s12], $0x1000, s11, s12, $0x38;
	[tilespmem:$0x18600] =	vst v63  }
0x2ab: {  	s6 =	sadd.s32 $0x10, s6;
	s14 =	sadd.s32 $0x10, s5;
	s0 =	sadd.s32 $0x10, s28  }
.LBB2_4:
0x2ac: {  	s0 =	simm.s32 $0x0  }
0x2ad: {  	v18 =	vld [tilespmem:s0+$0x10400]  }
0x2ae: {  	v19 =	vld [tilespmem:s0+$0x14400]  }
0x2af: {  	v20 =	vld [tilespmem:s0+$0x10600]  }
0x2b0: {  	v21 =	vld [tilespmem:s0+$0x14600]  }
0x2b1: {  	v22 =	vld [tilespmem:s0+$0x10800]  }
0x2b2: {  	v23 =	vld [tilespmem:s0+$0x14800]  }
0x2b3: {  	v24 =	vld [tilespmem:s0+$0x10A00]  }
0x2b4: {  	v25 =	vld [tilespmem:s0+$0x14A00]  }
0x2b5: {  	v18 =	vmul.f32 v19, v18;
	v19 =	vmul.f32 v21, v20;
	v20 =	vld [tilespmem:s0+$0x10C00]  }
0x2b6: {  	v21 =	vld [tilespmem:s0+$0x14C00]  }
0x2b7: {  	v18 =	vadd.f32 v19, v18;
	v19 =	vmul.f32 v23, v22;
	v22 =	vld [tilespmem:s0+$0x10E00]  }
0x2b8: {  	v23 =	vld [tilespmem:s0+$0x14E00]  }
0x2b9: {  	v18 =	vadd.f32 v19, v18;
	v19 =	vmul.f32 v25, v24;
	v24 =	vld [tilespmem:s0+$0x11000]  }
0x2ba: {  	v25 =	vld [tilespmem:s0+$0x15000]  }
0x2bb: {  	v18 =	vadd.f32 v19, v18;
	v19 =	vmul.f32 v21, v20;
	v20 =	vld [tilespmem:s0+$0x11200]  }
0x2bc: {  	v21 =	vld [tilespmem:s0+$0x15200]  }
0x2bd: {  	v18 =	vadd.f32 v19, v18;
	v19 =	vmul.f32 v23, v22;
	v22 =	vld [tilespmem:s0+$0x11400]  }
0x2be: {  	v23 =	vld [tilespmem:s0+$0x15400]  }
0x2bf: {  	v18 =	vadd.f32 v19, v18;
	v19 =	vmul.f32 v25, v24;
	v24 =	vld [tilespmem:s0+$0x11600]  }
0x2c0: {  	v25 =	vld [tilespmem:s0+$0x15600]  }
0x2c1: {  	v18 =	vadd.f32 v19, v18;
	v19 =	vmul.f32 v21, v20;
	v20 =	vld [tilespmem:s0+$0x11800]  }
0x2c2: {  	v21 =	vld [tilespmem:s0+$0x15800]  }
0x2c3: {  	v18 =	vadd.f32 v19, v18;
	v19 =	vmul.f32 v23, v22;
	v22 =	vld [tilespmem:s0+$0x11A00]  }
0x2c4: {  	v23 =	vld [tilespmem:s0+$0x15A00]  }
0x2c5: {  	v18 =	vadd.f32 v19, v18;
	v19 =	vmul.f32 v25, v24;
	v24 =	vld [tilespmem:s0+$0x11C00]  }
0x2c6: {  	v25 =	vld [tilespmem:s0+$0x15C00]  }
0x2c7: {  	v18 =	vadd.f32 v19, v18;
	v19 =	vmul.f32 v21, v20;
	v20 =	vld [tilespmem:s0+$0x11E00]  }
0x2c8: {  	v21 =	vld [tilespmem:s0+$0x15E00]  }
0x2c9: {  	v18 =	vadd.f32 v19, v18;
	v19 =	vmul.f32 v23, v22;
	v22 =	vld [tilespmem:s0+$0x12000]  }
0x2ca: {  	v23 =	vld [tilespmem:s0+$0x16000]  }
0x2cb: {  	v18 =	vadd.f32 v19, v18;
	v19 =	vmul.f32 v25, v24;
	v24 =	vld [tilespmem:s0+$0x12200]  }
0x2cc: {  	v25 =	vld [tilespmem:s0+$0x16200]  }
0x2cd: {  	v18 =	vadd.f32 v19, v18;
	v19 =	vmul.f32 v21, v20;
	v20 =	vld [tilespmem:s0+$0x12400]  }
0x2ce: {  	v21 =	vld [tilespmem:s0+$0x16400]  }
0x2cf: {  	v18 =	vadd.f32 v19, v18;
	v19 =	vmul.f32 v23, v22;
	v22 =	vld [tilespmem:s0+$0x12600]  }
0x2d0: {  	v23 =	vld [tilespmem:s0+$0x16600]  }
0x2d1: {  	v18 =	vadd.f32 v19, v18;
	v19 =	vmul.f32 v25, v24;
	v24 =	vld [tilespmem:s0+$0x12800]  }
0x2d2: {  	v25 =	vld [tilespmem:s0+$0x16800]  }
0x2d3: {  	v18 =	vadd.f32 v19, v18;
	v19 =	vmul.f32 v21, v20;
	v20 =	vld [tilespmem:s0+$0x12A00]  }
0x2d4: {  	v21 =	vld [tilespmem:s0+$0x16A00]  }
0x2d5: {  	v18 =	vadd.f32 v19, v18;
	v19 =	vmul.f32 v23, v22;
	v22 =	vld [tilespmem:s0+$0x12C00]  }
0x2d6: {  	v23 =	vld [tilespmem:s0+$0x16C00]  }
0x2d7: {  	v18 =	vadd.f32 v19, v18;
	v19 =	vmul.f32 v25, v24;
	v24 =	vld [tilespmem:s0+$0x12E00]  }
0x2d8: {  	v25 =	vld [tilespmem:s0+$0x16E00]  }
0x2d9: {  	v18 =	vadd.f32 v19, v18;
	v19 =	vmul.f32 v21, v20;
	v20 =	vld [tilespmem:s0+$0x13000]  }
0x2da: {  	v21 =	vld [tilespmem:s0+$0x17000]  }
0x2db: {  	v18 =	vadd.f32 v19, v18;
	v19 =	vmul.f32 v23, v22;
	v22 =	vld [tilespmem:s0+$0x13200]  }
0x2dc: {  	v23 =	vld [tilespmem:s0+$0x17200]  }
0x2dd: {  	v18 =	vadd.f32 v19, v18;
	v19 =	vmul.f32 v25, v24;
	v24 =	vld [tilespmem:s0+$0x13400]  }
0x2de: {  	v25 =	vld [tilespmem:s0+$0x17400]  }
0x2df: {  	v18 =	vadd.f32 v19, v18;
	v19 =	vmul.f32 v21, v20;
	v20 =	vld [tilespmem:s0+$0x13600]  }
0x2e0: {  	v21 =	vld [tilespmem:s0+$0x17600]  }
0x2e1: {  	v18 =	vadd.f32 v19, v18;
	v19 =	vmul.f32 v23, v22;
	v22 =	vld [tilespmem:s0+$0x13800]  }
0x2e2: {  	v23 =	vld [tilespmem:s0+$0x17800]  }
0x2e3: {  	v18 =	vadd.f32 v19, v18;
	v19 =	vmul.f32 v25, v24;
	v24 =	vld [tilespmem:s0+$0x13A00]  }
0x2e4: {  	v25 =	vld [tilespmem:s0+$0x17A00]  }
0x2e5: {  	v18 =	vadd.f32 v19, v18;
	v19 =	vmul.f32 v21, v20;
	v20 =	vld [tilespmem:s0+$0x13C00]  }
0x2e6: {  	v21 =	vld [tilespmem:s0+$0x17C00]  }
0x2e7: {  	v26 =	vld [tilespmem:s0+$0x17E00];
	v18 =	vadd.f32 v19, v18;
	v19 =	vmul.f32 v23, v22  }
0x2e8: {  	v23 =	vld [tilespmem:s0+$0x13E00]  }
0x2e9: {  	v18 =	vadd.f32 v19, v18;
	v19 =	vmul.f32 v25, v24;
	v24 =	vld [tilespmem:s0+$0x14000]  }
0x2ea: {  	v25 =	vld [tilespmem:s0+$0x18000]  }
0x2eb: {  	v22 =	vld [tilespmem:s0+$0x18200];
	v20 =	vmul.f32 v21, v20;
	v27 =	vadd.f32 v19, v18  }
0x2ec: {  	s4 =	simm.s32 $0x10;
	v19 =	vld [tilespmem:s0+$0x14200]  }
0x2ed: {  	v21 =	vld [tilespmem:s4+$0x10600];
	v23 =	vmul.f32 v26, v23;
	v27 =	vadd.f32 v20, v27  }
0x2ee: {  	v18 =	vld [tilespmem:s4+$0x10400]  }
0x2ef: {  	s1 =	simm.s32 $0x80;
	s7 =	simm.s32 $0x0;
	v20 =	vld [tilespmem:s4+$0x14400];
	v24 =	vmul.f32 v25, v24;
	v23 =	vadd.f32 v23, v27  }
.LBB2_5:
0x2f0: {  	p0 =	sne.s32 s1, $0x7C0;
	v25 =	vld [tilespmem:s4+$0x14600]  }
0x2f1: {  	v26 =	vld [tilespmem:s4+$0x10800];
	v23 =	vadd.f32 v24, v23;
	v19 =	vmul.f32 v22, v19  }
0x2f2: {  	v22 =	vld [tilespmem:s4+$0x14800]  }
0x2f3: {  	v24 =	vld [tilespmem:s4+$0x10A00];
	v19 =	vadd.f32 v19, v23  }
0x2f4: {  	v23 =	vld [tilespmem:s4+$0x14A00]  }
0x2f5: {  	v18 =	vmul.f32 v20, v18;
	v20 =	vmul.f32 v25, v21;
	v21 =	vld [tilespmem:s4+$0x10C00];
	[tilespmem:s0+$0x18400] =	vst v19;
	s0 =	smov.u32 s4  }
0x2f6: {  	v19 =	vld [tilespmem:s0+$0x14C00]  }
0x2f7: {  	v18 =	vadd.f32 v20, v18;
	v20 =	vmul.f32 v22, v26;
	v22 =	vld [tilespmem:s0+$0x10E00]  }
0x2f8: {  	v25 =	vld [tilespmem:s0+$0x14E00]  }
0x2f9: {  	v18 =	vadd.f32 v20, v18;
	v20 =	vmul.f32 v23, v24;
	v23 =	vld [tilespmem:s0+$0x11000]  }
0x2fa: {  	v24 =	vld [tilespmem:s0+$0x15000]  }
0x2fb: {  	v18 =	vadd.f32 v20, v18;
	v19 =	vmul.f32 v19, v21;
	v20 =	vld [tilespmem:s0+$0x11200]  }
0x2fc: {  	v21 =	vld [tilespmem:s0+$0x15200]  }
0x2fd: {  	v18 =	vadd.f32 v19, v18;
	v19 =	vmul.f32 v25, v22;
	v22 =	vld [tilespmem:s0+$0x11400]  }
0x2fe: {  	v25 =	vld [tilespmem:s0+$0x15400]  }
0x2ff: {  	v18 =	vadd.f32 v19, v18;
	v19 =	vmul.f32 v24, v23;
	v23 =	vld [tilespmem:s0+$0x11600]  }
0x300: {  	v24 =	vld [tilespmem:s0+$0x15600]  }
0x301: {  	v18 =	vadd.f32 v19, v18;
	v19 =	vmul.f32 v21, v20;
	v20 =	vld [tilespmem:s0+$0x11800]  }
0x302: {  	v21 =	vld [tilespmem:s0+$0x15800]  }
0x303: {  	v18 =	vadd.f32 v19, v18;
	v19 =	vmul.f32 v25, v22;
	v22 =	vld [tilespmem:s0+$0x11A00]  }
0x304: {  	v25 =	vld [tilespmem:s0+$0x15A00]  }
0x305: {  	v18 =	vadd.f32 v19, v18;
	v19 =	vmul.f32 v24, v23;
	v23 =	vld [tilespmem:s0+$0x11C00]  }
0x306: {  	v24 =	vld [tilespmem:s0+$0x15C00]  }
0x307: {  	v18 =	vadd.f32 v19, v18;
	v19 =	vmul.f32 v21, v20;
	v20 =	vld [tilespmem:s0+$0x11E00]  }
0x308: {  	v21 =	vld [tilespmem:s0+$0x15E00]  }
0x309: {  	v18 =	vadd.f32 v19, v18;
	v19 =	vmul.f32 v25, v22;
	v22 =	vld [tilespmem:s0+$0x12000]  }
0x30a: {  	v25 =	vld [tilespmem:s0+$0x16000]  }
0x30b: {  	v18 =	vadd.f32 v19, v18;
	v19 =	vmul.f32 v24, v23;
	v23 =	vld [tilespmem:s0+$0x12200]  }
0x30c: {  	v24 =	vld [tilespmem:s0+$0x16200]  }
0x30d: {  	v18 =	vadd.f32 v19, v18;
	v19 =	vmul.f32 v21, v20;
	v20 =	vld [tilespmem:s0+$0x12400]  }
0x30e: {  	v21 =	vld [tilespmem:s0+$0x16400]  }
0x30f: {  	v18 =	vadd.f32 v19, v18;
	v19 =	vmul.f32 v25, v22;
	v22 =	vld [tilespmem:s0+$0x12600]  }
0x310: {  	v25 =	vld [tilespmem:s0+$0x16600]  }
0x311: {  	v18 =	vadd.f32 v19, v18;
	v19 =	vmul.f32 v24, v23;
	v23 =	vld [tilespmem:s0+$0x12800]  }
0x312: {  	v24 =	vld [tilespmem:s0+$0x16800]  }
0x313: {  	v18 =	vadd.f32 v19, v18;
	v19 =	vmul.f32 v21, v20;
	v20 =	vld [tilespmem:s0+$0x12A00]  }
0x314: {  	v21 =	vld [tilespmem:s0+$0x16A00]  }
0x315: {  	v18 =	vadd.f32 v19, v18;
	v19 =	vmul.f32 v25, v22;
	v22 =	vld [tilespmem:s0+$0x12C00]  }
0x316: {  	v25 =	vld [tilespmem:s0+$0x16C00]  }
0x317: {  	v18 =	vadd.f32 v19, v18;
	v19 =	vmul.f32 v24, v23;
	v23 =	vld [tilespmem:s0+$0x12E00]  }
0x318: {  	v24 =	vld [tilespmem:s0+$0x16E00]  }
0x319: {  	v18 =	vadd.f32 v19, v18;
	v19 =	vmul.f32 v21, v20;
	v20 =	vld [tilespmem:s0+$0x13000]  }
0x31a: {  	v21 =	vld [tilespmem:s0+$0x17000]  }
0x31b: {  	v18 =	vadd.f32 v19, v18;
	v19 =	vmul.f32 v25, v22;
	v22 =	vld [tilespmem:s0+$0x13200]  }
0x31c: {  	v25 =	vld [tilespmem:s0+$0x17200]  }
0x31d: {  	v18 =	vadd.f32 v19, v18;
	v19 =	vmul.f32 v24, v23;
	v23 =	vld [tilespmem:s0+$0x13400]  }
0x31e: {  	v24 =	vld [tilespmem:s0+$0x17400]  }
0x31f: {  	v18 =	vadd.f32 v19, v18;
	v19 =	vmul.f32 v21, v20;
	v20 =	vld [tilespmem:s0+$0x13600]  }
0x320: {  	v21 =	vld [tilespmem:s0+$0x17600]  }
0x321: {  	v18 =	vadd.f32 v19, v18;
	v19 =	vmul.f32 v25, v22;
	v22 =	vld [tilespmem:s0+$0x13800]  }
0x322: {  	v25 =	vld [tilespmem:s0+$0x17800]  }
0x323: {  	v18 =	vadd.f32 v19, v18;
	v19 =	vmul.f32 v24, v23;
	v23 =	vld [tilespmem:s0+$0x13A00]  }
0x324: {  	v24 =	vld [tilespmem:s0+$0x17A00]  }
0x325: {  	v18 =	vadd.f32 v19, v18;
	v19 =	vmul.f32 v21, v20;
	v20 =	vld [tilespmem:s0+$0x13C00]  }
0x326: {  	v21 =	vld [tilespmem:s0+$0x17C00]  }
0x327: {  	v18 =	vadd.f32 v19, v18;
	v19 =	vmul.f32 v25, v22;
	v25 =	vld [tilespmem:s0+$0x13E00]  }
0x328: {  	v26 =	vld [tilespmem:s0+$0x17E00]  }
0x329: {  	v18 =	vadd.f32 v19, v18;
	v19 =	vmul.f32 v24, v23;
	v24 =	vld [tilespmem:s0+$0x14000]  }
0x32a: {  	v27 =	vld [tilespmem:s0+$0x18000]  }
.Ltmp2:
0x32b: {  	v23 =	vadd.f32 v19, v18;
	v20 =	vmul.f32 v21, v20;
	v19 =	vld [tilespmem:s0+$0x14200];
	(pc) =	sbr.rel @p0 .LBB2_5-.Ltmp2, $4  }
0x32c: {  	s4 =	sshra.s32 s1, $0x2;
	v22 =	vld [tilespmem:s0+$0x18200]  }
0x32d: {  	v18 =	vld [tilespmem:s4+$0x10400];
	v23 =	vadd.f32 v20, v23;
	v25 =	vmul.f32 v26, v25  }
0x32e: {  	v20 =	vld [tilespmem:s4+$0x14400]  }
0x32f: {  	s1 =	sadd.s32 $0x40, s1;
	v21 =	vld [tilespmem:s4+$0x10600];
	v23 =	vadd.f32 v25, v23;
	v24 =	vmul.f32 v27, v24  }
0x330: {  	v25 =	vld [tilespmem:s4+$0x14600]  }
0x331: {  	v26 =	vld [tilespmem:s4+$0x10800];
	v23 =	vadd.f32 v24, v23;
	v19 =	vmul.f32 v22, v19  }
0x332: {  	v40 =	vld [tilespmem:s4+$0x14800]  }
0x333: {  	v41 =	vld [tilespmem:s4+$0x10A00];
	v19 =	vadd.f32 v19, v23  }
0x334: {  	v42 =	vld [tilespmem:s4+$0x14A00]  }
0x335: {  	v27 =	vld [tilespmem:s4+$0x10C00];
	v18 =	vmul.f32 v20, v18;
	v43 =	vmul.f32 v25, v21;
	[tilespmem:s0+$0x18400] =	vst v19  }
0x336: {  	v19 =	vld [tilespmem:s4+$0x14C00]  }
0x337: {  	v44 =	vmul.f32 v40, v26;
	v45 =	vld [tilespmem:s4+$0x10E00];
	v18 =	vadd.f32 v43, v18  }
0x338: {  	v46 =	vld [tilespmem:s4+$0x14E00]  }
0x339: {  	v47 =	vmul.f32 v42, v41;
	v48 =	vld [tilespmem:s4+$0x11000];
	v18 =	vadd.f32 v44, v18  }
0x33a: {  	v49 =	vld [tilespmem:s4+$0x15000]  }
0x33b: {  	v50 =	vld [tilespmem:s4+$0x11200];
	v18 =	vadd.f32 v47, v18;
	v19 =	vmul.f32 v19, v27  }
0x33c: {  	v51 =	vld [tilespmem:s4+$0x15200]  }
0x33d: {  	v52 =	vld [tilespmem:s4+$0x11400];
	v18 =	vadd.f32 v19, v18;
	v19 =	vmul.f32 v46, v45  }
0x33e: {  	v53 =	vld [tilespmem:s4+$0x15400]  }
0x33f: {  	v54 =	vld [tilespmem:s4+$0x11600];
	v18 =	vadd.f32 v19, v18;
	v19 =	vmul.f32 v49, v48  }
0x340: {  	v55 =	vld [tilespmem:s4+$0x15600]  }
0x341: {  	v56 =	vld [tilespmem:s4+$0x11800];
	v18 =	vadd.f32 v19, v18;
	v19 =	vmul.f32 v51, v50  }
0x342: {  	v57 =	vld [tilespmem:s4+$0x15800]  }
0x343: {  	v58 =	vld [tilespmem:s4+$0x11A00];
	v18 =	vadd.f32 v19, v18;
	v19 =	vmul.f32 v53, v52  }
0x344: {  	v59 =	vld [tilespmem:s4+$0x15A00]  }
0x345: {  	v60 =	vld [tilespmem:s4+$0x11C00];
	v18 =	vadd.f32 v19, v18;
	v19 =	vmul.f32 v55, v54  }
0x346: {  	v61 =	vld [tilespmem:s4+$0x15C00]  }
0x347: {  	v62 =	vld [tilespmem:s4+$0x11E00];
	v18 =	vadd.f32 v19, v18;
	v19 =	vmul.f32 v57, v56  }
0x348: {  	v63 =	vld [tilespmem:s4+$0x15E00]  }
0x349: {  	v28 =	vld [tilespmem:s4+$0x12000];
	v18 =	vadd.f32 v19, v18;
	v19 =	vmul.f32 v59, v58  }
0x34a: {  	v29 =	vld [tilespmem:s4+$0x16000]  }
0x34b: {  	v30 =	vld [tilespmem:s4+$0x12200];
	v18 =	vadd.f32 v19, v18;
	v19 =	vmul.f32 v61, v60  }
0x34c: {  	v31 =	vld [tilespmem:s4+$0x16200]  }
0x34d: {  	v32 =	vld [tilespmem:s4+$0x12400];
	v18 =	vadd.f32 v19, v18;
	v19 =	vmul.f32 v63, v62  }
0x34e: {  	v33 =	vld [tilespmem:s4+$0x16400]  }
0x34f: {  	v34 =	vld [tilespmem:s4+$0x12600];
	v18 =	vadd.f32 v19, v18;
	v19 =	vmul.f32 v29, v28  }
0x350: {  	v35 =	vld [tilespmem:s4+$0x16600]  }
0x351: {  	v36 =	vld [tilespmem:s4+$0x12800];
	v18 =	vadd.f32 v19, v18;
	v19 =	vmul.f32 v31, v30  }
0x352: {  	v37 =	vld [tilespmem:s4+$0x16800]  }
0x353: {  	v38 =	vld [tilespmem:s4+$0x12A00];
	v18 =	vadd.f32 v19, v18;
	v19 =	vmul.f32 v33, v32  }
0x354: {  	v39 =	vld [tilespmem:s4+$0x16A00]  }
0x355: {  	v40 =	vld [tilespmem:s4+$0x12C00];
	v18 =	vadd.f32 v19, v18;
	v19 =	vmul.f32 v35, v34  }
0x356: {  	v41 =	vld [tilespmem:s4+$0x16C00]  }
0x357: {  	v42 =	vld [tilespmem:s4+$0x12E00];
	v18 =	vadd.f32 v19, v18;
	v19 =	vmul.f32 v37, v36  }
0x358: {  	v43 =	vld [tilespmem:s4+$0x16E00]  }
0x359: {  	v44 =	vld [tilespmem:s4+$0x13000];
	v18 =	vadd.f32 v19, v18;
	v19 =	vmul.f32 v39, v38  }
0x35a: {  	v45 =	vld [tilespmem:s4+$0x17000]  }
0x35b: {  	v47 =	vld [tilespmem:s4+$0x17200];
	v18 =	vadd.f32 v19, v18;
	v19 =	vmul.f32 v41, v40  }
0x35c: {  	v46 =	vld [tilespmem:s4+$0x13200]  }
0x35d: {  	v48 =	vld [tilespmem:s4+$0x13400];
	v18 =	vadd.f32 v19, v18;
	v19 =	vmul.f32 v43, v42  }
0x35e: {  	v49 =	vld [tilespmem:s4+$0x17400]  }
0x35f: {  	v50 =	vld [tilespmem:s4+$0x13600];
	v18 =	vadd.f32 v19, v18;
	v19 =	vmul.f32 v45, v44  }
0x360: {  	v51 =	vld [tilespmem:s4+$0x17600]  }
0x361: {  	v52 =	vld [tilespmem:s4+$0x13800];
	v18 =	vadd.f32 v19, v18;
	v19 =	vmul.f32 v47, v46  }
0x362: {  	v53 =	vld [tilespmem:s4+$0x17800]  }
0x363: {  	v54 =	vld [tilespmem:s4+$0x13A00];
	v18 =	vadd.f32 v19, v18;
	v19 =	vmul.f32 v49, v48  }
0x364: {  	v55 =	vld [tilespmem:s4+$0x17A00]  }
0x365: {  	v56 =	vld [tilespmem:s4+$0x13C00];
	v18 =	vadd.f32 v19, v18;
	v19 =	vmul.f32 v51, v50  }
0x366: {  	v57 =	vld [tilespmem:s4+$0x17C00]  }
0x367: {  	v58 =	vld [tilespmem:s4+$0x13E00];
	v18 =	vadd.f32 v19, v18;
	v19 =	vmul.f32 v53, v52  }
0x368: {  	v59 =	vld [tilespmem:s4+$0x17E00]  }
0x369: {  	v60 =	vld [tilespmem:s4+$0x14000];
	v18 =	vadd.f32 v19, v18;
	v19 =	vmul.f32 v55, v54  }
0x36a: {  	v61 =	vld [tilespmem:s4+$0x18000]  }
0x36b: {  	v62 =	vld [tilespmem:s4+$0x14200];
	v18 =	vadd.f32 v19, v18;
	v19 =	vmul.f32 v57, v56  }
0x36c: {  	v63 =	vld [tilespmem:s4+$0x18200]  }
0x36d: {  	v18 =	vadd.f32 v19, v18;
	v19 =	vmul.f32 v59, v58;
	_ =	sdelay $0x1  }
0x36e: {  	v18 =	vadd.f32 v19, v18;
	v19 =	vmul.f32 v61, v60;
	_ =	sdelay $0x1  }
0x36f: {  	v18 =	vadd.f32 v19, v18;
	v19 =	vmul.f32 v63, v62;
	_ =	sdelay $0x1  }
0x370: {  	v18 =	vadd.f32 v19, v18;
	_ =	sdelay $0x1  }
0x371: {  	s25 =	rddreg [dreg:$0x7];
	s1 =	simm.s32 $0x18400;
	[tilespmem:s4+$0x18400] =	vst v18  }
0x372: {  	[hbm4b:s25+s7] =	stream.linear.scatter [tilespmem:s1], [sflag:$0x3], $0x200, $0x38;
	[tilespmem:$0x18600] =	vst v63  }
0x373: {  	s1 =	simm.s32 $0x3  }
0x374: {  	_ =	swait.ge [sflag:s1], $0x200  }
0x375: {  	s26 =	rddreg [dreg:$0x9]  }
0x376: {  	s28 =	rddreg [dreg:$0x8];
	s4 =	sadd.s32 $0x1, s26  }
0x377: {  	p0 =	sne.s32 s4, s28  }
.Ltmp3:
0x378: {  	_ = 	snop;
	(pc) =	sbr.rel @p0 .LBB2_1-.Ltmp3, $3  }
0x379: {  	_ =	sdelay $0x1  }
0x37a: {  	[sflag:s1] =	ssyncset.done $0x0  }
0x37b: {  	[sflag:s1] =	ssyncadd.s32 $0xFFFFFE00  }
0x37c: {  	_ =	sfence.sel $0x180000  }
0x37d: {  	[bflag:$0x0] =	sbarrier.arrive $0xFFFF  }
0x37e: {  	_ =	strace $0x90000047  }
0x37f: {  	s0 =	stileid.u32;
	[bflag:$0x2] =	sbarrier.arrive $0xFFFF  }
0x380: {  	p0 =	sne.s32 s0, $0x0;
	s0 =	rddreg [dreg:$0x4]  }
0x381: {  	s0 =	sadd.s32 @!p0 $0x100000, s0  }
0x382: {  	[sflag:s0] =	ssyncadd.tile.s32 @!p0 $0x1;
	_ =	shalt  }
.Lfunc_end2:
_tile_overlayer_lowered:
.L_overlay_start_2:
0x383: {  	(tag) =	ssettag $0x2  }
0x384: {  	s0 =	rddreg [dreg:$0x0];
	s2 =	stileid.u32  }
0x385: {  	s1 =	rddreg [dreg:$0x1];
	p0 =	sne.s32 s2, $0x0  }
0x386: {  	s3 =	rddreg [dreg:$0x2];
	[bflag:$0x3] =	sbarrier.arrive $0xFFFF;
	s2 =	simm.s32 @!p0 $0x1C03  }
0x387: {  	[timem:s3], [sflag:s2] =	dma.local @!p0 [hbm:s0], s1  }
0x388: {  	s0 =	simm.s32 @!p0 $0x3  }
0x389: {  	_ =	swait.ge @!p0 [sflag:s0], s1  }
0x38a: {  	s1 =	ssub.s32 @!p0 $0x0, s1;
	[sflag:s0] =	ssyncset.done @!p0 $0x0  }
0x38b: {  	[sflag:s0] =	ssyncadd.s32 @!p0 s1  }
0x38c: {  	[bflag:$0x3] =	sbarrier.arrive $0xFFFF  }
0x38d: {  	_ =	shalt  }

</sc_bundles>
